<compile_context>
chip_gen: v7x
topology: tpu7x:2x2x1
jax: 0.10.2.dev20260603
libtpu: 0.0.44.dev20260713+nightly
codegen_flags: <defaults>
</compile_context>

<pallas_src>
import functools

import jax
import jax.numpy as jnp
from jax import lax
from jax.experimental import pallas as pl
from jax.experimental.pallas import tpu as pltpu
from jax.experimental.pallas import tpu_sc as plsc

FEAT = 128
NC = 2
NS = 16
NW = NC * NS

JCHUNK = 10
SUB_CAP = 104


def _round_up(x, m):
    return (x + m - 1) // m * m


@functools.lru_cache(maxsize=None)
def _make_segsum(n_nodes, nbig, sub, n_acc):
    chunk = _round_up(-(-n_acc // NS), 8)
    last = n_acc - (NS - 1) * chunk
    mesh = plsc.VectorSubcoreMesh(core_axis_name="c", subcore_axis_name="s")

    @functools.partial(
        pl.kernel,
        mesh=mesh,
        out_type=jax.ShapeDtypeStruct((NC, n_acc, FEAT), jnp.float32),
        scratch_types=[
            pltpu.VMEM((2, JCHUNK, sub), jnp.int32),
            pltpu.VMEM((2, JCHUNK, sub), jnp.int32),
            pltpu.VMEM((sub, FEAT), jnp.float32),
            pltpu.VMEM((sub, FEAT), jnp.float32),
            pltpu.VMEM((sub, FEAT), jnp.float32),
            pltpu.VMEM_SHARED((n_acc, FEAT), jnp.float32),
            pltpu.SemaphoreType.DMA,
            pltpu.SemaphoreType.DMA,
            pltpu.SemaphoreType.DMA,
        ],
    )
    def segsum(sup_hbm, src_hbm, dst_hbm, zeros_hbm, out_hbm,
               src_v, dst_v, rows_v0, rows_v1, rows_v2, accum,
               gsem, ssem, isem):
        c = lax.axis_index("c")
        s = lax.axis_index("s")
        wid = s * NC + c
        rows = (rows_v0, rows_v1, rows_v2)

        def chunk_pipeline(sv, dv, prefired):
            gh = [None] * JCHUNK
            sh = [None] * JCHUNK
            if prefired:
                gh[0] = pltpu.make_async_copy(
                    sup_hbm.at[sv.at[0]], rows[0], gsem)
                gh[1] = pltpu.make_async_copy(
                    sup_hbm.at[sv.at[1]], rows[1], gsem)
            else:
                gh[0] = pltpu.async_copy(sup_hbm.at[sv.at[0]], rows[0], gsem)
                gh[1] = pltpu.async_copy(sup_hbm.at[sv.at[1]], rows[1], gsem)
            for j in range(JCHUNK):
                gh[j].wait()
                if j >= 1:
                    sh[j - 1].wait()
                if j + 2 < JCHUNK:
                    gh[j + 2] = pltpu.async_copy(
                        sup_hbm.at[sv.at[j + 2]], rows[(j + 2) % 3], gsem)
                sh[j] = pltpu.async_copy(
                    rows[j % 3], accum.at[dv.at[j]], ssem, add=True)
            sh[JCHUNK - 1].wait()

        def prefetch_idx(g, slot):
            pltpu.async_copy(src_hbm.at[wid, g], src_v.at[slot], isem)
            pltpu.async_copy(dst_hbm.at[wid, g], dst_v.at[slot], isem)

        def land_idx(g, slot):
            pltpu.make_async_copy(src_hbm.at[wid, g],
                                  src_v.at[slot], isem).wait()
            pltpu.make_async_copy(dst_hbm.at[wid, g],
                                  dst_v.at[slot], isem).wait()

        pltpu.sync_copy(src_hbm.at[wid, 0], src_v.at[0])
        pltpu.sync_copy(dst_hbm.at[wid, 0], dst_v.at[0])
        pltpu.async_copy(sup_hbm.at[src_v.at[0].at[0]], rows[0], gsem)
        pltpu.async_copy(sup_hbm.at[src_v.at[0].at[1]], rows[1], gsem)

        @pl.when(s < NS - 1)
        def _zero_full():
            pltpu.sync_copy(zeros_hbm, accum.at[pl.ds(s * chunk, chunk)])

        @pl.when(s == NS - 1)
        def _zero_last():
            pltpu.sync_copy(zeros_hbm.at[pl.ds(0, last)],
                            accum.at[pl.ds((NS - 1) * chunk, last)])

        plsc.subcore_barrier()

        if nbig > 1:
            prefetch_idx(1, 1)
        chunk_pipeline(src_v.at[0], dst_v.at[0], prefired=True)
        if nbig > 1:
            land_idx(1, 1)

        def big_body(g, carry):
            slot = lax.rem(g, 2)
            sv = src_v.at[slot]
            dv = dst_v.at[slot]

            @pl.when(g + 1 < nbig)
            def _prefetch():
                prefetch_idx(g + 1, 1 - slot)

            chunk_pipeline(sv, dv, prefired=False)

            @pl.when(g + 1 < nbig)
            def _land():
                land_idx(g + 1, 1 - slot)
            return carry

        lax.fori_loop(1, nbig, big_body, 0)
        plsc.subcore_barrier()

        @pl.when(s < NS - 1)
        def _dump_full():
            pltpu.sync_copy(accum.at[pl.ds(s * chunk, chunk)],
                            out_hbm.at[c, pl.ds(s * chunk, chunk)])

        @pl.when(s == NS - 1)
        def _dump_last():
            pltpu.sync_copy(accum.at[pl.ds((NS - 1) * chunk, last)],
                            out_hbm.at[c, pl.ds((NS - 1) * chunk, last)])

    return segsum


_ROWS_BLK = 2000


def _lp_body(x_ref, wl_ref, b_ref, lp_ref):
    lp_ref[...] = (jnp.dot(x_ref[...], wl_ref[...],
                           preferred_element_type=jnp.float32) + b_ref[...])


def _tc_loop_mm(x, wl, b):
    n = x.shape[0]
    grid = n // _ROWS_BLK
    return pl.pallas_call(
        _lp_body,
        grid=(grid,),
        in_specs=[
            pl.BlockSpec((_ROWS_BLK, FEAT), lambda i: (i, 0)),
            pl.BlockSpec((FEAT, FEAT), lambda i: (0, 0)),
            pl.BlockSpec((1, FEAT), lambda i: (0, 0)),
        ],
        out_specs=pl.BlockSpec((_ROWS_BLK, FEAT), lambda i: (i, 0)),
        out_shape=jax.ShapeDtypeStruct((n, FEAT), jnp.float32),
    )(x, wl, b.reshape(1, FEAT))


def _h_body(p_ref, lp_ref, w_ref, h_ref):
    agg = p_ref[0] + p_ref[1]
    h_ref[...] = jnp.maximum(
        jnp.dot(agg, w_ref[...], preferred_element_type=jnp.float32)
        + lp_ref[...], 0.0)


def _tc_h(p, lp, w):
    n = lp.shape[0]
    grid = n // _ROWS_BLK
    return pl.pallas_call(
        _h_body,
        grid=(grid,),
        in_specs=[
            pl.BlockSpec((2, _ROWS_BLK, FEAT), lambda i: (0, i, 0)),
            pl.BlockSpec((_ROWS_BLK, FEAT), lambda i: (i, 0)),
            pl.BlockSpec((FEAT, FEAT), lambda i: (0, 0)),
        ],
        out_specs=pl.BlockSpec((_ROWS_BLK, FEAT), lambda i: (i, 0)),
        out_shape=jax.ShapeDtypeStruct((n, FEAT), jnp.float32),
    )(p, lp, w)


def _final_body(x_ref, p_ref, lp_ref, w_ref, o_ref):
    agg = p_ref[0] + p_ref[1]
    h = jnp.maximum(
        jnp.dot(agg, w_ref[...], preferred_element_type=jnp.float32)
        + lp_ref[...], 0.0)
    o_ref[...] = (x_ref[...] + h) * 0.5


def _tc_final(x, p, lp, w):
    n = x.shape[0]
    grid = n // _ROWS_BLK
    return pl.pallas_call(
        _final_body,
        grid=(grid,),
        in_specs=[
            pl.BlockSpec((_ROWS_BLK, FEAT), lambda i: (i, 0)),
            pl.BlockSpec((2, _ROWS_BLK, FEAT), lambda i: (0, i, 0)),
            pl.BlockSpec((_ROWS_BLK, FEAT), lambda i: (i, 0)),
            pl.BlockSpec((FEAT, FEAT), lambda i: (0, 0)),
        ],
        out_specs=pl.BlockSpec((_ROWS_BLK, FEAT), lambda i: (i, 0)),
        out_shape=jax.ShapeDtypeStruct((n, FEAT), jnp.float32),
    )(x, p, lp, w)


def kernel(inputs, adj_mat, W1, W1_loop, b1, W2, W2_loop, b2):
    n = inputs.shape[0]
    e = adj_mat.shape[1]
    per_tile = -(-e // NW)
    nbig = -(-per_tile // (JCHUNK * SUB_CAP))
    sub = -(-per_tile // (JCHUNK * nbig))
    epad = NW * nbig * JCHUNK * sub - e
    n_acc = n if epad == 0 else _round_up(n + 128, 128)
    zchunk = _round_up(-(-n_acc // NS), 8)

    src = adj_mat[0]
    dst = adj_mat[1]
    if epad:
        src = jnp.concatenate([src, jnp.zeros((epad,), jnp.int32)])
        dst = jnp.concatenate(
            [dst, n + (jnp.arange(epad, dtype=jnp.int32) % 96)])
    src_r = src.reshape(NW, nbig, JCHUNK, sub)
    dst_r = dst.reshape(NW, nbig, JCHUNK, sub)
    zeros = jnp.zeros((zchunk, FEAT), jnp.float32)

    segsum = _make_segsum(n, nbig, sub, n_acc)

    p1 = segsum(inputs, src_r, dst_r, zeros)
    lp1 = _tc_loop_mm(inputs, W1_loop, b1)
    h1 = _tc_h(p1, lp1, W1)
    p2 = segsum(h1, src_r, dst_r, zeros)
    lp2 = _tc_loop_mm(h1, W2_loop, b2)
    return _tc_final(inputs, p2, lp2, W2)

# --- scband reference (transcript-rebuilt; emitter-appended) ---
"""Pipeline reference for scband-gres-block-58291296141337 (READ-ONLY COPY).

The authoritative reference and input builder live on the scoring server;
editing this copy changes nothing except your own understanding.
"""

import jax, jax.numpy as jnp
import numpy as np

N_NODES = 10000
N_EDGES = 320000
IN_DIM = 128
HIDDEN_DIM = 128


def _gconv(x, adj_mat, W, W_loop, b, n_nodes):
    # support = x @ W ; neighbor aggregation = sparse adj @ support (scatter-add over dst)
    support = x @ W
    src = adj_mat[0]
    dst = adj_mat[1]
    neigh = jax.ops.segment_sum(support[src], dst, num_segments=n_nodes)
    # self-loop path with separate weight, plus bias (Pixel2Mesh-style GConv)
    return neigh + x @ W_loop + b


def setup_inputs(seed: int = 0) -> dict:
    key = jax.random.key(seed)
    ks = jax.random.split(key, 8)
    inputs = jax.random.normal(ks[0], (N_NODES, IN_DIM), dtype=jnp.float32)
    adj_mat = jax.random.randint(ks[1], (2, N_EDGES), 0, N_NODES, dtype=jnp.int32)
    s1 = 1.0 / np.sqrt(IN_DIM)
    s2 = 1.0 / np.sqrt(HIDDEN_DIM)
    W1 = jax.random.normal(ks[2], (IN_DIM, HIDDEN_DIM), dtype=jnp.float32) * s1
    W1_loop = jax.random.normal(ks[3], (IN_DIM, HIDDEN_DIM), dtype=jnp.float32) * s1
    b1 = jnp.zeros((HIDDEN_DIM,), dtype=jnp.float32)
    W2 = jax.random.normal(ks[4], (HIDDEN_DIM, IN_DIM), dtype=jnp.float32) * s2
    W2_loop = jax.random.normal(ks[5], (HIDDEN_DIM, IN_DIM), dtype=jnp.float32) * s2
    b2 = jnp.zeros((IN_DIM,), dtype=jnp.float32)
    return {"inputs": inputs, "adj_mat": adj_mat, "W1": W1, "W1_loop": W1_loop, "b1": b1, "W2": W2, "W2_loop": W2_loop, "b2": b2}


def reference(inputs, adj_mat, W1, W1_loop, b1, W2, W2_loop, b2):
    n = inputs.shape[0]
    x = _gconv(inputs, adj_mat, W1, W1_loop, b1, n)
    x = jax.nn.relu(x)
    x = _gconv(x, adj_mat, W2, W2_loop, b2, n)
    x = jax.nn.relu(x)
    return (inputs + x) * 0.5

if __name__ == "__main__":
    import jax
    _d = setup_inputs()
    print(jax.jit(kernel)(*tuple(_d.values())))

</pallas_src>

<mosaic_0001>
#map = affine_map<(d0, d1) -> (0, 0)>
#map1 = affine_map<(d0, d1) -> (0, 0, 0, 0)>
#map2 = affine_map<(d0, d1) -> (0, 0, 0)>
module attributes {stable_mosaic.version = 14 : i64} {
  func.func @segsum(%arg0: i32, %arg1: i32, %arg2: memref<10000x128xf32, #tpu.memory_space<hbm>>, %arg3: memref<32x10x10x100xi32, #tpu.memory_space<hbm>>, %arg4: memref<32x10x10x100xi32, #tpu.memory_space<hbm>>, %arg5: memref<632x128xf32, #tpu.memory_space<hbm>>, %arg6: memref<2x10000x128xf32, #tpu.memory_space<hbm>>, %arg7: memref<2x10x100xi32, #tpu.memory_space<vmem>>, %arg8: memref<2x10x100xi32, #tpu.memory_space<vmem>>, %arg9: memref<100x128xf32, #tpu.memory_space<vmem>>, %arg10: memref<100x128xf32, #tpu.memory_space<vmem>>, %arg11: memref<100x128xf32, #tpu.memory_space<vmem>>, %arg12: memref<10000x128xf32, #tpu.memory_space<vmem_shared>>, %arg13: memref<!tpu.dma_semaphore, #tpu.memory_space<semaphore_mem>>, %arg14: memref<!tpu.dma_semaphore, #tpu.memory_space<semaphore_mem>>, %arg15: memref<!tpu.dma_semaphore, #tpu.memory_space<semaphore_mem>>) attributes {dimension_semantics = [#tpu.dimension_semantics<core_parallel>, #tpu.dimension_semantics<subcore_parallel>], iteration_bounds = array<i64: 2, 16>, scalar_prefetch = 0 : i64, scratch_operands = 9 : i64, tpu.core_type = #tpu.core_type<sc_vector_subcore>, window_params = [{transform_indices = #map}, {transform_indices = #map1}, {transform_indices = #map1}, {transform_indices = #map}, {transform_indices = #map2}]} {
    %mul3A = arith.constant 2 : i32
    %mul3A_0 = arith.muli %arg1, %mul3A : i32
    %add3A = arith.addi %mul3A_0, %arg0 : i32
    %run_scoped3A = arith.constant 0 : i32
    %run_scoped3A_1 = arith.constant 0 : i32
    "tpu.region"() ({
      %run_scoped3A_576 = tpu.sem_alloc : memref<!tpu.dma_semaphore, #tpu.memory_space<semaphore_mem>>
      %dma_start3A_577 = arith.constant 0 : i32
      %dma_start3A_578 = arith.constant 0 : i32
      %dma_start3A_579 = tpu.memref_slice %arg7[%run_scoped3A_1, %dma_start3A_577, %dma_start3A_578] : memref<2x10x100xi32, #tpu.memory_space<vmem>> -> memref<1x10x100xi32, #tpu.memory_space<vmem>>
      %dma_start3A_580 = tpu.memref_squeeze %dma_start3A_579 : memref<1x10x100xi32, #tpu.memory_space<vmem>> -> memref<10x100xi32, #tpu.memory_space<vmem>>
      %dma_start3A_581 = arith.constant 0 : i32
      %dma_start3A_582 = arith.constant 0 : i32
      %dma_start3A_583 = tpu.memref_slice %arg3[%add3A, %run_scoped3A, %dma_start3A_581, %dma_start3A_582] : memref<32x10x10x100xi32, #tpu.memory_space<hbm>> -> memref<1x1x10x100xi32, #tpu.memory_space<hbm>>
      %dma_start3A_584 = tpu.memref_squeeze %dma_start3A_583 : memref<1x1x10x100xi32, #tpu.memory_space<hbm>> -> memref<10x100xi32, #tpu.memory_space<hbm>>
      %dma_start3A_585 = arith.constant 0 : i32
      %dma_start3A_586 = arith.constant 0 : i32
      %dma_start3A_587 = tpu.memref_slice %arg7[%run_scoped3A_1, %dma_start3A_585, %dma_start3A_586] : memref<2x10x100xi32, #tpu.memory_space<vmem>> -> memref<1x10x100xi32, #tpu.memory_space<vmem>>
      %dma_start3A_588 = tpu.memref_squeeze %dma_start3A_587 : memref<1x10x100xi32, #tpu.memory_space<vmem>> -> memref<10x100xi32, #tpu.memory_space<vmem>>
      %dma_start3A_589 = arith.constant 0 : i32
      %dma_start3A_590 = arith.constant 0 : i32
      %dma_start3A_591 = tpu.memref_slice %arg3[%add3A, %run_scoped3A, %dma_start3A_589, %dma_start3A_590] : memref<32x10x10x100xi32, #tpu.memory_space<hbm>> -> memref<1x1x10x100xi32, #tpu.memory_space<hbm>>
      %dma_start3A_592 = tpu.memref_squeeze %dma_start3A_591 : memref<1x1x10x100xi32, #tpu.memory_space<hbm>> -> memref<10x100xi32, #tpu.memory_space<hbm>>
      tpu.enqueue_dma source(%dma_start3A_592 : memref<10x100xi32, #tpu.memory_space<hbm>>) target(%dma_start3A_588 : memref<10x100xi32, #tpu.memory_space<vmem>>) target_semaphore(%run_scoped3A_576 : memref<!tpu.dma_semaphore, #tpu.memory_space<semaphore_mem>>)
      %dma_wait3A_593 = arith.constant 0 : i32
      %dma_wait3A_594 = arith.constant 0 : i32
      %dma_wait3A_595 = tpu.memref_slice %arg7[%run_scoped3A_1, %dma_wait3A_593, %dma_wait3A_594] : memref<2x10x100xi32, #tpu.memory_space<vmem>> -> memref<1x10x100xi32, #tpu.memory_space<vmem>>
      %dma_wait3A_596 = tpu.memref_squeeze %dma_wait3A_595 : memref<1x10x100xi32, #tpu.memory_space<vmem>> -> memref<10x100xi32, #tpu.memory_space<vmem>>
      %dma_wait3A_597 = arith.constant 0 : i32
      %dma_wait3A_598 = arith.constant 0 : i32
      %dma_wait3A_599 = tpu.memref_slice %arg3[%add3A, %run_scoped3A, %dma_wait3A_597, %dma_wait3A_598] : memref<32x10x10x100xi32, #tpu.memory_space<hbm>> -> memref<1x1x10x100xi32, #tpu.memory_space<hbm>>
      %dma_wait3A_600 = tpu.memref_squeeze %dma_wait3A_599 : memref<1x1x10x100xi32, #tpu.memory_space<hbm>> -> memref<10x100xi32, #tpu.memory_space<hbm>>
      %dma_wait3A_601 = arith.constant 0 : i32
      %dma_wait3A_602 = arith.constant 0 : i32
      %dma_wait3A_603 = tpu.memref_slice %arg7[%run_scoped3A_1, %dma_wait3A_601, %dma_wait3A_602] : memref<2x10x100xi32, #tpu.memory_space<vmem>> -> memref<1x10x100xi32, #tpu.memory_space<vmem>>
      %dma_wait3A_604 = tpu.memref_squeeze %dma_wait3A_603 : memref<1x10x100xi32, #tpu.memory_space<vmem>> -> memref<10x100xi32, #tpu.memory_space<vmem>>
      %dma_wait3A_605 = arith.constant 0 : i32
      %dma_wait3A_606 = arith.constant 0 : i32
      %dma_wait3A_607 = tpu.memref_slice %arg3[%add3A, %run_scoped3A, %dma_wait3A_605, %dma_wait3A_606] : memref<32x10x10x100xi32, #tpu.memory_space<hbm>> -> memref<1x1x10x100xi32, #tpu.memory_space<hbm>>
      %dma_wait3A_608 = tpu.memref_squeeze %dma_wait3A_607 : memref<1x1x10x100xi32, #tpu.memory_space<hbm>> -> memref<10x100xi32, #tpu.memory_space<hbm>>
      tpu.wait_dma2 semaphore(%run_scoped3A_576 : memref<!tpu.dma_semaphore, #tpu.memory_space<semaphore_mem>>) src(%dma_wait3A_608 : memref<10x100xi32, #tpu.memory_space<hbm>>) dst(%dma_wait3A_604 : memref<10x100xi32, #tpu.memory_space<vmem>>)
      tpu.yield
    }) : () -> ()
    %run_scoped3A_2 = arith.constant 0 : i32
    %run_scoped3A_3 = arith.constant 0 : i32
    "tpu.region"() ({
      %run_scoped3A_576 = tpu.sem_alloc : memref<!tpu.dma_semaphore, #tpu.memory_space<semaphore_mem>>
      %dma_start3A_577 = arith.constant 0 : i32
      %dma_start3A_578 = arith.constant 0 : i32
      %dma_start3A_579 = tpu.memref_slice %arg8[%run_scoped3A_3, %dma_start3A_577, %dma_start3A_578] : memref<2x10x100xi32, #tpu.memory_space<vmem>> -> memref<1x10x100xi32, #tpu.memory_space<vmem>>
      %dma_start3A_580 = tpu.memref_squeeze %dma_start3A_579 : memref<1x10x100xi32, #tpu.memory_space<vmem>> -> memref<10x100xi32, #tpu.memory_space<vmem>>
      %dma_start3A_581 = arith.constant 0 : i32
      %dma_start3A_582 = arith.constant 0 : i32
      %dma_start3A_583 = tpu.memref_slice %arg4[%add3A, %run_scoped3A_2, %dma_start3A_581, %dma_start3A_582] : memref<32x10x10x100xi32, #tpu.memory_space<hbm>> -> memref<1x1x10x100xi32, #tpu.memory_space<hbm>>
      %dma_start3A_584 = tpu.memref_squeeze %dma_start3A_583 : memref<1x1x10x100xi32, #tpu.memory_space<hbm>> -> memref<10x100xi32, #tpu.memory_space<hbm>>
      %dma_start3A_585 = arith.constant 0 : i32
      %dma_start3A_586 = arith.constant 0 : i32
      %dma_start3A_587 = tpu.memref_slice %arg8[%run_scoped3A_3, %dma_start3A_585, %dma_start3A_586] : memref<2x10x100xi32, #tpu.memory_space<vmem>> -> memref<1x10x100xi32, #tpu.memory_space<vmem>>
      %dma_start3A_588 = tpu.memref_squeeze %dma_start3A_587 : memref<1x10x100xi32, #tpu.memory_space<vmem>> -> memref<10x100xi32, #tpu.memory_space<vmem>>
      %dma_start3A_589 = arith.constant 0 : i32
      %dma_start3A_590 = arith.constant 0 : i32
      %dma_start3A_591 = tpu.memref_slice %arg4[%add3A, %run_scoped3A_2, %dma_start3A_589, %dma_start3A_590] : memref<32x10x10x100xi32, #tpu.memory_space<hbm>> -> memref<1x1x10x100xi32, #tpu.memory_space<hbm>>
      %dma_start3A_592 = tpu.memref_squeeze %dma_start3A_591 : memref<1x1x10x100xi32, #tpu.memory_space<hbm>> -> memref<10x100xi32, #tpu.memory_space<hbm>>
      tpu.enqueue_dma source(%dma_start3A_592 : memref<10x100xi32, #tpu.memory_space<hbm>>) target(%dma_start3A_588 : memref<10x100xi32, #tpu.memory_space<vmem>>) target_semaphore(%run_scoped3A_576 : memref<!tpu.dma_semaphore, #tpu.memory_space<semaphore_mem>>)
      %dma_wait3A_593 = arith.constant 0 : i32
      %dma_wait3A_594 = arith.constant 0 : i32
      %dma_wait3A_595 = tpu.memref_slice %arg8[%run_scoped3A_3, %dma_wait3A_593, %dma_wait3A_594] : memref<2x10x100xi32, #tpu.memory_space<vmem>> -> memref<1x10x100xi32, #tpu.memory_space<vmem>>
      %dma_wait3A_596 = tpu.memref_squeeze %dma_wait3A_595 : memref<1x10x100xi32, #tpu.memory_space<vmem>> -> memref<10x100xi32, #tpu.memory_space<vmem>>
      %dma_wait3A_597 = arith.constant 0 : i32
      %dma_wait3A_598 = arith.constant 0 : i32
      %dma_wait3A_599 = tpu.memref_slice %arg4[%add3A, %run_scoped3A_2, %dma_wait3A_597, %dma_wait3A_598] : memref<32x10x10x100xi32, #tpu.memory_space<hbm>> -> memref<1x1x10x100xi32, #tpu.memory_space<hbm>>
      %dma_wait3A_600 = tpu.memref_squeeze %dma_wait3A_599 : memref<1x1x10x100xi32, #tpu.memory_space<hbm>> -> memref<10x100xi32, #tpu.memory_space<hbm>>
      %dma_wait3A_601 = arith.constant 0 : i32
      %dma_wait3A_602 = arith.constant 0 : i32
      %dma_wait3A_603 = tpu.memref_slice %arg8[%run_scoped3A_3, %dma_wait3A_601, %dma_wait3A_602] : memref<2x10x100xi32, #tpu.memory_space<vmem>> -> memref<1x10x100xi32, #tpu.memory_space<vmem>>
      %dma_wait3A_604 = tpu.memref_squeeze %dma_wait3A_603 : memref<1x10x100xi32, #tpu.memory_space<vmem>> -> memref<10x100xi32, #tpu.memory_space<vmem>>
      %dma_wait3A_605 = arith.constant 0 : i32
      %dma_wait3A_606 = arith.constant 0 : i32
      %dma_wait3A_607 = tpu.memref_slice %arg4[%add3A, %run_scoped3A_2, %dma_wait3A_605, %dma_wait3A_606] : memref<32x10x10x100xi32, #tpu.memory_space<hbm>> -> memref<1x1x10x100xi32, #tpu.memory_space<hbm>>
      %dma_wait3A_608 = tpu.memref_squeeze %dma_wait3A_607 : memref<1x1x10x100xi32, #tpu.memory_space<hbm>> -> memref<10x100xi32, #tpu.memory_space<hbm>>
      tpu.wait_dma2 semaphore(%run_scoped3A_576 : memref<!tpu.dma_semaphore, #tpu.memory_space<semaphore_mem>>) src(%dma_wait3A_608 : memref<10x100xi32, #tpu.memory_space<hbm>>) dst(%dma_wait3A_604 : memref<10x100xi32, #tpu.memory_space<vmem>>)
      tpu.yield
    }) : () -> ()
    %dma_start3A = arith.constant 0 : i32
    %dma_start3A_4 = arith.constant 0 : i32
    %dma_start3A_5 = arith.constant 0 : i32
    %dma_start3A_6 = arith.constant 0 : i32
    %dma_start3A_7 = tpu.memref_slice %arg7[%dma_start3A, %dma_start3A_5, %dma_start3A_6] : memref<2x10x100xi32, #tpu.memory_space<vmem>> -> memref<1x10x100xi32, #tpu.memory_space<vmem>>
    %dma_start3A_8 = tpu.memref_squeeze %dma_start3A_7 : memref<1x10x100xi32, #tpu.memory_space<vmem>> -> memref<10x100xi32, #tpu.memory_space<vmem>>
    %dma_start3A_9 = arith.constant 0 : i32
    %dma_start3A_10 = tpu.memref_slice %dma_start3A_8[%dma_start3A_4, %dma_start3A_9] : memref<10x100xi32, #tpu.memory_space<vmem>> -> memref<1x100xi32, #tpu.memory_space<vmem>>
    %dma_start3A_11 = tpu.memref_squeeze %dma_start3A_10 : memref<1x100xi32, #tpu.memory_space<vmem>> -> memref<100xi32, #tpu.memory_space<vmem>>
    %dma_start3A_12 = arith.constant 0 : i32
    %dma_start3A_13 = arith.constant 0 : i32
    %dma_start3A_14 = tpu.memref_slice %arg2[%dma_start3A_12, %dma_start3A_13] : memref<10000x128xf32, #tpu.memory_space<hbm>> -> memref<10000x128xf32, #tpu.memory_space<hbm>>
    tpu.enqueue_indirect_dma source(%dma_start3A_14 : memref<10000x128xf32, #tpu.memory_space<hbm>>) target(%arg9 : memref<100x128xf32, #tpu.memory_space<vmem>>) offsets(%dma_start3A_11 : memref<100xi32, #tpu.memory_space<vmem>>) semaphore(%arg13 : memref<!tpu.dma_semaphore, #tpu.memory_space<semaphore_mem>>)
    %dma_start3A_15 = arith.constant 0 : i32
    %dma_start3A_16 = arith.constant 1 : i32
    %dma_start3A_17 = arith.constant 0 : i32
    %dma_start3A_18 = arith.constant 0 : i32
    %dma_start3A_19 = tpu.memref_slice %arg7[%dma_start3A_15, %dma_start3A_17, %dma_start3A_18] : memref<2x10x100xi32, #tpu.memory_space<vmem>> -> memref<1x10x100xi32, #tpu.memory_space<vmem>>
    %dma_start3A_20 = tpu.memref_squeeze %dma_start3A_19 : memref<1x10x100xi32, #tpu.memory_space<vmem>> -> memref<10x100xi32, #tpu.memory_space<vmem>>
    %dma_start3A_21 = arith.constant 0 : i32
    %dma_start3A_22 = tpu.memref_slice %dma_start3A_20[%dma_start3A_16, %dma_start3A_21] : memref<10x100xi32, #tpu.memory_space<vmem>> -> memref<1x100xi32, #tpu.memory_space<vmem>>
    %dma_start3A_23 = tpu.memref_squeeze %dma_start3A_22 : memref<1x100xi32, #tpu.memory_space<vmem>> -> memref<100xi32, #tpu.memory_space<vmem>>
    %dma_start3A_24 = arith.constant 0 : i32
    %dma_start3A_25 = arith.constant 0 : i32
    %dma_start3A_26 = tpu.memref_slice %arg2[%dma_start3A_24, %dma_start3A_25] : memref<10000x128xf32, #tpu.memory_space<hbm>> -> memref<10000x128xf32, #tpu.memory_space<hbm>>
    tpu.enqueue_indirect_dma source(%dma_start3A_26 : memref<10000x128xf32, #tpu.memory_space<hbm>>) target(%arg10 : memref<100x128xf32, #tpu.memory_space<vmem>>) offsets(%dma_start3A_23 : memref<100xi32, #tpu.memory_space<vmem>>) semaphore(%arg13 : memref<!tpu.dma_semaphore, #tpu.memory_space<semaphore_mem>>)
    %lt3A = arith.constant 15 : i32
    %lt3A_27 = arith.cmpi slt, %arg1, %lt3A : i32
    %convert_element_type3A = arith.extui %lt3A_27 : i1 to i32
    %cond3A = arith.constant 0 : i32
    %cond3A_28 = arith.cmpi ne, %convert_element_type3A, %cond3A : i32
    scf.if %cond3A_28 {
      %mul3A_576 = arith.constant 632 : i32
      %mul3A_577 = arith.muli %arg1, %mul3A_576 : i32
      "tpu.region"() ({
        %run_scoped3A_578 = tpu.sem_alloc : memref<!tpu.dma_semaphore, #tpu.memory_space<semaphore_mem>>
        %dma_start3A_579 = arith.constant 0 : i32
        %dma_start3A_580 = tpu.memref_slice %arg12[%mul3A_577, %dma_start3A_579] : memref<10000x128xf32, #tpu.memory_space<vmem_shared>> -> memref<632x128xf32, #tpu.memory_space<vmem_shared>>
        tpu.enqueue_dma source(%arg5 : memref<632x128xf32, #tpu.memory_space<hbm>>) target(%dma_start3A_580 : memref<632x128xf32, #tpu.memory_space<vmem_shared>>) target_semaphore(%run_scoped3A_578 : memref<!tpu.dma_semaphore, #tpu.memory_space<semaphore_mem>>)
        %dma_wait3A_581 = arith.constant 0 : i32
        %dma_wait3A_582 = tpu.memref_slice %arg12[%mul3A_577, %dma_wait3A_581] : memref<10000x128xf32, #tpu.memory_space<vmem_shared>> -> memref<632x128xf32, #tpu.memory_space<vmem_shared>>
        tpu.wait_dma2 semaphore(%run_scoped3A_578 : memref<!tpu.dma_semaphore, #tpu.memory_space<semaphore_mem>>) src(%arg5 : memref<632x128xf32, #tpu.memory_space<hbm>>) dst(%dma_wait3A_582 : memref<632x128xf32, #tpu.memory_space<vmem_shared>>)
        tpu.yield
      }) : () -> ()
    } else {
    }
    %eq3A = arith.constant 15 : i32
    %eq3A_29 = arith.cmpi eq, %arg1, %eq3A : i32
    %convert_element_type3A_30 = arith.extui %eq3A_29 : i1 to i32
    %cond3A_31 = arith.constant 0 : i32
    %cond3A_32 = arith.cmpi ne, %convert_element_type3A_30, %cond3A_31 : i32
    scf.if %cond3A_32 {
      "tpu.region"() ({
        %run_scoped3A_576 = tpu.sem_alloc : memref<!tpu.dma_semaphore, #tpu.memory_space<semaphore_mem>>
        %dma_start3A_577 = arith.constant 9480 : i32
        %dma_start3A_578 = arith.constant 0 : i32
        %dma_start3A_579 = tpu.memref_slice %arg12[%dma_start3A_577, %dma_start3A_578] : memref<10000x128xf32, #tpu.memory_space<vmem_shared>> -> memref<520x128xf32, #tpu.memory_space<vmem_shared>>
        %dma_start3A_580 = arith.constant 0 : i32
        %dma_start3A_581 = arith.constant 0 : i32
        %dma_start3A_582 = tpu.memref_slice %arg5[%dma_start3A_580, %dma_start3A_581] : memref<632x128xf32, #tpu.memory_space<hbm>> -> memref<520x128xf32, #tpu.memory_space<hbm>>
        tpu.enqueue_dma source(%dma_start3A_582 : memref<520x128xf32, #tpu.memory_space<hbm>>) target(%dma_start3A_579 : memref<520x128xf32, #tpu.memory_space<vmem_shared>>) target_semaphore(%run_scoped3A_576 : memref<!tpu.dma_semaphore, #tpu.memory_space<semaphore_mem>>)
        %dma_wait3A_583 = arith.constant 9480 : i32
        %dma_wait3A_584 = arith.constant 0 : i32
        %dma_wait3A_585 = tpu.memref_slice %arg12[%dma_wait3A_583, %dma_wait3A_584] : memref<10000x128xf32, #tpu.memory_space<vmem_shared>> -> memref<520x128xf32, #tpu.memory_space<vmem_shared>>
        %dma_wait3A_586 = arith.constant 0 : i32
        %dma_wait3A_587 = arith.constant 0 : i32
        %dma_wait3A_588 = tpu.memref_slice %arg5[%dma_wait3A_586, %dma_wait3A_587] : memref<632x128xf32, #tpu.memory_space<hbm>> -> memref<520x128xf32, #tpu.memory_space<hbm>>
        tpu.wait_dma2 semaphore(%run_scoped3A_576 : memref<!tpu.dma_semaphore, #tpu.memory_space<semaphore_mem>>) src(%dma_wait3A_588 : memref<520x128xf32, #tpu.memory_space<hbm>>) dst(%dma_wait3A_585 : memref<520x128xf32, #tpu.memory_space<vmem_shared>>)
        tpu.yield
      }) : () -> ()
    } else {
    }
    %barrier3A = arith.constant 0 : index
    tpu.barrier barrier_id(%barrier3A)
    %dma_start3A_33 = arith.constant 1 : i32
    %dma_start3A_34 = arith.constant 1 : i32
    %dma_start3A_35 = arith.constant 0 : i32
    %dma_start3A_36 = arith.constant 0 : i32
    %dma_start3A_37 = tpu.memref_slice %arg7[%dma_start3A_34, %dma_start3A_35, %dma_start3A_36] : memref<2x10x100xi32, #tpu.memory_space<vmem>> -> memref<1x10x100xi32, #tpu.memory_space<vmem>>
    %dma_start3A_38 = tpu.memref_squeeze %dma_start3A_37 : memref<1x10x100xi32, #tpu.memory_space<vmem>> -> memref<10x100xi32, #tpu.memory_space<vmem>>
    %dma_start3A_39 = arith.constant 0 : i32
    %dma_start3A_40 = arith.constant 0 : i32
    %dma_start3A_41 = tpu.memref_slice %arg3[%add3A, %dma_start3A_33, %dma_start3A_39, %dma_start3A_40] : memref<32x10x10x100xi32, #tpu.memory_space<hbm>> -> memref<1x1x10x100xi32, #tpu.memory_space<hbm>>
    %dma_start3A_42 = tpu.memref_squeeze %dma_start3A_41 : memref<1x1x10x100xi32, #tpu.memory_space<hbm>> -> memref<10x100xi32, #tpu.memory_space<hbm>>
    %dma_start3A_43 = arith.constant 0 : i32
    %dma_start3A_44 = arith.constant 0 : i32
    %dma_start3A_45 = tpu.memref_slice %arg7[%dma_start3A_34, %dma_start3A_43, %dma_start3A_44] : memref<2x10x100xi32, #tpu.memory_space<vmem>> -> memref<1x10x100xi32, #tpu.memory_space<vmem>>
    %dma_start3A_46 = tpu.memref_squeeze %dma_start3A_45 : memref<1x10x100xi32, #tpu.memory_space<vmem>> -> memref<10x100xi32, #tpu.memory_space<vmem>>
    %dma_start3A_47 = arith.constant 0 : i32
    %dma_start3A_48 = arith.constant 0 : i32
    %dma_start3A_49 = tpu.memref_slice %arg3[%add3A, %dma_start3A_33, %dma_start3A_47, %dma_start3A_48] : memref<32x10x10x100xi32, #tpu.memory_space<hbm>> -> memref<1x1x10x100xi32, #tpu.memory_space<hbm>>
    %dma_start3A_50 = tpu.memref_squeeze %dma_start3A_49 : memref<1x1x10x100xi32, #tpu.memory_space<hbm>> -> memref<10x100xi32, #tpu.memory_space<hbm>>
    tpu.enqueue_dma source(%dma_start3A_50 : memref<10x100xi32, #tpu.memory_space<hbm>>) target(%dma_start3A_46 : memref<10x100xi32, #tpu.memory_space<vmem>>) target_semaphore(%arg15 : memref<!tpu.dma_semaphore, #tpu.memory_space<semaphore_mem>>)
    %dma_start3A_51 = arith.constant 1 : i32
    %dma_start3A_52 = arith.constant 1 : i32
    %dma_start3A_53 = arith.constant 0 : i32
    %dma_start3A_54 = arith.constant 0 : i32
    %dma_start3A_55 = tpu.memref_slice %arg8[%dma_start3A_52, %dma_start3A_53, %dma_start3A_54] : memref<2x10x100xi32, #tpu.memory_space<vmem>> -> memref<1x10x100xi32, #tpu.memory_space<vmem>>
    %dma_start3A_56 = tpu.memref_squeeze %dma_start3A_55 : memref<1x10x100xi32, #tpu.memory_space<vmem>> -> memref<10x100xi32, #tpu.memory_space<vmem>>
    %dma_start3A_57 = arith.constant 0 : i32
    %dma_start3A_58 = arith.constant 0 : i32
    %dma_start3A_59 = tpu.memref_slice %arg4[%add3A, %dma_start3A_51, %dma_start3A_57, %dma_start3A_58] : memref<32x10x10x100xi32, #tpu.memory_space<hbm>> -> memref<1x1x10x100xi32, #tpu.memory_space<hbm>>
    %dma_start3A_60 = tpu.memref_squeeze %dma_start3A_59 : memref<1x1x10x100xi32, #tpu.memory_space<hbm>> -> memref<10x100xi32, #tpu.memory_space<hbm>>
    %dma_start3A_61 = arith.constant 0 : i32
    %dma_start3A_62 = arith.constant 0 : i32
    %dma_start3A_63 = tpu.memref_slice %arg8[%dma_start3A_52, %dma_start3A_61, %dma_start3A_62] : memref<2x10x100xi32, #tpu.memory_space<vmem>> -> memref<1x10x100xi32, #tpu.memory_space<vmem>>
    %dma_start3A_64 = tpu.memref_squeeze %dma_start3A_63 : memref<1x10x100xi32, #tpu.memory_space<vmem>> -> memref<10x100xi32, #tpu.memory_space<vmem>>
    %dma_start3A_65 = arith.constant 0 : i32
    %dma_start3A_66 = arith.constant 0 : i32
    %dma_start3A_67 = tpu.memref_slice %arg4[%add3A, %dma_start3A_51, %dma_start3A_65, %dma_start3A_66] : memref<32x10x10x100xi32, #tpu.memory_space<hbm>> -> memref<1x1x10x100xi32, #tpu.memory_space<hbm>>
    %dma_start3A_68 = tpu.memref_squeeze %dma_start3A_67 : memref<1x1x10x100xi32, #tpu.memory_space<hbm>> -> memref<10x100xi32, #tpu.memory_space<hbm>>
    tpu.enqueue_dma source(%dma_start3A_68 : memref<10x100xi32, #tpu.memory_space<hbm>>) target(%dma_start3A_64 : memref<10x100xi32, #tpu.memory_space<vmem>>) target_semaphore(%arg15 : memref<!tpu.dma_semaphore, #tpu.memory_space<semaphore_mem>>)
    %dma_wait3A = arith.constant 0 : i32
    %dma_wait3A_69 = arith.constant 0 : i32
    %dma_wait3A_70 = arith.constant 0 : i32
    %dma_wait3A_71 = arith.constant 0 : i32
    %dma_wait3A_72 = tpu.memref_slice %arg7[%dma_wait3A, %dma_wait3A_70, %dma_wait3A_71] : memref<2x10x100xi32, #tpu.memory_space<vmem>> -> memref<1x10x100xi32, #tpu.memory_space<vmem>>
    %dma_wait3A_73 = tpu.memref_squeeze %dma_wait3A_72 : memref<1x10x100xi32, #tpu.memory_space<vmem>> -> memref<10x100xi32, #tpu.memory_space<vmem>>
    %dma_wait3A_74 = arith.constant 0 : i32
    %dma_wait3A_75 = tpu.memref_slice %dma_wait3A_73[%dma_wait3A_69, %dma_wait3A_74] : memref<10x100xi32, #tpu.memory_space<vmem>> -> memref<1x100xi32, #tpu.memory_space<vmem>>
    %dma_wait3A_76 = tpu.memref_squeeze %dma_wait3A_75 : memref<1x100xi32, #tpu.memory_space<vmem>> -> memref<100xi32, #tpu.memory_space<vmem>>
    %dma_wait3A_77 = arith.constant 0 : i32
    %dma_wait3A_78 = arith.constant 0 : i32
    %dma_wait3A_79 = tpu.memref_slice %arg2[%dma_wait3A_77, %dma_wait3A_78] : memref<10000x128xf32, #tpu.memory_space<hbm>> -> memref<10000x128xf32, #tpu.memory_space<hbm>>
    tpu.wait_indirect_dma semaphore(%arg13 : memref<!tpu.dma_semaphore, #tpu.memory_space<semaphore_mem>>) src(%dma_wait3A_79 : memref<10000x128xf32, #tpu.memory_space<hbm>>) dst(%arg9 : memref<100x128xf32, #tpu.memory_space<vmem>>)
    %dma_start3A_80 = arith.constant 0 : i32
    %dma_start3A_81 = arith.constant 2 : i32
    %dma_start3A_82 = arith.constant 0 : i32
    %dma_start3A_83 = arith.constant 0 : i32
    %dma_start3A_84 = tpu.memref_slice %arg7[%dma_start3A_80, %dma_start3A_82, %dma_start3A_83] : memref<2x10x100xi32, #tpu.memory_space<vmem>> -> memref<1x10x100xi32, #tpu.memory_space<vmem>>
    %dma_start3A_85 = tpu.memref_squeeze %dma_start3A_84 : memref<1x10x100xi32, #tpu.memory_space<vmem>> -> memref<10x100xi32, #tpu.memory_space<vmem>>
    %dma_start3A_86 = arith.constant 0 : i32
    %dma_start3A_87 = tpu.memref_slice %dma_start3A_85[%dma_start3A_81, %dma_start3A_86] : memref<10x100xi32, #tpu.memory_space<vmem>> -> memref<1x100xi32, #tpu.memory_space<vmem>>
    %dma_start3A_88 = tpu.memref_squeeze %dma_start3A_87 : memref<1x100xi32, #tpu.memory_space<vmem>> -> memref<100xi32, #tpu.memory_space<vmem>>
    %dma_start3A_89 = arith.constant 0 : i32
    %dma_start3A_90 = arith.constant 0 : i32
    %dma_start3A_91 = tpu.memref_slice %arg2[%dma_start3A_89, %dma_start3A_90] : memref<10000x128xf32, #tpu.memory_space<hbm>> -> memref<10000x128xf32, #tpu.memory_space<hbm>>
    tpu.enqueue_indirect_dma source(%dma_start3A_91 : memref<10000x128xf32, #tpu.memory_space<hbm>>) target(%arg11 : memref<100x128xf32, #tpu.memory_space<vmem>>) offsets(%dma_start3A_88 : memref<100xi32, #tpu.memory_space<vmem>>) semaphore(%arg13 : memref<!tpu.dma_semaphore, #tpu.memory_space<semaphore_mem>>)
    %dma_start3A_92 = arith.constant 0 : i32
    %dma_start3A_93 = arith.constant 0 : i32
    %dma_start3A_94 = arith.constant 0 : i32
    %dma_start3A_95 = arith.constant 0 : i32
    %dma_start3A_96 = tpu.memref_slice %arg8[%dma_start3A_92, %dma_start3A_94, %dma_start3A_95] : memref<2x10x100xi32, #tpu.memory_space<vmem>> -> memref<1x10x100xi32, #tpu.memory_space<vmem>>
    %dma_start3A_97 = tpu.memref_squeeze %dma_start3A_96 : memref<1x10x100xi32, #tpu.memory_space<vmem>> -> memref<10x100xi32, #tpu.memory_space<vmem>>
    %dma_start3A_98 = arith.constant 0 : i32
    %dma_start3A_99 = tpu.memref_slice %dma_start3A_97[%dma_start3A_93, %dma_start3A_98] : memref<10x100xi32, #tpu.memory_space<vmem>> -> memref<1x100xi32, #tpu.memory_space<vmem>>
    %dma_start3A_100 = tpu.memref_squeeze %dma_start3A_99 : memref<1x100xi32, #tpu.memory_space<vmem>> -> memref<100xi32, #tpu.memory_space<vmem>>
    %dma_start3A_101 = arith.constant 0 : i32
    %dma_start3A_102 = arith.constant 0 : i32
    %dma_start3A_103 = tpu.memref_slice %arg12[%dma_start3A_101, %dma_start3A_102] : memref<10000x128xf32, #tpu.memory_space<vmem_shared>> -> memref<10000x128xf32, #tpu.memory_space<vmem_shared>>
    tpu.enqueue_indirect_dma source(%arg9 : memref<100x128xf32, #tpu.memory_space<vmem>>) target(%dma_start3A_103 : memref<10000x128xf32, #tpu.memory_space<vmem_shared>>) offsets(%dma_start3A_100 : memref<100xi32, #tpu.memory_space<vmem>>) semaphore(%arg14 : memref<!tpu.dma_semaphore, #tpu.memory_space<semaphore_mem>>) {add = true}
    %dma_wait3A_104 = arith.constant 0 : i32
    %dma_wait3A_105 = arith.constant 1 : i32
    %dma_wait3A_106 = arith.constant 0 : i32
    %dma_wait3A_107 = arith.constant 0 : i32
    %dma_wait3A_108 = tpu.memref_slice %arg7[%dma_wait3A_104, %dma_wait3A_106, %dma_wait3A_107] : memref<2x10x100xi32, #tpu.memory_space<vmem>> -> memref<1x10x100xi32, #tpu.memory_space<vmem>>
    %dma_wait3A_109 = tpu.memref_squeeze %dma_wait3A_108 : memref<1x10x100xi32, #tpu.memory_space<vmem>> -> memref<10x100xi32, #tpu.memory_space<vmem>>
    %dma_wait3A_110 = arith.constant 0 : i32
    %dma_wait3A_111 = tpu.memref_slice %dma_wait3A_109[%dma_wait3A_105, %dma_wait3A_110] : memref<10x100xi32, #tpu.memory_space<vmem>> -> memref<1x100xi32, #tpu.memory_space<vmem>>
    %dma_wait3A_112 = tpu.memref_squeeze %dma_wait3A_111 : memref<1x100xi32, #tpu.memory_space<vmem>> -> memref<100xi32, #tpu.memory_space<vmem>>
    %dma_wait3A_113 = arith.constant 0 : i32
    %dma_wait3A_114 = arith.constant 0 : i32
    %dma_wait3A_115 = tpu.memref_slice %arg2[%dma_wait3A_113, %dma_wait3A_114] : memref<10000x128xf32, #tpu.memory_space<hbm>> -> memref<10000x128xf32, #tpu.memory_space<hbm>>
    tpu.wait_indirect_dma semaphore(%arg13 : memref<!tpu.dma_semaphore, #tpu.memory_space<semaphore_mem>>) src(%dma_wait3A_115 : memref<10000x128xf32, #tpu.memory_space<hbm>>) dst(%arg10 : memref<100x128xf32, #tpu.memory_space<vmem>>)
    %dma_wait3A_116 = arith.constant 0 : i32
    %dma_wait3A_117 = arith.constant 0 : i32
    %dma_wait3A_118 = arith.constant 0 : i32
    %dma_wait3A_119 = arith.constant 0 : i32
    %dma_wait3A_120 = tpu.memref_slice %arg8[%dma_wait3A_116, %dma_wait3A_118, %dma_wait3A_119] : memref<2x10x100xi32, #tpu.memory_space<vmem>> -> memref<1x10x100xi32, #tpu.memory_space<vmem>>
    %dma_wait3A_121 = tpu.memref_squeeze %dma_wait3A_120 : memref<1x10x100xi32, #tpu.memory_space<vmem>> -> memref<10x100xi32, #tpu.memory_space<vmem>>
    %dma_wait3A_122 = arith.constant 0 : i32
    %dma_wait3A_123 = tpu.memref_slice %dma_wait3A_121[%dma_wait3A_117, %dma_wait3A_122] : memref<10x100xi32, #tpu.memory_space<vmem>> -> memref<1x100xi32, #tpu.memory_space<vmem>>
    %dma_wait3A_124 = tpu.memref_squeeze %dma_wait3A_123 : memref<1x100xi32, #tpu.memory_space<vmem>> -> memref<100xi32, #tpu.memory_space<vmem>>
    %dma_wait3A_125 = arith.constant 0 : i32
    %dma_wait3A_126 = arith.constant 0 : i32
    %dma_wait3A_127 = tpu.memref_slice %arg12[%dma_wait3A_125, %dma_wait3A_126] : memref<10000x128xf32, #tpu.memory_space<vmem_shared>> -> memref<10000x128xf32, #tpu.memory_space<vmem_shared>>
    tpu.wait_indirect_dma semaphore(%arg14 : memref<!tpu.dma_semaphore, #tpu.memory_space<semaphore_mem>>) src(%arg9 : memref<100x128xf32, #tpu.memory_space<vmem>>) dst(%dma_wait3A_127 : memref<10000x128xf32, #tpu.memory_space<vmem_shared>>)
    %dma_start3A_128 = arith.constant 0 : i32
    %dma_start3A_129 = arith.constant 3 : i32
    %dma_start3A_130 = arith.constant 0 : i32
    %dma_start3A_131 = arith.constant 0 : i32
    %dma_start3A_132 = tpu.memref_slice %arg7[%dma_start3A_128, %dma_start3A_130, %dma_start3A_131] : memref<2x10x100xi32, #tpu.memory_space<vmem>> -> memref<1x10x100xi32, #tpu.memory_space<vmem>>
    %dma_start3A_133 = tpu.memref_squeeze %dma_start3A_132 : memref<1x10x100xi32, #tpu.memory_space<vmem>> -> memref<10x100xi32, #tpu.memory_space<vmem>>
    %dma_start3A_134 = arith.constant 0 : i32
    %dma_start3A_135 = tpu.memref_slice %dma_start3A_133[%dma_start3A_129, %dma_start3A_134] : memref<10x100xi32, #tpu.memory_space<vmem>> -> memref<1x100xi32, #tpu.memory_space<vmem>>
    %dma_start3A_136 = tpu.memref_squeeze %dma_start3A_135 : memref<1x100xi32, #tpu.memory_space<vmem>> -> memref<100xi32, #tpu.memory_space<vmem>>
    %dma_start3A_137 = arith.constant 0 : i32
    %dma_start3A_138 = arith.constant 0 : i32
    %dma_start3A_139 = tpu.memref_slice %arg2[%dma_start3A_137, %dma_start3A_138] : memref<10000x128xf32, #tpu.memory_space<hbm>> -> memref<10000x128xf32, #tpu.memory_space<hbm>>
    tpu.enqueue_indirect_dma source(%dma_start3A_139 : memref<10000x128xf32, #tpu.memory_space<hbm>>) target(%arg9 : memref<100x128xf32, #tpu.memory_space<vmem>>) offsets(%dma_start3A_136 : memref<100xi32, #tpu.memory_space<vmem>>) semaphore(%arg13 : memref<!tpu.dma_semaphore, #tpu.memory_space<semaphore_mem>>)
    %dma_start3A_140 = arith.constant 0 : i32
    %dma_start3A_141 = arith.constant 1 : i32
    %dma_start3A_142 = arith.constant 0 : i32
    %dma_start3A_143 = arith.constant 0 : i32
    %dma_start3A_144 = tpu.memref_slice %arg8[%dma_start3A_140, %dma_start3A_142, %dma_start3A_143] : memref<2x10x100xi32, #tpu.memory_space<vmem>> -> memref<1x10x100xi32, #tpu.memory_space<vmem>>
    %dma_start3A_145 = tpu.memref_squeeze %dma_start3A_144 : memref<1x10x100xi32, #tpu.memory_space<vmem>> -> memref<10x100xi32, #tpu.memory_space<vmem>>
    %dma_start3A_146 = arith.constant 0 : i32
    %dma_start3A_147 = tpu.memref_slice %dma_start3A_145[%dma_start3A_141, %dma_start3A_146] : memref<10x100xi32, #tpu.memory_space<vmem>> -> memref<1x100xi32, #tpu.memory_space<vmem>>
    %dma_start3A_148 = tpu.memref_squeeze %dma_start3A_147 : memref<1x100xi32, #tpu.memory_space<vmem>> -> memref<100xi32, #tpu.memory_space<vmem>>
    %dma_start3A_149 = arith.constant 0 : i32
    %dma_start3A_150 = arith.constant 0 : i32
    %dma_start3A_151 = tpu.memref_slice %arg12[%dma_start3A_149, %dma_start3A_150] : memref<10000x128xf32, #tpu.memory_space<vmem_shared>> -> memref<10000x128xf32, #tpu.memory_space<vmem_shared>>
    tpu.enqueue_indirect_dma source(%arg10 : memref<100x128xf32, #tpu.memory_space<vmem>>) target(%dma_start3A_151 : memref<10000x128xf32, #tpu.memory_space<vmem_shared>>) offsets(%dma_start3A_148 : memref<100xi32, #tpu.memory_space<vmem>>) semaphore(%arg14 : memref<!tpu.dma_semaphore, #tpu.memory_space<semaphore_mem>>) {add = true}
    %dma_wait3A_152 = arith.constant 0 : i32
    %dma_wait3A_153 = arith.constant 2 : i32
    %dma_wait3A_154 = arith.constant 0 : i32
    %dma_wait3A_155 = arith.constant 0 : i32
    %dma_wait3A_156 = tpu.memref_slice %arg7[%dma_wait3A_152, %dma_wait3A_154, %dma_wait3A_155] : memref<2x10x100xi32, #tpu.memory_space<vmem>> -> memref<1x10x100xi32, #tpu.memory_space<vmem>>
    %dma_wait3A_157 = tpu.memref_squeeze %dma_wait3A_156 : memref<1x10x100xi32, #tpu.memory_space<vmem>> -> memref<10x100xi32, #tpu.memory_space<vmem>>
    %dma_wait3A_158 = arith.constant 0 : i32
    %dma_wait3A_159 = tpu.memref_slice %dma_wait3A_157[%dma_wait3A_153, %dma_wait3A_158] : memref<10x100xi32, #tpu.memory_space<vmem>> -> memref<1x100xi32, #tpu.memory_space<vmem>>
    %dma_wait3A_160 = tpu.memref_squeeze %dma_wait3A_159 : memref<1x100xi32, #tpu.memory_space<vmem>> -> memref<100xi32, #tpu.memory_space<vmem>>
    %dma_wait3A_161 = arith.constant 0 : i32
    %dma_wait3A_162 = arith.constant 0 : i32
    %dma_wait3A_163 = tpu.memref_slice %arg2[%dma_wait3A_161, %dma_wait3A_162] : memref<10000x128xf32, #tpu.memory_space<hbm>> -> memref<10000x128xf32, #tpu.memory_space<hbm>>
    tpu.wait_indirect_dma semaphore(%arg13 : memref<!tpu.dma_semaphore, #tpu.memory_space<semaphore_mem>>) src(%dma_wait3A_163 : memref<10000x128xf32, #tpu.memory_space<hbm>>) dst(%arg11 : memref<100x128xf32, #tpu.memory_space<vmem>>)
    %dma_wait3A_164 = arith.constant 0 : i32
    %dma_wait3A_165 = arith.constant 1 : i32
    %dma_wait3A_166 = arith.constant 0 : i32
    %dma_wait3A_167 = arith.constant 0 : i32
    %dma_wait3A_168 = tpu.memref_slice %arg8[%dma_wait3A_164, %dma_wait3A_166, %dma_wait3A_167] : memref<2x10x100xi32, #tpu.memory_space<vmem>> -> memref<1x10x100xi32, #tpu.memory_space<vmem>>
    %dma_wait3A_169 = tpu.memref_squeeze %dma_wait3A_168 : memref<1x10x100xi32, #tpu.memory_space<vmem>> -> memref<10x100xi32, #tpu.memory_space<vmem>>
    %dma_wait3A_170 = arith.constant 0 : i32
    %dma_wait3A_171 = tpu.memref_slice %dma_wait3A_169[%dma_wait3A_165, %dma_wait3A_170] : memref<10x100xi32, #tpu.memory_space<vmem>> -> memref<1x100xi32, #tpu.memory_space<vmem>>
    %dma_wait3A_172 = tpu.memref_squeeze %dma_wait3A_171 : memref<1x100xi32, #tpu.memory_space<vmem>> -> memref<100xi32, #tpu.memory_space<vmem>>
    %dma_wait3A_173 = arith.constant 0 : i32
    %dma_wait3A_174 = arith.constant 0 : i32
    %dma_wait3A_175 = tpu.memref_slice %arg12[%dma_wait3A_173, %dma_wait3A_174] : memref<10000x128xf32, #tpu.memory_space<vmem_shared>> -> memref<10000x128xf32, #tpu.memory_space<vmem_shared>>
    tpu.wait_indirect_dma semaphore(%arg14 : memref<!tpu.dma_semaphore, #tpu.memory_space<semaphore_mem>>) src(%arg10 : memref<100x128xf32, #tpu.memory_space<vmem>>) dst(%dma_wait3A_175 : memref<10000x128xf32, #tpu.memory_space<vmem_shared>>)
    %dma_start3A_176 = arith.constant 0 : i32
    %dma_start3A_177 = arith.constant 4 : i32
    %dma_start3A_178 = arith.constant 0 : i32
    %dma_start3A_179 = arith.constant 0 : i32
    %dma_start3A_180 = tpu.memref_slice %arg7[%dma_start3A_176, %dma_start3A_178, %dma_start3A_179] : memref<2x10x100xi32, #tpu.memory_space<vmem>> -> memref<1x10x100xi32, #tpu.memory_space<vmem>>
    %dma_start3A_181 = tpu.memref_squeeze %dma_start3A_180 : memref<1x10x100xi32, #tpu.memory_space<vmem>> -> memref<10x100xi32, #tpu.memory_space<vmem>>
    %dma_start3A_182 = arith.constant 0 : i32
    %dma_start3A_183 = tpu.memref_slice %dma_start3A_181[%dma_start3A_177, %dma_start3A_182] : memref<10x100xi32, #tpu.memory_space<vmem>> -> memref<1x100xi32, #tpu.memory_space<vmem>>
    %dma_start3A_184 = tpu.memref_squeeze %dma_start3A_183 : memref<1x100xi32, #tpu.memory_space<vmem>> -> memref<100xi32, #tpu.memory_space<vmem>>
    %dma_start3A_185 = arith.constant 0 : i32
    %dma_start3A_186 = arith.constant 0 : i32
    %dma_start3A_187 = tpu.memref_slice %arg2[%dma_start3A_185, %dma_start3A_186] : memref<10000x128xf32, #tpu.memory_space<hbm>> -> memref<10000x128xf32, #tpu.memory_space<hbm>>
    tpu.enqueue_indirect_dma source(%dma_start3A_187 : memref<10000x128xf32, #tpu.memory_space<hbm>>) target(%arg10 : memref<100x128xf32, #tpu.memory_space<vmem>>) offsets(%dma_start3A_184 : memref<100xi32, #tpu.memory_space<vmem>>) semaphore(%arg13 : memref<!tpu.dma_semaphore, #tpu.memory_space<semaphore_mem>>)
    %dma_start3A_188 = arith.constant 0 : i32
    %dma_start3A_189 = arith.constant 2 : i32
    %dma_start3A_190 = arith.constant 0 : i32
    %dma_start3A_191 = arith.constant 0 : i32
    %dma_start3A_192 = tpu.memref_slice %arg8[%dma_start3A_188, %dma_start3A_190, %dma_start3A_191] : memref<2x10x100xi32, #tpu.memory_space<vmem>> -> memref<1x10x100xi32, #tpu.memory_space<vmem>>
    %dma_start3A_193 = tpu.memref_squeeze %dma_start3A_192 : memref<1x10x100xi32, #tpu.memory_space<vmem>> -> memref<10x100xi32, #tpu.memory_space<vmem>>
    %dma_start3A_194 = arith.constant 0 : i32
    %dma_start3A_195 = tpu.memref_slice %dma_start3A_193[%dma_start3A_189, %dma_start3A_194] : memref<10x100xi32, #tpu.memory_space<vmem>> -> memref<1x100xi32, #tpu.memory_space<vmem>>
    %dma_start3A_196 = tpu.memref_squeeze %dma_start3A_195 : memref<1x100xi32, #tpu.memory_space<vmem>> -> memref<100xi32, #tpu.memory_space<vmem>>
    %dma_start3A_197 = arith.constant 0 : i32
    %dma_start3A_198 = arith.constant 0 : i32
    %dma_start3A_199 = tpu.memref_slice %arg12[%dma_start3A_197, %dma_start3A_198] : memref<10000x128xf32, #tpu.memory_space<vmem_shared>> -> memref<10000x128xf32, #tpu.memory_space<vmem_shared>>
    tpu.enqueue_indirect_dma source(%arg11 : memref<100x128xf32, #tpu.memory_space<vmem>>) target(%dma_start3A_199 : memref<10000x128xf32, #tpu.memory_space<vmem_shared>>) offsets(%dma_start3A_196 : memref<100xi32, #tpu.memory_space<vmem>>) semaphore(%arg14 : memref<!tpu.dma_semaphore, #tpu.memory_space<semaphore_mem>>) {add = true}
    %dma_wait3A_200 = arith.constant 0 : i32
    %dma_wait3A_201 = arith.constant 3 : i32
    %dma_wait3A_202 = arith.constant 0 : i32
    %dma_wait3A_203 = arith.constant 0 : i32
    %dma_wait3A_204 = tpu.memref_slice %arg7[%dma_wait3A_200, %dma_wait3A_202, %dma_wait3A_203] : memref<2x10x100xi32, #tpu.memory_space<vmem>> -> memref<1x10x100xi32, #tpu.memory_space<vmem>>
    %dma_wait3A_205 = tpu.memref_squeeze %dma_wait3A_204 : memref<1x10x100xi32, #tpu.memory_space<vmem>> -> memref<10x100xi32, #tpu.memory_space<vmem>>
    %dma_wait3A_206 = arith.constant 0 : i32
    %dma_wait3A_207 = tpu.memref_slice %dma_wait3A_205[%dma_wait3A_201, %dma_wait3A_206] : memref<10x100xi32, #tpu.memory_space<vmem>> -> memref<1x100xi32, #tpu.memory_space<vmem>>
    %dma_wait3A_208 = tpu.memref_squeeze %dma_wait3A_207 : memref<1x100xi32, #tpu.memory_space<vmem>> -> memref<100xi32, #tpu.memory_space<vmem>>
    %dma_wait3A_209 = arith.constant 0 : i32
    %dma_wait3A_210 = arith.constant 0 : i32
    %dma_wait3A_211 = tpu.memref_slice %arg2[%dma_wait3A_209, %dma_wait3A_210] : memref<10000x128xf32, #tpu.memory_space<hbm>> -> memref<10000x128xf32, #tpu.memory_space<hbm>>
    tpu.wait_indirect_dma semaphore(%arg13 : memref<!tpu.dma_semaphore, #tpu.memory_space<semaphore_mem>>) src(%dma_wait3A_211 : memref<10000x128xf32, #tpu.memory_space<hbm>>) dst(%arg9 : memref<100x128xf32, #tpu.memory_space<vmem>>)
    %dma_wait3A_212 = arith.constant 0 : i32
    %dma_wait3A_213 = arith.constant 2 : i32
    %dma_wait3A_214 = arith.constant 0 : i32
    %dma_wait3A_215 = arith.constant 0 : i32
    %dma_wait3A_216 = tpu.memref_slice %arg8[%dma_wait3A_212, %dma_wait3A_214, %dma_wait3A_215] : memref<2x10x100xi32, #tpu.memory_space<vmem>> -> memref<1x10x100xi32, #tpu.memory_space<vmem>>
    %dma_wait3A_217 = tpu.memref_squeeze %dma_wait3A_216 : memref<1x10x100xi32, #tpu.memory_space<vmem>> -> memref<10x100xi32, #tpu.memory_space<vmem>>
    %dma_wait3A_218 = arith.constant 0 : i32
    %dma_wait3A_219 = tpu.memref_slice %dma_wait3A_217[%dma_wait3A_213, %dma_wait3A_218] : memref<10x100xi32, #tpu.memory_space<vmem>> -> memref<1x100xi32, #tpu.memory_space<vmem>>
    %dma_wait3A_220 = tpu.memref_squeeze %dma_wait3A_219 : memref<1x100xi32, #tpu.memory_space<vmem>> -> memref<100xi32, #tpu.memory_space<vmem>>
    %dma_wait3A_221 = arith.constant 0 : i32
    %dma_wait3A_222 = arith.constant 0 : i32
    %dma_wait3A_223 = tpu.memref_slice %arg12[%dma_wait3A_221, %dma_wait3A_222] : memref<10000x128xf32, #tpu.memory_space<vmem_shared>> -> memref<10000x128xf32, #tpu.memory_space<vmem_shared>>
    tpu.wait_indirect_dma semaphore(%arg14 : memref<!tpu.dma_semaphore, #tpu.memory_space<semaphore_mem>>) src(%arg11 : memref<100x128xf32, #tpu.memory_space<vmem>>) dst(%dma_wait3A_223 : memref<10000x128xf32, #tpu.memory_space<vmem_shared>>)
    %dma_start3A_224 = arith.constant 0 : i32
    %dma_start3A_225 = arith.constant 5 : i32
    %dma_start3A_226 = arith.constant 0 : i32
    %dma_start3A_227 = arith.constant 0 : i32
    %dma_start3A_228 = tpu.memref_slice %arg7[%dma_start3A_224, %dma_start3A_226, %dma_start3A_227] : memref<2x10x100xi32, #tpu.memory_space<vmem>> -> memref<1x10x100xi32, #tpu.memory_space<vmem>>
    %dma_start3A_229 = tpu.memref_squeeze %dma_start3A_228 : memref<1x10x100xi32, #tpu.memory_space<vmem>> -> memref<10x100xi32, #tpu.memory_space<vmem>>
    %dma_start3A_230 = arith.constant 0 : i32
    %dma_start3A_231 = tpu.memref_slice %dma_start3A_229[%dma_start3A_225, %dma_start3A_230] : memref<10x100xi32, #tpu.memory_space<vmem>> -> memref<1x100xi32, #tpu.memory_space<vmem>>
    %dma_start3A_232 = tpu.memref_squeeze %dma_start3A_231 : memref<1x100xi32, #tpu.memory_space<vmem>> -> memref<100xi32, #tpu.memory_space<vmem>>
    %dma_start3A_233 = arith.constant 0 : i32
    %dma_start3A_234 = arith.constant 0 : i32
    %dma_start3A_235 = tpu.memref_slice %arg2[%dma_start3A_233, %dma_start3A_234] : memref<10000x128xf32, #tpu.memory_space<hbm>> -> memref<10000x128xf32, #tpu.memory_space<hbm>>
    tpu.enqueue_indirect_dma source(%dma_start3A_235 : memref<10000x128xf32, #tpu.memory_space<hbm>>) target(%arg11 : memref<100x128xf32, #tpu.memory_space<vmem>>) offsets(%dma_start3A_232 : memref<100xi32, #tpu.memory_space<vmem>>) semaphore(%arg13 : memref<!tpu.dma_semaphore, #tpu.memory_space<semaphore_mem>>)
    %dma_start3A_236 = arith.constant 0 : i32
    %dma_start3A_237 = arith.constant 3 : i32
    %dma_start3A_238 = arith.constant 0 : i32
    %dma_start3A_239 = arith.constant 0 : i32
    %dma_start3A_240 = tpu.memref_slice %arg8[%dma_start3A_236, %dma_start3A_238, %dma_start3A_239] : memref<2x10x100xi32, #tpu.memory_space<vmem>> -> memref<1x10x100xi32, #tpu.memory_space<vmem>>
    %dma_start3A_241 = tpu.memref_squeeze %dma_start3A_240 : memref<1x10x100xi32, #tpu.memory_space<vmem>> -> memref<10x100xi32, #tpu.memory_space<vmem>>
    %dma_start3A_242 = arith.constant 0 : i32
    %dma_start3A_243 = tpu.memref_slice %dma_start3A_241[%dma_start3A_237, %dma_start3A_242] : memref<10x100xi32, #tpu.memory_space<vmem>> -> memref<1x100xi32, #tpu.memory_space<vmem>>
    %dma_start3A_244 = tpu.memref_squeeze %dma_start3A_243 : memref<1x100xi32, #tpu.memory_space<vmem>> -> memref<100xi32, #tpu.memory_space<vmem>>
    %dma_start3A_245 = arith.constant 0 : i32
    %dma_start3A_246 = arith.constant 0 : i32
    %dma_start3A_247 = tpu.memref_slice %arg12[%dma_start3A_245, %dma_start3A_246] : memref<10000x128xf32, #tpu.memory_space<vmem_shared>> -> memref<10000x128xf32, #tpu.memory_space<vmem_shared>>
    tpu.enqueue_indirect_dma source(%arg9 : memref<100x128xf32, #tpu.memory_space<vmem>>) target(%dma_start3A_247 : memref<10000x128xf32, #tpu.memory_space<vmem_shared>>) offsets(%dma_start3A_244 : memref<100xi32, #tpu.memory_space<vmem>>) semaphore(%arg14 : memref<!tpu.dma_semaphore, #tpu.memory_space<semaphore_mem>>) {add = true}
    %dma_wait3A_248 = arith.constant 0 : i32
    %dma_wait3A_249 = arith.constant 4 : i32
    %dma_wait3A_250 = arith.constant 0 : i32
    %dma_wait3A_251 = arith.constant 0 : i32
    %dma_wait3A_252 = tpu.memref_slice %arg7[%dma_wait3A_248, %dma_wait3A_250, %dma_wait3A_251] : memref<2x10x100xi32, #tpu.memory_space<vmem>> -> memref<1x10x100xi32, #tpu.memory_space<vmem>>
    %dma_wait3A_253 = tpu.memref_squeeze %dma_wait3A_252 : memref<1x10x100xi32, #tpu.memory_space<vmem>> -> memref<10x100xi32, #tpu.memory_space<vmem>>
    %dma_wait3A_254 = arith.constant 0 : i32
    %dma_wait3A_255 = tpu.memref_slice %dma_wait3A_253[%dma_wait3A_249, %dma_wait3A_254] : memref<10x100xi32, #tpu.memory_space<vmem>> -> memref<1x100xi32, #tpu.memory_space<vmem>>
    %dma_wait3A_256 = tpu.memref_squeeze %dma_wait3A_255 : memref<1x100xi32, #tpu.memory_space<vmem>> -> memref<100xi32, #tpu.memory_space<vmem>>
    %dma_wait3A_257 = arith.constant 0 : i32
    %dma_wait3A_258 = arith.constant 0 : i32
    %dma_wait3A_259 = tpu.memref_slice %arg2[%dma_wait3A_257, %dma_wait3A_258] : memref<10000x128xf32, #tpu.memory_space<hbm>> -> memref<10000x128xf32, #tpu.memory_space<hbm>>
    tpu.wait_indirect_dma semaphore(%arg13 : memref<!tpu.dma_semaphore, #tpu.memory_space<semaphore_mem>>) src(%dma_wait3A_259 : memref<10000x128xf32, #tpu.memory_space<hbm>>) dst(%arg10 : memref<100x128xf32, #tpu.memory_space<vmem>>)
    %dma_wait3A_260 = arith.constant 0 : i32
    %dma_wait3A_261 = arith.constant 3 : i32
    %dma_wait3A_262 = arith.constant 0 : i32
    %dma_wait3A_263 = arith.constant 0 : i32
    %dma_wait3A_264 = tpu.memref_slice %arg8[%dma_wait3A_260, %dma_wait3A_262, %dma_wait3A_263] : memref<2x10x100xi32, #tpu.memory_space<vmem>> -> memref<1x10x100xi32, #tpu.memory_space<vmem>>
    %dma_wait3A_265 = tpu.memref_squeeze %dma_wait3A_264 : memref<1x10x100xi32, #tpu.memory_space<vmem>> -> memref<10x100xi32, #tpu.memory_space<vmem>>
    %dma_wait3A_266 = arith.constant 0 : i32
    %dma_wait3A_267 = tpu.memref_slice %dma_wait3A_265[%dma_wait3A_261, %dma_wait3A_266] : memref<10x100xi32, #tpu.memory_space<vmem>> -> memref<1x100xi32, #tpu.memory_space<vmem>>
    %dma_wait3A_268 = tpu.memref_squeeze %dma_wait3A_267 : memref<1x100xi32, #tpu.memory_space<vmem>> -> memref<100xi32, #tpu.memory_space<vmem>>
    %dma_wait3A_269 = arith.constant 0 : i32
    %dma_wait3A_270 = arith.constant 0 : i32
    %dma_wait3A_271 = tpu.memref_slice %arg12[%dma_wait3A_269, %dma_wait3A_270] : memref<10000x128xf32, #tpu.memory_space<vmem_shared>> -> memref<10000x128xf32, #tpu.memory_space<vmem_shared>>
    tpu.wait_indirect_dma semaphore(%arg14 : memref<!tpu.dma_semaphore, #tpu.memory_space<semaphore_mem>>) src(%arg9 : memref<100x128xf32, #tpu.memory_space<vmem>>) dst(%dma_wait3A_271 : memref<10000x128xf32, #tpu.memory_space<vmem_shared>>)
    %dma_start3A_272 = arith.constant 0 : i32
    %dma_start3A_273 = arith.constant 6 : i32
    %dma_start3A_274 = arith.constant 0 : i32
    %dma_start3A_275 = arith.constant 0 : i32
    %dma_start3A_276 = tpu.memref_slice %arg7[%dma_start3A_272, %dma_start3A_274, %dma_start3A_275] : memref<2x10x100xi32, #tpu.memory_space<vmem>> -> memref<1x10x100xi32, #tpu.memory_space<vmem>>
    %dma_start3A_277 = tpu.memref_squeeze %dma_start3A_276 : memref<1x10x100xi32, #tpu.memory_space<vmem>> -> memref<10x100xi32, #tpu.memory_space<vmem>>
    %dma_start3A_278 = arith.constant 0 : i32
    %dma_start3A_279 = tpu.memref_slice %dma_start3A_277[%dma_start3A_273, %dma_start3A_278] : memref<10x100xi32, #tpu.memory_space<vmem>> -> memref<1x100xi32, #tpu.memory_space<vmem>>
    %dma_start3A_280 = tpu.memref_squeeze %dma_start3A_279 : memref<1x100xi32, #tpu.memory_space<vmem>> -> memref<100xi32, #tpu.memory_space<vmem>>
    %dma_start3A_281 = arith.constant 0 : i32
    %dma_start3A_282 = arith.constant 0 : i32
    %dma_start3A_283 = tpu.memref_slice %arg2[%dma_start3A_281, %dma_start3A_282] : memref<10000x128xf32, #tpu.memory_space<hbm>> -> memref<10000x128xf32, #tpu.memory_space<hbm>>
    tpu.enqueue_indirect_dma source(%dma_start3A_283 : memref<10000x128xf32, #tpu.memory_space<hbm>>) target(%arg9 : memref<100x128xf32, #tpu.memory_space<vmem>>) offsets(%dma_start3A_280 : memref<100xi32, #tpu.memory_space<vmem>>) semaphore(%arg13 : memref<!tpu.dma_semaphore, #tpu.memory_space<semaphore_mem>>)
    %dma_start3A_284 = arith.constant 0 : i32
    %dma_start3A_285 = arith.constant 4 : i32
    %dma_start3A_286 = arith.constant 0 : i32
    %dma_start3A_287 = arith.constant 0 : i32
    %dma_start3A_288 = tpu.memref_slice %arg8[%dma_start3A_284, %dma_start3A_286, %dma_start3A_287] : memref<2x10x100xi32, #tpu.memory_space<vmem>> -> memref<1x10x100xi32, #tpu.memory_space<vmem>>
    %dma_start3A_289 = tpu.memref_squeeze %dma_start3A_288 : memref<1x10x100xi32, #tpu.memory_space<vmem>> -> memref<10x100xi32, #tpu.memory_space<vmem>>
    %dma_start3A_290 = arith.constant 0 : i32
    %dma_start3A_291 = tpu.memref_slice %dma_start3A_289[%dma_start3A_285, %dma_start3A_290] : memref<10x100xi32, #tpu.memory_space<vmem>> -> memref<1x100xi32, #tpu.memory_space<vmem>>
    %dma_start3A_292 = tpu.memref_squeeze %dma_start3A_291 : memref<1x100xi32, #tpu.memory_space<vmem>> -> memref<100xi32, #tpu.memory_space<vmem>>
    %dma_start3A_293 = arith.constant 0 : i32
    %dma_start3A_294 = arith.constant 0 : i32
    %dma_start3A_295 = tpu.memref_slice %arg12[%dma_start3A_293, %dma_start3A_294] : memref<10000x128xf32, #tpu.memory_space<vmem_shared>> -> memref<10000x128xf32, #tpu.memory_space<vmem_shared>>
    tpu.enqueue_indirect_dma source(%arg10 : memref<100x128xf32, #tpu.memory_space<vmem>>) target(%dma_start3A_295 : memref<10000x128xf32, #tpu.memory_space<vmem_shared>>) offsets(%dma_start3A_292 : memref<100xi32, #tpu.memory_space<vmem>>) semaphore(%arg14 : memref<!tpu.dma_semaphore, #tpu.memory_space<semaphore_mem>>) {add = true}
    %dma_wait3A_296 = arith.constant 0 : i32
    %dma_wait3A_297 = arith.constant 5 : i32
    %dma_wait3A_298 = arith.constant 0 : i32
    %dma_wait3A_299 = arith.constant 0 : i32
    %dma_wait3A_300 = tpu.memref_slice %arg7[%dma_wait3A_296, %dma_wait3A_298, %dma_wait3A_299] : memref<2x10x100xi32, #tpu.memory_space<vmem>> -> memref<1x10x100xi32, #tpu.memory_space<vmem>>
    %dma_wait3A_301 = tpu.memref_squeeze %dma_wait3A_300 : memref<1x10x100xi32, #tpu.memory_space<vmem>> -> memref<10x100xi32, #tpu.memory_space<vmem>>
    %dma_wait3A_302 = arith.constant 0 : i32
    %dma_wait3A_303 = tpu.memref_slice %dma_wait3A_301[%dma_wait3A_297, %dma_wait3A_302] : memref<10x100xi32, #tpu.memory_space<vmem>> -> memref<1x100xi32, #tpu.memory_space<vmem>>
    %dma_wait3A_304 = tpu.memref_squeeze %dma_wait3A_303 : memref<1x100xi32, #tpu.memory_space<vmem>> -> memref<100xi32, #tpu.memory_space<vmem>>
    %dma_wait3A_305 = arith.constant 0 : i32
    %dma_wait3A_306 = arith.constant 0 : i32
    %dma_wait3A_307 = tpu.memref_slice %arg2[%dma_wait3A_305, %dma_wait3A_306] : memref<10000x128xf32, #tpu.memory_space<hbm>> -> memref<10000x128xf32, #tpu.memory_space<hbm>>
    tpu.wait_indirect_dma semaphore(%arg13 : memref<!tpu.dma_semaphore, #tpu.memory_space<semaphore_mem>>) src(%dma_wait3A_307 : memref<10000x128xf32, #tpu.memory_space<hbm>>) dst(%arg11 : memref<100x128xf32, #tpu.memory_space<vmem>>)
    %dma_wait3A_308 = arith.constant 0 : i32
    %dma_wait3A_309 = arith.constant 4 : i32
    %dma_wait3A_310 = arith.constant 0 : i32
    %dma_wait3A_311 = arith.constant 0 : i32
    %dma_wait3A_312 = tpu.memref_slice %arg8[%dma_wait3A_308, %dma_wait3A_310, %dma_wait3A_311] : memref<2x10x100xi32, #tpu.memory_space<vmem>> -> memref<1x10x100xi32, #tpu.memory_space<vmem>>
    %dma_wait3A_313 = tpu.memref_squeeze %dma_wait3A_312 : memref<1x10x100xi32, #tpu.memory_space<vmem>> -> memref<10x100xi32, #tpu.memory_space<vmem>>
    %dma_wait3A_314 = arith.constant 0 : i32
    %dma_wait3A_315 = tpu.memref_slice %dma_wait3A_313[%dma_wait3A_309, %dma_wait3A_314] : memref<10x100xi32, #tpu.memory_space<vmem>> -> memref<1x100xi32, #tpu.memory_space<vmem>>
    %dma_wait3A_316 = tpu.memref_squeeze %dma_wait3A_315 : memref<1x100xi32, #tpu.memory_space<vmem>> -> memref<100xi32, #tpu.memory_space<vmem>>
    %dma_wait3A_317 = arith.constant 0 : i32
    %dma_wait3A_318 = arith.constant 0 : i32
    %dma_wait3A_319 = tpu.memref_slice %arg12[%dma_wait3A_317, %dma_wait3A_318] : memref<10000x128xf32, #tpu.memory_space<vmem_shared>> -> memref<10000x128xf32, #tpu.memory_space<vmem_shared>>
    tpu.wait_indirect_dma semaphore(%arg14 : memref<!tpu.dma_semaphore, #tpu.memory_space<semaphore_mem>>) src(%arg10 : memref<100x128xf32, #tpu.memory_space<vmem>>) dst(%dma_wait3A_319 : memref<10000x128xf32, #tpu.memory_space<vmem_shared>>)
    %dma_start3A_320 = arith.constant 0 : i32
    %dma_start3A_321 = arith.constant 7 : i32
    %dma_start3A_322 = arith.constant 0 : i32
    %dma_start3A_323 = arith.constant 0 : i32
    %dma_start3A_324 = tpu.memref_slice %arg7[%dma_start3A_320, %dma_start3A_322, %dma_start3A_323] : memref<2x10x100xi32, #tpu.memory_space<vmem>> -> memref<1x10x100xi32, #tpu.memory_space<vmem>>
    %dma_start3A_325 = tpu.memref_squeeze %dma_start3A_324 : memref<1x10x100xi32, #tpu.memory_space<vmem>> -> memref<10x100xi32, #tpu.memory_space<vmem>>
    %dma_start3A_326 = arith.constant 0 : i32
    %dma_start3A_327 = tpu.memref_slice %dma_start3A_325[%dma_start3A_321, %dma_start3A_326] : memref<10x100xi32, #tpu.memory_space<vmem>> -> memref<1x100xi32, #tpu.memory_space<vmem>>
    %dma_start3A_328 = tpu.memref_squeeze %dma_start3A_327 : memref<1x100xi32, #tpu.memory_space<vmem>> -> memref<100xi32, #tpu.memory_space<vmem>>
    %dma_start3A_329 = arith.constant 0 : i32
    %dma_start3A_330 = arith.constant 0 : i32
    %dma_start3A_331 = tpu.memref_slice %arg2[%dma_start3A_329, %dma_start3A_330] : memref<10000x128xf32, #tpu.memory_space<hbm>> -> memref<10000x128xf32, #tpu.memory_space<hbm>>
    tpu.enqueue_indirect_dma source(%dma_start3A_331 : memref<10000x128xf32, #tpu.memory_space<hbm>>) target(%arg10 : memref<100x128xf32, #tpu.memory_space<vmem>>) offsets(%dma_start3A_328 : memref<100xi32, #tpu.memory_space<vmem>>) semaphore(%arg13 : memref<!tpu.dma_semaphore, #tpu.memory_space<semaphore_mem>>)
    %dma_start3A_332 = arith.constant 0 : i32
    %dma_start3A_333 = arith.constant 5 : i32
    %dma_start3A_334 = arith.constant 0 : i32
    %dma_start3A_335 = arith.constant 0 : i32
    %dma_start3A_336 = tpu.memref_slice %arg8[%dma_start3A_332, %dma_start3A_334, %dma_start3A_335] : memref<2x10x100xi32, #tpu.memory_space<vmem>> -> memref<1x10x100xi32, #tpu.memory_space<vmem>>
    %dma_start3A_337 = tpu.memref_squeeze %dma_start3A_336 : memref<1x10x100xi32, #tpu.memory_space<vmem>> -> memref<10x100xi32, #tpu.memory_space<vmem>>
    %dma_start3A_338 = arith.constant 0 : i32
    %dma_start3A_339 = tpu.memref_slice %dma_start3A_337[%dma_start3A_333, %dma_start3A_338] : memref<10x100xi32, #tpu.memory_space<vmem>> -> memref<1x100xi32, #tpu.memory_space<vmem>>
    %dma_start3A_340 = tpu.memref_squeeze %dma_start3A_339 : memref<1x100xi32, #tpu.memory_space<vmem>> -> memref<100xi32, #tpu.memory_space<vmem>>
    %dma_start3A_341 = arith.constant 0 : i32
    %dma_start3A_342 = arith.constant 0 : i32
    %dma_start3A_343 = tpu.memref_slice %arg12[%dma_start3A_341, %dma_start3A_342] : memref<10000x128xf32, #tpu.memory_space<vmem_shared>> -> memref<10000x128xf32, #tpu.memory_space<vmem_shared>>
    tpu.enqueue_indirect_dma source(%arg11 : memref<100x128xf32, #tpu.memory_space<vmem>>) target(%dma_start3A_343 : memref<10000x128xf32, #tpu.memory_space<vmem_shared>>) offsets(%dma_start3A_340 : memref<100xi32, #tpu.memory_space<vmem>>) semaphore(%arg14 : memref<!tpu.dma_semaphore, #tpu.memory_space<semaphore_mem>>) {add = true}
    %dma_wait3A_344 = arith.constant 0 : i32
    %dma_wait3A_345 = arith.constant 6 : i32
    %dma_wait3A_346 = arith.constant 0 : i32
    %dma_wait3A_347 = arith.constant 0 : i32
    %dma_wait3A_348 = tpu.memref_slice %arg7[%dma_wait3A_344, %dma_wait3A_346, %dma_wait3A_347] : memref<2x10x100xi32, #tpu.memory_space<vmem>> -> memref<1x10x100xi32, #tpu.memory_space<vmem>>
    %dma_wait3A_349 = tpu.memref_squeeze %dma_wait3A_348 : memref<1x10x100xi32, #tpu.memory_space<vmem>> -> memref<10x100xi32, #tpu.memory_space<vmem>>
    %dma_wait3A_350 = arith.constant 0 : i32
    %dma_wait3A_351 = tpu.memref_slice %dma_wait3A_349[%dma_wait3A_345, %dma_wait3A_350] : memref<10x100xi32, #tpu.memory_space<vmem>> -> memref<1x100xi32, #tpu.memory_space<vmem>>
    %dma_wait3A_352 = tpu.memref_squeeze %dma_wait3A_351 : memref<1x100xi32, #tpu.memory_space<vmem>> -> memref<100xi32, #tpu.memory_space<vmem>>
    %dma_wait3A_353 = arith.constant 0 : i32
    %dma_wait3A_354 = arith.constant 0 : i32
    %dma_wait3A_355 = tpu.memref_slice %arg2[%dma_wait3A_353, %dma_wait3A_354] : memref<10000x128xf32, #tpu.memory_space<hbm>> -> memref<10000x128xf32, #tpu.memory_space<hbm>>
    tpu.wait_indirect_dma semaphore(%arg13 : memref<!tpu.dma_semaphore, #tpu.memory_space<semaphore_mem>>) src(%dma_wait3A_355 : memref<10000x128xf32, #tpu.memory_space<hbm>>) dst(%arg9 : memref<100x128xf32, #tpu.memory_space<vmem>>)
    %dma_wait3A_356 = arith.constant 0 : i32
    %dma_wait3A_357 = arith.constant 5 : i32
    %dma_wait3A_358 = arith.constant 0 : i32
    %dma_wait3A_359 = arith.constant 0 : i32
    %dma_wait3A_360 = tpu.memref_slice %arg8[%dma_wait3A_356, %dma_wait3A_358, %dma_wait3A_359] : memref<2x10x100xi32, #tpu.memory_space<vmem>> -> memref<1x10x100xi32, #tpu.memory_space<vmem>>
    %dma_wait3A_361 = tpu.memref_squeeze %dma_wait3A_360 : memref<1x10x100xi32, #tpu.memory_space<vmem>> -> memref<10x100xi32, #tpu.memory_space<vmem>>
    %dma_wait3A_362 = arith.constant 0 : i32
    %dma_wait3A_363 = tpu.memref_slice %dma_wait3A_361[%dma_wait3A_357, %dma_wait3A_362] : memref<10x100xi32, #tpu.memory_space<vmem>> -> memref<1x100xi32, #tpu.memory_space<vmem>>
    %dma_wait3A_364 = tpu.memref_squeeze %dma_wait3A_363 : memref<1x100xi32, #tpu.memory_space<vmem>> -> memref<100xi32, #tpu.memory_space<vmem>>
    %dma_wait3A_365 = arith.constant 0 : i32
    %dma_wait3A_366 = arith.constant 0 : i32
    %dma_wait3A_367 = tpu.memref_slice %arg12[%dma_wait3A_365, %dma_wait3A_366] : memref<10000x128xf32, #tpu.memory_space<vmem_shared>> -> memref<10000x128xf32, #tpu.memory_space<vmem_shared>>
    tpu.wait_indirect_dma semaphore(%arg14 : memref<!tpu.dma_semaphore, #tpu.memory_space<semaphore_mem>>) src(%arg11 : memref<100x128xf32, #tpu.memory_space<vmem>>) dst(%dma_wait3A_367 : memref<10000x128xf32, #tpu.memory_space<vmem_shared>>)
    %dma_start3A_368 = arith.constant 0 : i32
    %dma_start3A_369 = arith.constant 8 : i32
    %dma_start3A_370 = arith.constant 0 : i32
    %dma_start3A_371 = arith.constant 0 : i32
    %dma_start3A_372 = tpu.memref_slice %arg7[%dma_start3A_368, %dma_start3A_370, %dma_start3A_371] : memref<2x10x100xi32, #tpu.memory_space<vmem>> -> memref<1x10x100xi32, #tpu.memory_space<vmem>>
    %dma_start3A_373 = tpu.memref_squeeze %dma_start3A_372 : memref<1x10x100xi32, #tpu.memory_space<vmem>> -> memref<10x100xi32, #tpu.memory_space<vmem>>
    %dma_start3A_374 = arith.constant 0 : i32
    %dma_start3A_375 = tpu.memref_slice %dma_start3A_373[%dma_start3A_369, %dma_start3A_374] : memref<10x100xi32, #tpu.memory_space<vmem>> -> memref<1x100xi32, #tpu.memory_space<vmem>>
    %dma_start3A_376 = tpu.memref_squeeze %dma_start3A_375 : memref<1x100xi32, #tpu.memory_space<vmem>> -> memref<100xi32, #tpu.memory_space<vmem>>
    %dma_start3A_377 = arith.constant 0 : i32
    %dma_start3A_378 = arith.constant 0 : i32
    %dma_start3A_379 = tpu.memref_slice %arg2[%dma_start3A_377, %dma_start3A_378] : memref<10000x128xf32, #tpu.memory_space<hbm>> -> memref<10000x128xf32, #tpu.memory_space<hbm>>
    tpu.enqueue_indirect_dma source(%dma_start3A_379 : memref<10000x128xf32, #tpu.memory_space<hbm>>) target(%arg11 : memref<100x128xf32, #tpu.memory_space<vmem>>) offsets(%dma_start3A_376 : memref<100xi32, #tpu.memory_space<vmem>>) semaphore(%arg13 : memref<!tpu.dma_semaphore, #tpu.memory_space<semaphore_mem>>)
    %dma_start3A_380 = arith.constant 0 : i32
    %dma_start3A_381 = arith.constant 6 : i32
    %dma_start3A_382 = arith.constant 0 : i32
    %dma_start3A_383 = arith.constant 0 : i32
    %dma_start3A_384 = tpu.memref_slice %arg8[%dma_start3A_380, %dma_start3A_382, %dma_start3A_383] : memref<2x10x100xi32, #tpu.memory_space<vmem>> -> memref<1x10x100xi32, #tpu.memory_space<vmem>>
    %dma_start3A_385 = tpu.memref_squeeze %dma_start3A_384 : memref<1x10x100xi32, #tpu.memory_space<vmem>> -> memref<10x100xi32, #tpu.memory_space<vmem>>
    %dma_start3A_386 = arith.constant 0 : i32
    %dma_start3A_387 = tpu.memref_slice %dma_start3A_385[%dma_start3A_381, %dma_start3A_386] : memref<10x100xi32, #tpu.memory_space<vmem>> -> memref<1x100xi32, #tpu.memory_space<vmem>>
    %dma_start3A_388 = tpu.memref_squeeze %dma_start3A_387 : memref<1x100xi32, #tpu.memory_space<vmem>> -> memref<100xi32, #tpu.memory_space<vmem>>
    %dma_start3A_389 = arith.constant 0 : i32
    %dma_start3A_390 = arith.constant 0 : i32
    %dma_start3A_391 = tpu.memref_slice %arg12[%dma_start3A_389, %dma_start3A_390] : memref<10000x128xf32, #tpu.memory_space<vmem_shared>> -> memref<10000x128xf32, #tpu.memory_space<vmem_shared>>
    tpu.enqueue_indirect_dma source(%arg9 : memref<100x128xf32, #tpu.memory_space<vmem>>) target(%dma_start3A_391 : memref<10000x128xf32, #tpu.memory_space<vmem_shared>>) offsets(%dma_start3A_388 : memref<100xi32, #tpu.memory_space<vmem>>) semaphore(%arg14 : memref<!tpu.dma_semaphore, #tpu.memory_space<semaphore_mem>>) {add = true}
    %dma_wait3A_392 = arith.constant 0 : i32
    %dma_wait3A_393 = arith.constant 7 : i32
    %dma_wait3A_394 = arith.constant 0 : i32
    %dma_wait3A_395 = arith.constant 0 : i32
    %dma_wait3A_396 = tpu.memref_slice %arg7[%dma_wait3A_392, %dma_wait3A_394, %dma_wait3A_395] : memref<2x10x100xi32, #tpu.memory_space<vmem>> -> memref<1x10x100xi32, #tpu.memory_space<vmem>>
    %dma_wait3A_397 = tpu.memref_squeeze %dma_wait3A_396 : memref<1x10x100xi32, #tpu.memory_space<vmem>> -> memref<10x100xi32, #tpu.memory_space<vmem>>
    %dma_wait3A_398 = arith.constant 0 : i32
    %dma_wait3A_399 = tpu.memref_slice %dma_wait3A_397[%dma_wait3A_393, %dma_wait3A_398] : memref<10x100xi32, #tpu.memory_space<vmem>> -> memref<1x100xi32, #tpu.memory_space<vmem>>
    %dma_wait3A_400 = tpu.memref_squeeze %dma_wait3A_399 : memref<1x100xi32, #tpu.memory_space<vmem>> -> memref<100xi32, #tpu.memory_space<vmem>>
    %dma_wait3A_401 = arith.constant 0 : i32
    %dma_wait3A_402 = arith.constant 0 : i32
    %dma_wait3A_403 = tpu.memref_slice %arg2[%dma_wait3A_401, %dma_wait3A_402] : memref<10000x128xf32, #tpu.memory_space<hbm>> -> memref<10000x128xf32, #tpu.memory_space<hbm>>
    tpu.wait_indirect_dma semaphore(%arg13 : memref<!tpu.dma_semaphore, #tpu.memory_space<semaphore_mem>>) src(%dma_wait3A_403 : memref<10000x128xf32, #tpu.memory_space<hbm>>) dst(%arg10 : memref<100x128xf32, #tpu.memory_space<vmem>>)
    %dma_wait3A_404 = arith.constant 0 : i32
    %dma_wait3A_405 = arith.constant 6 : i32
    %dma_wait3A_406 = arith.constant 0 : i32
    %dma_wait3A_407 = arith.constant 0 : i32
    %dma_wait3A_408 = tpu.memref_slice %arg8[%dma_wait3A_404, %dma_wait3A_406, %dma_wait3A_407] : memref<2x10x100xi32, #tpu.memory_space<vmem>> -> memref<1x10x100xi32, #tpu.memory_space<vmem>>
    %dma_wait3A_409 = tpu.memref_squeeze %dma_wait3A_408 : memref<1x10x100xi32, #tpu.memory_space<vmem>> -> memref<10x100xi32, #tpu.memory_space<vmem>>
    %dma_wait3A_410 = arith.constant 0 : i32
    %dma_wait3A_411 = tpu.memref_slice %dma_wait3A_409[%dma_wait3A_405, %dma_wait3A_410] : memref<10x100xi32, #tpu.memory_space<vmem>> -> memref<1x100xi32, #tpu.memory_space<vmem>>
    %dma_wait3A_412 = tpu.memref_squeeze %dma_wait3A_411 : memref<1x100xi32, #tpu.memory_space<vmem>> -> memref<100xi32, #tpu.memory_space<vmem>>
    %dma_wait3A_413 = arith.constant 0 : i32
    %dma_wait3A_414 = arith.constant 0 : i32
    %dma_wait3A_415 = tpu.memref_slice %arg12[%dma_wait3A_413, %dma_wait3A_414] : memref<10000x128xf32, #tpu.memory_space<vmem_shared>> -> memref<10000x128xf32, #tpu.memory_space<vmem_shared>>
    tpu.wait_indirect_dma semaphore(%arg14 : memref<!tpu.dma_semaphore, #tpu.memory_space<semaphore_mem>>) src(%arg9 : memref<100x128xf32, #tpu.memory_space<vmem>>) dst(%dma_wait3A_415 : memref<10000x128xf32, #tpu.memory_space<vmem_shared>>)
    %dma_start3A_416 = arith.constant 0 : i32
    %dma_start3A_417 = arith.constant 9 : i32
    %dma_start3A_418 = arith.constant 0 : i32
    %dma_start3A_419 = arith.constant 0 : i32
    %dma_start3A_420 = tpu.memref_slice %arg7[%dma_start3A_416, %dma_start3A_418, %dma_start3A_419] : memref<2x10x100xi32, #tpu.memory_space<vmem>> -> memref<1x10x100xi32, #tpu.memory_space<vmem>>
    %dma_start3A_421 = tpu.memref_squeeze %dma_start3A_420 : memref<1x10x100xi32, #tpu.memory_space<vmem>> -> memref<10x100xi32, #tpu.memory_space<vmem>>
    %dma_start3A_422 = arith.constant 0 : i32
    %dma_start3A_423 = tpu.memref_slice %dma_start3A_421[%dma_start3A_417, %dma_start3A_422] : memref<10x100xi32, #tpu.memory_space<vmem>> -> memref<1x100xi32, #tpu.memory_space<vmem>>
    %dma_start3A_424 = tpu.memref_squeeze %dma_start3A_423 : memref<1x100xi32, #tpu.memory_space<vmem>> -> memref<100xi32, #tpu.memory_space<vmem>>
    %dma_start3A_425 = arith.constant 0 : i32
    %dma_start3A_426 = arith.constant 0 : i32
    %dma_start3A_427 = tpu.memref_slice %arg2[%dma_start3A_425, %dma_start3A_426] : memref<10000x128xf32, #tpu.memory_space<hbm>> -> memref<10000x128xf32, #tpu.memory_space<hbm>>
    tpu.enqueue_indirect_dma source(%dma_start3A_427 : memref<10000x128xf32, #tpu.memory_space<hbm>>) target(%arg9 : memref<100x128xf32, #tpu.memory_space<vmem>>) offsets(%dma_start3A_424 : memref<100xi32, #tpu.memory_space<vmem>>) semaphore(%arg13 : memref<!tpu.dma_semaphore, #tpu.memory_space<semaphore_mem>>)
    %dma_start3A_428 = arith.constant 0 : i32
    %dma_start3A_429 = arith.constant 7 : i32
    %dma_start3A_430 = arith.constant 0 : i32
    %dma_start3A_431 = arith.constant 0 : i32
    %dma_start3A_432 = tpu.memref_slice %arg8[%dma_start3A_428, %dma_start3A_430, %dma_start3A_431] : memref<2x10x100xi32, #tpu.memory_space<vmem>> -> memref<1x10x100xi32, #tpu.memory_space<vmem>>
    %dma_start3A_433 = tpu.memref_squeeze %dma_start3A_432 : memref<1x10x100xi32, #tpu.memory_space<vmem>> -> memref<10x100xi32, #tpu.memory_space<vmem>>
    %dma_start3A_434 = arith.constant 0 : i32
    %dma_start3A_435 = tpu.memref_slice %dma_start3A_433[%dma_start3A_429, %dma_start3A_434] : memref<10x100xi32, #tpu.memory_space<vmem>> -> memref<1x100xi32, #tpu.memory_space<vmem>>
    %dma_start3A_436 = tpu.memref_squeeze %dma_start3A_435 : memref<1x100xi32, #tpu.memory_space<vmem>> -> memref<100xi32, #tpu.memory_space<vmem>>
    %dma_start3A_437 = arith.constant 0 : i32
    %dma_start3A_438 = arith.constant 0 : i32
    %dma_start3A_439 = tpu.memref_slice %arg12[%dma_start3A_437, %dma_start3A_438] : memref<10000x128xf32, #tpu.memory_space<vmem_shared>> -> memref<10000x128xf32, #tpu.memory_space<vmem_shared>>
    tpu.enqueue_indirect_dma source(%arg10 : memref<100x128xf32, #tpu.memory_space<vmem>>) target(%dma_start3A_439 : memref<10000x128xf32, #tpu.memory_space<vmem_shared>>) offsets(%dma_start3A_436 : memref<100xi32, #tpu.memory_space<vmem>>) semaphore(%arg14 : memref<!tpu.dma_semaphore, #tpu.memory_space<semaphore_mem>>) {add = true}
    %dma_wait3A_440 = arith.constant 0 : i32
    %dma_wait3A_441 = arith.constant 8 : i32
    %dma_wait3A_442 = arith.constant 0 : i32
    %dma_wait3A_443 = arith.constant 0 : i32
    %dma_wait3A_444 = tpu.memref_slice %arg7[%dma_wait3A_440, %dma_wait3A_442, %dma_wait3A_443] : memref<2x10x100xi32, #tpu.memory_space<vmem>> -> memref<1x10x100xi32, #tpu.memory_space<vmem>>
    %dma_wait3A_445 = tpu.memref_squeeze %dma_wait3A_444 : memref<1x10x100xi32, #tpu.memory_space<vmem>> -> memref<10x100xi32, #tpu.memory_space<vmem>>
    %dma_wait3A_446 = arith.constant 0 : i32
    %dma_wait3A_447 = tpu.memref_slice %dma_wait3A_445[%dma_wait3A_441, %dma_wait3A_446] : memref<10x100xi32, #tpu.memory_space<vmem>> -> memref<1x100xi32, #tpu.memory_space<vmem>>
    %dma_wait3A_448 = tpu.memref_squeeze %dma_wait3A_447 : memref<1x100xi32, #tpu.memory_space<vmem>> -> memref<100xi32, #tpu.memory_space<vmem>>
    %dma_wait3A_449 = arith.constant 0 : i32
    %dma_wait3A_450 = arith.constant 0 : i32
    %dma_wait3A_451 = tpu.memref_slice %arg2[%dma_wait3A_449, %dma_wait3A_450] : memref<10000x128xf32, #tpu.memory_space<hbm>> -> memref<10000x128xf32, #tpu.memory_space<hbm>>
    tpu.wait_indirect_dma semaphore(%arg13 : memref<!tpu.dma_semaphore, #tpu.memory_space<semaphore_mem>>) src(%dma_wait3A_451 : memref<10000x128xf32, #tpu.memory_space<hbm>>) dst(%arg11 : memref<100x128xf32, #tpu.memory_space<vmem>>)
    %dma_wait3A_452 = arith.constant 0 : i32
    %dma_wait3A_453 = arith.constant 7 : i32
    %dma_wait3A_454 = arith.constant 0 : i32
    %dma_wait3A_455 = arith.constant 0 : i32
    %dma_wait3A_456 = tpu.memref_slice %arg8[%dma_wait3A_452, %dma_wait3A_454, %dma_wait3A_455] : memref<2x10x100xi32, #tpu.memory_space<vmem>> -> memref<1x10x100xi32, #tpu.memory_space<vmem>>
    %dma_wait3A_457 = tpu.memref_squeeze %dma_wait3A_456 : memref<1x10x100xi32, #tpu.memory_space<vmem>> -> memref<10x100xi32, #tpu.memory_space<vmem>>
    %dma_wait3A_458 = arith.constant 0 : i32
    %dma_wait3A_459 = tpu.memref_slice %dma_wait3A_457[%dma_wait3A_453, %dma_wait3A_458] : memref<10x100xi32, #tpu.memory_space<vmem>> -> memref<1x100xi32, #tpu.memory_space<vmem>>
    %dma_wait3A_460 = tpu.memref_squeeze %dma_wait3A_459 : memref<1x100xi32, #tpu.memory_space<vmem>> -> memref<100xi32, #tpu.memory_space<vmem>>
    %dma_wait3A_461 = arith.constant 0 : i32
    %dma_wait3A_462 = arith.constant 0 : i32
    %dma_wait3A_463 = tpu.memref_slice %arg12[%dma_wait3A_461, %dma_wait3A_462] : memref<10000x128xf32, #tpu.memory_space<vmem_shared>> -> memref<10000x128xf32, #tpu.memory_space<vmem_shared>>
    tpu.wait_indirect_dma semaphore(%arg14 : memref<!tpu.dma_semaphore, #tpu.memory_space<semaphore_mem>>) src(%arg10 : memref<100x128xf32, #tpu.memory_space<vmem>>) dst(%dma_wait3A_463 : memref<10000x128xf32, #tpu.memory_space<vmem_shared>>)
    %dma_start3A_464 = arith.constant 0 : i32
    %dma_start3A_465 = arith.constant 8 : i32
    %dma_start3A_466 = arith.constant 0 : i32
    %dma_start3A_467 = arith.constant 0 : i32
    %dma_start3A_468 = tpu.memref_slice %arg8[%dma_start3A_464, %dma_start3A_466, %dma_start3A_467] : memref<2x10x100xi32, #tpu.memory_space<vmem>> -> memref<1x10x100xi32, #tpu.memory_space<vmem>>
    %dma_start3A_469 = tpu.memref_squeeze %dma_start3A_468 : memref<1x10x100xi32, #tpu.memory_space<vmem>> -> memref<10x100xi32, #tpu.memory_space<vmem>>
    %dma_start3A_470 = arith.constant 0 : i32
    %dma_start3A_471 = tpu.memref_slice %dma_start3A_469[%dma_start3A_465, %dma_start3A_470] : memref<10x100xi32, #tpu.memory_space<vmem>> -> memref<1x100xi32, #tpu.memory_space<vmem>>
    %dma_start3A_472 = tpu.memref_squeeze %dma_start3A_471 : memref<1x100xi32, #tpu.memory_space<vmem>> -> memref<100xi32, #tpu.memory_space<vmem>>
    %dma_start3A_473 = arith.constant 0 : i32
    %dma_start3A_474 = arith.constant 0 : i32
    %dma_start3A_475 = tpu.memref_slice %arg12[%dma_start3A_473, %dma_start3A_474] : memref<10000x128xf32, #tpu.memory_space<vmem_shared>> -> memref<10000x128xf32, #tpu.memory_space<vmem_shared>>
    tpu.enqueue_indirect_dma source(%arg11 : memref<100x128xf32, #tpu.memory_space<vmem>>) target(%dma_start3A_475 : memref<10000x128xf32, #tpu.memory_space<vmem_shared>>) offsets(%dma_start3A_472 : memref<100xi32, #tpu.memory_space<vmem>>) semaphore(%arg14 : memref<!tpu.dma_semaphore, #tpu.memory_space<semaphore_mem>>) {add = true}
    %dma_wait3A_476 = arith.constant 0 : i32
    %dma_wait3A_477 = arith.constant 9 : i32
    %dma_wait3A_478 = arith.constant 0 : i32
    %dma_wait3A_479 = arith.constant 0 : i32
    %dma_wait3A_480 = tpu.memref_slice %arg7[%dma_wait3A_476, %dma_wait3A_478, %dma_wait3A_479] : memref<2x10x100xi32, #tpu.memory_space<vmem>> -> memref<1x10x100xi32, #tpu.memory_space<vmem>>
    %dma_wait3A_481 = tpu.memref_squeeze %dma_wait3A_480 : memref<1x10x100xi32, #tpu.memory_space<vmem>> -> memref<10x100xi32, #tpu.memory_space<vmem>>
    %dma_wait3A_482 = arith.constant 0 : i32
    %dma_wait3A_483 = tpu.memref_slice %dma_wait3A_481[%dma_wait3A_477, %dma_wait3A_482] : memref<10x100xi32, #tpu.memory_space<vmem>> -> memref<1x100xi32, #tpu.memory_space<vmem>>
    %dma_wait3A_484 = tpu.memref_squeeze %dma_wait3A_483 : memref<1x100xi32, #tpu.memory_space<vmem>> -> memref<100xi32, #tpu.memory_space<vmem>>
    %dma_wait3A_485 = arith.constant 0 : i32
    %dma_wait3A_486 = arith.constant 0 : i32
    %dma_wait3A_487 = tpu.memref_slice %arg2[%dma_wait3A_485, %dma_wait3A_486] : memref<10000x128xf32, #tpu.memory_space<hbm>> -> memref<10000x128xf32, #tpu.memory_space<hbm>>
    tpu.wait_indirect_dma semaphore(%arg13 : memref<!tpu.dma_semaphore, #tpu.memory_space<semaphore_mem>>) src(%dma_wait3A_487 : memref<10000x128xf32, #tpu.memory_space<hbm>>) dst(%arg9 : memref<100x128xf32, #tpu.memory_space<vmem>>)
    %dma_wait3A_488 = arith.constant 0 : i32
    %dma_wait3A_489 = arith.constant 8 : i32
    %dma_wait3A_490 = arith.constant 0 : i32
    %dma_wait3A_491 = arith.constant 0 : i32
    %dma_wait3A_492 = tpu.memref_slice %arg8[%dma_wait3A_488, %dma_wait3A_490, %dma_wait3A_491] : memref<2x10x100xi32, #tpu.memory_space<vmem>> -> memref<1x10x100xi32, #tpu.memory_space<vmem>>
    %dma_wait3A_493 = tpu.memref_squeeze %dma_wait3A_492 : memref<1x10x100xi32, #tpu.memory_space<vmem>> -> memref<10x100xi32, #tpu.memory_space<vmem>>
    %dma_wait3A_494 = arith.constant 0 : i32
    %dma_wait3A_495 = tpu.memref_slice %dma_wait3A_493[%dma_wait3A_489, %dma_wait3A_494] : memref<10x100xi32, #tpu.memory_space<vmem>> -> memref<1x100xi32, #tpu.memory_space<vmem>>
    %dma_wait3A_496 = tpu.memref_squeeze %dma_wait3A_495 : memref<1x100xi32, #tpu.memory_space<vmem>> -> memref<100xi32, #tpu.memory_space<vmem>>
    %dma_wait3A_497 = arith.constant 0 : i32
    %dma_wait3A_498 = arith.constant 0 : i32
    %dma_wait3A_499 = tpu.memref_slice %arg12[%dma_wait3A_497, %dma_wait3A_498] : memref<10000x128xf32, #tpu.memory_space<vmem_shared>> -> memref<10000x128xf32, #tpu.memory_space<vmem_shared>>
    tpu.wait_indirect_dma semaphore(%arg14 : memref<!tpu.dma_semaphore, #tpu.memory_space<semaphore_mem>>) src(%arg11 : memref<100x128xf32, #tpu.memory_space<vmem>>) dst(%dma_wait3A_499 : memref<10000x128xf32, #tpu.memory_space<vmem_shared>>)
    %dma_start3A_500 = arith.constant 0 : i32
    %dma_start3A_501 = arith.constant 9 : i32
    %dma_start3A_502 = arith.constant 0 : i32
    %dma_start3A_503 = arith.constant 0 : i32
    %dma_start3A_504 = tpu.memref_slice %arg8[%dma_start3A_500, %dma_start3A_502, %dma_start3A_503] : memref<2x10x100xi32, #tpu.memory_space<vmem>> -> memref<1x10x100xi32, #tpu.memory_space<vmem>>
    %dma_start3A_505 = tpu.memref_squeeze %dma_start3A_504 : memref<1x10x100xi32, #tpu.memory_space<vmem>> -> memref<10x100xi32, #tpu.memory_space<vmem>>
    %dma_start3A_506 = arith.constant 0 : i32
    %dma_start3A_507 = tpu.memref_slice %dma_start3A_505[%dma_start3A_501, %dma_start3A_506] : memref<10x100xi32, #tpu.memory_space<vmem>> -> memref<1x100xi32, #tpu.memory_space<vmem>>
    %dma_start3A_508 = tpu.memref_squeeze %dma_start3A_507 : memref<1x100xi32, #tpu.memory_space<vmem>> -> memref<100xi32, #tpu.memory_space<vmem>>
    %dma_start3A_509 = arith.constant 0 : i32
    %dma_start3A_510 = arith.constant 0 : i32
    %dma_start3A_511 = tpu.memref_slice %arg12[%dma_start3A_509, %dma_start3A_510] : memref<10000x128xf32, #tpu.memory_space<vmem_shared>> -> memref<10000x128xf32, #tpu.memory_space<vmem_shared>>
    tpu.enqueue_indirect_dma source(%arg9 : memref<100x128xf32, #tpu.memory_space<vmem>>) target(%dma_start3A_511 : memref<10000x128xf32, #tpu.memory_space<vmem_shared>>) offsets(%dma_start3A_508 : memref<100xi32, #tpu.memory_space<vmem>>) semaphore(%arg14 : memref<!tpu.dma_semaphore, #tpu.memory_space<semaphore_mem>>) {add = true}
    %dma_wait3A_512 = arith.constant 0 : i32
    %dma_wait3A_513 = arith.constant 9 : i32
    %dma_wait3A_514 = arith.constant 0 : i32
    %dma_wait3A_515 = arith.constant 0 : i32
    %dma_wait3A_516 = tpu.memref_slice %arg8[%dma_wait3A_512, %dma_wait3A_514, %dma_wait3A_515] : memref<2x10x100xi32, #tpu.memory_space<vmem>> -> memref<1x10x100xi32, #tpu.memory_space<vmem>>
    %dma_wait3A_517 = tpu.memref_squeeze %dma_wait3A_516 : memref<1x10x100xi32, #tpu.memory_space<vmem>> -> memref<10x100xi32, #tpu.memory_space<vmem>>
    %dma_wait3A_518 = arith.constant 0 : i32
    %dma_wait3A_519 = tpu.memref_slice %dma_wait3A_517[%dma_wait3A_513, %dma_wait3A_518] : memref<10x100xi32, #tpu.memory_space<vmem>> -> memref<1x100xi32, #tpu.memory_space<vmem>>
    %dma_wait3A_520 = tpu.memref_squeeze %dma_wait3A_519 : memref<1x100xi32, #tpu.memory_space<vmem>> -> memref<100xi32, #tpu.memory_space<vmem>>
    %dma_wait3A_521 = arith.constant 0 : i32
    %dma_wait3A_522 = arith.constant 0 : i32
    %dma_wait3A_523 = tpu.memref_slice %arg12[%dma_wait3A_521, %dma_wait3A_522] : memref<10000x128xf32, #tpu.memory_space<vmem_shared>> -> memref<10000x128xf32, #tpu.memory_space<vmem_shared>>
    tpu.wait_indirect_dma semaphore(%arg14 : memref<!tpu.dma_semaphore, #tpu.memory_space<semaphore_mem>>) src(%arg9 : memref<100x128xf32, #tpu.memory_space<vmem>>) dst(%dma_wait3A_523 : memref<10000x128xf32, #tpu.memory_space<vmem_shared>>)
    %dma_wait3A_524 = arith.constant 1 : i32
    %dma_wait3A_525 = arith.constant 1 : i32
    %dma_wait3A_526 = arith.constant 0 : i32
    %dma_wait3A_527 = arith.constant 0 : i32
    %dma_wait3A_528 = tpu.memref_slice %arg7[%dma_wait3A_525, %dma_wait3A_526, %dma_wait3A_527] : memref<2x10x100xi32, #tpu.memory_space<vmem>> -> memref<1x10x100xi32, #tpu.memory_space<vmem>>
    %dma_wait3A_529 = tpu.memref_squeeze %dma_wait3A_528 : memref<1x10x100xi32, #tpu.memory_space<vmem>> -> memref<10x100xi32, #tpu.memory_space<vmem>>
    %dma_wait3A_530 = arith.constant 0 : i32
    %dma_wait3A_531 = arith.constant 0 : i32
    %dma_wait3A_532 = tpu.memref_slice %arg3[%add3A, %dma_wait3A_524, %dma_wait3A_530, %dma_wait3A_531] : memref<32x10x10x100xi32, #tpu.memory_space<hbm>> -> memref<1x1x10x100xi32, #tpu.memory_space<hbm>>
    %dma_wait3A_533 = tpu.memref_squeeze %dma_wait3A_532 : memref<1x1x10x100xi32, #tpu.memory_space<hbm>> -> memref<10x100xi32, #tpu.memory_space<hbm>>
    %dma_wait3A_534 = arith.constant 0 : i32
    %dma_wait3A_535 = arith.constant 0 : i32
    %dma_wait3A_536 = tpu.memref_slice %arg7[%dma_wait3A_525, %dma_wait3A_534, %dma_wait3A_535] : memref<2x10x100xi32, #tpu.memory_space<vmem>> -> memref<1x10x100xi32, #tpu.memory_space<vmem>>
    %dma_wait3A_537 = tpu.memref_squeeze %dma_wait3A_536 : memref<1x10x100xi32, #tpu.memory_space<vmem>> -> memref<10x100xi32, #tpu.memory_space<vmem>>
    %dma_wait3A_538 = arith.constant 0 : i32
    %dma_wait3A_539 = arith.constant 0 : i32
    %dma_wait3A_540 = tpu.memref_slice %arg3[%add3A, %dma_wait3A_524, %dma_wait3A_538, %dma_wait3A_539] : memref<32x10x10x100xi32, #tpu.memory_space<hbm>> -> memref<1x1x10x100xi32, #tpu.memory_space<hbm>>
    %dma_wait3A_541 = tpu.memref_squeeze %dma_wait3A_540 : memref<1x1x10x100xi32, #tpu.memory_space<hbm>> -> memref<10x100xi32, #tpu.memory_space<hbm>>
    tpu.wait_dma2 semaphore(%arg15 : memref<!tpu.dma_semaphore, #tpu.memory_space<semaphore_mem>>) src(%dma_wait3A_541 : memref<10x100xi32, #tpu.memory_space<hbm>>) dst(%dma_wait3A_537 : memref<10x100xi32, #tpu.memory_space<vmem>>)
    %dma_wait3A_542 = arith.constant 1 : i32
    %dma_wait3A_543 = arith.constant 1 : i32
    %dma_wait3A_544 = arith.constant 0 : i32
    %dma_wait3A_545 = arith.constant 0 : i32
    %dma_wait3A_546 = tpu.memref_slice %arg8[%dma_wait3A_543, %dma_wait3A_544, %dma_wait3A_545] : memref<2x10x100xi32, #tpu.memory_space<vmem>> -> memref<1x10x100xi32, #tpu.memory_space<vmem>>
    %dma_wait3A_547 = tpu.memref_squeeze %dma_wait3A_546 : memref<1x10x100xi32, #tpu.memory_space<vmem>> -> memref<10x100xi32, #tpu.memory_space<vmem>>
    %dma_wait3A_548 = arith.constant 0 : i32
    %dma_wait3A_549 = arith.constant 0 : i32
    %dma_wait3A_550 = tpu.memref_slice %arg4[%add3A, %dma_wait3A_542, %dma_wait3A_548, %dma_wait3A_549] : memref<32x10x10x100xi32, #tpu.memory_space<hbm>> -> memref<1x1x10x100xi32, #tpu.memory_space<hbm>>
    %dma_wait3A_551 = tpu.memref_squeeze %dma_wait3A_550 : memref<1x1x10x100xi32, #tpu.memory_space<hbm>> -> memref<10x100xi32, #tpu.memory_space<hbm>>
    %dma_wait3A_552 = arith.constant 0 : i32
    %dma_wait3A_553 = arith.constant 0 : i32
    %dma_wait3A_554 = tpu.memref_slice %arg8[%dma_wait3A_543, %dma_wait3A_552, %dma_wait3A_553] : memref<2x10x100xi32, #tpu.memory_space<vmem>> -> memref<1x10x100xi32, #tpu.memory_space<vmem>>
    %dma_wait3A_555 = tpu.memref_squeeze %dma_wait3A_554 : memref<1x10x100xi32, #tpu.memory_space<vmem>> -> memref<10x100xi32, #tpu.memory_space<vmem>>
    %dma_wait3A_556 = arith.constant 0 : i32
    %dma_wait3A_557 = arith.constant 0 : i32
    %dma_wait3A_558 = tpu.memref_slice %arg4[%add3A, %dma_wait3A_542, %dma_wait3A_556, %dma_wait3A_557] : memref<32x10x10x100xi32, #tpu.memory_space<hbm>> -> memref<1x1x10x100xi32, #tpu.memory_space<hbm>>
    %dma_wait3A_559 = tpu.memref_squeeze %dma_wait3A_558 : memref<1x1x10x100xi32, #tpu.memory_space<hbm>> -> memref<10x100xi32, #tpu.memory_space<hbm>>
    tpu.wait_dma2 semaphore(%arg15 : memref<!tpu.dma_semaphore, #tpu.memory_space<semaphore_mem>>) src(%dma_wait3A_559 : memref<10x100xi32, #tpu.memory_space<hbm>>) dst(%dma_wait3A_555 : memref<10x100xi32, #tpu.memory_space<vmem>>)
    %scan3A = arith.constant 0 : i32
    %scan3A_560 = arith.constant 1 : i32
    %scan3A_561 = arith.constant 9 : i32
    %scan3A_562 = arith.addi %scan3A_560, %scan3A_561 : i32
    %scan3A_563 = arith.constant 1 : i32
    scf.for %scan3A_576 = %scan3A_560 to %scan3A_562 step %scan3A_563  : i32 {
      %rem3A = arith.constant 2 : i32
      %rem3A_577 = arith.remsi %scan3A_576, %rem3A : i32
      %add3A_578 = arith.constant 1 : i32
      %add3A_579 = arith.addi %scan3A_576, %add3A_578 : i32
      %lt3A_580 = arith.constant 10 : i32
      %lt3A_581 = arith.cmpi slt, %add3A_579, %lt3A_580 : i32
      %convert_element_type3A_582 = arith.extui %lt3A_581 : i1 to i32
      %cond3A_583 = arith.constant 0 : i32
      %cond3A_584 = arith.cmpi ne, %convert_element_type3A_582, %cond3A_583 : i32
      scf.if %cond3A_584 {
        %add3A_1032 = arith.constant 1 : i32
        %add3A_1033 = arith.addi %scan3A_576, %add3A_1032 : i32
        %sub3A = arith.constant 1 : i32
        %sub3A_1034 = arith.subi %sub3A, %rem3A_577 : i32
        %dma_start3A_1035 = arith.constant 0 : i32
        %dma_start3A_1036 = arith.constant 0 : i32
        %dma_start3A_1037 = tpu.memref_slice %arg7[%sub3A_1034, %dma_start3A_1035, %dma_start3A_1036] : memref<2x10x100xi32, #tpu.memory_space<vmem>> -> memref<1x10x100xi32, #tpu.memory_space<vmem>>
        %dma_start3A_1038 = tpu.memref_squeeze %dma_start3A_1037 : memref<1x10x100xi32, #tpu.memory_space<vmem>> -> memref<10x100xi32, #tpu.memory_space<vmem>>
        %dma_start3A_1039 = arith.constant 0 : i32
        %dma_start3A_1040 = arith.constant 0 : i32
        %dma_start3A_1041 = tpu.memref_slice %arg3[%add3A, %add3A_1033, %dma_start3A_1039, %dma_start3A_1040] : memref<32x10x10x100xi32, #tpu.memory_space<hbm>> -> memref<1x1x10x100xi32, #tpu.memory_space<hbm>>
        %dma_start3A_1042 = tpu.memref_squeeze %dma_start3A_1041 : memref<1x1x10x100xi32, #tpu.memory_space<hbm>> -> memref<10x100xi32, #tpu.memory_space<hbm>>
        %dma_start3A_1043 = arith.constant 0 : i32
        %dma_start3A_1044 = arith.constant 0 : i32
        %dma_start3A_1045 = tpu.memref_slice %arg7[%sub3A_1034, %dma_start3A_1043, %dma_start3A_1044] : memref<2x10x100xi32, #tpu.memory_space<vmem>> -> memref<1x10x100xi32, #tpu.memory_space<vmem>>
        %dma_start3A_1046 = tpu.memref_squeeze %dma_start3A_1045 : memref<1x10x100xi32, #tpu.memory_space<vmem>> -> memref<10x100xi32, #tpu.memory_space<vmem>>
        %dma_start3A_1047 = arith.constant 0 : i32
        %dma_start3A_1048 = arith.constant 0 : i32
        %dma_start3A_1049 = tpu.memref_slice %arg3[%add3A, %add3A_1033, %dma_start3A_1047, %dma_start3A_1048] : memref<32x10x10x100xi32, #tpu.memory_space<hbm>> -> memref<1x1x10x100xi32, #tpu.memory_space<hbm>>
        %dma_start3A_1050 = tpu.memref_squeeze %dma_start3A_1049 : memref<1x1x10x100xi32, #tpu.memory_space<hbm>> -> memref<10x100xi32, #tpu.memory_space<hbm>>
        tpu.enqueue_dma source(%dma_start3A_1050 : memref<10x100xi32, #tpu.memory_space<hbm>>) target(%dma_start3A_1046 : memref<10x100xi32, #tpu.memory_space<vmem>>) target_semaphore(%arg15 : memref<!tpu.dma_semaphore, #tpu.memory_space<semaphore_mem>>)
        %dma_start3A_1051 = arith.constant 0 : i32
        %dma_start3A_1052 = arith.constant 0 : i32
        %dma_start3A_1053 = tpu.memref_slice %arg8[%sub3A_1034, %dma_start3A_1051, %dma_start3A_1052] : memref<2x10x100xi32, #tpu.memory_space<vmem>> -> memref<1x10x100xi32, #tpu.memory_space<vmem>>
        %dma_start3A_1054 = tpu.memref_squeeze %dma_start3A_1053 : memref<1x10x100xi32, #tpu.memory_space<vmem>> -> memref<10x100xi32, #tpu.memory_space<vmem>>
        %dma_start3A_1055 = arith.constant 0 : i32
        %dma_start3A_1056 = arith.constant 0 : i32
        %dma_start3A_1057 = tpu.memref_slice %arg4[%add3A, %add3A_1033, %dma_start3A_1055, %dma_start3A_1056] : memref<32x10x10x100xi32, #tpu.memory_space<hbm>> -> memref<1x1x10x100xi32, #tpu.memory_space<hbm>>
        %dma_start3A_1058 = tpu.memref_squeeze %dma_start3A_1057 : memref<1x1x10x100xi32, #tpu.memory_space<hbm>> -> memref<10x100xi32, #tpu.memory_space<hbm>>
        %dma_start3A_1059 = arith.constant 0 : i32
        %dma_start3A_1060 = arith.constant 0 : i32
        %dma_start3A_1061 = tpu.memref_slice %arg8[%sub3A_1034, %dma_start3A_1059, %dma_start3A_1060] : memref<2x10x100xi32, #tpu.memory_space<vmem>> -> memref<1x10x100xi32, #tpu.memory_space<vmem>>
        %dma_start3A_1062 = tpu.memref_squeeze %dma_start3A_1061 : memref<1x10x100xi32, #tpu.memory_space<vmem>> -> memref<10x100xi32, #tpu.memory_space<vmem>>
        %dma_start3A_1063 = arith.constant 0 : i32
        %dma_start3A_1064 = arith.constant 0 : i32
        %dma_start3A_1065 = tpu.memref_slice %arg4[%add3A, %add3A_1033, %dma_start3A_1063, %dma_start3A_1064] : memref<32x10x10x100xi32, #tpu.memory_space<hbm>> -> memref<1x1x10x100xi32, #tpu.memory_space<hbm>>
        %dma_start3A_1066 = tpu.memref_squeeze %dma_start3A_1065 : memref<1x1x10x100xi32, #tpu.memory_space<hbm>> -> memref<10x100xi32, #tpu.memory_space<hbm>>
        tpu.enqueue_dma source(%dma_start3A_1066 : memref<10x100xi32, #tpu.memory_space<hbm>>) target(%dma_start3A_1062 : memref<10x100xi32, #tpu.memory_space<vmem>>) target_semaphore(%arg15 : memref<!tpu.dma_semaphore, #tpu.memory_space<semaphore_mem>>)
      } else {
      }
      %dma_start3A_585 = arith.constant 0 : i32
      %dma_start3A_586 = arith.constant 0 : i32
      %dma_start3A_587 = arith.constant 0 : i32
      %dma_start3A_588 = tpu.memref_slice %arg7[%rem3A_577, %dma_start3A_586, %dma_start3A_587] : memref<2x10x100xi32, #tpu.memory_space<vmem>> -> memref<1x10x100xi32, #tpu.memory_space<vmem>>
      %dma_start3A_589 = tpu.memref_squeeze %dma_start3A_588 : memref<1x10x100xi32, #tpu.memory_space<vmem>> -> memref<10x100xi32, #tpu.memory_space<vmem>>
      %dma_start3A_590 = arith.constant 0 : i32
      %dma_start3A_591 = tpu.memref_slice %dma_start3A_589[%dma_start3A_585, %dma_start3A_590] : memref<10x100xi32, #tpu.memory_space<vmem>> -> memref<1x100xi32, #tpu.memory_space<vmem>>
      %dma_start3A_592 = tpu.memref_squeeze %dma_start3A_591 : memref<1x100xi32, #tpu.memory_space<vmem>> -> memref<100xi32, #tpu.memory_space<vmem>>
      %dma_start3A_593 = arith.constant 0 : i32
      %dma_start3A_594 = arith.constant 0 : i32
      %dma_start3A_595 = tpu.memref_slice %arg2[%dma_start3A_593, %dma_start3A_594] : memref<10000x128xf32, #tpu.memory_space<hbm>> -> memref<10000x128xf32, #tpu.memory_space<hbm>>
      tpu.enqueue_indirect_dma source(%dma_start3A_595 : memref<10000x128xf32, #tpu.memory_space<hbm>>) target(%arg9 : memref<100x128xf32, #tpu.memory_space<vmem>>) offsets(%dma_start3A_592 : memref<100xi32, #tpu.memory_space<vmem>>) semaphore(%arg13 : memref<!tpu.dma_semaphore, #tpu.memory_space<semaphore_mem>>)
      %dma_start3A_596 = arith.constant 1 : i32
      %dma_start3A_597 = arith.constant 0 : i32
      %dma_start3A_598 = arith.constant 0 : i32
      %dma_start3A_599 = tpu.memref_slice %arg7[%rem3A_577, %dma_start3A_597, %dma_start3A_598] : memref<2x10x100xi32, #tpu.memory_space<vmem>> -> memref<1x10x100xi32, #tpu.memory_space<vmem>>
      %dma_start3A_600 = tpu.memref_squeeze %dma_start3A_599 : memref<1x10x100xi32, #tpu.memory_space<vmem>> -> memref<10x100xi32, #tpu.memory_space<vmem>>
      %dma_start3A_601 = arith.constant 0 : i32
      %dma_start3A_602 = tpu.memref_slice %dma_start3A_600[%dma_start3A_596, %dma_start3A_601] : memref<10x100xi32, #tpu.memory_space<vmem>> -> memref<1x100xi32, #tpu.memory_space<vmem>>
      %dma_start3A_603 = tpu.memref_squeeze %dma_start3A_602 : memref<1x100xi32, #tpu.memory_space<vmem>> -> memref<100xi32, #tpu.memory_space<vmem>>
      %dma_start3A_604 = arith.constant 0 : i32
      %dma_start3A_605 = arith.constant 0 : i32
      %dma_start3A_606 = tpu.memref_slice %arg2[%dma_start3A_604, %dma_start3A_605] : memref<10000x128xf32, #tpu.memory_space<hbm>> -> memref<10000x128xf32, #tpu.memory_space<hbm>>
      tpu.enqueue_indirect_dma source(%dma_start3A_606 : memref<10000x128xf32, #tpu.memory_space<hbm>>) target(%arg10 : memref<100x128xf32, #tpu.memory_space<vmem>>) offsets(%dma_start3A_603 : memref<100xi32, #tpu.memory_space<vmem>>) semaphore(%arg13 : memref<!tpu.dma_semaphore, #tpu.memory_space<semaphore_mem>>)
      %dma_wait3A_607 = arith.constant 0 : i32
      %dma_wait3A_608 = arith.constant 0 : i32
      %dma_wait3A_609 = arith.constant 0 : i32
      %dma_wait3A_610 = tpu.memref_slice %arg7[%rem3A_577, %dma_wait3A_608, %dma_wait3A_609] : memref<2x10x100xi32, #tpu.memory_space<vmem>> -> memref<1x10x100xi32, #tpu.memory_space<vmem>>
      %dma_wait3A_611 = tpu.memref_squeeze %dma_wait3A_610 : memref<1x10x100xi32, #tpu.memory_space<vmem>> -> memref<10x100xi32, #tpu.memory_space<vmem>>
      %dma_wait3A_612 = arith.constant 0 : i32
      %dma_wait3A_613 = tpu.memref_slice %dma_wait3A_611[%dma_wait3A_607, %dma_wait3A_612] : memref<10x100xi32, #tpu.memory_space<vmem>> -> memref<1x100xi32, #tpu.memory_space<vmem>>
      %dma_wait3A_614 = tpu.memref_squeeze %dma_wait3A_613 : memref<1x100xi32, #tpu.memory_space<vmem>> -> memref<100xi32, #tpu.memory_space<vmem>>
      %dma_wait3A_615 = arith.constant 0 : i32
      %dma_wait3A_616 = arith.constant 0 : i32
      %dma_wait3A_617 = tpu.memref_slice %arg2[%dma_wait3A_615, %dma_wait3A_616] : memref<10000x128xf32, #tpu.memory_space<hbm>> -> memref<10000x128xf32, #tpu.memory_space<hbm>>
      tpu.wait_indirect_dma semaphore(%arg13 : memref<!tpu.dma_semaphore, #tpu.memory_space<semaphore_mem>>) src(%dma_wait3A_617 : memref<10000x128xf32, #tpu.memory_space<hbm>>) dst(%arg9 : memref<100x128xf32, #tpu.memory_space<vmem>>)
      %dma_start3A_618 = arith.constant 2 : i32
      %dma_start3A_619 = arith.constant 0 : i32
      %dma_start3A_620 = arith.constant 0 : i32
      %dma_start3A_621 = tpu.memref_slice %arg7[%rem3A_577, %dma_start3A_619, %dma_start3A_620] : memref<2x10x100xi32, #tpu.memory_space<vmem>> -> memref<1x10x100xi32, #tpu.memory_space<vmem>>
      %dma_start3A_622 = tpu.memref_squeeze %dma_start3A_621 : memref<1x10x100xi32, #tpu.memory_space<vmem>> -> memref<10x100xi32, #tpu.memory_space<vmem>>
      %dma_start3A_623 = arith.constant 0 : i32
      %dma_start3A_624 = tpu.memref_slice %dma_start3A_622[%dma_start3A_618, %dma_start3A_623] : memref<10x100xi32, #tpu.memory_space<vmem>> -> memref<1x100xi32, #tpu.memory_space<vmem>>
      %dma_start3A_625 = tpu.memref_squeeze %dma_start3A_624 : memref<1x100xi32, #tpu.memory_space<vmem>> -> memref<100xi32, #tpu.memory_space<vmem>>
      %dma_start3A_626 = arith.constant 0 : i32
      %dma_start3A_627 = arith.constant 0 : i32
      %dma_start3A_628 = tpu.memref_slice %arg2[%dma_start3A_626, %dma_start3A_627] : memref<10000x128xf32, #tpu.memory_space<hbm>> -> memref<10000x128xf32, #tpu.memory_space<hbm>>
      tpu.enqueue_indirect_dma source(%dma_start3A_628 : memref<10000x128xf32, #tpu.memory_space<hbm>>) target(%arg11 : memref<100x128xf32, #tpu.memory_space<vmem>>) offsets(%dma_start3A_625 : memref<100xi32, #tpu.memory_space<vmem>>) semaphore(%arg13 : memref<!tpu.dma_semaphore, #tpu.memory_space<semaphore_mem>>)
      %dma_start3A_629 = arith.constant 0 : i32
      %dma_start3A_630 = arith.constant 0 : i32
      %dma_start3A_631 = arith.constant 0 : i32
      %dma_start3A_632 = tpu.memref_slice %arg8[%rem3A_577, %dma_start3A_630, %dma_start3A_631] : memref<2x10x100xi32, #tpu.memory_space<vmem>> -> memref<1x10x100xi32, #tpu.memory_space<vmem>>
      %dma_start3A_633 = tpu.memref_squeeze %dma_start3A_632 : memref<1x10x100xi32, #tpu.memory_space<vmem>> -> memref<10x100xi32, #tpu.memory_space<vmem>>
      %dma_start3A_634 = arith.constant 0 : i32
      %dma_start3A_635 = tpu.memref_slice %dma_start3A_633[%dma_start3A_629, %dma_start3A_634] : memref<10x100xi32, #tpu.memory_space<vmem>> -> memref<1x100xi32, #tpu.memory_space<vmem>>
      %dma_start3A_636 = tpu.memref_squeeze %dma_start3A_635 : memref<1x100xi32, #tpu.memory_space<vmem>> -> memref<100xi32, #tpu.memory_space<vmem>>
      %dma_start3A_637 = arith.constant 0 : i32
      %dma_start3A_638 = arith.constant 0 : i32
      %dma_start3A_639 = tpu.memref_slice %arg12[%dma_start3A_637, %dma_start3A_638] : memref<10000x128xf32, #tpu.memory_space<vmem_shared>> -> memref<10000x128xf32, #tpu.memory_space<vmem_shared>>
      tpu.enqueue_indirect_dma source(%arg9 : memref<100x128xf32, #tpu.memory_space<vmem>>) target(%dma_start3A_639 : memref<10000x128xf32, #tpu.memory_space<vmem_shared>>) offsets(%dma_start3A_636 : memref<100xi32, #tpu.memory_space<vmem>>) semaphore(%arg14 : memref<!tpu.dma_semaphore, #tpu.memory_space<semaphore_mem>>) {add = true}
      %dma_wait3A_640 = arith.constant 1 : i32
      %dma_wait3A_641 = arith.constant 0 : i32
      %dma_wait3A_642 = arith.constant 0 : i32
      %dma_wait3A_643 = tpu.memref_slice %arg7[%rem3A_577, %dma_wait3A_641, %dma_wait3A_642] : memref<2x10x100xi32, #tpu.memory_space<vmem>> -> memref<1x10x100xi32, #tpu.memory_space<vmem>>
      %dma_wait3A_644 = tpu.memref_squeeze %dma_wait3A_643 : memref<1x10x100xi32, #tpu.memory_space<vmem>> -> memref<10x100xi32, #tpu.memory_space<vmem>>
      %dma_wait3A_645 = arith.constant 0 : i32
      %dma_wait3A_646 = tpu.memref_slice %dma_wait3A_644[%dma_wait3A_640, %dma_wait3A_645] : memref<10x100xi32, #tpu.memory_space<vmem>> -> memref<1x100xi32, #tpu.memory_space<vmem>>
      %dma_wait3A_647 = tpu.memref_squeeze %dma_wait3A_646 : memref<1x100xi32, #tpu.memory_space<vmem>> -> memref<100xi32, #tpu.memory_space<vmem>>
      %dma_wait3A_648 = arith.constant 0 : i32
      %dma_wait3A_649 = arith.constant 0 : i32
      %dma_wait3A_650 = tpu.memref_slice %arg2[%dma_wait3A_648, %dma_wait3A_649] : memref<10000x128xf32, #tpu.memory_space<hbm>> -> memref<10000x128xf32, #tpu.memory_space<hbm>>
      tpu.wait_indirect_dma semaphore(%arg13 : memref<!tpu.dma_semaphore, #tpu.memory_space<semaphore_mem>>) src(%dma_wait3A_650 : memref<10000x128xf32, #tpu.memory_space<hbm>>) dst(%arg10 : memref<100x128xf32, #tpu.memory_space<vmem>>)
      %dma_wait3A_651 = arith.constant 0 : i32
      %dma_wait3A_652 = arith.constant 0 : i32
      %dma_wait3A_653 = arith.constant 0 : i32
      %dma_wait3A_654 = tpu.memref_slice %arg8[%rem3A_577, %dma_wait3A_652, %dma_wait3A_653] : memref<2x10x100xi32, #tpu.memory_space<vmem>> -> memref<1x10x100xi32, #tpu.memory_space<vmem>>
      %dma_wait3A_655 = tpu.memref_squeeze %dma_wait3A_654 : memref<1x10x100xi32, #tpu.memory_space<vmem>> -> memref<10x100xi32, #tpu.memory_space<vmem>>
      %dma_wait3A_656 = arith.constant 0 : i32
      %dma_wait3A_657 = tpu.memref_slice %dma_wait3A_655[%dma_wait3A_651, %dma_wait3A_656] : memref<10x100xi32, #tpu.memory_space<vmem>> -> memref<1x100xi32, #tpu.memory_space<vmem>>
      %dma_wait3A_658 = tpu.memref_squeeze %dma_wait3A_657 : memref<1x100xi32, #tpu.memory_space<vmem>> -> memref<100xi32, #tpu.memory_space<vmem>>
      %dma_wait3A_659 = arith.constant 0 : i32
      %dma_wait3A_660 = arith.constant 0 : i32
      %dma_wait3A_661 = tpu.memref_slice %arg12[%dma_wait3A_659, %dma_wait3A_660] : memref<10000x128xf32, #tpu.memory_space<vmem_shared>> -> memref<10000x128xf32, #tpu.memory_space<vmem_shared>>
      tpu.wait_indirect_dma semaphore(%arg14 : memref<!tpu.dma_semaphore, #tpu.memory_space<semaphore_mem>>) src(%arg9 : memref<100x128xf32, #tpu.memory_space<vmem>>) dst(%dma_wait3A_661 : memref<10000x128xf32, #tpu.memory_space<vmem_shared>>)
      %dma_start3A_662 = arith.constant 3 : i32
      %dma_start3A_663 = arith.constant 0 : i32
      %dma_start3A_664 = arith.constant 0 : i32
      %dma_start3A_665 = tpu.memref_slice %arg7[%rem3A_577, %dma_start3A_663, %dma_start3A_664] : memref<2x10x100xi32, #tpu.memory_space<vmem>> -> memref<1x10x100xi32, #tpu.memory_space<vmem>>
      %dma_start3A_666 = tpu.memref_squeeze %dma_start3A_665 : memref<1x10x100xi32, #tpu.memory_space<vmem>> -> memref<10x100xi32, #tpu.memory_space<vmem>>
      %dma_start3A_667 = arith.constant 0 : i32
      %dma_start3A_668 = tpu.memref_slice %dma_start3A_666[%dma_start3A_662, %dma_start3A_667] : memref<10x100xi32, #tpu.memory_space<vmem>> -> memref<1x100xi32, #tpu.memory_space<vmem>>
      %dma_start3A_669 = tpu.memref_squeeze %dma_start3A_668 : memref<1x100xi32, #tpu.memory_space<vmem>> -> memref<100xi32, #tpu.memory_space<vmem>>
      %dma_start3A_670 = arith.constant 0 : i32
      %dma_start3A_671 = arith.constant 0 : i32
      %dma_start3A_672 = tpu.memref_slice %arg2[%dma_start3A_670, %dma_start3A_671] : memref<10000x128xf32, #tpu.memory_space<hbm>> -> memref<10000x128xf32, #tpu.memory_space<hbm>>
      tpu.enqueue_indirect_dma source(%dma_start3A_672 : memref<10000x128xf32, #tpu.memory_space<hbm>>) target(%arg9 : memref<100x128xf32, #tpu.memory_space<vmem>>) offsets(%dma_start3A_669 : memref<100xi32, #tpu.memory_space<vmem>>) semaphore(%arg13 : memref<!tpu.dma_semaphore, #tpu.memory_space<semaphore_mem>>)
      %dma_start3A_673 = arith.constant 1 : i32
      %dma_start3A_674 = arith.constant 0 : i32
      %dma_start3A_675 = arith.constant 0 : i32
      %dma_start3A_676 = tpu.memref_slice %arg8[%rem3A_577, %dma_start3A_674, %dma_start3A_675] : memref<2x10x100xi32, #tpu.memory_space<vmem>> -> memref<1x10x100xi32, #tpu.memory_space<vmem>>
      %dma_start3A_677 = tpu.memref_squeeze %dma_start3A_676 : memref<1x10x100xi32, #tpu.memory_space<vmem>> -> memref<10x100xi32, #tpu.memory_space<vmem>>
      %dma_start3A_678 = arith.constant 0 : i32
      %dma_start3A_679 = tpu.memref_slice %dma_start3A_677[%dma_start3A_673, %dma_start3A_678] : memref<10x100xi32, #tpu.memory_space<vmem>> -> memref<1x100xi32, #tpu.memory_space<vmem>>
      %dma_start3A_680 = tpu.memref_squeeze %dma_start3A_679 : memref<1x100xi32, #tpu.memory_space<vmem>> -> memref<100xi32, #tpu.memory_space<vmem>>
      %dma_start3A_681 = arith.constant 0 : i32
      %dma_start3A_682 = arith.constant 0 : i32
      %dma_start3A_683 = tpu.memref_slice %arg12[%dma_start3A_681, %dma_start3A_682] : memref<10000x128xf32, #tpu.memory_space<vmem_shared>> -> memref<10000x128xf32, #tpu.memory_space<vmem_shared>>
      tpu.enqueue_indirect_dma source(%arg10 : memref<100x128xf32, #tpu.memory_space<vmem>>) target(%dma_start3A_683 : memref<10000x128xf32, #tpu.memory_space<vmem_shared>>) offsets(%dma_start3A_680 : memref<100xi32, #tpu.memory_space<vmem>>) semaphore(%arg14 : memref<!tpu.dma_semaphore, #tpu.memory_space<semaphore_mem>>) {add = true}
      %dma_wait3A_684 = arith.constant 2 : i32
      %dma_wait3A_685 = arith.constant 0 : i32
      %dma_wait3A_686 = arith.constant 0 : i32
      %dma_wait3A_687 = tpu.memref_slice %arg7[%rem3A_577, %dma_wait3A_685, %dma_wait3A_686] : memref<2x10x100xi32, #tpu.memory_space<vmem>> -> memref<1x10x100xi32, #tpu.memory_space<vmem>>
      %dma_wait3A_688 = tpu.memref_squeeze %dma_wait3A_687 : memref<1x10x100xi32, #tpu.memory_space<vmem>> -> memref<10x100xi32, #tpu.memory_space<vmem>>
      %dma_wait3A_689 = arith.constant 0 : i32
      %dma_wait3A_690 = tpu.memref_slice %dma_wait3A_688[%dma_wait3A_684, %dma_wait3A_689] : memref<10x100xi32, #tpu.memory_space<vmem>> -> memref<1x100xi32, #tpu.memory_space<vmem>>
      %dma_wait3A_691 = tpu.memref_squeeze %dma_wait3A_690 : memref<1x100xi32, #tpu.memory_space<vmem>> -> memref<100xi32, #tpu.memory_space<vmem>>
      %dma_wait3A_692 = arith.constant 0 : i32
      %dma_wait3A_693 = arith.constant 0 : i32
      %dma_wait3A_694 = tpu.memref_slice %arg2[%dma_wait3A_692, %dma_wait3A_693] : memref<10000x128xf32, #tpu.memory_space<hbm>> -> memref<10000x128xf32, #tpu.memory_space<hbm>>
      tpu.wait_indirect_dma semaphore(%arg13 : memref<!tpu.dma_semaphore, #tpu.memory_space<semaphore_mem>>) src(%dma_wait3A_694 : memref<10000x128xf32, #tpu.memory_space<hbm>>) dst(%arg11 : memref<100x128xf32, #tpu.memory_space<vmem>>)
      %dma_wait3A_695 = arith.constant 1 : i32
      %dma_wait3A_696 = arith.constant 0 : i32
      %dma_wait3A_697 = arith.constant 0 : i32
      %dma_wait3A_698 = tpu.memref_slice %arg8[%rem3A_577, %dma_wait3A_696, %dma_wait3A_697] : memref<2x10x100xi32, #tpu.memory_space<vmem>> -> memref<1x10x100xi32, #tpu.memory_space<vmem>>
      %dma_wait3A_699 = tpu.memref_squeeze %dma_wait3A_698 : memref<1x10x100xi32, #tpu.memory_space<vmem>> -> memref<10x100xi32, #tpu.memory_space<vmem>>
      %dma_wait3A_700 = arith.constant 0 : i32
      %dma_wait3A_701 = tpu.memref_slice %dma_wait3A_699[%dma_wait3A_695, %dma_wait3A_700] : memref<10x100xi32, #tpu.memory_space<vmem>> -> memref<1x100xi32, #tpu.memory_space<vmem>>
      %dma_wait3A_702 = tpu.memref_squeeze %dma_wait3A_701 : memref<1x100xi32, #tpu.memory_space<vmem>> -> memref<100xi32, #tpu.memory_space<vmem>>
      %dma_wait3A_703 = arith.constant 0 : i32
      %dma_wait3A_704 = arith.constant 0 : i32
      %dma_wait3A_705 = tpu.memref_slice %arg12[%dma_wait3A_703, %dma_wait3A_704] : memref<10000x128xf32, #tpu.memory_space<vmem_shared>> -> memref<10000x128xf32, #tpu.memory_space<vmem_shared>>
      tpu.wait_indirect_dma semaphore(%arg14 : memref<!tpu.dma_semaphore, #tpu.memory_space<semaphore_mem>>) src(%arg10 : memref<100x128xf32, #tpu.memory_space<vmem>>) dst(%dma_wait3A_705 : memref<10000x128xf32, #tpu.memory_space<vmem_shared>>)
      %dma_start3A_706 = arith.constant 4 : i32
      %dma_start3A_707 = arith.constant 0 : i32
      %dma_start3A_708 = arith.constant 0 : i32
      %dma_start3A_709 = tpu.memref_slice %arg7[%rem3A_577, %dma_start3A_707, %dma_start3A_708] : memref<2x10x100xi32, #tpu.memory_space<vmem>> -> memref<1x10x100xi32, #tpu.memory_space<vmem>>
      %dma_start3A_710 = tpu.memref_squeeze %dma_start3A_709 : memref<1x10x100xi32, #tpu.memory_space<vmem>> -> memref<10x100xi32, #tpu.memory_space<vmem>>
      %dma_start3A_711 = arith.constant 0 : i32
      %dma_start3A_712 = tpu.memref_slice %dma_start3A_710[%dma_start3A_706, %dma_start3A_711] : memref<10x100xi32, #tpu.memory_space<vmem>> -> memref<1x100xi32, #tpu.memory_space<vmem>>
      %dma_start3A_713 = tpu.memref_squeeze %dma_start3A_712 : memref<1x100xi32, #tpu.memory_space<vmem>> -> memref<100xi32, #tpu.memory_space<vmem>>
      %dma_start3A_714 = arith.constant 0 : i32
      %dma_start3A_715 = arith.constant 0 : i32
      %dma_start3A_716 = tpu.memref_slice %arg2[%dma_start3A_714, %dma_start3A_715] : memref<10000x128xf32, #tpu.memory_space<hbm>> -> memref<10000x128xf32, #tpu.memory_space<hbm>>
      tpu.enqueue_indirect_dma source(%dma_start3A_716 : memref<10000x128xf32, #tpu.memory_space<hbm>>) target(%arg10 : memref<100x128xf32, #tpu.memory_space<vmem>>) offsets(%dma_start3A_713 : memref<100xi32, #tpu.memory_space<vmem>>) semaphore(%arg13 : memref<!tpu.dma_semaphore, #tpu.memory_space<semaphore_mem>>)
      %dma_start3A_717 = arith.constant 2 : i32
      %dma_start3A_718 = arith.constant 0 : i32
      %dma_start3A_719 = arith.constant 0 : i32
      %dma_start3A_720 = tpu.memref_slice %arg8[%rem3A_577, %dma_start3A_718, %dma_start3A_719] : memref<2x10x100xi32, #tpu.memory_space<vmem>> -> memref<1x10x100xi32, #tpu.memory_space<vmem>>
      %dma_start3A_721 = tpu.memref_squeeze %dma_start3A_720 : memref<1x10x100xi32, #tpu.memory_space<vmem>> -> memref<10x100xi32, #tpu.memory_space<vmem>>
      %dma_start3A_722 = arith.constant 0 : i32
      %dma_start3A_723 = tpu.memref_slice %dma_start3A_721[%dma_start3A_717, %dma_start3A_722] : memref<10x100xi32, #tpu.memory_space<vmem>> -> memref<1x100xi32, #tpu.memory_space<vmem>>
      %dma_start3A_724 = tpu.memref_squeeze %dma_start3A_723 : memref<1x100xi32, #tpu.memory_space<vmem>> -> memref<100xi32, #tpu.memory_space<vmem>>
      %dma_start3A_725 = arith.constant 0 : i32
      %dma_start3A_726 = arith.constant 0 : i32
      %dma_start3A_727 = tpu.memref_slice %arg12[%dma_start3A_725, %dma_start3A_726] : memref<10000x128xf32, #tpu.memory_space<vmem_shared>> -> memref<10000x128xf32, #tpu.memory_space<vmem_shared>>
      tpu.enqueue_indirect_dma source(%arg11 : memref<100x128xf32, #tpu.memory_space<vmem>>) target(%dma_start3A_727 : memref<10000x128xf32, #tpu.memory_space<vmem_shared>>) offsets(%dma_start3A_724 : memref<100xi32, #tpu.memory_space<vmem>>) semaphore(%arg14 : memref<!tpu.dma_semaphore, #tpu.memory_space<semaphore_mem>>) {add = true}
      %dma_wait3A_728 = arith.constant 3 : i32
      %dma_wait3A_729 = arith.constant 0 : i32
      %dma_wait3A_730 = arith.constant 0 : i32
      %dma_wait3A_731 = tpu.memref_slice %arg7[%rem3A_577, %dma_wait3A_729, %dma_wait3A_730] : memref<2x10x100xi32, #tpu.memory_space<vmem>> -> memref<1x10x100xi32, #tpu.memory_space<vmem>>
      %dma_wait3A_732 = tpu.memref_squeeze %dma_wait3A_731 : memref<1x10x100xi32, #tpu.memory_space<vmem>> -> memref<10x100xi32, #tpu.memory_space<vmem>>
      %dma_wait3A_733 = arith.constant 0 : i32
      %dma_wait3A_734 = tpu.memref_slice %dma_wait3A_732[%dma_wait3A_728, %dma_wait3A_733] : memref<10x100xi32, #tpu.memory_space<vmem>> -> memref<1x100xi32, #tpu.memory_space<vmem>>
      %dma_wait3A_735 = tpu.memref_squeeze %dma_wait3A_734 : memref<1x100xi32, #tpu.memory_space<vmem>> -> memref<100xi32, #tpu.memory_space<vmem>>
      %dma_wait3A_736 = arith.constant 0 : i32
      %dma_wait3A_737 = arith.constant 0 : i32
      %dma_wait3A_738 = tpu.memref_slice %arg2[%dma_wait3A_736, %dma_wait3A_737] : memref<10000x128xf32, #tpu.memory_space<hbm>> -> memref<10000x128xf32, #tpu.memory_space<hbm>>
      tpu.wait_indirect_dma semaphore(%arg13 : memref<!tpu.dma_semaphore, #tpu.memory_space<semaphore_mem>>) src(%dma_wait3A_738 : memref<10000x128xf32, #tpu.memory_space<hbm>>) dst(%arg9 : memref<100x128xf32, #tpu.memory_space<vmem>>)
      %dma_wait3A_739 = arith.constant 2 : i32
      %dma_wait3A_740 = arith.constant 0 : i32
      %dma_wait3A_741 = arith.constant 0 : i32
      %dma_wait3A_742 = tpu.memref_slice %arg8[%rem3A_577, %dma_wait3A_740, %dma_wait3A_741] : memref<2x10x100xi32, #tpu.memory_space<vmem>> -> memref<1x10x100xi32, #tpu.memory_space<vmem>>
      %dma_wait3A_743 = tpu.memref_squeeze %dma_wait3A_742 : memref<1x10x100xi32, #tpu.memory_space<vmem>> -> memref<10x100xi32, #tpu.memory_space<vmem>>
      %dma_wait3A_744 = arith.constant 0 : i32
      %dma_wait3A_745 = tpu.memref_slice %dma_wait3A_743[%dma_wait3A_739, %dma_wait3A_744] : memref<10x100xi32, #tpu.memory_space<vmem>> -> memref<1x100xi32, #tpu.memory_space<vmem>>
      %dma_wait3A_746 = tpu.memref_squeeze %dma_wait3A_745 : memref<1x100xi32, #tpu.memory_space<vmem>> -> memref<100xi32, #tpu.memory_space<vmem>>
      %dma_wait3A_747 = arith.constant 0 : i32
      %dma_wait3A_748 = arith.constant 0 : i32
      %dma_wait3A_749 = tpu.memref_slice %arg12[%dma_wait3A_747, %dma_wait3A_748] : memref<10000x128xf32, #tpu.memory_space<vmem_shared>> -> memref<10000x128xf32, #tpu.memory_space<vmem_shared>>
      tpu.wait_indirect_dma semaphore(%arg14 : memref<!tpu.dma_semaphore, #tpu.memory_space<semaphore_mem>>) src(%arg11 : memref<100x128xf32, #tpu.memory_space<vmem>>) dst(%dma_wait3A_749 : memref<10000x128xf32, #tpu.memory_space<vmem_shared>>)
      %dma_start3A_750 = arith.constant 5 : i32
      %dma_start3A_751 = arith.constant 0 : i32
      %dma_start3A_752 = arith.constant 0 : i32
      %dma_start3A_753 = tpu.memref_slice %arg7[%rem3A_577, %dma_start3A_751, %dma_start3A_752] : memref<2x10x100xi32, #tpu.memory_space<vmem>> -> memref<1x10x100xi32, #tpu.memory_space<vmem>>
      %dma_start3A_754 = tpu.memref_squeeze %dma_start3A_753 : memref<1x10x100xi32, #tpu.memory_space<vmem>> -> memref<10x100xi32, #tpu.memory_space<vmem>>
      %dma_start3A_755 = arith.constant 0 : i32
      %dma_start3A_756 = tpu.memref_slice %dma_start3A_754[%dma_start3A_750, %dma_start3A_755] : memref<10x100xi32, #tpu.memory_space<vmem>> -> memref<1x100xi32, #tpu.memory_space<vmem>>
      %dma_start3A_757 = tpu.memref_squeeze %dma_start3A_756 : memref<1x100xi32, #tpu.memory_space<vmem>> -> memref<100xi32, #tpu.memory_space<vmem>>
      %dma_start3A_758 = arith.constant 0 : i32
      %dma_start3A_759 = arith.constant 0 : i32
      %dma_start3A_760 = tpu.memref_slice %arg2[%dma_start3A_758, %dma_start3A_759] : memref<10000x128xf32, #tpu.memory_space<hbm>> -> memref<10000x128xf32, #tpu.memory_space<hbm>>
      tpu.enqueue_indirect_dma source(%dma_start3A_760 : memref<10000x128xf32, #tpu.memory_space<hbm>>) target(%arg11 : memref<100x128xf32, #tpu.memory_space<vmem>>) offsets(%dma_start3A_757 : memref<100xi32, #tpu.memory_space<vmem>>) semaphore(%arg13 : memref<!tpu.dma_semaphore, #tpu.memory_space<semaphore_mem>>)
      %dma_start3A_761 = arith.constant 3 : i32
      %dma_start3A_762 = arith.constant 0 : i32
      %dma_start3A_763 = arith.constant 0 : i32
      %dma_start3A_764 = tpu.memref_slice %arg8[%rem3A_577, %dma_start3A_762, %dma_start3A_763] : memref<2x10x100xi32, #tpu.memory_space<vmem>> -> memref<1x10x100xi32, #tpu.memory_space<vmem>>
      %dma_start3A_765 = tpu.memref_squeeze %dma_start3A_764 : memref<1x10x100xi32, #tpu.memory_space<vmem>> -> memref<10x100xi32, #tpu.memory_space<vmem>>
      %dma_start3A_766 = arith.constant 0 : i32
      %dma_start3A_767 = tpu.memref_slice %dma_start3A_765[%dma_start3A_761, %dma_start3A_766] : memref<10x100xi32, #tpu.memory_space<vmem>> -> memref<1x100xi32, #tpu.memory_space<vmem>>
      %dma_start3A_768 = tpu.memref_squeeze %dma_start3A_767 : memref<1x100xi32, #tpu.memory_space<vmem>> -> memref<100xi32, #tpu.memory_space<vmem>>
      %dma_start3A_769 = arith.constant 0 : i32
      %dma_start3A_770 = arith.constant 0 : i32
      %dma_start3A_771 = tpu.memref_slice %arg12[%dma_start3A_769, %dma_start3A_770] : memref<10000x128xf32, #tpu.memory_space<vmem_shared>> -> memref<10000x128xf32, #tpu.memory_space<vmem_shared>>
      tpu.enqueue_indirect_dma source(%arg9 : memref<100x128xf32, #tpu.memory_space<vmem>>) target(%dma_start3A_771 : memref<10000x128xf32, #tpu.memory_space<vmem_shared>>) offsets(%dma_start3A_768 : memref<100xi32, #tpu.memory_space<vmem>>) semaphore(%arg14 : memref<!tpu.dma_semaphore, #tpu.memory_space<semaphore_mem>>) {add = true}
      %dma_wait3A_772 = arith.constant 4 : i32
      %dma_wait3A_773 = arith.constant 0 : i32
      %dma_wait3A_774 = arith.constant 0 : i32
      %dma_wait3A_775 = tpu.memref_slice %arg7[%rem3A_577, %dma_wait3A_773, %dma_wait3A_774] : memref<2x10x100xi32, #tpu.memory_space<vmem>> -> memref<1x10x100xi32, #tpu.memory_space<vmem>>
      %dma_wait3A_776 = tpu.memref_squeeze %dma_wait3A_775 : memref<1x10x100xi32, #tpu.memory_space<vmem>> -> memref<10x100xi32, #tpu.memory_space<vmem>>
      %dma_wait3A_777 = arith.constant 0 : i32
      %dma_wait3A_778 = tpu.memref_slice %dma_wait3A_776[%dma_wait3A_772, %dma_wait3A_777] : memref<10x100xi32, #tpu.memory_space<vmem>> -> memref<1x100xi32, #tpu.memory_space<vmem>>
      %dma_wait3A_779 = tpu.memref_squeeze %dma_wait3A_778 : memref<1x100xi32, #tpu.memory_space<vmem>> -> memref<100xi32, #tpu.memory_space<vmem>>
      %dma_wait3A_780 = arith.constant 0 : i32
      %dma_wait3A_781 = arith.constant 0 : i32
      %dma_wait3A_782 = tpu.memref_slice %arg2[%dma_wait3A_780, %dma_wait3A_781] : memref<10000x128xf32, #tpu.memory_space<hbm>> -> memref<10000x128xf32, #tpu.memory_space<hbm>>
      tpu.wait_indirect_dma semaphore(%arg13 : memref<!tpu.dma_semaphore, #tpu.memory_space<semaphore_mem>>) src(%dma_wait3A_782 : memref<10000x128xf32, #tpu.memory_space<hbm>>) dst(%arg10 : memref<100x128xf32, #tpu.memory_space<vmem>>)
      %dma_wait3A_783 = arith.constant 3 : i32
      %dma_wait3A_784 = arith.constant 0 : i32
      %dma_wait3A_785 = arith.constant 0 : i32
      %dma_wait3A_786 = tpu.memref_slice %arg8[%rem3A_577, %dma_wait3A_784, %dma_wait3A_785] : memref<2x10x100xi32, #tpu.memory_space<vmem>> -> memref<1x10x100xi32, #tpu.memory_space<vmem>>
      %dma_wait3A_787 = tpu.memref_squeeze %dma_wait3A_786 : memref<1x10x100xi32, #tpu.memory_space<vmem>> -> memref<10x100xi32, #tpu.memory_space<vmem>>
      %dma_wait3A_788 = arith.constant 0 : i32
      %dma_wait3A_789 = tpu.memref_slice %dma_wait3A_787[%dma_wait3A_783, %dma_wait3A_788] : memref<10x100xi32, #tpu.memory_space<vmem>> -> memref<1x100xi32, #tpu.memory_space<vmem>>
      %dma_wait3A_790 = tpu.memref_squeeze %dma_wait3A_789 : memref<1x100xi32, #tpu.memory_space<vmem>> -> memref<100xi32, #tpu.memory_space<vmem>>
      %dma_wait3A_791 = arith.constant 0 : i32
      %dma_wait3A_792 = arith.constant 0 : i32
      %dma_wait3A_793 = tpu.memref_slice %arg12[%dma_wait3A_791, %dma_wait3A_792] : memref<10000x128xf32, #tpu.memory_space<vmem_shared>> -> memref<10000x128xf32, #tpu.memory_space<vmem_shared>>
      tpu.wait_indirect_dma semaphore(%arg14 : memref<!tpu.dma_semaphore, #tpu.memory_space<semaphore_mem>>) src(%arg9 : memref<100x128xf32, #tpu.memory_space<vmem>>) dst(%dma_wait3A_793 : memref<10000x128xf32, #tpu.memory_space<vmem_shared>>)
      %dma_start3A_794 = arith.constant 6 : i32
      %dma_start3A_795 = arith.constant 0 : i32
      %dma_start3A_796 = arith.constant 0 : i32
      %dma_start3A_797 = tpu.memref_slice %arg7[%rem3A_577, %dma_start3A_795, %dma_start3A_796] : memref<2x10x100xi32, #tpu.memory_space<vmem>> -> memref<1x10x100xi32, #tpu.memory_space<vmem>>
      %dma_start3A_798 = tpu.memref_squeeze %dma_start3A_797 : memref<1x10x100xi32, #tpu.memory_space<vmem>> -> memref<10x100xi32, #tpu.memory_space<vmem>>
      %dma_start3A_799 = arith.constant 0 : i32
      %dma_start3A_800 = tpu.memref_slice %dma_start3A_798[%dma_start3A_794, %dma_start3A_799] : memref<10x100xi32, #tpu.memory_space<vmem>> -> memref<1x100xi32, #tpu.memory_space<vmem>>
      %dma_start3A_801 = tpu.memref_squeeze %dma_start3A_800 : memref<1x100xi32, #tpu.memory_space<vmem>> -> memref<100xi32, #tpu.memory_space<vmem>>
      %dma_start3A_802 = arith.constant 0 : i32
      %dma_start3A_803 = arith.constant 0 : i32
      %dma_start3A_804 = tpu.memref_slice %arg2[%dma_start3A_802, %dma_start3A_803] : memref<10000x128xf32, #tpu.memory_space<hbm>> -> memref<10000x128xf32, #tpu.memory_space<hbm>>
      tpu.enqueue_indirect_dma source(%dma_start3A_804 : memref<10000x128xf32, #tpu.memory_space<hbm>>) target(%arg9 : memref<100x128xf32, #tpu.memory_space<vmem>>) offsets(%dma_start3A_801 : memref<100xi32, #tpu.memory_space<vmem>>) semaphore(%arg13 : memref<!tpu.dma_semaphore, #tpu.memory_space<semaphore_mem>>)
      %dma_start3A_805 = arith.constant 4 : i32
      %dma_start3A_806 = arith.constant 0 : i32
      %dma_start3A_807 = arith.constant 0 : i32
      %dma_start3A_808 = tpu.memref_slice %arg8[%rem3A_577, %dma_start3A_806, %dma_start3A_807] : memref<2x10x100xi32, #tpu.memory_space<vmem>> -> memref<1x10x100xi32, #tpu.memory_space<vmem>>
      %dma_start3A_809 = tpu.memref_squeeze %dma_start3A_808 : memref<1x10x100xi32, #tpu.memory_space<vmem>> -> memref<10x100xi32, #tpu.memory_space<vmem>>
      %dma_start3A_810 = arith.constant 0 : i32
      %dma_start3A_811 = tpu.memref_slice %dma_start3A_809[%dma_start3A_805, %dma_start3A_810] : memref<10x100xi32, #tpu.memory_space<vmem>> -> memref<1x100xi32, #tpu.memory_space<vmem>>
      %dma_start3A_812 = tpu.memref_squeeze %dma_start3A_811 : memref<1x100xi32, #tpu.memory_space<vmem>> -> memref<100xi32, #tpu.memory_space<vmem>>
      %dma_start3A_813 = arith.constant 0 : i32
      %dma_start3A_814 = arith.constant 0 : i32
      %dma_start3A_815 = tpu.memref_slice %arg12[%dma_start3A_813, %dma_start3A_814] : memref<10000x128xf32, #tpu.memory_space<vmem_shared>> -> memref<10000x128xf32, #tpu.memory_space<vmem_shared>>
      tpu.enqueue_indirect_dma source(%arg10 : memref<100x128xf32, #tpu.memory_space<vmem>>) target(%dma_start3A_815 : memref<10000x128xf32, #tpu.memory_space<vmem_shared>>) offsets(%dma_start3A_812 : memref<100xi32, #tpu.memory_space<vmem>>) semaphore(%arg14 : memref<!tpu.dma_semaphore, #tpu.memory_space<semaphore_mem>>) {add = true}
      %dma_wait3A_816 = arith.constant 5 : i32
      %dma_wait3A_817 = arith.constant 0 : i32
      %dma_wait3A_818 = arith.constant 0 : i32
      %dma_wait3A_819 = tpu.memref_slice %arg7[%rem3A_577, %dma_wait3A_817, %dma_wait3A_818] : memref<2x10x100xi32, #tpu.memory_space<vmem>> -> memref<1x10x100xi32, #tpu.memory_space<vmem>>
      %dma_wait3A_820 = tpu.memref_squeeze %dma_wait3A_819 : memref<1x10x100xi32, #tpu.memory_space<vmem>> -> memref<10x100xi32, #tpu.memory_space<vmem>>
      %dma_wait3A_821 = arith.constant 0 : i32
      %dma_wait3A_822 = tpu.memref_slice %dma_wait3A_820[%dma_wait3A_816, %dma_wait3A_821] : memref<10x100xi32, #tpu.memory_space<vmem>> -> memref<1x100xi32, #tpu.memory_space<vmem>>
      %dma_wait3A_823 = tpu.memref_squeeze %dma_wait3A_822 : memref<1x100xi32, #tpu.memory_space<vmem>> -> memref<100xi32, #tpu.memory_space<vmem>>
      %dma_wait3A_824 = arith.constant 0 : i32
      %dma_wait3A_825 = arith.constant 0 : i32
      %dma_wait3A_826 = tpu.memref_slice %arg2[%dma_wait3A_824, %dma_wait3A_825] : memref<10000x128xf32, #tpu.memory_space<hbm>> -> memref<10000x128xf32, #tpu.memory_space<hbm>>
      tpu.wait_indirect_dma semaphore(%arg13 : memref<!tpu.dma_semaphore, #tpu.memory_space<semaphore_mem>>) src(%dma_wait3A_826 : memref<10000x128xf32, #tpu.memory_space<hbm>>) dst(%arg11 : memref<100x128xf32, #tpu.memory_space<vmem>>)
      %dma_wait3A_827 = arith.constant 4 : i32
      %dma_wait3A_828 = arith.constant 0 : i32
      %dma_wait3A_829 = arith.constant 0 : i32
      %dma_wait3A_830 = tpu.memref_slice %arg8[%rem3A_577, %dma_wait3A_828, %dma_wait3A_829] : memref<2x10x100xi32, #tpu.memory_space<vmem>> -> memref<1x10x100xi32, #tpu.memory_space<vmem>>
      %dma_wait3A_831 = tpu.memref_squeeze %dma_wait3A_830 : memref<1x10x100xi32, #tpu.memory_space<vmem>> -> memref<10x100xi32, #tpu.memory_space<vmem>>
      %dma_wait3A_832 = arith.constant 0 : i32
      %dma_wait3A_833 = tpu.memref_slice %dma_wait3A_831[%dma_wait3A_827, %dma_wait3A_832] : memref<10x100xi32, #tpu.memory_space<vmem>> -> memref<1x100xi32, #tpu.memory_space<vmem>>
      %dma_wait3A_834 = tpu.memref_squeeze %dma_wait3A_833 : memref<1x100xi32, #tpu.memory_space<vmem>> -> memref<100xi32, #tpu.memory_space<vmem>>
      %dma_wait3A_835 = arith.constant 0 : i32
      %dma_wait3A_836 = arith.constant 0 : i32
      %dma_wait3A_837 = tpu.memref_slice %arg12[%dma_wait3A_835, %dma_wait3A_836] : memref<10000x128xf32, #tpu.memory_space<vmem_shared>> -> memref<10000x128xf32, #tpu.memory_space<vmem_shared>>
      tpu.wait_indirect_dma semaphore(%arg14 : memref<!tpu.dma_semaphore, #tpu.memory_space<semaphore_mem>>) src(%arg10 : memref<100x128xf32, #tpu.memory_space<vmem>>) dst(%dma_wait3A_837 : memref<10000x128xf32, #tpu.memory_space<vmem_shared>>)
      %dma_start3A_838 = arith.constant 7 : i32
      %dma_start3A_839 = arith.constant 0 : i32
      %dma_start3A_840 = arith.constant 0 : i32
      %dma_start3A_841 = tpu.memref_slice %arg7[%rem3A_577, %dma_start3A_839, %dma_start3A_840] : memref<2x10x100xi32, #tpu.memory_space<vmem>> -> memref<1x10x100xi32, #tpu.memory_space<vmem>>
      %dma_start3A_842 = tpu.memref_squeeze %dma_start3A_841 : memref<1x10x100xi32, #tpu.memory_space<vmem>> -> memref<10x100xi32, #tpu.memory_space<vmem>>
      %dma_start3A_843 = arith.constant 0 : i32
      %dma_start3A_844 = tpu.memref_slice %dma_start3A_842[%dma_start3A_838, %dma_start3A_843] : memref<10x100xi32, #tpu.memory_space<vmem>> -> memref<1x100xi32, #tpu.memory_space<vmem>>
      %dma_start3A_845 = tpu.memref_squeeze %dma_start3A_844 : memref<1x100xi32, #tpu.memory_space<vmem>> -> memref<100xi32, #tpu.memory_space<vmem>>
      %dma_start3A_846 = arith.constant 0 : i32
      %dma_start3A_847 = arith.constant 0 : i32
      %dma_start3A_848 = tpu.memref_slice %arg2[%dma_start3A_846, %dma_start3A_847] : memref<10000x128xf32, #tpu.memory_space<hbm>> -> memref<10000x128xf32, #tpu.memory_space<hbm>>
      tpu.enqueue_indirect_dma source(%dma_start3A_848 : memref<10000x128xf32, #tpu.memory_space<hbm>>) target(%arg10 : memref<100x128xf32, #tpu.memory_space<vmem>>) offsets(%dma_start3A_845 : memref<100xi32, #tpu.memory_space<vmem>>) semaphore(%arg13 : memref<!tpu.dma_semaphore, #tpu.memory_space<semaphore_mem>>)
      %dma_start3A_849 = arith.constant 5 : i32
      %dma_start3A_850 = arith.constant 0 : i32
      %dma_start3A_851 = arith.constant 0 : i32
      %dma_start3A_852 = tpu.memref_slice %arg8[%rem3A_577, %dma_start3A_850, %dma_start3A_851] : memref<2x10x100xi32, #tpu.memory_space<vmem>> -> memref<1x10x100xi32, #tpu.memory_space<vmem>>
      %dma_start3A_853 = tpu.memref_squeeze %dma_start3A_852 : memref<1x10x100xi32, #tpu.memory_space<vmem>> -> memref<10x100xi32, #tpu.memory_space<vmem>>
      %dma_start3A_854 = arith.constant 0 : i32
      %dma_start3A_855 = tpu.memref_slice %dma_start3A_853[%dma_start3A_849, %dma_start3A_854] : memref<10x100xi32, #tpu.memory_space<vmem>> -> memref<1x100xi32, #tpu.memory_space<vmem>>
      %dma_start3A_856 = tpu.memref_squeeze %dma_start3A_855 : memref<1x100xi32, #tpu.memory_space<vmem>> -> memref<100xi32, #tpu.memory_space<vmem>>
      %dma_start3A_857 = arith.constant 0 : i32
      %dma_start3A_858 = arith.constant 0 : i32
      %dma_start3A_859 = tpu.memref_slice %arg12[%dma_start3A_857, %dma_start3A_858] : memref<10000x128xf32, #tpu.memory_space<vmem_shared>> -> memref<10000x128xf32, #tpu.memory_space<vmem_shared>>
      tpu.enqueue_indirect_dma source(%arg11 : memref<100x128xf32, #tpu.memory_space<vmem>>) target(%dma_start3A_859 : memref<10000x128xf32, #tpu.memory_space<vmem_shared>>) offsets(%dma_start3A_856 : memref<100xi32, #tpu.memory_space<vmem>>) semaphore(%arg14 : memref<!tpu.dma_semaphore, #tpu.memory_space<semaphore_mem>>) {add = true}
      %dma_wait3A_860 = arith.constant 6 : i32
      %dma_wait3A_861 = arith.constant 0 : i32
      %dma_wait3A_862 = arith.constant 0 : i32
      %dma_wait3A_863 = tpu.memref_slice %arg7[%rem3A_577, %dma_wait3A_861, %dma_wait3A_862] : memref<2x10x100xi32, #tpu.memory_space<vmem>> -> memref<1x10x100xi32, #tpu.memory_space<vmem>>
      %dma_wait3A_864 = tpu.memref_squeeze %dma_wait3A_863 : memref<1x10x100xi32, #tpu.memory_space<vmem>> -> memref<10x100xi32, #tpu.memory_space<vmem>>
      %dma_wait3A_865 = arith.constant 0 : i32
      %dma_wait3A_866 = tpu.memref_slice %dma_wait3A_864[%dma_wait3A_860, %dma_wait3A_865] : memref<10x100xi32, #tpu.memory_space<vmem>> -> memref<1x100xi32, #tpu.memory_space<vmem>>
      %dma_wait3A_867 = tpu.memref_squeeze %dma_wait3A_866 : memref<1x100xi32, #tpu.memory_space<vmem>> -> memref<100xi32, #tpu.memory_space<vmem>>
      %dma_wait3A_868 = arith.constant 0 : i32
      %dma_wait3A_869 = arith.constant 0 : i32
      %dma_wait3A_870 = tpu.memref_slice %arg2[%dma_wait3A_868, %dma_wait3A_869] : memref<10000x128xf32, #tpu.memory_space<hbm>> -> memref<10000x128xf32, #tpu.memory_space<hbm>>
      tpu.wait_indirect_dma semaphore(%arg13 : memref<!tpu.dma_semaphore, #tpu.memory_space<semaphore_mem>>) src(%dma_wait3A_870 : memref<10000x128xf32, #tpu.memory_space<hbm>>) dst(%arg9 : memref<100x128xf32, #tpu.memory_space<vmem>>)
      %dma_wait3A_871 = arith.constant 5 : i32
      %dma_wait3A_872 = arith.constant 0 : i32
      %dma_wait3A_873 = arith.constant 0 : i32
      %dma_wait3A_874 = tpu.memref_slice %arg8[%rem3A_577, %dma_wait3A_872, %dma_wait3A_873] : memref<2x10x100xi32, #tpu.memory_space<vmem>> -> memref<1x10x100xi32, #tpu.memory_space<vmem>>
      %dma_wait3A_875 = tpu.memref_squeeze %dma_wait3A_874 : memref<1x10x100xi32, #tpu.memory_space<vmem>> -> memref<10x100xi32, #tpu.memory_space<vmem>>
      %dma_wait3A_876 = arith.constant 0 : i32
      %dma_wait3A_877 = tpu.memref_slice %dma_wait3A_875[%dma_wait3A_871, %dma_wait3A_876] : memref<10x100xi32, #tpu.memory_space<vmem>> -> memref<1x100xi32, #tpu.memory_space<vmem>>
      %dma_wait3A_878 = tpu.memref_squeeze %dma_wait3A_877 : memref<1x100xi32, #tpu.memory_space<vmem>> -> memref<100xi32, #tpu.memory_space<vmem>>
      %dma_wait3A_879 = arith.constant 0 : i32
      %dma_wait3A_880 = arith.constant 0 : i32
      %dma_wait3A_881 = tpu.memref_slice %arg12[%dma_wait3A_879, %dma_wait3A_880] : memref<10000x128xf32, #tpu.memory_space<vmem_shared>> -> memref<10000x128xf32, #tpu.memory_space<vmem_shared>>
      tpu.wait_indirect_dma semaphore(%arg14 : memref<!tpu.dma_semaphore, #tpu.memory_space<semaphore_mem>>) src(%arg11 : memref<100x128xf32, #tpu.memory_space<vmem>>) dst(%dma_wait3A_881 : memref<10000x128xf32, #tpu.memory_space<vmem_shared>>)
      %dma_start3A_882 = arith.constant 8 : i32
      %dma_start3A_883 = arith.constant 0 : i32
      %dma_start3A_884 = arith.constant 0 : i32
      %dma_start3A_885 = tpu.memref_slice %arg7[%rem3A_577, %dma_start3A_883, %dma_start3A_884] : memref<2x10x100xi32, #tpu.memory_space<vmem>> -> memref<1x10x100xi32, #tpu.memory_space<vmem>>
      %dma_start3A_886 = tpu.memref_squeeze %dma_start3A_885 : memref<1x10x100xi32, #tpu.memory_space<vmem>> -> memref<10x100xi32, #tpu.memory_space<vmem>>
      %dma_start3A_887 = arith.constant 0 : i32
      %dma_start3A_888 = tpu.memref_slice %dma_start3A_886[%dma_start3A_882, %dma_start3A_887] : memref<10x100xi32, #tpu.memory_space<vmem>> -> memref<1x100xi32, #tpu.memory_space<vmem>>
      %dma_start3A_889 = tpu.memref_squeeze %dma_start3A_888 : memref<1x100xi32, #tpu.memory_space<vmem>> -> memref<100xi32, #tpu.memory_space<vmem>>
      %dma_start3A_890 = arith.constant 0 : i32
      %dma_start3A_891 = arith.constant 0 : i32
      %dma_start3A_892 = tpu.memref_slice %arg2[%dma_start3A_890, %dma_start3A_891] : memref<10000x128xf32, #tpu.memory_space<hbm>> -> memref<10000x128xf32, #tpu.memory_space<hbm>>
      tpu.enqueue_indirect_dma source(%dma_start3A_892 : memref<10000x128xf32, #tpu.memory_space<hbm>>) target(%arg11 : memref<100x128xf32, #tpu.memory_space<vmem>>) offsets(%dma_start3A_889 : memref<100xi32, #tpu.memory_space<vmem>>) semaphore(%arg13 : memref<!tpu.dma_semaphore, #tpu.memory_space<semaphore_mem>>)
      %dma_start3A_893 = arith.constant 6 : i32
      %dma_start3A_894 = arith.constant 0 : i32
      %dma_start3A_895 = arith.constant 0 : i32
      %dma_start3A_896 = tpu.memref_slice %arg8[%rem3A_577, %dma_start3A_894, %dma_start3A_895] : memref<2x10x100xi32, #tpu.memory_space<vmem>> -> memref<1x10x100xi32, #tpu.memory_space<vmem>>
      %dma_start3A_897 = tpu.memref_squeeze %dma_start3A_896 : memref<1x10x100xi32, #tpu.memory_space<vmem>> -> memref<10x100xi32, #tpu.memory_space<vmem>>
      %dma_start3A_898 = arith.constant 0 : i32
      %dma_start3A_899 = tpu.memref_slice %dma_start3A_897[%dma_start3A_893, %dma_start3A_898] : memref<10x100xi32, #tpu.memory_space<vmem>> -> memref<1x100xi32, #tpu.memory_space<vmem>>
      %dma_start3A_900 = tpu.memref_squeeze %dma_start3A_899 : memref<1x100xi32, #tpu.memory_space<vmem>> -> memref<100xi32, #tpu.memory_space<vmem>>
      %dma_start3A_901 = arith.constant 0 : i32
      %dma_start3A_902 = arith.constant 0 : i32
      %dma_start3A_903 = tpu.memref_slice %arg12[%dma_start3A_901, %dma_start3A_902] : memref<10000x128xf32, #tpu.memory_space<vmem_shared>> -> memref<10000x128xf32, #tpu.memory_space<vmem_shared>>
      tpu.enqueue_indirect_dma source(%arg9 : memref<100x128xf32, #tpu.memory_space<vmem>>) target(%dma_start3A_903 : memref<10000x128xf32, #tpu.memory_space<vmem_shared>>) offsets(%dma_start3A_900 : memref<100xi32, #tpu.memory_space<vmem>>) semaphore(%arg14 : memref<!tpu.dma_semaphore, #tpu.memory_space<semaphore_mem>>) {add = true}
      %dma_wait3A_904 = arith.constant 7 : i32
      %dma_wait3A_905 = arith.constant 0 : i32
      %dma_wait3A_906 = arith.constant 0 : i32
      %dma_wait3A_907 = tpu.memref_slice %arg7[%rem3A_577, %dma_wait3A_905, %dma_wait3A_906] : memref<2x10x100xi32, #tpu.memory_space<vmem>> -> memref<1x10x100xi32, #tpu.memory_space<vmem>>
      %dma_wait3A_908 = tpu.memref_squeeze %dma_wait3A_907 : memref<1x10x100xi32, #tpu.memory_space<vmem>> -> memref<10x100xi32, #tpu.memory_space<vmem>>
      %dma_wait3A_909 = arith.constant 0 : i32
      %dma_wait3A_910 = tpu.memref_slice %dma_wait3A_908[%dma_wait3A_904, %dma_wait3A_909] : memref<10x100xi32, #tpu.memory_space<vmem>> -> memref<1x100xi32, #tpu.memory_space<vmem>>
      %dma_wait3A_911 = tpu.memref_squeeze %dma_wait3A_910 : memref<1x100xi32, #tpu.memory_space<vmem>> -> memref<100xi32, #tpu.memory_space<vmem>>
      %dma_wait3A_912 = arith.constant 0 : i32
      %dma_wait3A_913 = arith.constant 0 : i32
      %dma_wait3A_914 = tpu.memref_slice %arg2[%dma_wait3A_912, %dma_wait3A_913] : memref<10000x128xf32, #tpu.memory_space<hbm>> -> memref<10000x128xf32, #tpu.memory_space<hbm>>
      tpu.wait_indirect_dma semaphore(%arg13 : memref<!tpu.dma_semaphore, #tpu.memory_space<semaphore_mem>>) src(%dma_wait3A_914 : memref<10000x128xf32, #tpu.memory_space<hbm>>) dst(%arg10 : memref<100x128xf32, #tpu.memory_space<vmem>>)
      %dma_wait3A_915 = arith.constant 6 : i32
      %dma_wait3A_916 = arith.constant 0 : i32
      %dma_wait3A_917 = arith.constant 0 : i32
      %dma_wait3A_918 = tpu.memref_slice %arg8[%rem3A_577, %dma_wait3A_916, %dma_wait3A_917] : memref<2x10x100xi32, #tpu.memory_space<vmem>> -> memref<1x10x100xi32, #tpu.memory_space<vmem>>
      %dma_wait3A_919 = tpu.memref_squeeze %dma_wait3A_918 : memref<1x10x100xi32, #tpu.memory_space<vmem>> -> memref<10x100xi32, #tpu.memory_space<vmem>>
      %dma_wait3A_920 = arith.constant 0 : i32
      %dma_wait3A_921 = tpu.memref_slice %dma_wait3A_919[%dma_wait3A_915, %dma_wait3A_920] : memref<10x100xi32, #tpu.memory_space<vmem>> -> memref<1x100xi32, #tpu.memory_space<vmem>>
      %dma_wait3A_922 = tpu.memref_squeeze %dma_wait3A_921 : memref<1x100xi32, #tpu.memory_space<vmem>> -> memref<100xi32, #tpu.memory_space<vmem>>
      %dma_wait3A_923 = arith.constant 0 : i32
      %dma_wait3A_924 = arith.constant 0 : i32
      %dma_wait3A_925 = tpu.memref_slice %arg12[%dma_wait3A_923, %dma_wait3A_924] : memref<10000x128xf32, #tpu.memory_space<vmem_shared>> -> memref<10000x128xf32, #tpu.memory_space<vmem_shared>>
      tpu.wait_indirect_dma semaphore(%arg14 : memref<!tpu.dma_semaphore, #tpu.memory_space<semaphore_mem>>) src(%arg9 : memref<100x128xf32, #tpu.memory_space<vmem>>) dst(%dma_wait3A_925 : memref<10000x128xf32, #tpu.memory_space<vmem_shared>>)
      %dma_start3A_926 = arith.constant 9 : i32
      %dma_start3A_927 = arith.constant 0 : i32
      %dma_start3A_928 = arith.constant 0 : i32
      %dma_start3A_929 = tpu.memref_slice %arg7[%rem3A_577, %dma_start3A_927, %dma_start3A_928] : memref<2x10x100xi32, #tpu.memory_space<vmem>> -> memref<1x10x100xi32, #tpu.memory_space<vmem>>
      %dma_start3A_930 = tpu.memref_squeeze %dma_start3A_929 : memref<1x10x100xi32, #tpu.memory_space<vmem>> -> memref<10x100xi32, #tpu.memory_space<vmem>>
      %dma_start3A_931 = arith.constant 0 : i32
      %dma_start3A_932 = tpu.memref_slice %dma_start3A_930[%dma_start3A_926, %dma_start3A_931] : memref<10x100xi32, #tpu.memory_space<vmem>> -> memref<1x100xi32, #tpu.memory_space<vmem>>
      %dma_start3A_933 = tpu.memref_squeeze %dma_start3A_932 : memref<1x100xi32, #tpu.memory_space<vmem>> -> memref<100xi32, #tpu.memory_space<vmem>>
      %dma_start3A_934 = arith.constant 0 : i32
      %dma_start3A_935 = arith.constant 0 : i32
      %dma_start3A_936 = tpu.memref_slice %arg2[%dma_start3A_934, %dma_start3A_935] : memref<10000x128xf32, #tpu.memory_space<hbm>> -> memref<10000x128xf32, #tpu.memory_space<hbm>>
      tpu.enqueue_indirect_dma source(%dma_start3A_936 : memref<10000x128xf32, #tpu.memory_space<hbm>>) target(%arg9 : memref<100x128xf32, #tpu.memory_space<vmem>>) offsets(%dma_start3A_933 : memref<100xi32, #tpu.memory_space<vmem>>) semaphore(%arg13 : memref<!tpu.dma_semaphore, #tpu.memory_space<semaphore_mem>>)
      %dma_start3A_937 = arith.constant 7 : i32
      %dma_start3A_938 = arith.constant 0 : i32
      %dma_start3A_939 = arith.constant 0 : i32
      %dma_start3A_940 = tpu.memref_slice %arg8[%rem3A_577, %dma_start3A_938, %dma_start3A_939] : memref<2x10x100xi32, #tpu.memory_space<vmem>> -> memref<1x10x100xi32, #tpu.memory_space<vmem>>
      %dma_start3A_941 = tpu.memref_squeeze %dma_start3A_940 : memref<1x10x100xi32, #tpu.memory_space<vmem>> -> memref<10x100xi32, #tpu.memory_space<vmem>>
      %dma_start3A_942 = arith.constant 0 : i32
      %dma_start3A_943 = tpu.memref_slice %dma_start3A_941[%dma_start3A_937, %dma_start3A_942] : memref<10x100xi32, #tpu.memory_space<vmem>> -> memref<1x100xi32, #tpu.memory_space<vmem>>
      %dma_start3A_944 = tpu.memref_squeeze %dma_start3A_943 : memref<1x100xi32, #tpu.memory_space<vmem>> -> memref<100xi32, #tpu.memory_space<vmem>>
      %dma_start3A_945 = arith.constant 0 : i32
      %dma_start3A_946 = arith.constant 0 : i32
      %dma_start3A_947 = tpu.memref_slice %arg12[%dma_start3A_945, %dma_start3A_946] : memref<10000x128xf32, #tpu.memory_space<vmem_shared>> -> memref<10000x128xf32, #tpu.memory_space<vmem_shared>>
      tpu.enqueue_indirect_dma source(%arg10 : memref<100x128xf32, #tpu.memory_space<vmem>>) target(%dma_start3A_947 : memref<10000x128xf32, #tpu.memory_space<vmem_shared>>) offsets(%dma_start3A_944 : memref<100xi32, #tpu.memory_space<vmem>>) semaphore(%arg14 : memref<!tpu.dma_semaphore, #tpu.memory_space<semaphore_mem>>) {add = true}
      %dma_wait3A_948 = arith.constant 8 : i32
      %dma_wait3A_949 = arith.constant 0 : i32
      %dma_wait3A_950 = arith.constant 0 : i32
      %dma_wait3A_951 = tpu.memref_slice %arg7[%rem3A_577, %dma_wait3A_949, %dma_wait3A_950] : memref<2x10x100xi32, #tpu.memory_space<vmem>> -> memref<1x10x100xi32, #tpu.memory_space<vmem>>
      %dma_wait3A_952 = tpu.memref_squeeze %dma_wait3A_951 : memref<1x10x100xi32, #tpu.memory_space<vmem>> -> memref<10x100xi32, #tpu.memory_space<vmem>>
      %dma_wait3A_953 = arith.constant 0 : i32
      %dma_wait3A_954 = tpu.memref_slice %dma_wait3A_952[%dma_wait3A_948, %dma_wait3A_953] : memref<10x100xi32, #tpu.memory_space<vmem>> -> memref<1x100xi32, #tpu.memory_space<vmem>>
      %dma_wait3A_955 = tpu.memref_squeeze %dma_wait3A_954 : memref<1x100xi32, #tpu.memory_space<vmem>> -> memref<100xi32, #tpu.memory_space<vmem>>
      %dma_wait3A_956 = arith.constant 0 : i32
      %dma_wait3A_957 = arith.constant 0 : i32
      %dma_wait3A_958 = tpu.memref_slice %arg2[%dma_wait3A_956, %dma_wait3A_957] : memref<10000x128xf32, #tpu.memory_space<hbm>> -> memref<10000x128xf32, #tpu.memory_space<hbm>>
      tpu.wait_indirect_dma semaphore(%arg13 : memref<!tpu.dma_semaphore, #tpu.memory_space<semaphore_mem>>) src(%dma_wait3A_958 : memref<10000x128xf32, #tpu.memory_space<hbm>>) dst(%arg11 : memref<100x128xf32, #tpu.memory_space<vmem>>)
      %dma_wait3A_959 = arith.constant 7 : i32
      %dma_wait3A_960 = arith.constant 0 : i32
      %dma_wait3A_961 = arith.constant 0 : i32
      %dma_wait3A_962 = tpu.memref_slice %arg8[%rem3A_577, %dma_wait3A_960, %dma_wait3A_961] : memref<2x10x100xi32, #tpu.memory_space<vmem>> -> memref<1x10x100xi32, #tpu.memory_space<vmem>>
      %dma_wait3A_963 = tpu.memref_squeeze %dma_wait3A_962 : memref<1x10x100xi32, #tpu.memory_space<vmem>> -> memref<10x100xi32, #tpu.memory_space<vmem>>
      %dma_wait3A_964 = arith.constant 0 : i32
      %dma_wait3A_965 = tpu.memref_slice %dma_wait3A_963[%dma_wait3A_959, %dma_wait3A_964] : memref<10x100xi32, #tpu.memory_space<vmem>> -> memref<1x100xi32, #tpu.memory_space<vmem>>
      %dma_wait3A_966 = tpu.memref_squeeze %dma_wait3A_965 : memref<1x100xi32, #tpu.memory_space<vmem>> -> memref<100xi32, #tpu.memory_space<vmem>>
      %dma_wait3A_967 = arith.constant 0 : i32
      %dma_wait3A_968 = arith.constant 0 : i32
      %dma_wait3A_969 = tpu.memref_slice %arg12[%dma_wait3A_967, %dma_wait3A_968] : memref<10000x128xf32, #tpu.memory_space<vmem_shared>> -> memref<10000x128xf32, #tpu.memory_space<vmem_shared>>
      tpu.wait_indirect_dma semaphore(%arg14 : memref<!tpu.dma_semaphore, #tpu.memory_space<semaphore_mem>>) src(%arg10 : memref<100x128xf32, #tpu.memory_space<vmem>>) dst(%dma_wait3A_969 : memref<10000x128xf32, #tpu.memory_space<vmem_shared>>)
      %dma_start3A_970 = arith.constant 8 : i32
      %dma_start3A_971 = arith.constant 0 : i32
      %dma_start3A_972 = arith.constant 0 : i32
      %dma_start3A_973 = tpu.memref_slice %arg8[%rem3A_577, %dma_start3A_971, %dma_start3A_972] : memref<2x10x100xi32, #tpu.memory_space<vmem>> -> memref<1x10x100xi32, #tpu.memory_space<vmem>>
      %dma_start3A_974 = tpu.memref_squeeze %dma_start3A_973 : memref<1x10x100xi32, #tpu.memory_space<vmem>> -> memref<10x100xi32, #tpu.memory_space<vmem>>
      %dma_start3A_975 = arith.constant 0 : i32
      %dma_start3A_976 = tpu.memref_slice %dma_start3A_974[%dma_start3A_970, %dma_start3A_975] : memref<10x100xi32, #tpu.memory_space<vmem>> -> memref<1x100xi32, #tpu.memory_space<vmem>>
      %dma_start3A_977 = tpu.memref_squeeze %dma_start3A_976 : memref<1x100xi32, #tpu.memory_space<vmem>> -> memref<100xi32, #tpu.memory_space<vmem>>
      %dma_start3A_978 = arith.constant 0 : i32
      %dma_start3A_979 = arith.constant 0 : i32
      %dma_start3A_980 = tpu.memref_slice %arg12[%dma_start3A_978, %dma_start3A_979] : memref<10000x128xf32, #tpu.memory_space<vmem_shared>> -> memref<10000x128xf32, #tpu.memory_space<vmem_shared>>
      tpu.enqueue_indirect_dma source(%arg11 : memref<100x128xf32, #tpu.memory_space<vmem>>) target(%dma_start3A_980 : memref<10000x128xf32, #tpu.memory_space<vmem_shared>>) offsets(%dma_start3A_977 : memref<100xi32, #tpu.memory_space<vmem>>) semaphore(%arg14 : memref<!tpu.dma_semaphore, #tpu.memory_space<semaphore_mem>>) {add = true}
      %dma_wait3A_981 = arith.constant 9 : i32
      %dma_wait3A_982 = arith.constant 0 : i32
      %dma_wait3A_983 = arith.constant 0 : i32
      %dma_wait3A_984 = tpu.memref_slice %arg7[%rem3A_577, %dma_wait3A_982, %dma_wait3A_983] : memref<2x10x100xi32, #tpu.memory_space<vmem>> -> memref<1x10x100xi32, #tpu.memory_space<vmem>>
      %dma_wait3A_985 = tpu.memref_squeeze %dma_wait3A_984 : memref<1x10x100xi32, #tpu.memory_space<vmem>> -> memref<10x100xi32, #tpu.memory_space<vmem>>
      %dma_wait3A_986 = arith.constant 0 : i32
      %dma_wait3A_987 = tpu.memref_slice %dma_wait3A_985[%dma_wait3A_981, %dma_wait3A_986] : memref<10x100xi32, #tpu.memory_space<vmem>> -> memref<1x100xi32, #tpu.memory_space<vmem>>
      %dma_wait3A_988 = tpu.memref_squeeze %dma_wait3A_987 : memref<1x100xi32, #tpu.memory_space<vmem>> -> memref<100xi32, #tpu.memory_space<vmem>>
      %dma_wait3A_989 = arith.constant 0 : i32
      %dma_wait3A_990 = arith.constant 0 : i32
      %dma_wait3A_991 = tpu.memref_slice %arg2[%dma_wait3A_989, %dma_wait3A_990] : memref<10000x128xf32, #tpu.memory_space<hbm>> -> memref<10000x128xf32, #tpu.memory_space<hbm>>
      tpu.wait_indirect_dma semaphore(%arg13 : memref<!tpu.dma_semaphore, #tpu.memory_space<semaphore_mem>>) src(%dma_wait3A_991 : memref<10000x128xf32, #tpu.memory_space<hbm>>) dst(%arg9 : memref<100x128xf32, #tpu.memory_space<vmem>>)
      %dma_wait3A_992 = arith.constant 8 : i32
      %dma_wait3A_993 = arith.constant 0 : i32
      %dma_wait3A_994 = arith.constant 0 : i32
      %dma_wait3A_995 = tpu.memref_slice %arg8[%rem3A_577, %dma_wait3A_993, %dma_wait3A_994] : memref<2x10x100xi32, #tpu.memory_space<vmem>> -> memref<1x10x100xi32, #tpu.memory_space<vmem>>
      %dma_wait3A_996 = tpu.memref_squeeze %dma_wait3A_995 : memref<1x10x100xi32, #tpu.memory_space<vmem>> -> memref<10x100xi32, #tpu.memory_space<vmem>>
      %dma_wait3A_997 = arith.constant 0 : i32
      %dma_wait3A_998 = tpu.memref_slice %dma_wait3A_996[%dma_wait3A_992, %dma_wait3A_997] : memref<10x100xi32, #tpu.memory_space<vmem>> -> memref<1x100xi32, #tpu.memory_space<vmem>>
      %dma_wait3A_999 = tpu.memref_squeeze %dma_wait3A_998 : memref<1x100xi32, #tpu.memory_space<vmem>> -> memref<100xi32, #tpu.memory_space<vmem>>
      %dma_wait3A_1000 = arith.constant 0 : i32
      %dma_wait3A_1001 = arith.constant 0 : i32
      %dma_wait3A_1002 = tpu.memref_slice %arg12[%dma_wait3A_1000, %dma_wait3A_1001] : memref<10000x128xf32, #tpu.memory_space<vmem_shared>> -> memref<10000x128xf32, #tpu.memory_space<vmem_shared>>
      tpu.wait_indirect_dma semaphore(%arg14 : memref<!tpu.dma_semaphore, #tpu.memory_space<semaphore_mem>>) src(%arg11 : memref<100x128xf32, #tpu.memory_space<vmem>>) dst(%dma_wait3A_1002 : memref<10000x128xf32, #tpu.memory_space<vmem_shared>>)
      %dma_start3A_1003 = arith.constant 9 : i32
      %dma_start3A_1004 = arith.constant 0 : i32
      %dma_start3A_1005 = arith.constant 0 : i32
      %dma_start3A_1006 = tpu.memref_slice %arg8[%rem3A_577, %dma_start3A_1004, %dma_start3A_1005] : memref<2x10x100xi32, #tpu.memory_space<vmem>> -> memref<1x10x100xi32, #tpu.memory_space<vmem>>
      %dma_start3A_1007 = tpu.memref_squeeze %dma_start3A_1006 : memref<1x10x100xi32, #tpu.memory_space<vmem>> -> memref<10x100xi32, #tpu.memory_space<vmem>>
      %dma_start3A_1008 = arith.constant 0 : i32
      %dma_start3A_1009 = tpu.memref_slice %dma_start3A_1007[%dma_start3A_1003, %dma_start3A_1008] : memref<10x100xi32, #tpu.memory_space<vmem>> -> memref<1x100xi32, #tpu.memory_space<vmem>>
      %dma_start3A_1010 = tpu.memref_squeeze %dma_start3A_1009 : memref<1x100xi32, #tpu.memory_space<vmem>> -> memref<100xi32, #tpu.memory_space<vmem>>
      %dma_start3A_1011 = arith.constant 0 : i32
      %dma_start3A_1012 = arith.constant 0 : i32
      %dma_start3A_1013 = tpu.memref_slice %arg12[%dma_start3A_1011, %dma_start3A_1012] : memref<10000x128xf32, #tpu.memory_space<vmem_shared>> -> memref<10000x128xf32, #tpu.memory_space<vmem_shared>>
      tpu.enqueue_indirect_dma source(%arg9 : memref<100x128xf32, #tpu.memory_space<vmem>>) target(%dma_start3A_1013 : memref<10000x128xf32, #tpu.memory_space<vmem_shared>>) offsets(%dma_start3A_1010 : memref<100xi32, #tpu.memory_space<vmem>>) semaphore(%arg14 : memref<!tpu.dma_semaphore, #tpu.memory_space<semaphore_mem>>) {add = true}
      %dma_wait3A_1014 = arith.constant 9 : i32
      %dma_wait3A_1015 = arith.constant 0 : i32
      %dma_wait3A_1016 = arith.constant 0 : i32
      %dma_wait3A_1017 = tpu.memref_slice %arg8[%rem3A_577, %dma_wait3A_1015, %dma_wait3A_1016] : memref<2x10x100xi32, #tpu.memory_space<vmem>> -> memref<1x10x100xi32, #tpu.memory_space<vmem>>
      %dma_wait3A_1018 = tpu.memref_squeeze %dma_wait3A_1017 : memref<1x10x100xi32, #tpu.memory_space<vmem>> -> memref<10x100xi32, #tpu.memory_space<vmem>>
      %dma_wait3A_1019 = arith.constant 0 : i32
      %dma_wait3A_1020 = tpu.memref_slice %dma_wait3A_1018[%dma_wait3A_1014, %dma_wait3A_1019] : memref<10x100xi32, #tpu.memory_space<vmem>> -> memref<1x100xi32, #tpu.memory_space<vmem>>
      %dma_wait3A_1021 = tpu.memref_squeeze %dma_wait3A_1020 : memref<1x100xi32, #tpu.memory_space<vmem>> -> memref<100xi32, #tpu.memory_space<vmem>>
      %dma_wait3A_1022 = arith.constant 0 : i32
      %dma_wait3A_1023 = arith.constant 0 : i32
      %dma_wait3A_1024 = tpu.memref_slice %arg12[%dma_wait3A_1022, %dma_wait3A_1023] : memref<10000x128xf32, #tpu.memory_space<vmem_shared>> -> memref<10000x128xf32, #tpu.memory_space<vmem_shared>>
      tpu.wait_indirect_dma semaphore(%arg14 : memref<!tpu.dma_semaphore, #tpu.memory_space<semaphore_mem>>) src(%arg9 : memref<100x128xf32, #tpu.memory_space<vmem>>) dst(%dma_wait3A_1024 : memref<10000x128xf32, #tpu.memory_space<vmem_shared>>)
      %add3A_1025 = arith.constant 1 : i32
      %add3A_1026 = arith.addi %scan3A_576, %add3A_1025 : i32
      %lt3A_1027 = arith.constant 10 : i32
      %lt3A_1028 = arith.cmpi slt, %add3A_1026, %lt3A_1027 : i32
      %convert_element_type3A_1029 = arith.extui %lt3A_1028 : i1 to i32
      %cond3A_1030 = arith.constant 0 : i32
      %cond3A_1031 = arith.cmpi ne, %convert_element_type3A_1029, %cond3A_1030 : i32
      scf.if %cond3A_1031 {
        %add3A_1032 = arith.constant 1 : i32
        %add3A_1033 = arith.addi %scan3A_576, %add3A_1032 : i32
        %sub3A = arith.constant 1 : i32
        %sub3A_1034 = arith.subi %sub3A, %rem3A_577 : i32
        %dma_wait3A_1035 = arith.constant 0 : i32
        %dma_wait3A_1036 = arith.constant 0 : i32
        %dma_wait3A_1037 = tpu.memref_slice %arg7[%sub3A_1034, %dma_wait3A_1035, %dma_wait3A_1036] : memref<2x10x100xi32, #tpu.memory_space<vmem>> -> memref<1x10x100xi32, #tpu.memory_space<vmem>>
        %dma_wait3A_1038 = tpu.memref_squeeze %dma_wait3A_1037 : memref<1x10x100xi32, #tpu.memory_space<vmem>> -> memref<10x100xi32, #tpu.memory_space<vmem>>
        %dma_wait3A_1039 = arith.constant 0 : i32
        %dma_wait3A_1040 = arith.constant 0 : i32
        %dma_wait3A_1041 = tpu.memref_slice %arg3[%add3A, %add3A_1033, %dma_wait3A_1039, %dma_wait3A_1040] : memref<32x10x10x100xi32, #tpu.memory_space<hbm>> -> memref<1x1x10x100xi32, #tpu.memory_space<hbm>>
        %dma_wait3A_1042 = tpu.memref_squeeze %dma_wait3A_1041 : memref<1x1x10x100xi32, #tpu.memory_space<hbm>> -> memref<10x100xi32, #tpu.memory_space<hbm>>
        %dma_wait3A_1043 = arith.constant 0 : i32
        %dma_wait3A_1044 = arith.constant 0 : i32
        %dma_wait3A_1045 = tpu.memref_slice %arg7[%sub3A_1034, %dma_wait3A_1043, %dma_wait3A_1044] : memref<2x10x100xi32, #tpu.memory_space<vmem>> -> memref<1x10x100xi32, #tpu.memory_space<vmem>>
        %dma_wait3A_1046 = tpu.memref_squeeze %dma_wait3A_1045 : memref<1x10x100xi32, #tpu.memory_space<vmem>> -> memref<10x100xi32, #tpu.memory_space<vmem>>
        %dma_wait3A_1047 = arith.constant 0 : i32
        %dma_wait3A_1048 = arith.constant 0 : i32
        %dma_wait3A_1049 = tpu.memref_slice %arg3[%add3A, %add3A_1033, %dma_wait3A_1047, %dma_wait3A_1048] : memref<32x10x10x100xi32, #tpu.memory_space<hbm>> -> memref<1x1x10x100xi32, #tpu.memory_space<hbm>>
        %dma_wait3A_1050 = tpu.memref_squeeze %dma_wait3A_1049 : memref<1x1x10x100xi32, #tpu.memory_space<hbm>> -> memref<10x100xi32, #tpu.memory_space<hbm>>
        tpu.wait_dma2 semaphore(%arg15 : memref<!tpu.dma_semaphore, #tpu.memory_space<semaphore_mem>>) src(%dma_wait3A_1050 : memref<10x100xi32, #tpu.memory_space<hbm>>) dst(%dma_wait3A_1046 : memref<10x100xi32, #tpu.memory_space<vmem>>)
        %dma_wait3A_1051 = arith.constant 0 : i32
        %dma_wait3A_1052 = arith.constant 0 : i32
        %dma_wait3A_1053 = tpu.memref_slice %arg8[%sub3A_1034, %dma_wait3A_1051, %dma_wait3A_1052] : memref<2x10x100xi32, #tpu.memory_space<vmem>> -> memref<1x10x100xi32, #tpu.memory_space<vmem>>
        %dma_wait3A_1054 = tpu.memref_squeeze %dma_wait3A_1053 : memref<1x10x100xi32, #tpu.memory_space<vmem>> -> memref<10x100xi32, #tpu.memory_space<vmem>>
        %dma_wait3A_1055 = arith.constant 0 : i32
        %dma_wait3A_1056 = arith.constant 0 : i32
        %dma_wait3A_1057 = tpu.memref_slice %arg4[%add3A, %add3A_1033, %dma_wait3A_1055, %dma_wait3A_1056] : memref<32x10x10x100xi32, #tpu.memory_space<hbm>> -> memref<1x1x10x100xi32, #tpu.memory_space<hbm>>
        %dma_wait3A_1058 = tpu.memref_squeeze %dma_wait3A_1057 : memref<1x1x10x100xi32, #tpu.memory_space<hbm>> -> memref<10x100xi32, #tpu.memory_space<hbm>>
        %dma_wait3A_1059 = arith.constant 0 : i32
        %dma_wait3A_1060 = arith.constant 0 : i32
        %dma_wait3A_1061 = tpu.memref_slice %arg8[%sub3A_1034, %dma_wait3A_1059, %dma_wait3A_1060] : memref<2x10x100xi32, #tpu.memory_space<vmem>> -> memref<1x10x100xi32, #tpu.memory_space<vmem>>
        %dma_wait3A_1062 = tpu.memref_squeeze %dma_wait3A_1061 : memref<1x10x100xi32, #tpu.memory_space<vmem>> -> memref<10x100xi32, #tpu.memory_space<vmem>>
        %dma_wait3A_1063 = arith.constant 0 : i32
        %dma_wait3A_1064 = arith.constant 0 : i32
        %dma_wait3A_1065 = tpu.memref_slice %arg4[%add3A, %add3A_1033, %dma_wait3A_1063, %dma_wait3A_1064] : memref<32x10x10x100xi32, #tpu.memory_space<hbm>> -> memref<1x1x10x100xi32, #tpu.memory_space<hbm>>
        %dma_wait3A_1066 = tpu.memref_squeeze %dma_wait3A_1065 : memref<1x1x10x100xi32, #tpu.memory_space<hbm>> -> memref<10x100xi32, #tpu.memory_space<hbm>>
        tpu.wait_dma2 semaphore(%arg15 : memref<!tpu.dma_semaphore, #tpu.memory_space<semaphore_mem>>) src(%dma_wait3A_1066 : memref<10x100xi32, #tpu.memory_space<hbm>>) dst(%dma_wait3A_1062 : memref<10x100xi32, #tpu.memory_space<vmem>>)
      } else {
      }
    }
    %scan3A_564 = arith.constant 9 : i32
    %barrier3A_565 = arith.constant 0 : index
    tpu.barrier barrier_id(%barrier3A_565)
    %lt3A_566 = arith.constant 15 : i32
    %lt3A_567 = arith.cmpi slt, %arg1, %lt3A_566 : i32
    %convert_element_type3A_568 = arith.extui %lt3A_567 : i1 to i32
    %cond3A_569 = arith.constant 0 : i32
    %cond3A_570 = arith.cmpi ne, %convert_element_type3A_568, %cond3A_569 : i32
    scf.if %cond3A_570 {
      %mul3A_576 = arith.constant 632 : i32
      %mul3A_577 = arith.muli %arg1, %mul3A_576 : i32
      %mul3A_578 = arith.constant 632 : i32
      %mul3A_579 = arith.muli %arg1, %mul3A_578 : i32
      "tpu.region"() ({
        %run_scoped3A_580 = tpu.sem_alloc : memref<!tpu.dma_semaphore, #tpu.memory_space<semaphore_mem>>
        %dma_start3A_581 = arith.constant 0 : i32
        %dma_start3A_582 = tpu.memref_slice %arg6[%arg0, %mul3A_579, %dma_start3A_581] : memref<2x10000x128xf32, #tpu.memory_space<hbm>> -> memref<1x632x128xf32, #tpu.memory_space<hbm>>
        %dma_start3A_583 = tpu.memref_squeeze %dma_start3A_582 : memref<1x632x128xf32, #tpu.memory_space<hbm>> -> memref<632x128xf32, #tpu.memory_space<hbm>>
        %dma_start3A_584 = arith.constant 0 : i32
        %dma_start3A_585 = tpu.memref_slice %arg12[%mul3A_577, %dma_start3A_584] : memref<10000x128xf32, #tpu.memory_space<vmem_shared>> -> memref<632x128xf32, #tpu.memory_space<vmem_shared>>
        tpu.enqueue_dma source(%dma_start3A_585 : memref<632x128xf32, #tpu.memory_space<vmem_shared>>) target(%dma_start3A_583 : memref<632x128xf32, #tpu.memory_space<hbm>>) target_semaphore(%run_scoped3A_580 : memref<!tpu.dma_semaphore, #tpu.memory_space<semaphore_mem>>)
        %dma_wait3A_586 = arith.constant 0 : i32
        %dma_wait3A_587 = tpu.memref_slice %arg6[%arg0, %mul3A_579, %dma_wait3A_586] : memref<2x10000x128xf32, #tpu.memory_space<hbm>> -> memref<1x632x128xf32, #tpu.memory_space<hbm>>
        %dma_wait3A_588 = tpu.memref_squeeze %dma_wait3A_587 : memref<1x632x128xf32, #tpu.memory_space<hbm>> -> memref<632x128xf32, #tpu.memory_space<hbm>>
        %dma_wait3A_589 = arith.constant 0 : i32
        %dma_wait3A_590 = tpu.memref_slice %arg12[%mul3A_577, %dma_wait3A_589] : memref<10000x128xf32, #tpu.memory_space<vmem_shared>> -> memref<632x128xf32, #tpu.memory_space<vmem_shared>>
        tpu.wait_dma2 semaphore(%run_scoped3A_580 : memref<!tpu.dma_semaphore, #tpu.memory_space<semaphore_mem>>) src(%dma_wait3A_590 : memref<632x128xf32, #tpu.memory_space<vmem_shared>>) dst(%dma_wait3A_588 : memref<632x128xf32, #tpu.memory_space<hbm>>)
        tpu.yield
      }) : () -> ()
    } else {
    }
    %eq3A_571 = arith.constant 15 : i32
    %eq3A_572 = arith.cmpi eq, %arg1, %eq3A_571 : i32
    %convert_element_type3A_573 = arith.extui %eq3A_572 : i1 to i32
    %cond3A_574 = arith.constant 0 : i32
    %cond3A_575 = arith.cmpi ne, %convert_element_type3A_573, %cond3A_574 : i32
    scf.if %cond3A_575 {
      "tpu.region"() ({
        %run_scoped3A_576 = tpu.sem_alloc : memref<!tpu.dma_semaphore, #tpu.memory_space<semaphore_mem>>
        %dma_start3A_577 = arith.constant 9480 : i32
        %dma_start3A_578 = arith.constant 0 : i32
        %dma_start3A_579 = tpu.memref_slice %arg6[%arg0, %dma_start3A_577, %dma_start3A_578] : memref<2x10000x128xf32, #tpu.memory_space<hbm>> -> memref<1x520x128xf32, #tpu.memory_space<hbm>>
        %dma_start3A_580 = tpu.memref_squeeze %dma_start3A_579 : memref<1x520x128xf32, #tpu.memory_space<hbm>> -> memref<520x128xf32, #tpu.memory_space<hbm>>
        %dma_start3A_581 = arith.constant 9480 : i32
        %dma_start3A_582 = arith.constant 0 : i32
        %dma_start3A_583 = tpu.memref_slice %arg12[%dma_start3A_581, %dma_start3A_582] : memref<10000x128xf32, #tpu.memory_space<vmem_shared>> -> memref<520x128xf32, #tpu.memory_space<vmem_shared>>
        tpu.enqueue_dma source(%dma_start3A_583 : memref<520x128xf32, #tpu.memory_space<vmem_shared>>) target(%dma_start3A_580 : memref<520x128xf32, #tpu.memory_space<hbm>>) target_semaphore(%run_scoped3A_576 : memref<!tpu.dma_semaphore, #tpu.memory_space<semaphore_mem>>)
        %dma_wait3A_584 = arith.constant 9480 : i32
        %dma_wait3A_585 = arith.constant 0 : i32
        %dma_wait3A_586 = tpu.memref_slice %arg6[%arg0, %dma_wait3A_584, %dma_wait3A_585] : memref<2x10000x128xf32, #tpu.memory_space<hbm>> -> memref<1x520x128xf32, #tpu.memory_space<hbm>>
        %dma_wait3A_587 = tpu.memref_squeeze %dma_wait3A_586 : memref<1x520x128xf32, #tpu.memory_space<hbm>> -> memref<520x128xf32, #tpu.memory_space<hbm>>
        %dma_wait3A_588 = arith.constant 9480 : i32
        %dma_wait3A_589 = arith.constant 0 : i32
        %dma_wait3A_590 = tpu.memref_slice %arg12[%dma_wait3A_588, %dma_wait3A_589] : memref<10000x128xf32, #tpu.memory_space<vmem_shared>> -> memref<520x128xf32, #tpu.memory_space<vmem_shared>>
        tpu.wait_dma2 semaphore(%run_scoped3A_576 : memref<!tpu.dma_semaphore, #tpu.memory_space<semaphore_mem>>) src(%dma_wait3A_590 : memref<520x128xf32, #tpu.memory_space<vmem_shared>>) dst(%dma_wait3A_587 : memref<520x128xf32, #tpu.memory_space<hbm>>)
        tpu.yield
      }) : () -> ()
    } else {
    }
    return
  }
}

#map = affine_map<(d0, d1) -> (0, 0)>
#map1 = affine_map<(d0, d1) -> (0, 0, 0, 0)>
#map2 = affine_map<(d0, d1) -> (0, 0, 0)>
module attributes {stable_mosaic.version = 14 : i64} {
  func.func @segsum(%arg0: i32, %arg1: i32, %arg2: memref<10000x128xf32, #tpu.memory_space<hbm>>, %arg3: memref<32x10x10x100xi32, #tpu.memory_space<hbm>>, %arg4: memref<32x10x10x100xi32, #tpu.memory_space<hbm>>, %arg5: memref<632x128xf32, #tpu.memory_space<hbm>>, %arg6: memref<2x10000x128xf32, #tpu.memory_space<hbm>>, %arg7: memref<2x10x100xi32, #tpu.memory_space<vmem>>, %arg8: memref<2x10x100xi32, #tpu.memory_space<vmem>>, %arg9: memref<100x128xf32, #tpu.memory_space<vmem>>, %arg10: memref<100x128xf32, #tpu.memory_space<vmem>>, %arg11: memref<100x128xf32, #tpu.memory_space<vmem>>, %arg12: memref<10000x128xf32, #tpu.memory_space<vmem_shared>>, %arg13: memref<!tpu.dma_semaphore, #tpu.memory_space<semaphore_mem>>, %arg14: memref<!tpu.dma_semaphore, #tpu.memory_space<semaphore_mem>>, %arg15: memref<!tpu.dma_semaphore, #tpu.memory_space<semaphore_mem>>) attributes {dimension_semantics = [#tpu.dimension_semantics<core_parallel>, #tpu.dimension_semantics<subcore_parallel>], iteration_bounds = array<i64: 2, 16>, scalar_prefetch = 0 : i64, scratch_operands = 9 : i64, tpu.core_type = #tpu.core_type<sc_vector_subcore>, window_params = [{transform_indices = #map}, {transform_indices = #map1}, {transform_indices = #map1}, {transform_indices = #map}, {transform_indices = #map2}]} {
    %mul3A = arith.constant 2 : i32
    %mul3A_0 = arith.muli %arg1, %mul3A : i32
    %add3A = arith.addi %mul3A_0, %arg0 : i32
    %run_scoped3A = arith.constant 0 : i32
    %run_scoped3A_1 = arith.constant 0 : i32
    "tpu.region"() ({
      %run_scoped3A_576 = tpu.sem_alloc : memref<!tpu.dma_semaphore, #tpu.memory_space<semaphore_mem>>
      %dma_start3A_577 = arith.constant 0 : i32
      %dma_start3A_578 = arith.constant 0 : i32
      %dma_start3A_579 = tpu.memref_slice %arg7[%run_scoped3A_1, %dma_start3A_577, %dma_start3A_578] : memref<2x10x100xi32, #tpu.memory_space<vmem>> -> memref<1x10x100xi32, #tpu.memory_space<vmem>>
      %dma_start3A_580 = tpu.memref_squeeze %dma_start3A_579 : memref<1x10x100xi32, #tpu.memory_space<vmem>> -> memref<10x100xi32, #tpu.memory_space<vmem>>
      %dma_start3A_581 = arith.constant 0 : i32
      %dma_start3A_582 = arith.constant 0 : i32
      %dma_start3A_583 = tpu.memref_slice %arg3[%add3A, %run_scoped3A, %dma_start3A_581, %dma_start3A_582] : memref<32x10x10x100xi32, #tpu.memory_space<hbm>> -> memref<1x1x10x100xi32, #tpu.memory_space<hbm>>
      %dma_start3A_584 = tpu.memref_squeeze %dma_start3A_583 : memref<1x1x10x100xi32, #tpu.memory_space<hbm>> -> memref<10x100xi32, #tpu.memory_space<hbm>>
      %dma_start3A_585 = arith.constant 0 : i32
      %dma_start3A_586 = arith.constant 0 : i32
      %dma_start3A_587 = tpu.memref_slice %arg7[%run_scoped3A_1, %dma_start3A_585, %dma_start3A_586] : memref<2x10x100xi32, #tpu.memory_space<vmem>> -> memref<1x10x100xi32, #tpu.memory_space<vmem>>
      %dma_start3A_588 = tpu.memref_squeeze %dma_start3A_587 : memref<1x10x100xi32, #tpu.memory_space<vmem>> -> memref<10x100xi32, #tpu.memory_space<vmem>>
      %dma_start3A_589 = arith.constant 0 : i32
      %dma_start3A_590 = arith.constant 0 : i32
      %dma_start3A_591 = tpu.memref_slice %arg3[%add3A, %run_scoped3A, %dma_start3A_589, %dma_start3A_590] : memref<32x10x10x100xi32, #tpu.memory_space<hbm>> -> memref<1x1x10x100xi32, #tpu.memory_space<hbm>>
      %dma_start3A_592 = tpu.memref_squeeze %dma_start3A_591 : memref<1x1x10x100xi32, #tpu.memory_space<hbm>> -> memref<10x100xi32, #tpu.memory_space<hbm>>
      tpu.enqueue_dma source(%dma_start3A_592 : memref<10x100xi32, #tpu.memory_space<hbm>>) target(%dma_start3A_588 : memref<10x100xi32, #tpu.memory_space<vmem>>) target_semaphore(%run_scoped3A_576 : memref<!tpu.dma_semaphore, #tpu.memory_space<semaphore_mem>>)
      %dma_wait3A_593 = arith.constant 0 : i32
      %dma_wait3A_594 = arith.constant 0 : i32
      %dma_wait3A_595 = tpu.memref_slice %arg7[%run_scoped3A_1, %dma_wait3A_593, %dma_wait3A_594] : memref<2x10x100xi32, #tpu.memory_space<vmem>> -> memref<1x10x100xi32, #tpu.memory_space<vmem>>
      %dma_wait3A_596 = tpu.memref_squeeze %dma_wait3A_595 : memref<1x10x100xi32, #tpu.memory_space<vmem>> -> memref<10x100xi32, #tpu.memory_space<vmem>>
      %dma_wait3A_597 = arith.constant 0 : i32
      %dma_wait3A_598 = arith.constant 0 : i32
      %dma_wait3A_599 = tpu.memref_slice %arg3[%add3A, %run_scoped3A, %dma_wait3A_597, %dma_wait3A_598] : memref<32x10x10x100xi32, #tpu.memory_space<hbm>> -> memref<1x1x10x100xi32, #tpu.memory_space<hbm>>
      %dma_wait3A_600 = tpu.memref_squeeze %dma_wait3A_599 : memref<1x1x10x100xi32, #tpu.memory_space<hbm>> -> memref<10x100xi32, #tpu.memory_space<hbm>>
      %dma_wait3A_601 = arith.constant 0 : i32
      %dma_wait3A_602 = arith.constant 0 : i32
      %dma_wait3A_603 = tpu.memref_slice %arg7[%run_scoped3A_1, %dma_wait3A_601, %dma_wait3A_602] : memref<2x10x100xi32, #tpu.memory_space<vmem>> -> memref<1x10x100xi32, #tpu.memory_space<vmem>>
      %dma_wait3A_604 = tpu.memref_squeeze %dma_wait3A_603 : memref<1x10x100xi32, #tpu.memory_space<vmem>> -> memref<10x100xi32, #tpu.memory_space<vmem>>
      %dma_wait3A_605 = arith.constant 0 : i32
      %dma_wait3A_606 = arith.constant 0 : i32
      %dma_wait3A_607 = tpu.memref_slice %arg3[%add3A, %run_scoped3A, %dma_wait3A_605, %dma_wait3A_606] : memref<32x10x10x100xi32, #tpu.memory_space<hbm>> -> memref<1x1x10x100xi32, #tpu.memory_space<hbm>>
      %dma_wait3A_608 = tpu.memref_squeeze %dma_wait3A_607 : memref<1x1x10x100xi32, #tpu.memory_space<hbm>> -> memref<10x100xi32, #tpu.memory_space<hbm>>
      tpu.wait_dma2 semaphore(%run_scoped3A_576 : memref<!tpu.dma_semaphore, #tpu.memory_space<semaphore_mem>>) src(%dma_wait3A_608 : memref<10x100xi32, #tpu.memory_space<hbm>>) dst(%dma_wait3A_604 : memref<10x100xi32, #tpu.memory_space<vmem>>)
      tpu.yield
    }) : () -> ()
    %run_scoped3A_2 = arith.constant 0 : i32
    %run_scoped3A_3 = arith.constant 0 : i32
    "tpu.region"() ({
      %run_scoped3A_576 = tpu.sem_alloc : memref<!tpu.dma_semaphore, #tpu.memory_space<semaphore_mem>>
      %dma_start3A_577 = arith.constant 0 : i32
      %dma_start3A_578 = arith.constant 0 : i32
      %dma_start3A_579 = tpu.memref_slice %arg8[%run_scoped3A_3, %dma_start3A_577, %dma_start3A_578] : memref<2x10x100xi32, #tpu.memory_space<vmem>> -> memref<1x10x100xi32, #tpu.memory_space<vmem>>
      %dma_start3A_580 = tpu.memref_squeeze %dma_start3A_579 : memref<1x10x100xi32, #tpu.memory_space<vmem>> -> memref<10x100xi32, #tpu.memory_space<vmem>>
      %dma_start3A_581 = arith.constant 0 : i32
      %dma_start3A_582 = arith.constant 0 : i32
      %dma_start3A_583 = tpu.memref_slice %arg4[%add3A, %run_scoped3A_2, %dma_start3A_581, %dma_start3A_582] : memref<32x10x10x100xi32, #tpu.memory_space<hbm>> -> memref<1x1x10x100xi32, #tpu.memory_space<hbm>>
      %dma_start3A_584 = tpu.memref_squeeze %dma_start3A_583 : memref<1x1x10x100xi32, #tpu.memory_space<hbm>> -> memref<10x100xi32, #tpu.memory_space<hbm>>
      %dma_start3A_585 = arith.constant 0 : i32
      %dma_start3A_586 = arith.constant 0 : i32
      %dma_start3A_587 = tpu.memref_slice %arg8[%run_scoped3A_3, %dma_start3A_585, %dma_start3A_586] : memref<2x10x100xi32, #tpu.memory_space<vmem>> -> memref<1x10x100xi32, #tpu.memory_space<vmem>>
      %dma_start3A_588 = tpu.memref_squeeze %dma_start3A_587 : memref<1x10x100xi32, #tpu.memory_space<vmem>> -> memref<10x100xi32, #tpu.memory_space<vmem>>
      %dma_start3A_589 = arith.constant 0 : i32
      %dma_start3A_590 = arith.constant 0 : i32
      %dma_start3A_591 = tpu.memref_slice %arg4[%add3A, %run_scoped3A_2, %dma_start3A_589, %dma_start3A_590] : memref<32x10x10x100xi32, #tpu.memory_space<hbm>> -> memref<1x1x10x100xi32, #tpu.memory_space<hbm>>
      %dma_start3A_592 = tpu.memref_squeeze %dma_start3A_591 : memref<1x1x10x100xi32, #tpu.memory_space<hbm>> -> memref<10x100xi32, #tpu.memory_space<hbm>>
      tpu.enqueue_dma source(%dma_start3A_592 : memref<10x100xi32, #tpu.memory_space<hbm>>) target(%dma_start3A_588 : memref<10x100xi32, #tpu.memory_space<vmem>>) target_semaphore(%run_scoped3A_576 : memref<!tpu.dma_semaphore, #tpu.memory_space<semaphore_mem>>)
      %dma_wait3A_593 = arith.constant 0 : i32
      %dma_wait3A_594 = arith.constant 0 : i32
      %dma_wait3A_595 = tpu.memref_slice %arg8[%run_scoped3A_3, %dma_wait3A_593, %dma_wait3A_594] : memref<2x10x100xi32, #tpu.memory_space<vmem>> -> memref<1x10x100xi32, #tpu.memory_space<vmem>>
      %dma_wait3A_596 = tpu.memref_squeeze %dma_wait3A_595 : memref<1x10x100xi32, #tpu.memory_space<vmem>> -> memref<10x100xi32, #tpu.memory_space<vmem>>
      %dma_wait3A_597 = arith.constant 0 : i32
      %dma_wait3A_598 = arith.constant 0 : i32
      %dma_wait3A_599 = tpu.memref_slice %arg4[%add3A, %run_scoped3A_2, %dma_wait3A_597, %dma_wait3A_598] : memref<32x10x10x100xi32, #tpu.memory_space<hbm>> -> memref<1x1x10x100xi32, #tpu.memory_space<hbm>>
      %dma_wait3A_600 = tpu.memref_squeeze %dma_wait3A_599 : memref<1x1x10x100xi32, #tpu.memory_space<hbm>> -> memref<10x100xi32, #tpu.memory_space<hbm>>
      %dma_wait3A_601 = arith.constant 0 : i32
      %dma_wait3A_602 = arith.constant 0 : i32
      %dma_wait3A_603 = tpu.memref_slice %arg8[%run_scoped3A_3, %dma_wait3A_601, %dma_wait3A_602] : memref<2x10x100xi32, #tpu.memory_space<vmem>> -> memref<1x10x100xi32, #tpu.memory_space<vmem>>
      %dma_wait3A_604 = tpu.memref_squeeze %dma_wait3A_603 : memref<1x10x100xi32, #tpu.memory_space<vmem>> -> memref<10x100xi32, #tpu.memory_space<vmem>>
      %dma_wait3A_605 = arith.constant 0 : i32
      %dma_wait3A_606 = arith.constant 0 : i32
      %dma_wait3A_607 = tpu.memref_slice %arg4[%add3A, %run_scoped3A_2, %dma_wait3A_605, %dma_wait3A_606] : memref<32x10x10x100xi32, #tpu.memory_space<hbm>> -> memref<1x1x10x100xi32, #tpu.memory_space<hbm>>
      %dma_wait3A_608 = tpu.memref_squeeze %dma_wait3A_607 : memref<1x1x10x100xi32, #tpu.memory_space<hbm>> -> memref<10x100xi32, #tpu.memory_space<hbm>>
      tpu.wait_dma2 semaphore(%run_scoped3A_576 : memref<!tpu.dma_semaphore, #tpu.memory_space<semaphore_mem>>) src(%dma_wait3A_608 : memref<10x100xi32, #tpu.memory_space<hbm>>) dst(%dma_wait3A_604 : memref<10x100xi32, #tpu.memory_space<vmem>>)
      tpu.yield
    }) : () -> ()
    %dma_start3A = arith.constant 0 : i32
    %dma_start3A_4 = arith.constant 0 : i32
    %dma_start3A_5 = arith.constant 0 : i32
    %dma_start3A_6 = arith.constant 0 : i32
    %dma_start3A_7 = tpu.memref_slice %arg7[%dma_start3A, %dma_start3A_5, %dma_start3A_6] : memref<2x10x100xi32, #tpu.memory_space<vmem>> -> memref<1x10x100xi32, #tpu.memory_space<vmem>>
    %dma_start3A_8 = tpu.memref_squeeze %dma_start3A_7 : memref<1x10x100xi32, #tpu.memory_space<vmem>> -> memref<10x100xi32, #tpu.memory_space<vmem>>
    %dma_start3A_9 = arith.constant 0 : i32
    %dma_start3A_10 = tpu.memref_slice %dma_start3A_8[%dma_start3A_4, %dma_start3A_9] : memref<10x100xi32, #tpu.memory_space<vmem>> -> memref<1x100xi32, #tpu.memory_space<vmem>>
    %dma_start3A_11 = tpu.memref_squeeze %dma_start3A_10 : memref<1x100xi32, #tpu.memory_space<vmem>> -> memref<100xi32, #tpu.memory_space<vmem>>
    %dma_start3A_12 = arith.constant 0 : i32
    %dma_start3A_13 = arith.constant 0 : i32
    %dma_start3A_14 = tpu.memref_slice %arg2[%dma_start3A_12, %dma_start3A_13] : memref<10000x128xf32, #tpu.memory_space<hbm>> -> memref<10000x128xf32, #tpu.memory_space<hbm>>
    tpu.enqueue_indirect_dma source(%dma_start3A_14 : memref<10000x128xf32, #tpu.memory_space<hbm>>) target(%arg9 : memref<100x128xf32, #tpu.memory_space<vmem>>) offsets(%dma_start3A_11 : memref<100xi32, #tpu.memory_space<vmem>>) semaphore(%arg13 : memref<!tpu.dma_semaphore, #tpu.memory_space<semaphore_mem>>)
    %dma_start3A_15 = arith.constant 0 : i32
    %dma_start3A_16 = arith.constant 1 : i32
    %dma_start3A_17 = arith.constant 0 : i32
    %dma_start3A_18 = arith.constant 0 : i32
    %dma_start3A_19 = tpu.memref_slice %arg7[%dma_start3A_15, %dma_start3A_17, %dma_start3A_18] : memref<2x10x100xi32, #tpu.memory_space<vmem>> -> memref<1x10x100xi32, #tpu.memory_space<vmem>>
    %dma_start3A_20 = tpu.memref_squeeze %dma_start3A_19 : memref<1x10x100xi32, #tpu.memory_space<vmem>> -> memref<10x100xi32, #tpu.memory_space<vmem>>
    %dma_start3A_21 = arith.constant 0 : i32
    %dma_start3A_22 = tpu.memref_slice %dma_start3A_20[%dma_start3A_16, %dma_start3A_21] : memref<10x100xi32, #tpu.memory_space<vmem>> -> memref<1x100xi32, #tpu.memory_space<vmem>>
    %dma_start3A_23 = tpu.memref_squeeze %dma_start3A_22 : memref<1x100xi32, #tpu.memory_space<vmem>> -> memref<100xi32, #tpu.memory_space<vmem>>
    %dma_start3A_24 = arith.constant 0 : i32
    %dma_start3A_25 = arith.constant 0 : i32
    %dma_start3A_26 = tpu.memref_slice %arg2[%dma_start3A_24, %dma_start3A_25] : memref<10000x128xf32, #tpu.memory_space<hbm>> -> memref<10000x128xf32, #tpu.memory_space<hbm>>
    tpu.enqueue_indirect_dma source(%dma_start3A_26 : memref<10000x128xf32, #tpu.memory_space<hbm>>) target(%arg10 : memref<100x128xf32, #tpu.memory_space<vmem>>) offsets(%dma_start3A_23 : memref<100xi32, #tpu.memory_space<vmem>>) semaphore(%arg13 : memref<!tpu.dma_semaphore, #tpu.memory_space<semaphore_mem>>)
    %lt3A = arith.constant 15 : i32
    %lt3A_27 = arith.cmpi slt, %arg1, %lt3A : i32
    %convert_element_type3A = arith.extui %lt3A_27 : i1 to i32
    %cond3A = arith.constant 0 : i32
    %cond3A_28 = arith.cmpi ne, %convert_element_type3A, %cond3A : i32
    scf.if %cond3A_28 {
      %mul3A_576 = arith.constant 632 : i32
      %mul3A_577 = arith.muli %arg1, %mul3A_576 : i32
      "tpu.region"() ({
        %run_scoped3A_578 = tpu.sem_alloc : memref<!tpu.dma_semaphore, #tpu.memory_space<semaphore_mem>>
        %dma_start3A_579 = arith.constant 0 : i32
        %dma_start3A_580 = tpu.memref_slice %arg12[%mul3A_577, %dma_start3A_579] : memref<10000x128xf32, #tpu.memory_space<vmem_shared>> -> memref<632x128xf32, #tpu.memory_space<vmem_shared>>
        tpu.enqueue_dma source(%arg5 : memref<632x128xf32, #tpu.memory_space<hbm>>) target(%dma_start3A_580 : memref<632x128xf32, #tpu.memory_space<vmem_shared>>) target_semaphore(%run_scoped3A_578 : memref<!tpu.dma_semaphore, #tpu.memory_space<semaphore_mem>>)
        %dma_wait3A_581 = arith.constant 0 : i32
        %dma_wait3A_582 = tpu.memref_slice %arg12[%mul3A_577, %dma_wait3A_581] : memref<10000x128xf32, #tpu.memory_space<vmem_shared>> -> memref<632x128xf32, #tpu.memory_space<vmem_shared>>
        tpu.wait_dma2 semaphore(%run_scoped3A_578 : memref<!tpu.dma_semaphore, #tpu.memory_space<semaphore_mem>>) src(%arg5 : memref<632x128xf32, #tpu.memory_space<hbm>>) dst(%dma_wait3A_582 : memref<632x128xf32, #tpu.memory_space<vmem_shared>>)
        tpu.yield
      }) : () -> ()
    } else {
    }
    %eq3A = arith.constant 15 : i32
    %eq3A_29 = arith.cmpi eq, %arg1, %eq3A : i32
    %convert_element_type3A_30 = arith.extui %eq3A_29 : i1 to i32
    %cond3A_31 = arith.constant 0 : i32
    %cond3A_32 = arith.cmpi ne, %convert_element_type3A_30, %cond3A_31 : i32
    scf.if %cond3A_32 {
      "tpu.region"() ({
        %run_scoped3A_576 = tpu.sem_alloc : memref<!tpu.dma_semaphore, #tpu.memory_space<semaphore_mem>>
        %dma_start3A_577 = arith.constant 9480 : i32
        %dma_start3A_578 = arith.constant 0 : i32
        %dma_start3A_579 = tpu.memref_slice %arg12[%dma_start3A_577, %dma_start3A_578] : memref<10000x128xf32, #tpu.memory_space<vmem_shared>> -> memref<520x128xf32, #tpu.memory_space<vmem_shared>>
        %dma_start3A_580 = arith.constant 0 : i32
        %dma_start3A_581 = arith.constant 0 : i32
        %dma_start3A_582 = tpu.memref_slice %arg5[%dma_start3A_580, %dma_start3A_581] : memref<632x128xf32, #tpu.memory_space<hbm>> -> memref<520x128xf32, #tpu.memory_space<hbm>>
        tpu.enqueue_dma source(%dma_start3A_582 : memref<520x128xf32, #tpu.memory_space<hbm>>) target(%dma_start3A_579 : memref<520x128xf32, #tpu.memory_space<vmem_shared>>) target_semaphore(%run_scoped3A_576 : memref<!tpu.dma_semaphore, #tpu.memory_space<semaphore_mem>>)
        %dma_wait3A_583 = arith.constant 9480 : i32
        %dma_wait3A_584 = arith.constant 0 : i32
        %dma_wait3A_585 = tpu.memref_slice %arg12[%dma_wait3A_583, %dma_wait3A_584] : memref<10000x128xf32, #tpu.memory_space<vmem_shared>> -> memref<520x128xf32, #tpu.memory_space<vmem_shared>>
        %dma_wait3A_586 = arith.constant 0 : i32
        %dma_wait3A_587 = arith.constant 0 : i32
        %dma_wait3A_588 = tpu.memref_slice %arg5[%dma_wait3A_586, %dma_wait3A_587] : memref<632x128xf32, #tpu.memory_space<hbm>> -> memref<520x128xf32, #tpu.memory_space<hbm>>
        tpu.wait_dma2 semaphore(%run_scoped3A_576 : memref<!tpu.dma_semaphore, #tpu.memory_space<semaphore_mem>>) src(%dma_wait3A_588 : memref<520x128xf32, #tpu.memory_space<hbm>>) dst(%dma_wait3A_585 : memref<520x128xf32, #tpu.memory_space<vmem_shared>>)
        tpu.yield
      }) : () -> ()
    } else {
    }
    %barrier3A = arith.constant 0 : index
    tpu.barrier barrier_id(%barrier3A)
    %dma_start3A_33 = arith.constant 1 : i32
    %dma_start3A_34 = arith.constant 1 : i32
    %dma_start3A_35 = arith.constant 0 : i32
    %dma_start3A_36 = arith.constant 0 : i32
    %dma_start3A_37 = tpu.memref_slice %arg7[%dma_start3A_34, %dma_start3A_35, %dma_start3A_36] : memref<2x10x100xi32, #tpu.memory_space<vmem>> -> memref<1x10x100xi32, #tpu.memory_space<vmem>>
    %dma_start3A_38 = tpu.memref_squeeze %dma_start3A_37 : memref<1x10x100xi32, #tpu.memory_space<vmem>> -> memref<10x100xi32, #tpu.memory_space<vmem>>
    %dma_start3A_39 = arith.constant 0 : i32
    %dma_start3A_40 = arith.constant 0 : i32
    %dma_start3A_41 = tpu.memref_slice %arg3[%add3A, %dma_start3A_33, %dma_start3A_39, %dma_start3A_40] : memref<32x10x10x100xi32, #tpu.memory_space<hbm>> -> memref<1x1x10x100xi32, #tpu.memory_space<hbm>>
    %dma_start3A_42 = tpu.memref_squeeze %dma_start3A_41 : memref<1x1x10x100xi32, #tpu.memory_space<hbm>> -> memref<10x100xi32, #tpu.memory_space<hbm>>
    %dma_start3A_43 = arith.constant 0 : i32
    %dma_start3A_44 = arith.constant 0 : i32
    %dma_start3A_45 = tpu.memref_slice %arg7[%dma_start3A_34, %dma_start3A_43, %dma_start3A_44] : memref<2x10x100xi32, #tpu.memory_space<vmem>> -> memref<1x10x100xi32, #tpu.memory_space<vmem>>
    %dma_start3A_46 = tpu.memref_squeeze %dma_start3A_45 : memref<1x10x100xi32, #tpu.memory_space<vmem>> -> memref<10x100xi32, #tpu.memory_space<vmem>>
    %dma_start3A_47 = arith.constant 0 : i32
    %dma_start3A_48 = arith.constant 0 : i32
    %dma_start3A_49 = tpu.memref_slice %arg3[%add3A, %dma_start3A_33, %dma_start3A_47, %dma_start3A_48] : memref<32x10x10x100xi32, #tpu.memory_space<hbm>> -> memref<1x1x10x100xi32, #tpu.memory_space<hbm>>
    %dma_start3A_50 = tpu.memref_squeeze %dma_start3A_49 : memref<1x1x10x100xi32, #tpu.memory_space<hbm>> -> memref<10x100xi32, #tpu.memory_space<hbm>>
    tpu.enqueue_dma source(%dma_start3A_50 : memref<10x100xi32, #tpu.memory_space<hbm>>) target(%dma_start3A_46 : memref<10x100xi32, #tpu.memory_space<vmem>>) target_semaphore(%arg15 : memref<!tpu.dma_semaphore, #tpu.memory_space<semaphore_mem>>)
    %dma_start3A_51 = arith.constant 1 : i32
    %dma_start3A_52 = arith.constant 1 : i32
    %dma_start3A_53 = arith.constant 0 : i32
    %dma_start3A_54 = arith.constant 0 : i32
    %dma_start3A_55 = tpu.memref_slice %arg8[%dma_start3A_52, %dma_start3A_53, %dma_start3A_54] : memref<2x10x100xi32, #tpu.memory_space<vmem>> -> memref<1x10x100xi32, #tpu.memory_space<vmem>>
    %dma_start3A_56 = tpu.memref_squeeze %dma_start3A_55 : memref<1x10x100xi32, #tpu.memory_space<vmem>> -> memref<10x100xi32, #tpu.memory_space<vmem>>
    %dma_start3A_57 = arith.constant 0 : i32
    %dma_start3A_58 = arith.constant 0 : i32
    %dma_start3A_59 = tpu.memref_slice %arg4[%add3A, %dma_start3A_51, %dma_start3A_57, %dma_start3A_58] : memref<32x10x10x100xi32, #tpu.memory_space<hbm>> -> memref<1x1x10x100xi32, #tpu.memory_space<hbm>>
    %dma_start3A_60 = tpu.memref_squeeze %dma_start3A_59 : memref<1x1x10x100xi32, #tpu.memory_space<hbm>> -> memref<10x100xi32, #tpu.memory_space<hbm>>
    %dma_start3A_61 = arith.constant 0 : i32
    %dma_start3A_62 = arith.constant 0 : i32
    %dma_start3A_63 = tpu.memref_slice %arg8[%dma_start3A_52, %dma_start3A_61, %dma_start3A_62] : memref<2x10x100xi32, #tpu.memory_space<vmem>> -> memref<1x10x100xi32, #tpu.memory_space<vmem>>
    %dma_start3A_64 = tpu.memref_squeeze %dma_start3A_63 : memref<1x10x100xi32, #tpu.memory_space<vmem>> -> memref<10x100xi32, #tpu.memory_space<vmem>>
    %dma_start3A_65 = arith.constant 0 : i32
    %dma_start3A_66 = arith.constant 0 : i32
    %dma_start3A_67 = tpu.memref_slice %arg4[%add3A, %dma_start3A_51, %dma_start3A_65, %dma_start3A_66] : memref<32x10x10x100xi32, #tpu.memory_space<hbm>> -> memref<1x1x10x100xi32, #tpu.memory_space<hbm>>
    %dma_start3A_68 = tpu.memref_squeeze %dma_start3A_67 : memref<1x1x10x100xi32, #tpu.memory_space<hbm>> -> memref<10x100xi32, #tpu.memory_space<hbm>>
    tpu.enqueue_dma source(%dma_start3A_68 : memref<10x100xi32, #tpu.memory_space<hbm>>) target(%dma_start3A_64 : memref<10x100xi32, #tpu.memory_space<vmem>>) target_semaphore(%arg15 : memref<!tpu.dma_semaphore, #tpu.memory_space<semaphore_mem>>)
    %dma_wait3A = arith.constant 0 : i32
    %dma_wait3A_69 = arith.constant 0 : i32
    %dma_wait3A_70 = arith.constant 0 : i32
    %dma_wait3A_71 = arith.constant 0 : i32
    %dma_wait3A_72 = tpu.memref_slice %arg7[%dma_wait3A, %dma_wait3A_70, %dma_wait3A_71] : memref<2x10x100xi32, #tpu.memory_space<vmem>> -> memref<1x10x100xi32, #tpu.memory_space<vmem>>
    %dma_wait3A_73 = tpu.memref_squeeze %dma_wait3A_72 : memref<1x10x100xi32, #tpu.memory_space<vmem>> -> memref<10x100xi32, #tpu.memory_space<vmem>>
    %dma_wait3A_74 = arith.constant 0 : i32
    %dma_wait3A_75 = tpu.memref_slice %dma_wait3A_73[%dma_wait3A_69, %dma_wait3A_74] : memref<10x100xi32, #tpu.memory_space<vmem>> -> memref<1x100xi32, #tpu.memory_space<vmem>>
    %dma_wait3A_76 = tpu.memref_squeeze %dma_wait3A_75 : memref<1x100xi32, #tpu.memory_space<vmem>> -> memref<100xi32, #tpu.memory_space<vmem>>
    %dma_wait3A_77 = arith.constant 0 : i32
    %dma_wait3A_78 = arith.constant 0 : i32
    %dma_wait3A_79 = tpu.memref_slice %arg2[%dma_wait3A_77, %dma_wait3A_78] : memref<10000x128xf32, #tpu.memory_space<hbm>> -> memref<10000x128xf32, #tpu.memory_space<hbm>>
    tpu.wait_indirect_dma semaphore(%arg13 : memref<!tpu.dma_semaphore, #tpu.memory_space<semaphore_mem>>) src(%dma_wait3A_79 : memref<10000x128xf32, #tpu.memory_space<hbm>>) dst(%arg9 : memref<100x128xf32, #tpu.memory_space<vmem>>)
    %dma_start3A_80 = arith.constant 0 : i32
    %dma_start3A_81 = arith.constant 2 : i32
    %dma_start3A_82 = arith.constant 0 : i32
    %dma_start3A_83 = arith.constant 0 : i32
    %dma_start3A_84 = tpu.memref_slice %arg7[%dma_start3A_80, %dma_start3A_82, %dma_start3A_83] : memref<2x10x100xi32, #tpu.memory_space<vmem>> -> memref<1x10x100xi32, #tpu.memory_space<vmem>>
    %dma_start3A_85 = tpu.memref_squeeze %dma_start3A_84 : memref<1x10x100xi32, #tpu.memory_space<vmem>> -> memref<10x100xi32, #tpu.memory_space<vmem>>
    %dma_start3A_86 = arith.constant 0 : i32
    %dma_start3A_87 = tpu.memref_slice %dma_start3A_85[%dma_start3A_81, %dma_start3A_86] : memref<10x100xi32, #tpu.memory_space<vmem>> -> memref<1x100xi32, #tpu.memory_space<vmem>>
    %dma_start3A_88 = tpu.memref_squeeze %dma_start3A_87 : memref<1x100xi32, #tpu.memory_space<vmem>> -> memref<100xi32, #tpu.memory_space<vmem>>
    %dma_start3A_89 = arith.constant 0 : i32
    %dma_start3A_90 = arith.constant 0 : i32
    %dma_start3A_91 = tpu.memref_slice %arg2[%dma_start3A_89, %dma_start3A_90] : memref<10000x128xf32, #tpu.memory_space<hbm>> -> memref<10000x128xf32, #tpu.memory_space<hbm>>
    tpu.enqueue_indirect_dma source(%dma_start3A_91 : memref<10000x128xf32, #tpu.memory_space<hbm>>) target(%arg11 : memref<100x128xf32, #tpu.memory_space<vmem>>) offsets(%dma_start3A_88 : memref<100xi32, #tpu.memory_space<vmem>>) semaphore(%arg13 : memref<!tpu.dma_semaphore, #tpu.memory_space<semaphore_mem>>)
    %dma_start3A_92 = arith.constant 0 : i32
    %dma_start3A_93 = arith.constant 0 : i32
    %dma_start3A_94 = arith.constant 0 : i32
    %dma_start3A_95 = arith.constant 0 : i32
    %dma_start3A_96 = tpu.memref_slice %arg8[%dma_start3A_92, %dma_start3A_94, %dma_start3A_95] : memref<2x10x100xi32, #tpu.memory_space<vmem>> -> memref<1x10x100xi32, #tpu.memory_space<vmem>>
    %dma_start3A_97 = tpu.memref_squeeze %dma_start3A_96 : memref<1x10x100xi32, #tpu.memory_space<vmem>> -> memref<10x100xi32, #tpu.memory_space<vmem>>
    %dma_start3A_98 = arith.constant 0 : i32
    %dma_start3A_99 = tpu.memref_slice %dma_start3A_97[%dma_start3A_93, %dma_start3A_98] : memref<10x100xi32, #tpu.memory_space<vmem>> -> memref<1x100xi32, #tpu.memory_space<vmem>>
    %dma_start3A_100 = tpu.memref_squeeze %dma_start3A_99 : memref<1x100xi32, #tpu.memory_space<vmem>> -> memref<100xi32, #tpu.memory_space<vmem>>
    %dma_start3A_101 = arith.constant 0 : i32
    %dma_start3A_102 = arith.constant 0 : i32
    %dma_start3A_103 = tpu.memref_slice %arg12[%dma_start3A_101, %dma_start3A_102] : memref<10000x128xf32, #tpu.memory_space<vmem_shared>> -> memref<10000x128xf32, #tpu.memory_space<vmem_shared>>
    tpu.enqueue_indirect_dma source(%arg9 : memref<100x128xf32, #tpu.memory_space<vmem>>) target(%dma_start3A_103 : memref<10000x128xf32, #tpu.memory_space<vmem_shared>>) offsets(%dma_start3A_100 : memref<100xi32, #tpu.memory_space<vmem>>) semaphore(%arg14 : memref<!tpu.dma_semaphore, #tpu.memory_space<semaphore_mem>>) {add = true}
    %dma_wait3A_104 = arith.constant 0 : i32
    %dma_wait3A_105 = arith.constant 1 : i32
    %dma_wait3A_106 = arith.constant 0 : i32
    %dma_wait3A_107 = arith.constant 0 : i32
    %dma_wait3A_108 = tpu.memref_slice %arg7[%dma_wait3A_104, %dma_wait3A_106, %dma_wait3A_107] : memref<2x10x100xi32, #tpu.memory_space<vmem>> -> memref<1x10x100xi32, #tpu.memory_space<vmem>>
    %dma_wait3A_109 = tpu.memref_squeeze %dma_wait3A_108 : memref<1x10x100xi32, #tpu.memory_space<vmem>> -> memref<10x100xi32, #tpu.memory_space<vmem>>
    %dma_wait3A_110 = arith.constant 0 : i32
    %dma_wait3A_111 = tpu.memref_slice %dma_wait3A_109[%dma_wait3A_105, %dma_wait3A_110] : memref<10x100xi32, #tpu.memory_space<vmem>> -> memref<1x100xi32, #tpu.memory_space<vmem>>
    %dma_wait3A_112 = tpu.memref_squeeze %dma_wait3A_111 : memref<1x100xi32, #tpu.memory_space<vmem>> -> memref<100xi32, #tpu.memory_space<vmem>>
    %dma_wait3A_113 = arith.constant 0 : i32
    %dma_wait3A_114 = arith.constant 0 : i32
    %dma_wait3A_115 = tpu.memref_slice %arg2[%dma_wait3A_113, %dma_wait3A_114] : memref<10000x128xf32, #tpu.memory_space<hbm>> -> memref<10000x128xf32, #tpu.memory_space<hbm>>
    tpu.wait_indirect_dma semaphore(%arg13 : memref<!tpu.dma_semaphore, #tpu.memory_space<semaphore_mem>>) src(%dma_wait3A_115 : memref<10000x128xf32, #tpu.memory_space<hbm>>) dst(%arg10 : memref<100x128xf32, #tpu.memory_space<vmem>>)
    %dma_wait3A_116 = arith.constant 0 : i32
    %dma_wait3A_117 = arith.constant 0 : i32
    %dma_wait3A_118 = arith.constant 0 : i32
    %dma_wait3A_119 = arith.constant 0 : i32
    %dma_wait3A_120 = tpu.memref_slice %arg8[%dma_wait3A_116, %dma_wait3A_118, %dma_wait3A_119] : memref<2x10x100xi32, #tpu.memory_space<vmem>> -> memref<1x10x100xi32, #tpu.memory_space<vmem>>
    %dma_wait3A_121 = tpu.memref_squeeze %dma_wait3A_120 : memref<1x10x100xi32, #tpu.memory_space<vmem>> -> memref<10x100xi32, #tpu.memory_space<vmem>>
    %dma_wait3A_122 = arith.constant 0 : i32
    %dma_wait3A_123 = tpu.memref_slice %dma_wait3A_121[%dma_wait3A_117, %dma_wait3A_122] : memref<10x100xi32, #tpu.memory_space<vmem>> -> memref<1x100xi32, #tpu.memory_space<vmem>>
    %dma_wait3A_124 = tpu.memref_squeeze %dma_wait3A_123 : memref<1x100xi32, #tpu.memory_space<vmem>> -> memref<100xi32, #tpu.memory_space<vmem>>
    %dma_wait3A_125 = arith.constant 0 : i32
    %dma_wait3A_126 = arith.constant 0 : i32
    %dma_wait3A_127 = tpu.memref_slice %arg12[%dma_wait3A_125, %dma_wait3A_126] : memref<10000x128xf32, #tpu.memory_space<vmem_shared>> -> memref<10000x128xf32, #tpu.memory_space<vmem_shared>>
    tpu.wait_indirect_dma semaphore(%arg14 : memref<!tpu.dma_semaphore, #tpu.memory_space<semaphore_mem>>) src(%arg9 : memref<100x128xf32, #tpu.memory_space<vmem>>) dst(%dma_wait3A_127 : memref<10000x128xf32, #tpu.memory_space<vmem_shared>>)
    %dma_start3A_128 = arith.constant 0 : i32
    %dma_start3A_129 = arith.constant 3 : i32
    %dma_start3A_130 = arith.constant 0 : i32
    %dma_start3A_131 = arith.constant 0 : i32
    %dma_start3A_132 = tpu.memref_slice %arg7[%dma_start3A_128, %dma_start3A_130, %dma_start3A_131] : memref<2x10x100xi32, #tpu.memory_space<vmem>> -> memref<1x10x100xi32, #tpu.memory_space<vmem>>
    %dma_start3A_133 = tpu.memref_squeeze %dma_start3A_132 : memref<1x10x100xi32, #tpu.memory_space<vmem>> -> memref<10x100xi32, #tpu.memory_space<vmem>>
    %dma_start3A_134 = arith.constant 0 : i32
    %dma_start3A_135 = tpu.memref_slice %dma_start3A_133[%dma_start3A_129, %dma_start3A_134] : memref<10x100xi32, #tpu.memory_space<vmem>> -> memref<1x100xi32, #tpu.memory_space<vmem>>
    %dma_start3A_136 = tpu.memref_squeeze %dma_start3A_135 : memref<1x100xi32, #tpu.memory_space<vmem>> -> memref<100xi32, #tpu.memory_space<vmem>>
    %dma_start3A_137 = arith.constant 0 : i32
    %dma_start3A_138 = arith.constant 0 : i32
    %dma_start3A_139 = tpu.memref_slice %arg2[%dma_start3A_137, %dma_start3A_138] : memref<10000x128xf32, #tpu.memory_space<hbm>> -> memref<10000x128xf32, #tpu.memory_space<hbm>>
    tpu.enqueue_indirect_dma source(%dma_start3A_139 : memref<10000x128xf32, #tpu.memory_space<hbm>>) target(%arg9 : memref<100x128xf32, #tpu.memory_space<vmem>>) offsets(%dma_start3A_136 : memref<100xi32, #tpu.memory_space<vmem>>) semaphore(%arg13 : memref<!tpu.dma_semaphore, #tpu.memory_space<semaphore_mem>>)
    %dma_start3A_140 = arith.constant 0 : i32
    %dma_start3A_141 = arith.constant 1 : i32
    %dma_start3A_142 = arith.constant 0 : i32
    %dma_start3A_143 = arith.constant 0 : i32
    %dma_start3A_144 = tpu.memref_slice %arg8[%dma_start3A_140, %dma_start3A_142, %dma_start3A_143] : memref<2x10x100xi32, #tpu.memory_space<vmem>> -> memref<1x10x100xi32, #tpu.memory_space<vmem>>
    %dma_start3A_145 = tpu.memref_squeeze %dma_start3A_144 : memref<1x10x100xi32, #tpu.memory_space<vmem>> -> memref<10x100xi32, #tpu.memory_space<vmem>>
    %dma_start3A_146 = arith.constant 0 : i32
    %dma_start3A_147 = tpu.memref_slice %dma_start3A_145[%dma_start3A_141, %dma_start3A_146] : memref<10x100xi32, #tpu.memory_space<vmem>> -> memref<1x100xi32, #tpu.memory_space<vmem>>
    %dma_start3A_148 = tpu.memref_squeeze %dma_start3A_147 : memref<1x100xi32, #tpu.memory_space<vmem>> -> memref<100xi32, #tpu.memory_space<vmem>>
    %dma_start3A_149 = arith.constant 0 : i32
    %dma_start3A_150 = arith.constant 0 : i32
    %dma_start3A_151 = tpu.memref_slice %arg12[%dma_start3A_149, %dma_start3A_150] : memref<10000x128xf32, #tpu.memory_space<vmem_shared>> -> memref<10000x128xf32, #tpu.memory_space<vmem_shared>>
    tpu.enqueue_indirect_dma source(%arg10 : memref<100x128xf32, #tpu.memory_space<vmem>>) target(%dma_start3A_151 : memref<10000x128xf32, #tpu.memory_space<vmem_shared>>) offsets(%dma_start3A_148 : memref<100xi32, #tpu.memory_space<vmem>>) semaphore(%arg14 : memref<!tpu.dma_semaphore, #tpu.memory_space<semaphore_mem>>) {add = true}
    %dma_wait3A_152 = arith.constant 0 : i32
    %dma_wait3A_153 = arith.constant 2 : i32
    %dma_wait3A_154 = arith.constant 0 : i32
    %dma_wait3A_155 = arith.constant 0 : i32
    %dma_wait3A_156 = tpu.memref_slice %arg7[%dma_wait3A_152, %dma_wait3A_154, %dma_wait3A_155] : memref<2x10x100xi32, #tpu.memory_space<vmem>> -> memref<1x10x100xi32, #tpu.memory_space<vmem>>
    %dma_wait3A_157 = tpu.memref_squeeze %dma_wait3A_156 : memref<1x10x100xi32, #tpu.memory_space<vmem>> -> memref<10x100xi32, #tpu.memory_space<vmem>>
    %dma_wait3A_158 = arith.constant 0 : i32
    %dma_wait3A_159 = tpu.memref_slice %dma_wait3A_157[%dma_wait3A_153, %dma_wait3A_158] : memref<10x100xi32, #tpu.memory_space<vmem>> -> memref<1x100xi32, #tpu.memory_space<vmem>>
    %dma_wait3A_160 = tpu.memref_squeeze %dma_wait3A_159 : memref<1x100xi32, #tpu.memory_space<vmem>> -> memref<100xi32, #tpu.memory_space<vmem>>
    %dma_wait3A_161 = arith.constant 0 : i32
    %dma_wait3A_162 = arith.constant 0 : i32
    %dma_wait3A_163 = tpu.memref_slice %arg2[%dma_wait3A_161, %dma_wait3A_162] : memref<10000x128xf32, #tpu.memory_space<hbm>> -> memref<10000x128xf32, #tpu.memory_space<hbm>>
    tpu.wait_indirect_dma semaphore(%arg13 : memref<!tpu.dma_semaphore, #tpu.memory_space<semaphore_mem>>) src(%dma_wait3A_163 : memref<10000x128xf32, #tpu.memory_space<hbm>>) dst(%arg11 : memref<100x128xf32, #tpu.memory_space<vmem>>)
    %dma_wait3A_164 = arith.constant 0 : i32
    %dma_wait3A_165 = arith.constant 1 : i32
    %dma_wait3A_166 = arith.constant 0 : i32
    %dma_wait3A_167 = arith.constant 0 : i32
    %dma_wait3A_168 = tpu.memref_slice %arg8[%dma_wait3A_164, %dma_wait3A_166, %dma_wait3A_167] : memref<2x10x100xi32, #tpu.memory_space<vmem>> -> memref<1x10x100xi32, #tpu.memory_space<vmem>>
    %dma_wait3A_169 = tpu.memref_squeeze %dma_wait3A_168 : memref<1x10x100xi32, #tpu.memory_space<vmem>> -> memref<10x100xi32, #tpu.memory_space<vmem>>
    %dma_wait3A_170 = arith.constant 0 : i32
    %dma_wait3A_171 = tpu.memref_slice %dma_wait3A_169[%dma_wait3A_165, %dma_wait3A_170] : memref<10x100xi32, #tpu.memory_space<vmem>> -> memref<1x100xi32, #tpu.memory_space<vmem>>
    %dma_wait3A_172 = tpu.memref_squeeze %dma_wait3A_171 : memref<1x100xi32, #tpu.memory_space<vmem>> -> memref<100xi32, #tpu.memory_space<vmem>>
    %dma_wait3A_173 = arith.constant 0 : i32
    %dma_wait3A_174 = arith.constant 0 : i32
    %dma_wait3A_175 = tpu.memref_slice %arg12[%dma_wait3A_173, %dma_wait3A_174] : memref<10000x128xf32, #tpu.memory_space<vmem_shared>> -> memref<10000x128xf32, #tpu.memory_space<vmem_shared>>
    tpu.wait_indirect_dma semaphore(%arg14 : memref<!tpu.dma_semaphore, #tpu.memory_space<semaphore_mem>>) src(%arg10 : memref<100x128xf32, #tpu.memory_space<vmem>>) dst(%dma_wait3A_175 : memref<10000x128xf32, #tpu.memory_space<vmem_shared>>)
    %dma_start3A_176 = arith.constant 0 : i32
    %dma_start3A_177 = arith.constant 4 : i32
    %dma_start3A_178 = arith.constant 0 : i32
    %dma_start3A_179 = arith.constant 0 : i32
    %dma_start3A_180 = tpu.memref_slice %arg7[%dma_start3A_176, %dma_start3A_178, %dma_start3A_179] : memref<2x10x100xi32, #tpu.memory_space<vmem>> -> memref<1x10x100xi32, #tpu.memory_space<vmem>>
    %dma_start3A_181 = tpu.memref_squeeze %dma_start3A_180 : memref<1x10x100xi32, #tpu.memory_space<vmem>> -> memref<10x100xi32, #tpu.memory_space<vmem>>
    %dma_start3A_182 = arith.constant 0 : i32
    %dma_start3A_183 = tpu.memref_slice %dma_start3A_181[%dma_start3A_177, %dma_start3A_182] : memref<10x100xi32, #tpu.memory_space<vmem>> -> memref<1x100xi32, #tpu.memory_space<vmem>>
    %dma_start3A_184 = tpu.memref_squeeze %dma_start3A_183 : memref<1x100xi32, #tpu.memory_space<vmem>> -> memref<100xi32, #tpu.memory_space<vmem>>
    %dma_start3A_185 = arith.constant 0 : i32
    %dma_start3A_186 = arith.constant 0 : i32
    %dma_start3A_187 = tpu.memref_slice %arg2[%dma_start3A_185, %dma_start3A_186] : memref<10000x128xf32, #tpu.memory_space<hbm>> -> memref<10000x128xf32, #tpu.memory_space<hbm>>
    tpu.enqueue_indirect_dma source(%dma_start3A_187 : memref<10000x128xf32, #tpu.memory_space<hbm>>) target(%arg10 : memref<100x128xf32, #tpu.memory_space<vmem>>) offsets(%dma_start3A_184 : memref<100xi32, #tpu.memory_space<vmem>>) semaphore(%arg13 : memref<!tpu.dma_semaphore, #tpu.memory_space<semaphore_mem>>)
    %dma_start3A_188 = arith.constant 0 : i32
    %dma_start3A_189 = arith.constant 2 : i32
    %dma_start3A_190 = arith.constant 0 : i32
    %dma_start3A_191 = arith.constant 0 : i32
    %dma_start3A_192 = tpu.memref_slice %arg8[%dma_start3A_188, %dma_start3A_190, %dma_start3A_191] : memref<2x10x100xi32, #tpu.memory_space<vmem>> -> memref<1x10x100xi32, #tpu.memory_space<vmem>>
    %dma_start3A_193 = tpu.memref_squeeze %dma_start3A_192 : memref<1x10x100xi32, #tpu.memory_space<vmem>> -> memref<10x100xi32, #tpu.memory_space<vmem>>
    %dma_start3A_194 = arith.constant 0 : i32
    %dma_start3A_195 = tpu.memref_slice %dma_start3A_193[%dma_start3A_189, %dma_start3A_194] : memref<10x100xi32, #tpu.memory_space<vmem>> -> memref<1x100xi32, #tpu.memory_space<vmem>>
    %dma_start3A_196 = tpu.memref_squeeze %dma_start3A_195 : memref<1x100xi32, #tpu.memory_space<vmem>> -> memref<100xi32, #tpu.memory_space<vmem>>
    %dma_start3A_197 = arith.constant 0 : i32
    %dma_start3A_198 = arith.constant 0 : i32
    %dma_start3A_199 = tpu.memref_slice %arg12[%dma_start3A_197, %dma_start3A_198] : memref<10000x128xf32, #tpu.memory_space<vmem_shared>> -> memref<10000x128xf32, #tpu.memory_space<vmem_shared>>
    tpu.enqueue_indirect_dma source(%arg11 : memref<100x128xf32, #tpu.memory_space<vmem>>) target(%dma_start3A_199 : memref<10000x128xf32, #tpu.memory_space<vmem_shared>>) offsets(%dma_start3A_196 : memref<100xi32, #tpu.memory_space<vmem>>) semaphore(%arg14 : memref<!tpu.dma_semaphore, #tpu.memory_space<semaphore_mem>>) {add = true}
    %dma_wait3A_200 = arith.constant 0 : i32
    %dma_wait3A_201 = arith.constant 3 : i32
    %dma_wait3A_202 = arith.constant 0 : i32
    %dma_wait3A_203 = arith.constant 0 : i32
    %dma_wait3A_204 = tpu.memref_slice %arg7[%dma_wait3A_200, %dma_wait3A_202, %dma_wait3A_203] : memref<2x10x100xi32, #tpu.memory_space<vmem>> -> memref<1x10x100xi32, #tpu.memory_space<vmem>>
    %dma_wait3A_205 = tpu.memref_squeeze %dma_wait3A_204 : memref<1x10x100xi32, #tpu.memory_space<vmem>> -> memref<10x100xi32, #tpu.memory_space<vmem>>
    %dma_wait3A_206 = arith.constant 0 : i32
    %dma_wait3A_207 = tpu.memref_slice %dma_wait3A_205[%dma_wait3A_201, %dma_wait3A_206] : memref<10x100xi32, #tpu.memory_space<vmem>> -> memref<1x100xi32, #tpu.memory_space<vmem>>
    %dma_wait3A_208 = tpu.memref_squeeze %dma_wait3A_207 : memref<1x100xi32, #tpu.memory_space<vmem>> -> memref<100xi32, #tpu.memory_space<vmem>>
    %dma_wait3A_209 = arith.constant 0 : i32
    %dma_wait3A_210 = arith.constant 0 : i32
    %dma_wait3A_211 = tpu.memref_slice %arg2[%dma_wait3A_209, %dma_wait3A_210] : memref<10000x128xf32, #tpu.memory_space<hbm>> -> memref<10000x128xf32, #tpu.memory_space<hbm>>
    tpu.wait_indirect_dma semaphore(%arg13 : memref<!tpu.dma_semaphore, #tpu.memory_space<semaphore_mem>>) src(%dma_wait3A_211 : memref<10000x128xf32, #tpu.memory_space<hbm>>) dst(%arg9 : memref<100x128xf32, #tpu.memory_space<vmem>>)
    %dma_wait3A_212 = arith.constant 0 : i32
    %dma_wait3A_213 = arith.constant 2 : i32
    %dma_wait3A_214 = arith.constant 0 : i32
    %dma_wait3A_215 = arith.constant 0 : i32
    %dma_wait3A_216 = tpu.memref_slice %arg8[%dma_wait3A_212, %dma_wait3A_214, %dma_wait3A_215] : memref<2x10x100xi32, #tpu.memory_space<vmem>> -> memref<1x10x100xi32, #tpu.memory_space<vmem>>
    %dma_wait3A_217 = tpu.memref_squeeze %dma_wait3A_216 : memref<1x10x100xi32, #tpu.memory_space<vmem>> -> memref<10x100xi32, #tpu.memory_space<vmem>>
    %dma_wait3A_218 = arith.constant 0 : i32
    %dma_wait3A_219 = tpu.memref_slice %dma_wait3A_217[%dma_wait3A_213, %dma_wait3A_218] : memref<10x100xi32, #tpu.memory_space<vmem>> -> memref<1x100xi32, #tpu.memory_space<vmem>>
    %dma_wait3A_220 = tpu.memref_squeeze %dma_wait3A_219 : memref<1x100xi32, #tpu.memory_space<vmem>> -> memref<100xi32, #tpu.memory_space<vmem>>
    %dma_wait3A_221 = arith.constant 0 : i32
    %dma_wait3A_222 = arith.constant 0 : i32
    %dma_wait3A_223 = tpu.memref_slice %arg12[%dma_wait3A_221, %dma_wait3A_222] : memref<10000x128xf32, #tpu.memory_space<vmem_shared>> -> memref<10000x128xf32, #tpu.memory_space<vmem_shared>>
    tpu.wait_indirect_dma semaphore(%arg14 : memref<!tpu.dma_semaphore, #tpu.memory_space<semaphore_mem>>) src(%arg11 : memref<100x128xf32, #tpu.memory_space<vmem>>) dst(%dma_wait3A_223 : memref<10000x128xf32, #tpu.memory_space<vmem_shared>>)
    %dma_start3A_224 = arith.constant 0 : i32
    %dma_start3A_225 = arith.constant 5 : i32
    %dma_start3A_226 = arith.constant 0 : i32
    %dma_start3A_227 = arith.constant 0 : i32
    %dma_start3A_228 = tpu.memref_slice %arg7[%dma_start3A_224, %dma_start3A_226, %dma_start3A_227] : memref<2x10x100xi32, #tpu.memory_space<vmem>> -> memref<1x10x100xi32, #tpu.memory_space<vmem>>
    %dma_start3A_229 = tpu.memref_squeeze %dma_start3A_228 : memref<1x10x100xi32, #tpu.memory_space<vmem>> -> memref<10x100xi32, #tpu.memory_space<vmem>>
    %dma_start3A_230 = arith.constant 0 : i32
    %dma_start3A_231 = tpu.memref_slice %dma_start3A_229[%dma_start3A_225, %dma_start3A_230] : memref<10x100xi32, #tpu.memory_space<vmem>> -> memref<1x100xi32, #tpu.memory_space<vmem>>
    %dma_start3A_232 = tpu.memref_squeeze %dma_start3A_231 : memref<1x100xi32, #tpu.memory_space<vmem>> -> memref<100xi32, #tpu.memory_space<vmem>>
    %dma_start3A_233 = arith.constant 0 : i32
    %dma_start3A_234 = arith.constant 0 : i32
    %dma_start3A_235 = tpu.memref_slice %arg2[%dma_start3A_233, %dma_start3A_234] : memref<10000x128xf32, #tpu.memory_space<hbm>> -> memref<10000x128xf32, #tpu.memory_space<hbm>>
    tpu.enqueue_indirect_dma source(%dma_start3A_235 : memref<10000x128xf32, #tpu.memory_space<hbm>>) target(%arg11 : memref<100x128xf32, #tpu.memory_space<vmem>>) offsets(%dma_start3A_232 : memref<100xi32, #tpu.memory_space<vmem>>) semaphore(%arg13 : memref<!tpu.dma_semaphore, #tpu.memory_space<semaphore_mem>>)
    %dma_start3A_236 = arith.constant 0 : i32
    %dma_start3A_237 = arith.constant 3 : i32
    %dma_start3A_238 = arith.constant 0 : i32
    %dma_start3A_239 = arith.constant 0 : i32
    %dma_start3A_240 = tpu.memref_slice %arg8[%dma_start3A_236, %dma_start3A_238, %dma_start3A_239] : memref<2x10x100xi32, #tpu.memory_space<vmem>> -> memref<1x10x100xi32, #tpu.memory_space<vmem>>
    %dma_start3A_241 = tpu.memref_squeeze %dma_start3A_240 : memref<1x10x100xi32, #tpu.memory_space<vmem>> -> memref<10x100xi32, #tpu.memory_space<vmem>>
    %dma_start3A_242 = arith.constant 0 : i32
    %dma_start3A_243 = tpu.memref_slice %dma_start3A_241[%dma_start3A_237, %dma_start3A_242] : memref<10x100xi32, #tpu.memory_space<vmem>> -> memref<1x100xi32, #tpu.memory_space<vmem>>
    %dma_start3A_244 = tpu.memref_squeeze %dma_start3A_243 : memref<1x100xi32, #tpu.memory_space<vmem>> -> memref<100xi32, #tpu.memory_space<vmem>>
    %dma_start3A_245 = arith.constant 0 : i32
    %dma_start3A_246 = arith.constant 0 : i32
    %dma_start3A_247 = tpu.memref_slice %arg12[%dma_start3A_245, %dma_start3A_246] : memref<10000x128xf32, #tpu.memory_space<vmem_shared>> -> memref<10000x128xf32, #tpu.memory_space<vmem_shared>>
    tpu.enqueue_indirect_dma source(%arg9 : memref<100x128xf32, #tpu.memory_space<vmem>>) target(%dma_start3A_247 : memref<10000x128xf32, #tpu.memory_space<vmem_shared>>) offsets(%dma_start3A_244 : memref<100xi32, #tpu.memory_space<vmem>>) semaphore(%arg14 : memref<!tpu.dma_semaphore, #tpu.memory_space<semaphore_mem>>) {add = true}
    %dma_wait3A_248 = arith.constant 0 : i32
    %dma_wait3A_249 = arith.constant 4 : i32
    %dma_wait3A_250 = arith.constant 0 : i32
    %dma_wait3A_251 = arith.constant 0 : i32
    %dma_wait3A_252 = tpu.memref_slice %arg7[%dma_wait3A_248, %dma_wait3A_250, %dma_wait3A_251] : memref<2x10x100xi32, #tpu.memory_space<vmem>> -> memref<1x10x100xi32, #tpu.memory_space<vmem>>
    %dma_wait3A_253 = tpu.memref_squeeze %dma_wait3A_252 : memref<1x10x100xi32, #tpu.memory_space<vmem>> -> memref<10x100xi32, #tpu.memory_space<vmem>>
    %dma_wait3A_254 = arith.constant 0 : i32
    %dma_wait3A_255 = tpu.memref_slice %dma_wait3A_253[%dma_wait3A_249, %dma_wait3A_254] : memref<10x100xi32, #tpu.memory_space<vmem>> -> memref<1x100xi32, #tpu.memory_space<vmem>>
    %dma_wait3A_256 = tpu.memref_squeeze %dma_wait3A_255 : memref<1x100xi32, #tpu.memory_space<vmem>> -> memref<100xi32, #tpu.memory_space<vmem>>
    %dma_wait3A_257 = arith.constant 0 : i32
    %dma_wait3A_258 = arith.constant 0 : i32
    %dma_wait3A_259 = tpu.memref_slice %arg2[%dma_wait3A_257, %dma_wait3A_258] : memref<10000x128xf32, #tpu.memory_space<hbm>> -> memref<10000x128xf32, #tpu.memory_space<hbm>>
    tpu.wait_indirect_dma semaphore(%arg13 : memref<!tpu.dma_semaphore, #tpu.memory_space<semaphore_mem>>) src(%dma_wait3A_259 : memref<10000x128xf32, #tpu.memory_space<hbm>>) dst(%arg10 : memref<100x128xf32, #tpu.memory_space<vmem>>)
    %dma_wait3A_260 = arith.constant 0 : i32
    %dma_wait3A_261 = arith.constant 3 : i32
    %dma_wait3A_262 = arith.constant 0 : i32
    %dma_wait3A_263 = arith.constant 0 : i32
    %dma_wait3A_264 = tpu.memref_slice %arg8[%dma_wait3A_260, %dma_wait3A_262, %dma_wait3A_263] : memref<2x10x100xi32, #tpu.memory_space<vmem>> -> memref<1x10x100xi32, #tpu.memory_space<vmem>>
    %dma_wait3A_265 = tpu.memref_squeeze %dma_wait3A_264 : memref<1x10x100xi32, #tpu.memory_space<vmem>> -> memref<10x100xi32, #tpu.memory_space<vmem>>
    %dma_wait3A_266 = arith.constant 0 : i32
    %dma_wait3A_267 = tpu.memref_slice %dma_wait3A_265[%dma_wait3A_261, %dma_wait3A_266] : memref<10x100xi32, #tpu.memory_space<vmem>> -> memref<1x100xi32, #tpu.memory_space<vmem>>
    %dma_wait3A_268 = tpu.memref_squeeze %dma_wait3A_267 : memref<1x100xi32, #tpu.memory_space<vmem>> -> memref<100xi32, #tpu.memory_space<vmem>>
    %dma_wait3A_269 = arith.constant 0 : i32
    %dma_wait3A_270 = arith.constant 0 : i32
    %dma_wait3A_271 = tpu.memref_slice %arg12[%dma_wait3A_269, %dma_wait3A_270] : memref<10000x128xf32, #tpu.memory_space<vmem_shared>> -> memref<10000x128xf32, #tpu.memory_space<vmem_shared>>
    tpu.wait_indirect_dma semaphore(%arg14 : memref<!tpu.dma_semaphore, #tpu.memory_space<semaphore_mem>>) src(%arg9 : memref<100x128xf32, #tpu.memory_space<vmem>>) dst(%dma_wait3A_271 : memref<10000x128xf32, #tpu.memory_space<vmem_shared>>)
    %dma_start3A_272 = arith.constant 0 : i32
    %dma_start3A_273 = arith.constant 6 : i32
    %dma_start3A_274 = arith.constant 0 : i32
    %dma_start3A_275 = arith.constant 0 : i32
    %dma_start3A_276 = tpu.memref_slice %arg7[%dma_start3A_272, %dma_start3A_274, %dma_start3A_275] : memref<2x10x100xi32, #tpu.memory_space<vmem>> -> memref<1x10x100xi32, #tpu.memory_space<vmem>>
    %dma_start3A_277 = tpu.memref_squeeze %dma_start3A_276 : memref<1x10x100xi32, #tpu.memory_space<vmem>> -> memref<10x100xi32, #tpu.memory_space<vmem>>
    %dma_start3A_278 = arith.constant 0 : i32
    %dma_start3A_279 = tpu.memref_slice %dma_start3A_277[%dma_start3A_273, %dma_start3A_278] : memref<10x100xi32, #tpu.memory_space<vmem>> -> memref<1x100xi32, #tpu.memory_space<vmem>>
    %dma_start3A_280 = tpu.memref_squeeze %dma_start3A_279 : memref<1x100xi32, #tpu.memory_space<vmem>> -> memref<100xi32, #tpu.memory_space<vmem>>
    %dma_start3A_281 = arith.constant 0 : i32
    %dma_start3A_282 = arith.constant 0 : i32
    %dma_start3A_283 = tpu.memref_slice %arg2[%dma_start3A_281, %dma_start3A_282] : memref<10000x128xf32, #tpu.memory_space<hbm>> -> memref<10000x128xf32, #tpu.memory_space<hbm>>
    tpu.enqueue_indirect_dma source(%dma_start3A_283 : memref<10000x128xf32, #tpu.memory_space<hbm>>) target(%arg9 : memref<100x128xf32, #tpu.memory_space<vmem>>) offsets(%dma_start3A_280 : memref<100xi32, #tpu.memory_space<vmem>>) semaphore(%arg13 : memref<!tpu.dma_semaphore, #tpu.memory_space<semaphore_mem>>)
    %dma_start3A_284 = arith.constant 0 : i32
    %dma_start3A_285 = arith.constant 4 : i32
    %dma_start3A_286 = arith.constant 0 : i32
    %dma_start3A_287 = arith.constant 0 : i32
    %dma_start3A_288 = tpu.memref_slice %arg8[%dma_start3A_284, %dma_start3A_286, %dma_start3A_287] : memref<2x10x100xi32, #tpu.memory_space<vmem>> -> memref<1x10x100xi32, #tpu.memory_space<vmem>>
    %dma_start3A_289 = tpu.memref_squeeze %dma_start3A_288 : memref<1x10x100xi32, #tpu.memory_space<vmem>> -> memref<10x100xi32, #tpu.memory_space<vmem>>
    %dma_start3A_290 = arith.constant 0 : i32
    %dma_start3A_291 = tpu.memref_slice %dma_start3A_289[%dma_start3A_285, %dma_start3A_290] : memref<10x100xi32, #tpu.memory_space<vmem>> -> memref<1x100xi32, #tpu.memory_space<vmem>>
    %dma_start3A_292 = tpu.memref_squeeze %dma_start3A_291 : memref<1x100xi32, #tpu.memory_space<vmem>> -> memref<100xi32, #tpu.memory_space<vmem>>
    %dma_start3A_293 = arith.constant 0 : i32
    %dma_start3A_294 = arith.constant 0 : i32
    %dma_start3A_295 = tpu.memref_slice %arg12[%dma_start3A_293, %dma_start3A_294] : memref<10000x128xf32, #tpu.memory_space<vmem_shared>> -> memref<10000x128xf32, #tpu.memory_space<vmem_shared>>
    tpu.enqueue_indirect_dma source(%arg10 : memref<100x128xf32, #tpu.memory_space<vmem>>) target(%dma_start3A_295 : memref<10000x128xf32, #tpu.memory_space<vmem_shared>>) offsets(%dma_start3A_292 : memref<100xi32, #tpu.memory_space<vmem>>) semaphore(%arg14 : memref<!tpu.dma_semaphore, #tpu.memory_space<semaphore_mem>>) {add = true}
    %dma_wait3A_296 = arith.constant 0 : i32
    %dma_wait3A_297 = arith.constant 5 : i32
    %dma_wait3A_298 = arith.constant 0 : i32
    %dma_wait3A_299 = arith.constant 0 : i32
    %dma_wait3A_300 = tpu.memref_slice %arg7[%dma_wait3A_296, %dma_wait3A_298, %dma_wait3A_299] : memref<2x10x100xi32, #tpu.memory_space<vmem>> -> memref<1x10x100xi32, #tpu.memory_space<vmem>>
    %dma_wait3A_301 = tpu.memref_squeeze %dma_wait3A_300 : memref<1x10x100xi32, #tpu.memory_space<vmem>> -> memref<10x100xi32, #tpu.memory_space<vmem>>
    %dma_wait3A_302 = arith.constant 0 : i32
    %dma_wait3A_303 = tpu.memref_slice %dma_wait3A_301[%dma_wait3A_297, %dma_wait3A_302] : memref<10x100xi32, #tpu.memory_space<vmem>> -> memref<1x100xi32, #tpu.memory_space<vmem>>
    %dma_wait3A_304 = tpu.memref_squeeze %dma_wait3A_303 : memref<1x100xi32, #tpu.memory_space<vmem>> -> memref<100xi32, #tpu.memory_space<vmem>>
    %dma_wait3A_305 = arith.constant 0 : i32
    %dma_wait3A_306 = arith.constant 0 : i32
    %dma_wait3A_307 = tpu.memref_slice %arg2[%dma_wait3A_305, %dma_wait3A_306] : memref<10000x128xf32, #tpu.memory_space<hbm>> -> memref<10000x128xf32, #tpu.memory_space<hbm>>
    tpu.wait_indirect_dma semaphore(%arg13 : memref<!tpu.dma_semaphore, #tpu.memory_space<semaphore_mem>>) src(%dma_wait3A_307 : memref<10000x128xf32, #tpu.memory_space<hbm>>) dst(%arg11 : memref<100x128xf32, #tpu.memory_space<vmem>>)
    %dma_wait3A_308 = arith.constant 0 : i32
    %dma_wait3A_309 = arith.constant 4 : i32
    %dma_wait3A_310 = arith.constant 0 : i32
    %dma_wait3A_311 = arith.constant 0 : i32
    %dma_wait3A_312 = tpu.memref_slice %arg8[%dma_wait3A_308, %dma_wait3A_310, %dma_wait3A_311] : memref<2x10x100xi32, #tpu.memory_space<vmem>> -> memref<1x10x100xi32, #tpu.memory_space<vmem>>
    %dma_wait3A_313 = tpu.memref_squeeze %dma_wait3A_312 : memref<1x10x100xi32, #tpu.memory_space<vmem>> -> memref<10x100xi32, #tpu.memory_space<vmem>>
    %dma_wait3A_314 = arith.constant 0 : i32
    %dma_wait3A_315 = tpu.memref_slice %dma_wait3A_313[%dma_wait3A_309, %dma_wait3A_314] : memref<10x100xi32, #tpu.memory_space<vmem>> -> memref<1x100xi32, #tpu.memory_space<vmem>>
    %dma_wait3A_316 = tpu.memref_squeeze %dma_wait3A_315 : memref<1x100xi32, #tpu.memory_space<vmem>> -> memref<100xi32, #tpu.memory_space<vmem>>
    %dma_wait3A_317 = arith.constant 0 : i32
    %dma_wait3A_318 = arith.constant 0 : i32
    %dma_wait3A_319 = tpu.memref_slice %arg12[%dma_wait3A_317, %dma_wait3A_318] : memref<10000x128xf32, #tpu.memory_space<vmem_shared>> -> memref<10000x128xf32, #tpu.memory_space<vmem_shared>>
    tpu.wait_indirect_dma semaphore(%arg14 : memref<!tpu.dma_semaphore, #tpu.memory_space<semaphore_mem>>) src(%arg10 : memref<100x128xf32, #tpu.memory_space<vmem>>) dst(%dma_wait3A_319 : memref<10000x128xf32, #tpu.memory_space<vmem_shared>>)
    %dma_start3A_320 = arith.constant 0 : i32
    %dma_start3A_321 = arith.constant 7 : i32
    %dma_start3A_322 = arith.constant 0 : i32
    %dma_start3A_323 = arith.constant 0 : i32
    %dma_start3A_324 = tpu.memref_slice %arg7[%dma_start3A_320, %dma_start3A_322, %dma_start3A_323] : memref<2x10x100xi32, #tpu.memory_space<vmem>> -> memref<1x10x100xi32, #tpu.memory_space<vmem>>
    %dma_start3A_325 = tpu.memref_squeeze %dma_start3A_324 : memref<1x10x100xi32, #tpu.memory_space<vmem>> -> memref<10x100xi32, #tpu.memory_space<vmem>>
    %dma_start3A_326 = arith.constant 0 : i32
    %dma_start3A_327 = tpu.memref_slice %dma_start3A_325[%dma_start3A_321, %dma_start3A_326] : memref<10x100xi32, #tpu.memory_space<vmem>> -> memref<1x100xi32, #tpu.memory_space<vmem>>
    %dma_start3A_328 = tpu.memref_squeeze %dma_start3A_327 : memref<1x100xi32, #tpu.memory_space<vmem>> -> memref<100xi32, #tpu.memory_space<vmem>>
    %dma_start3A_329 = arith.constant 0 : i32
    %dma_start3A_330 = arith.constant 0 : i32
    %dma_start3A_331 = tpu.memref_slice %arg2[%dma_start3A_329, %dma_start3A_330] : memref<10000x128xf32, #tpu.memory_space<hbm>> -> memref<10000x128xf32, #tpu.memory_space<hbm>>
    tpu.enqueue_indirect_dma source(%dma_start3A_331 : memref<10000x128xf32, #tpu.memory_space<hbm>>) target(%arg10 : memref<100x128xf32, #tpu.memory_space<vmem>>) offsets(%dma_start3A_328 : memref<100xi32, #tpu.memory_space<vmem>>) semaphore(%arg13 : memref<!tpu.dma_semaphore, #tpu.memory_space<semaphore_mem>>)
    %dma_start3A_332 = arith.constant 0 : i32
    %dma_start3A_333 = arith.constant 5 : i32
    %dma_start3A_334 = arith.constant 0 : i32
    %dma_start3A_335 = arith.constant 0 : i32
    %dma_start3A_336 = tpu.memref_slice %arg8[%dma_start3A_332, %dma_start3A_334, %dma_start3A_335] : memref<2x10x100xi32, #tpu.memory_space<vmem>> -> memref<1x10x100xi32, #tpu.memory_space<vmem>>
    %dma_start3A_337 = tpu.memref_squeeze %dma_start3A_336 : memref<1x10x100xi32, #tpu.memory_space<vmem>> -> memref<10x100xi32, #tpu.memory_space<vmem>>
    %dma_start3A_338 = arith.constant 0 : i32
    %dma_start3A_339 = tpu.memref_slice %dma_start3A_337[%dma_start3A_333, %dma_start3A_338] : memref<10x100xi32, #tpu.memory_space<vmem>> -> memref<1x100xi32, #tpu.memory_space<vmem>>
    %dma_start3A_340 = tpu.memref_squeeze %dma_start3A_339 : memref<1x100xi32, #tpu.memory_space<vmem>> -> memref<100xi32, #tpu.memory_space<vmem>>
    %dma_start3A_341 = arith.constant 0 : i32
    %dma_start3A_342 = arith.constant 0 : i32
    %dma_start3A_343 = tpu.memref_slice %arg12[%dma_start3A_341, %dma_start3A_342] : memref<10000x128xf32, #tpu.memory_space<vmem_shared>> -> memref<10000x128xf32, #tpu.memory_space<vmem_shared>>
    tpu.enqueue_indirect_dma source(%arg11 : memref<100x128xf32, #tpu.memory_space<vmem>>) target(%dma_start3A_343 : memref<10000x128xf32, #tpu.memory_space<vmem_shared>>) offsets(%dma_start3A_340 : memref<100xi32, #tpu.memory_space<vmem>>) semaphore(%arg14 : memref<!tpu.dma_semaphore, #tpu.memory_space<semaphore_mem>>) {add = true}
    %dma_wait3A_344 = arith.constant 0 : i32
    %dma_wait3A_345 = arith.constant 6 : i32
    %dma_wait3A_346 = arith.constant 0 : i32
    %dma_wait3A_347 = arith.constant 0 : i32
    %dma_wait3A_348 = tpu.memref_slice %arg7[%dma_wait3A_344, %dma_wait3A_346, %dma_wait3A_347] : memref<2x10x100xi32, #tpu.memory_space<vmem>> -> memref<1x10x100xi32, #tpu.memory_space<vmem>>
    %dma_wait3A_349 = tpu.memref_squeeze %dma_wait3A_348 : memref<1x10x100xi32, #tpu.memory_space<vmem>> -> memref<10x100xi32, #tpu.memory_space<vmem>>
    %dma_wait3A_350 = arith.constant 0 : i32
    %dma_wait3A_351 = tpu.memref_slice %dma_wait3A_349[%dma_wait3A_345, %dma_wait3A_350] : memref<10x100xi32, #tpu.memory_space<vmem>> -> memref<1x100xi32, #tpu.memory_space<vmem>>
    %dma_wait3A_352 = tpu.memref_squeeze %dma_wait3A_351 : memref<1x100xi32, #tpu.memory_space<vmem>> -> memref<100xi32, #tpu.memory_space<vmem>>
    %dma_wait3A_353 = arith.constant 0 : i32
    %dma_wait3A_354 = arith.constant 0 : i32
    %dma_wait3A_355 = tpu.memref_slice %arg2[%dma_wait3A_353, %dma_wait3A_354] : memref<10000x128xf32, #tpu.memory_space<hbm>> -> memref<10000x128xf32, #tpu.memory_space<hbm>>
    tpu.wait_indirect_dma semaphore(%arg13 : memref<!tpu.dma_semaphore, #tpu.memory_space<semaphore_mem>>) src(%dma_wait3A_355 : memref<10000x128xf32, #tpu.memory_space<hbm>>) dst(%arg9 : memref<100x128xf32, #tpu.memory_space<vmem>>)
    %dma_wait3A_356 = arith.constant 0 : i32
    %dma_wait3A_357 = arith.constant 5 : i32
    %dma_wait3A_358 = arith.constant 0 : i32
    %dma_wait3A_359 = arith.constant 0 : i32
    %dma_wait3A_360 = tpu.memref_slice %arg8[%dma_wait3A_356, %dma_wait3A_358, %dma_wait3A_359] : memref<2x10x100xi32, #tpu.memory_space<vmem>> -> memref<1x10x100xi32, #tpu.memory_space<vmem>>
    %dma_wait3A_361 = tpu.memref_squeeze %dma_wait3A_360 : memref<1x10x100xi32, #tpu.memory_space<vmem>> -> memref<10x100xi32, #tpu.memory_space<vmem>>
    %dma_wait3A_362 = arith.constant 0 : i32
    %dma_wait3A_363 = tpu.memref_slice %dma_wait3A_361[%dma_wait3A_357, %dma_wait3A_362] : memref<10x100xi32, #tpu.memory_space<vmem>> -> memref<1x100xi32, #tpu.memory_space<vmem>>
    %dma_wait3A_364 = tpu.memref_squeeze %dma_wait3A_363 : memref<1x100xi32, #tpu.memory_space<vmem>> -> memref<100xi32, #tpu.memory_space<vmem>>
    %dma_wait3A_365 = arith.constant 0 : i32
    %dma_wait3A_366 = arith.constant 0 : i32
    %dma_wait3A_367 = tpu.memref_slice %arg12[%dma_wait3A_365, %dma_wait3A_366] : memref<10000x128xf32, #tpu.memory_space<vmem_shared>> -> memref<10000x128xf32, #tpu.memory_space<vmem_shared>>
    tpu.wait_indirect_dma semaphore(%arg14 : memref<!tpu.dma_semaphore, #tpu.memory_space<semaphore_mem>>) src(%arg11 : memref<100x128xf32, #tpu.memory_space<vmem>>) dst(%dma_wait3A_367 : memref<10000x128xf32, #tpu.memory_space<vmem_shared>>)
    %dma_start3A_368 = arith.constant 0 : i32
    %dma_start3A_369 = arith.constant 8 : i32
    %dma_start3A_370 = arith.constant 0 : i32
    %dma_start3A_371 = arith.constant 0 : i32
    %dma_start3A_372 = tpu.memref_slice %arg7[%dma_start3A_368, %dma_start3A_370, %dma_start3A_371] : memref<2x10x100xi32, #tpu.memory_space<vmem>> -> memref<1x10x100xi32, #tpu.memory_space<vmem>>
    %dma_start3A_373 = tpu.memref_squeeze %dma_start3A_372 : memref<1x10x100xi32, #tpu.memory_space<vmem>> -> memref<10x100xi32, #tpu.memory_space<vmem>>
    %dma_start3A_374 = arith.constant 0 : i32
    %dma_start3A_375 = tpu.memref_slice %dma_start3A_373[%dma_start3A_369, %dma_start3A_374] : memref<10x100xi32, #tpu.memory_space<vmem>> -> memref<1x100xi32, #tpu.memory_space<vmem>>
    %dma_start3A_376 = tpu.memref_squeeze %dma_start3A_375 : memref<1x100xi32, #tpu.memory_space<vmem>> -> memref<100xi32, #tpu.memory_space<vmem>>
    %dma_start3A_377 = arith.constant 0 : i32
    %dma_start3A_378 = arith.constant 0 : i32
    %dma_start3A_379 = tpu.memref_slice %arg2[%dma_start3A_377, %dma_start3A_378] : memref<10000x128xf32, #tpu.memory_space<hbm>> -> memref<10000x128xf32, #tpu.memory_space<hbm>>
    tpu.enqueue_indirect_dma source(%dma_start3A_379 : memref<10000x128xf32, #tpu.memory_space<hbm>>) target(%arg11 : memref<100x128xf32, #tpu.memory_space<vmem>>) offsets(%dma_start3A_376 : memref<100xi32, #tpu.memory_space<vmem>>) semaphore(%arg13 : memref<!tpu.dma_semaphore, #tpu.memory_space<semaphore_mem>>)
    %dma_start3A_380 = arith.constant 0 : i32
    %dma_start3A_381 = arith.constant 6 : i32
    %dma_start3A_382 = arith.constant 0 : i32
    %dma_start3A_383 = arith.constant 0 : i32
    %dma_start3A_384 = tpu.memref_slice %arg8[%dma_start3A_380, %dma_start3A_382, %dma_start3A_383] : memref<2x10x100xi32, #tpu.memory_space<vmem>> -> memref<1x10x100xi32, #tpu.memory_space<vmem>>
    %dma_start3A_385 = tpu.memref_squeeze %dma_start3A_384 : memref<1x10x100xi32, #tpu.memory_space<vmem>> -> memref<10x100xi32, #tpu.memory_space<vmem>>
    %dma_start3A_386 = arith.constant 0 : i32
    %dma_start3A_387 = tpu.memref_slice %dma_start3A_385[%dma_start3A_381, %dma_start3A_386] : memref<10x100xi32, #tpu.memory_space<vmem>> -> memref<1x100xi32, #tpu.memory_space<vmem>>
    %dma_start3A_388 = tpu.memref_squeeze %dma_start3A_387 : memref<1x100xi32, #tpu.memory_space<vmem>> -> memref<100xi32, #tpu.memory_space<vmem>>
    %dma_start3A_389 = arith.constant 0 : i32
    %dma_start3A_390 = arith.constant 0 : i32
    %dma_start3A_391 = tpu.memref_slice %arg12[%dma_start3A_389, %dma_start3A_390] : memref<10000x128xf32, #tpu.memory_space<vmem_shared>> -> memref<10000x128xf32, #tpu.memory_space<vmem_shared>>
    tpu.enqueue_indirect_dma source(%arg9 : memref<100x128xf32, #tpu.memory_space<vmem>>) target(%dma_start3A_391 : memref<10000x128xf32, #tpu.memory_space<vmem_shared>>) offsets(%dma_start3A_388 : memref<100xi32, #tpu.memory_space<vmem>>) semaphore(%arg14 : memref<!tpu.dma_semaphore, #tpu.memory_space<semaphore_mem>>) {add = true}
    %dma_wait3A_392 = arith.constant 0 : i32
    %dma_wait3A_393 = arith.constant 7 : i32
    %dma_wait3A_394 = arith.constant 0 : i32
    %dma_wait3A_395 = arith.constant 0 : i32
    %dma_wait3A_396 = tpu.memref_slice %arg7[%dma_wait3A_392, %dma_wait3A_394, %dma_wait3A_395] : memref<2x10x100xi32, #tpu.memory_space<vmem>> -> memref<1x10x100xi32, #tpu.memory_space<vmem>>
    %dma_wait3A_397 = tpu.memref_squeeze %dma_wait3A_396 : memref<1x10x100xi32, #tpu.memory_space<vmem>> -> memref<10x100xi32, #tpu.memory_space<vmem>>
    %dma_wait3A_398 = arith.constant 0 : i32
    %dma_wait3A_399 = tpu.memref_slice %dma_wait3A_397[%dma_wait3A_393, %dma_wait3A_398] : memref<10x100xi32, #tpu.memory_space<vmem>> -> memref<1x100xi32, #tpu.memory_space<vmem>>
    %dma_wait3A_400 = tpu.memref_squeeze %dma_wait3A_399 : memref<1x100xi32, #tpu.memory_space<vmem>> -> memref<100xi32, #tpu.memory_space<vmem>>
    %dma_wait3A_401 = arith.constant 0 : i32
    %dma_wait3A_402 = arith.constant 0 : i32
    %dma_wait3A_403 = tpu.memref_slice %arg2[%dma_wait3A_401, %dma_wait3A_402] : memref<10000x128xf32, #tpu.memory_space<hbm>> -> memref<10000x128xf32, #tpu.memory_space<hbm>>
    tpu.wait_indirect_dma semaphore(%arg13 : memref<!tpu.dma_semaphore, #tpu.memory_space<semaphore_mem>>) src(%dma_wait3A_403 : memref<10000x128xf32, #tpu.memory_space<hbm>>) dst(%arg10 : memref<100x128xf32, #tpu.memory_space<vmem>>)
    %dma_wait3A_404 = arith.constant 0 : i32
    %dma_wait3A_405 = arith.constant 6 : i32
    %dma_wait3A_406 = arith.constant 0 : i32
    %dma_wait3A_407 = arith.constant 0 : i32
    %dma_wait3A_408 = tpu.memref_slice %arg8[%dma_wait3A_404, %dma_wait3A_406, %dma_wait3A_407] : memref<2x10x100xi32, #tpu.memory_space<vmem>> -> memref<1x10x100xi32, #tpu.memory_space<vmem>>
    %dma_wait3A_409 = tpu.memref_squeeze %dma_wait3A_408 : memref<1x10x100xi32, #tpu.memory_space<vmem>> -> memref<10x100xi32, #tpu.memory_space<vmem>>
    %dma_wait3A_410 = arith.constant 0 : i32
    %dma_wait3A_411 = tpu.memref_slice %dma_wait3A_409[%dma_wait3A_405, %dma_wait3A_410] : memref<10x100xi32, #tpu.memory_space<vmem>> -> memref<1x100xi32, #tpu.memory_space<vmem>>
    %dma_wait3A_412 = tpu.memref_squeeze %dma_wait3A_411 : memref<1x100xi32, #tpu.memory_space<vmem>> -> memref<100xi32, #tpu.memory_space<vmem>>
    %dma_wait3A_413 = arith.constant 0 : i32
    %dma_wait3A_414 = arith.constant 0 : i32
    %dma_wait3A_415 = tpu.memref_slice %arg12[%dma_wait3A_413, %dma_wait3A_414] : memref<10000x128xf32, #tpu.memory_space<vmem_shared>> -> memref<10000x128xf32, #tpu.memory_space<vmem_shared>>
    tpu.wait_indirect_dma semaphore(%arg14 : memref<!tpu.dma_semaphore, #tpu.memory_space<semaphore_mem>>) src(%arg9 : memref<100x128xf32, #tpu.memory_space<vmem>>) dst(%dma_wait3A_415 : memref<10000x128xf32, #tpu.memory_space<vmem_shared>>)
    %dma_start3A_416 = arith.constant 0 : i32
    %dma_start3A_417 = arith.constant 9 : i32
    %dma_start3A_418 = arith.constant 0 : i32
    %dma_start3A_419 = arith.constant 0 : i32
    %dma_start3A_420 = tpu.memref_slice %arg7[%dma_start3A_416, %dma_start3A_418, %dma_start3A_419] : memref<2x10x100xi32, #tpu.memory_space<vmem>> -> memref<1x10x100xi32, #tpu.memory_space<vmem>>
    %dma_start3A_421 = tpu.memref_squeeze %dma_start3A_420 : memref<1x10x100xi32, #tpu.memory_space<vmem>> -> memref<10x100xi32, #tpu.memory_space<vmem>>
    %dma_start3A_422 = arith.constant 0 : i32
    %dma_start3A_423 = tpu.memref_slice %dma_start3A_421[%dma_start3A_417, %dma_start3A_422] : memref<10x100xi32, #tpu.memory_space<vmem>> -> memref<1x100xi32, #tpu.memory_space<vmem>>
    %dma_start3A_424 = tpu.memref_squeeze %dma_start3A_423 : memref<1x100xi32, #tpu.memory_space<vmem>> -> memref<100xi32, #tpu.memory_space<vmem>>
    %dma_start3A_425 = arith.constant 0 : i32
    %dma_start3A_426 = arith.constant 0 : i32
    %dma_start3A_427 = tpu.memref_slice %arg2[%dma_start3A_425, %dma_start3A_426] : memref<10000x128xf32, #tpu.memory_space<hbm>> -> memref<10000x128xf32, #tpu.memory_space<hbm>>
    tpu.enqueue_indirect_dma source(%dma_start3A_427 : memref<10000x128xf32, #tpu.memory_space<hbm>>) target(%arg9 : memref<100x128xf32, #tpu.memory_space<vmem>>) offsets(%dma_start3A_424 : memref<100xi32, #tpu.memory_space<vmem>>) semaphore(%arg13 : memref<!tpu.dma_semaphore, #tpu.memory_space<semaphore_mem>>)
    %dma_start3A_428 = arith.constant 0 : i32
    %dma_start3A_429 = arith.constant 7 : i32
    %dma_start3A_430 = arith.constant 0 : i32
    %dma_start3A_431 = arith.constant 0 : i32
    %dma_start3A_432 = tpu.memref_slice %arg8[%dma_start3A_428, %dma_start3A_430, %dma_start3A_431] : memref<2x10x100xi32, #tpu.memory_space<vmem>> -> memref<1x10x100xi32, #tpu.memory_space<vmem>>
    %dma_start3A_433 = tpu.memref_squeeze %dma_start3A_432 : memref<1x10x100xi32, #tpu.memory_space<vmem>> -> memref<10x100xi32, #tpu.memory_space<vmem>>
    %dma_start3A_434 = arith.constant 0 : i32
    %dma_start3A_435 = tpu.memref_slice %dma_start3A_433[%dma_start3A_429, %dma_start3A_434] : memref<10x100xi32, #tpu.memory_space<vmem>> -> memref<1x100xi32, #tpu.memory_space<vmem>>
    %dma_start3A_436 = tpu.memref_squeeze %dma_start3A_435 : memref<1x100xi32, #tpu.memory_space<vmem>> -> memref<100xi32, #tpu.memory_space<vmem>>
    %dma_start3A_437 = arith.constant 0 : i32
    %dma_start3A_438 = arith.constant 0 : i32
    %dma_start3A_439 = tpu.memref_slice %arg12[%dma_start3A_437, %dma_start3A_438] : memref<10000x128xf32, #tpu.memory_space<vmem_shared>> -> memref<10000x128xf32, #tpu.memory_space<vmem_shared>>
    tpu.enqueue_indirect_dma source(%arg10 : memref<100x128xf32, #tpu.memory_space<vmem>>) target(%dma_start3A_439 : memref<10000x128xf32, #tpu.memory_space<vmem_shared>>) offsets(%dma_start3A_436 : memref<100xi32, #tpu.memory_space<vmem>>) semaphore(%arg14 : memref<!tpu.dma_semaphore, #tpu.memory_space<semaphore_mem>>) {add = true}
    %dma_wait3A_440 = arith.constant 0 : i32
    %dma_wait3A_441 = arith.constant 8 : i32
    %dma_wait3A_442 = arith.constant 0 : i32
    %dma_wait3A_443 = arith.constant 0 : i32
    %dma_wait3A_444 = tpu.memref_slice %arg7[%dma_wait3A_440, %dma_wait3A_442, %dma_wait3A_443] : memref<2x10x100xi32, #tpu.memory_space<vmem>> -> memref<1x10x100xi32, #tpu.memory_space<vmem>>
    %dma_wait3A_445 = tpu.memref_squeeze %dma_wait3A_444 : memref<1x10x100xi32, #tpu.memory_space<vmem>> -> memref<10x100xi32, #tpu.memory_space<vmem>>
    %dma_wait3A_446 = arith.constant 0 : i32
    %dma_wait3A_447 = tpu.memref_slice %dma_wait3A_445[%dma_wait3A_441, %dma_wait3A_446] : memref<10x100xi32, #tpu.memory_space<vmem>> -> memref<1x100xi32, #tpu.memory_space<vmem>>
    %dma_wait3A_448 = tpu.memref_squeeze %dma_wait3A_447 : memref<1x100xi32, #tpu.memory_space<vmem>> -> memref<100xi32, #tpu.memory_space<vmem>>
    %dma_wait3A_449 = arith.constant 0 : i32
    %dma_wait3A_450 = arith.constant 0 : i32
    %dma_wait3A_451 = tpu.memref_slice %arg2[%dma_wait3A_449, %dma_wait3A_450] : memref<10000x128xf32, #tpu.memory_space<hbm>> -> memref<10000x128xf32, #tpu.memory_space<hbm>>
    tpu.wait_indirect_dma semaphore(%arg13 : memref<!tpu.dma_semaphore, #tpu.memory_space<semaphore_mem>>) src(%dma_wait3A_451 : memref<10000x128xf32, #tpu.memory_space<hbm>>) dst(%arg11 : memref<100x128xf32, #tpu.memory_space<vmem>>)
    %dma_wait3A_452 = arith.constant 0 : i32
    %dma_wait3A_453 = arith.constant 7 : i32
    %dma_wait3A_454 = arith.constant 0 : i32
    %dma_wait3A_455 = arith.constant 0 : i32
    %dma_wait3A_456 = tpu.memref_slice %arg8[%dma_wait3A_452, %dma_wait3A_454, %dma_wait3A_455] : memref<2x10x100xi32, #tpu.memory_space<vmem>> -> memref<1x10x100xi32, #tpu.memory_space<vmem>>
    %dma_wait3A_457 = tpu.memref_squeeze %dma_wait3A_456 : memref<1x10x100xi32, #tpu.memory_space<vmem>> -> memref<10x100xi32, #tpu.memory_space<vmem>>
    %dma_wait3A_458 = arith.constant 0 : i32
    %dma_wait3A_459 = tpu.memref_slice %dma_wait3A_457[%dma_wait3A_453, %dma_wait3A_458] : memref<10x100xi32, #tpu.memory_space<vmem>> -> memref<1x100xi32, #tpu.memory_space<vmem>>
    %dma_wait3A_460 = tpu.memref_squeeze %dma_wait3A_459 : memref<1x100xi32, #tpu.memory_space<vmem>> -> memref<100xi32, #tpu.memory_space<vmem>>
    %dma_wait3A_461 = arith.constant 0 : i32
    %dma_wait3A_462 = arith.constant 0 : i32
    %dma_wait3A_463 = tpu.memref_slice %arg12[%dma_wait3A_461, %dma_wait3A_462] : memref<10000x128xf32, #tpu.memory_space<vmem_shared>> -> memref<10000x128xf32, #tpu.memory_space<vmem_shared>>
    tpu.wait_indirect_dma semaphore(%arg14 : memref<!tpu.dma_semaphore, #tpu.memory_space<semaphore_mem>>) src(%arg10 : memref<100x128xf32, #tpu.memory_space<vmem>>) dst(%dma_wait3A_463 : memref<10000x128xf32, #tpu.memory_space<vmem_shared>>)
    %dma_start3A_464 = arith.constant 0 : i32
    %dma_start3A_465 = arith.constant 8 : i32
    %dma_start3A_466 = arith.constant 0 : i32
    %dma_start3A_467 = arith.constant 0 : i32
    %dma_start3A_468 = tpu.memref_slice %arg8[%dma_start3A_464, %dma_start3A_466, %dma_start3A_467] : memref<2x10x100xi32, #tpu.memory_space<vmem>> -> memref<1x10x100xi32, #tpu.memory_space<vmem>>
    %dma_start3A_469 = tpu.memref_squeeze %dma_start3A_468 : memref<1x10x100xi32, #tpu.memory_space<vmem>> -> memref<10x100xi32, #tpu.memory_space<vmem>>
    %dma_start3A_470 = arith.constant 0 : i32
    %dma_start3A_471 = tpu.memref_slice %dma_start3A_469[%dma_start3A_465, %dma_start3A_470] : memref<10x100xi32, #tpu.memory_space<vmem>> -> memref<1x100xi32, #tpu.memory_space<vmem>>
    %dma_start3A_472 = tpu.memref_squeeze %dma_start3A_471 : memref<1x100xi32, #tpu.memory_space<vmem>> -> memref<100xi32, #tpu.memory_space<vmem>>
    %dma_start3A_473 = arith.constant 0 : i32
    %dma_start3A_474 = arith.constant 0 : i32
    %dma_start3A_475 = tpu.memref_slice %arg12[%dma_start3A_473, %dma_start3A_474] : memref<10000x128xf32, #tpu.memory_space<vmem_shared>> -> memref<10000x128xf32, #tpu.memory_space<vmem_shared>>
    tpu.enqueue_indirect_dma source(%arg11 : memref<100x128xf32, #tpu.memory_space<vmem>>) target(%dma_start3A_475 : memref<10000x128xf32, #tpu.memory_space<vmem_shared>>) offsets(%dma_start3A_472 : memref<100xi32, #tpu.memory_space<vmem>>) semaphore(%arg14 : memref<!tpu.dma_semaphore, #tpu.memory_space<semaphore_mem>>) {add = true}
    %dma_wait3A_476 = arith.constant 0 : i32
    %dma_wait3A_477 = arith.constant 9 : i32
    %dma_wait3A_478 = arith.constant 0 : i32
    %dma_wait3A_479 = arith.constant 0 : i32
    %dma_wait3A_480 = tpu.memref_slice %arg7[%dma_wait3A_476, %dma_wait3A_478, %dma_wait3A_479] : memref<2x10x100xi32, #tpu.memory_space<vmem>> -> memref<1x10x100xi32, #tpu.memory_space<vmem>>
    %dma_wait3A_481 = tpu.memref_squeeze %dma_wait3A_480 : memref<1x10x100xi32, #tpu.memory_space<vmem>> -> memref<10x100xi32, #tpu.memory_space<vmem>>
    %dma_wait3A_482 = arith.constant 0 : i32
    %dma_wait3A_483 = tpu.memref_slice %dma_wait3A_481[%dma_wait3A_477, %dma_wait3A_482] : memref<10x100xi32, #tpu.memory_space<vmem>> -> memref<1x100xi32, #tpu.memory_space<vmem>>
    %dma_wait3A_484 = tpu.memref_squeeze %dma_wait3A_483 : memref<1x100xi32, #tpu.memory_space<vmem>> -> memref<100xi32, #tpu.memory_space<vmem>>
    %dma_wait3A_485 = arith.constant 0 : i32
    %dma_wait3A_486 = arith.constant 0 : i32
    %dma_wait3A_487 = tpu.memref_slice %arg2[%dma_wait3A_485, %dma_wait3A_486] : memref<10000x128xf32, #tpu.memory_space<hbm>> -> memref<10000x128xf32, #tpu.memory_space<hbm>>
    tpu.wait_indirect_dma semaphore(%arg13 : memref<!tpu.dma_semaphore, #tpu.memory_space<semaphore_mem>>) src(%dma_wait3A_487 : memref<10000x128xf32, #tpu.memory_space<hbm>>) dst(%arg9 : memref<100x128xf32, #tpu.memory_space<vmem>>)
    %dma_wait3A_488 = arith.constant 0 : i32
    %dma_wait3A_489 = arith.constant 8 : i32
    %dma_wait3A_490 = arith.constant 0 : i32
    %dma_wait3A_491 = arith.constant 0 : i32
    %dma_wait3A_492 = tpu.memref_slice %arg8[%dma_wait3A_488, %dma_wait3A_490, %dma_wait3A_491] : memref<2x10x100xi32, #tpu.memory_space<vmem>> -> memref<1x10x100xi32, #tpu.memory_space<vmem>>
    %dma_wait3A_493 = tpu.memref_squeeze %dma_wait3A_492 : memref<1x10x100xi32, #tpu.memory_space<vmem>> -> memref<10x100xi32, #tpu.memory_space<vmem>>
    %dma_wait3A_494 = arith.constant 0 : i32
    %dma_wait3A_495 = tpu.memref_slice %dma_wait3A_493[%dma_wait3A_489, %dma_wait3A_494] : memref<10x100xi32, #tpu.memory_space<vmem>> -> memref<1x100xi32, #tpu.memory_space<vmem>>
    %dma_wait3A_496 = tpu.memref_squeeze %dma_wait3A_495 : memref<1x100xi32, #tpu.memory_space<vmem>> -> memref<100xi32, #tpu.memory_space<vmem>>
    %dma_wait3A_497 = arith.constant 0 : i32
    %dma_wait3A_498 = arith.constant 0 : i32
    %dma_wait3A_499 = tpu.memref_slice %arg12[%dma_wait3A_497, %dma_wait3A_498] : memref<10000x128xf32, #tpu.memory_space<vmem_shared>> -> memref<10000x128xf32, #tpu.memory_space<vmem_shared>>
    tpu.wait_indirect_dma semaphore(%arg14 : memref<!tpu.dma_semaphore, #tpu.memory_space<semaphore_mem>>) src(%arg11 : memref<100x128xf32, #tpu.memory_space<vmem>>) dst(%dma_wait3A_499 : memref<10000x128xf32, #tpu.memory_space<vmem_shared>>)
    %dma_start3A_500 = arith.constant 0 : i32
    %dma_start3A_501 = arith.constant 9 : i32
    %dma_start3A_502 = arith.constant 0 : i32
    %dma_start3A_503 = arith.constant 0 : i32
    %dma_start3A_504 = tpu.memref_slice %arg8[%dma_start3A_500, %dma_start3A_502, %dma_start3A_503] : memref<2x10x100xi32, #tpu.memory_space<vmem>> -> memref<1x10x100xi32, #tpu.memory_space<vmem>>
    %dma_start3A_505 = tpu.memref_squeeze %dma_start3A_504 : memref<1x10x100xi32, #tpu.memory_space<vmem>> -> memref<10x100xi32, #tpu.memory_space<vmem>>
    %dma_start3A_506 = arith.constant 0 : i32
    %dma_start3A_507 = tpu.memref_slice %dma_start3A_505[%dma_start3A_501, %dma_start3A_506] : memref<10x100xi32, #tpu.memory_space<vmem>> -> memref<1x100xi32, #tpu.memory_space<vmem>>
    %dma_start3A_508 = tpu.memref_squeeze %dma_start3A_507 : memref<1x100xi32, #tpu.memory_space<vmem>> -> memref<100xi32, #tpu.memory_space<vmem>>
    %dma_start3A_509 = arith.constant 0 : i32
    %dma_start3A_510 = arith.constant 0 : i32
    %dma_start3A_511 = tpu.memref_slice %arg12[%dma_start3A_509, %dma_start3A_510] : memref<10000x128xf32, #tpu.memory_space<vmem_shared>> -> memref<10000x128xf32, #tpu.memory_space<vmem_shared>>
    tpu.enqueue_indirect_dma source(%arg9 : memref<100x128xf32, #tpu.memory_space<vmem>>) target(%dma_start3A_511 : memref<10000x128xf32, #tpu.memory_space<vmem_shared>>) offsets(%dma_start3A_508 : memref<100xi32, #tpu.memory_space<vmem>>) semaphore(%arg14 : memref<!tpu.dma_semaphore, #tpu.memory_space<semaphore_mem>>) {add = true}
    %dma_wait3A_512 = arith.constant 0 : i32
    %dma_wait3A_513 = arith.constant 9 : i32
    %dma_wait3A_514 = arith.constant 0 : i32
    %dma_wait3A_515 = arith.constant 0 : i32
    %dma_wait3A_516 = tpu.memref_slice %arg8[%dma_wait3A_512, %dma_wait3A_514, %dma_wait3A_515] : memref<2x10x100xi32, #tpu.memory_space<vmem>> -> memref<1x10x100xi32, #tpu.memory_space<vmem>>
    %dma_wait3A_517 = tpu.memref_squeeze %dma_wait3A_516 : memref<1x10x100xi32, #tpu.memory_space<vmem>> -> memref<10x100xi32, #tpu.memory_space<vmem>>
    %dma_wait3A_518 = arith.constant 0 : i32
    %dma_wait3A_519 = tpu.memref_slice %dma_wait3A_517[%dma_wait3A_513, %dma_wait3A_518] : memref<10x100xi32, #tpu.memory_space<vmem>> -> memref<1x100xi32, #tpu.memory_space<vmem>>
    %dma_wait3A_520 = tpu.memref_squeeze %dma_wait3A_519 : memref<1x100xi32, #tpu.memory_space<vmem>> -> memref<100xi32, #tpu.memory_space<vmem>>
    %dma_wait3A_521 = arith.constant 0 : i32
    %dma_wait3A_522 = arith.constant 0 : i32
    %dma_wait3A_523 = tpu.memref_slice %arg12[%dma_wait3A_521, %dma_wait3A_522] : memref<10000x128xf32, #tpu.memory_space<vmem_shared>> -> memref<10000x128xf32, #tpu.memory_space<vmem_shared>>
    tpu.wait_indirect_dma semaphore(%arg14 : memref<!tpu.dma_semaphore, #tpu.memory_space<semaphore_mem>>) src(%arg9 : memref<100x128xf32, #tpu.memory_space<vmem>>) dst(%dma_wait3A_523 : memref<10000x128xf32, #tpu.memory_space<vmem_shared>>)
    %dma_wait3A_524 = arith.constant 1 : i32
    %dma_wait3A_525 = arith.constant 1 : i32
    %dma_wait3A_526 = arith.constant 0 : i32
    %dma_wait3A_527 = arith.constant 0 : i32
    %dma_wait3A_528 = tpu.memref_slice %arg7[%dma_wait3A_525, %dma_wait3A_526, %dma_wait3A_527] : memref<2x10x100xi32, #tpu.memory_space<vmem>> -> memref<1x10x100xi32, #tpu.memory_space<vmem>>
    %dma_wait3A_529 = tpu.memref_squeeze %dma_wait3A_528 : memref<1x10x100xi32, #tpu.memory_space<vmem>> -> memref<10x100xi32, #tpu.memory_space<vmem>>
    %dma_wait3A_530 = arith.constant 0 : i32
    %dma_wait3A_531 = arith.constant 0 : i32
    %dma_wait3A_532 = tpu.memref_slice %arg3[%add3A, %dma_wait3A_524, %dma_wait3A_530, %dma_wait3A_531] : memref<32x10x10x100xi32, #tpu.memory_space<hbm>> -> memref<1x1x10x100xi32, #tpu.memory_space<hbm>>
    %dma_wait3A_533 = tpu.memref_squeeze %dma_wait3A_532 : memref<1x1x10x100xi32, #tpu.memory_space<hbm>> -> memref<10x100xi32, #tpu.memory_space<hbm>>
    %dma_wait3A_534 = arith.constant 0 : i32
    %dma_wait3A_535 = arith.constant 0 : i32
    %dma_wait3A_536 = tpu.memref_slice %arg7[%dma_wait3A_525, %dma_wait3A_534, %dma_wait3A_535] : memref<2x10x100xi32, #tpu.memory_space<vmem>> -> memref<1x10x100xi32, #tpu.memory_space<vmem>>
    %dma_wait3A_537 = tpu.memref_squeeze %dma_wait3A_536 : memref<1x10x100xi32, #tpu.memory_space<vmem>> -> memref<10x100xi32, #tpu.memory_space<vmem>>
    %dma_wait3A_538 = arith.constant 0 : i32
    %dma_wait3A_539 = arith.constant 0 : i32
    %dma_wait3A_540 = tpu.memref_slice %arg3[%add3A, %dma_wait3A_524, %dma_wait3A_538, %dma_wait3A_539] : memref<32x10x10x100xi32, #tpu.memory_space<hbm>> -> memref<1x1x10x100xi32, #tpu.memory_space<hbm>>
    %dma_wait3A_541 = tpu.memref_squeeze %dma_wait3A_540 : memref<1x1x10x100xi32, #tpu.memory_space<hbm>> -> memref<10x100xi32, #tpu.memory_space<hbm>>
    tpu.wait_dma2 semaphore(%arg15 : memref<!tpu.dma_semaphore, #tpu.memory_space<semaphore_mem>>) src(%dma_wait3A_541 : memref<10x100xi32, #tpu.memory_space<hbm>>) dst(%dma_wait3A_537 : memref<10x100xi32, #tpu.memory_space<vmem>>)
    %dma_wait3A_542 = arith.constant 1 : i32
    %dma_wait3A_543 = arith.constant 1 : i32
    %dma_wait3A_544 = arith.constant 0 : i32
    %dma_wait3A_545 = arith.constant 0 : i32
    %dma_wait3A_546 = tpu.memref_slice %arg8[%dma_wait3A_543, %dma_wait3A_544, %dma_wait3A_545] : memref<2x10x100xi32, #tpu.memory_space<vmem>> -> memref<1x10x100xi32, #tpu.memory_space<vmem>>
    %dma_wait3A_547 = tpu.memref_squeeze %dma_wait3A_546 : memref<1x10x100xi32, #tpu.memory_space<vmem>> -> memref<10x100xi32, #tpu.memory_space<vmem>>
    %dma_wait3A_548 = arith.constant 0 : i32
    %dma_wait3A_549 = arith.constant 0 : i32
    %dma_wait3A_550 = tpu.memref_slice %arg4[%add3A, %dma_wait3A_542, %dma_wait3A_548, %dma_wait3A_549] : memref<32x10x10x100xi32, #tpu.memory_space<hbm>> -> memref<1x1x10x100xi32, #tpu.memory_space<hbm>>
    %dma_wait3A_551 = tpu.memref_squeeze %dma_wait3A_550 : memref<1x1x10x100xi32, #tpu.memory_space<hbm>> -> memref<10x100xi32, #tpu.memory_space<hbm>>
    %dma_wait3A_552 = arith.constant 0 : i32
    %dma_wait3A_553 = arith.constant 0 : i32
    %dma_wait3A_554 = tpu.memref_slice %arg8[%dma_wait3A_543, %dma_wait3A_552, %dma_wait3A_553] : memref<2x10x100xi32, #tpu.memory_space<vmem>> -> memref<1x10x100xi32, #tpu.memory_space<vmem>>
    %dma_wait3A_555 = tpu.memref_squeeze %dma_wait3A_554 : memref<1x10x100xi32, #tpu.memory_space<vmem>> -> memref<10x100xi32, #tpu.memory_space<vmem>>
    %dma_wait3A_556 = arith.constant 0 : i32
    %dma_wait3A_557 = arith.constant 0 : i32
    %dma_wait3A_558 = tpu.memref_slice %arg4[%add3A, %dma_wait3A_542, %dma_wait3A_556, %dma_wait3A_557] : memref<32x10x10x100xi32, #tpu.memory_space<hbm>> -> memref<1x1x10x100xi32, #tpu.memory_space<hbm>>
    %dma_wait3A_559 = tpu.memref_squeeze %dma_wait3A_558 : memref<1x1x10x100xi32, #tpu.memory_space<hbm>> -> memref<10x100xi32, #tpu.memory_space<hbm>>
    tpu.wait_dma2 semaphore(%arg15 : memref<!tpu.dma_semaphore, #tpu.memory_space<semaphore_mem>>) src(%dma_wait3A_559 : memref<10x100xi32, #tpu.memory_space<hbm>>) dst(%dma_wait3A_555 : memref<10x100xi32, #tpu.memory_space<vmem>>)
    %scan3A = arith.constant 0 : i32
    %scan3A_560 = arith.constant 1 : i32
    %scan3A_561 = arith.constant 9 : i32
    %scan3A_562 = arith.addi %scan3A_560, %scan3A_561 : i32
    %scan3A_563 = arith.constant 1 : i32
    scf.for %scan3A_576 = %scan3A_560 to %scan3A_562 step %scan3A_563  : i32 {
      %rem3A = arith.constant 2 : i32
      %rem3A_577 = arith.remsi %scan3A_576, %rem3A : i32
      %add3A_578 = arith.constant 1 : i32
      %add3A_579 = arith.addi %scan3A_576, %add3A_578 : i32
      %lt3A_580 = arith.constant 10 : i32
      %lt3A_581 = arith.cmpi slt, %add3A_579, %lt3A_580 : i32
      %convert_element_type3A_582 = arith.extui %lt3A_581 : i1 to i32
      %cond3A_583 = arith.constant 0 : i32
      %cond3A_584 = arith.cmpi ne, %convert_element_type3A_582, %cond3A_583 : i32
      scf.if %cond3A_584 {
        %add3A_1032 = arith.constant 1 : i32
        %add3A_1033 = arith.addi %scan3A_576, %add3A_1032 : i32
        %sub3A = arith.constant 1 : i32
        %sub3A_1034 = arith.subi %sub3A, %rem3A_577 : i32
        %dma_start3A_1035 = arith.constant 0 : i32
        %dma_start3A_1036 = arith.constant 0 : i32
        %dma_start3A_1037 = tpu.memref_slice %arg7[%sub3A_1034, %dma_start3A_1035, %dma_start3A_1036] : memref<2x10x100xi32, #tpu.memory_space<vmem>> -> memref<1x10x100xi32, #tpu.memory_space<vmem>>
        %dma_start3A_1038 = tpu.memref_squeeze %dma_start3A_1037 : memref<1x10x100xi32, #tpu.memory_space<vmem>> -> memref<10x100xi32, #tpu.memory_space<vmem>>
        %dma_start3A_1039 = arith.constant 0 : i32
        %dma_start3A_1040 = arith.constant 0 : i32
        %dma_start3A_1041 = tpu.memref_slice %arg3[%add3A, %add3A_1033, %dma_start3A_1039, %dma_start3A_1040] : memref<32x10x10x100xi32, #tpu.memory_space<hbm>> -> memref<1x1x10x100xi32, #tpu.memory_space<hbm>>
        %dma_start3A_1042 = tpu.memref_squeeze %dma_start3A_1041 : memref<1x1x10x100xi32, #tpu.memory_space<hbm>> -> memref<10x100xi32, #tpu.memory_space<hbm>>
        %dma_start3A_1043 = arith.constant 0 : i32
        %dma_start3A_1044 = arith.constant 0 : i32
        %dma_start3A_1045 = tpu.memref_slice %arg7[%sub3A_1034, %dma_start3A_1043, %dma_start3A_1044] : memref<2x10x100xi32, #tpu.memory_space<vmem>> -> memref<1x10x100xi32, #tpu.memory_space<vmem>>
        %dma_start3A_1046 = tpu.memref_squeeze %dma_start3A_1045 : memref<1x10x100xi32, #tpu.memory_space<vmem>> -> memref<10x100xi32, #tpu.memory_space<vmem>>
        %dma_start3A_1047 = arith.constant 0 : i32
        %dma_start3A_1048 = arith.constant 0 : i32
        %dma_start3A_1049 = tpu.memref_slice %arg3[%add3A, %add3A_1033, %dma_start3A_1047, %dma_start3A_1048] : memref<32x10x10x100xi32, #tpu.memory_space<hbm>> -> memref<1x1x10x100xi32, #tpu.memory_space<hbm>>
        %dma_start3A_1050 = tpu.memref_squeeze %dma_start3A_1049 : memref<1x1x10x100xi32, #tpu.memory_space<hbm>> -> memref<10x100xi32, #tpu.memory_space<hbm>>
        tpu.enqueue_dma source(%dma_start3A_1050 : memref<10x100xi32, #tpu.memory_space<hbm>>) target(%dma_start3A_1046 : memref<10x100xi32, #tpu.memory_space<vmem>>) target_semaphore(%arg15 : memref<!tpu.dma_semaphore, #tpu.memory_space<semaphore_mem>>)
        %dma_start3A_1051 = arith.constant 0 : i32
        %dma_start3A_1052 = arith.constant 0 : i32
        %dma_start3A_1053 = tpu.memref_slice %arg8[%sub3A_1034, %dma_start3A_1051, %dma_start3A_1052] : memref<2x10x100xi32, #tpu.memory_space<vmem>> -> memref<1x10x100xi32, #tpu.memory_space<vmem>>
        %dma_start3A_1054 = tpu.memref_squeeze %dma_start3A_1053 : memref<1x10x100xi32, #tpu.memory_space<vmem>> -> memref<10x100xi32, #tpu.memory_space<vmem>>
        %dma_start3A_1055 = arith.constant 0 : i32
        %dma_start3A_1056 = arith.constant 0 : i32
        %dma_start3A_1057 = tpu.memref_slice %arg4[%add3A, %add3A_1033, %dma_start3A_1055, %dma_start3A_1056] : memref<32x10x10x100xi32, #tpu.memory_space<hbm>> -> memref<1x1x10x100xi32, #tpu.memory_space<hbm>>
        %dma_start3A_1058 = tpu.memref_squeeze %dma_start3A_1057 : memref<1x1x10x100xi32, #tpu.memory_space<hbm>> -> memref<10x100xi32, #tpu.memory_space<hbm>>
        %dma_start3A_1059 = arith.constant 0 : i32
        %dma_start3A_1060 = arith.constant 0 : i32
        %dma_start3A_1061 = tpu.memref_slice %arg8[%sub3A_1034, %dma_start3A_1059, %dma_start3A_1060] : memref<2x10x100xi32, #tpu.memory_space<vmem>> -> memref<1x10x100xi32, #tpu.memory_space<vmem>>
        %dma_start3A_1062 = tpu.memref_squeeze %dma_start3A_1061 : memref<1x10x100xi32, #tpu.memory_space<vmem>> -> memref<10x100xi32, #tpu.memory_space<vmem>>
        %dma_start3A_1063 = arith.constant 0 : i32
        %dma_start3A_1064 = arith.constant 0 : i32
        %dma_start3A_1065 = tpu.memref_slice %arg4[%add3A, %add3A_1033, %dma_start3A_1063, %dma_start3A_1064] : memref<32x10x10x100xi32, #tpu.memory_space<hbm>> -> memref<1x1x10x100xi32, #tpu.memory_space<hbm>>
        %dma_start3A_1066 = tpu.memref_squeeze %dma_start3A_1065 : memref<1x1x10x100xi32, #tpu.memory_space<hbm>> -> memref<10x100xi32, #tpu.memory_space<hbm>>
        tpu.enqueue_dma source(%dma_start3A_1066 : memref<10x100xi32, #tpu.memory_space<hbm>>) target(%dma_start3A_1062 : memref<10x100xi32, #tpu.memory_space<vmem>>) target_semaphore(%arg15 : memref<!tpu.dma_semaphore, #tpu.memory_space<semaphore_mem>>)
      } else {
      }
      %dma_start3A_585 = arith.constant 0 : i32
      %dma_start3A_586 = arith.constant 0 : i32
      %dma_start3A_587 = arith.constant 0 : i32
      %dma_start3A_588 = tpu.memref_slice %arg7[%rem3A_577, %dma_start3A_586, %dma_start3A_587] : memref<2x10x100xi32, #tpu.memory_space<vmem>> -> memref<1x10x100xi32, #tpu.memory_space<vmem>>
      %dma_start3A_589 = tpu.memref_squeeze %dma_start3A_588 : memref<1x10x100xi32, #tpu.memory_space<vmem>> -> memref<10x100xi32, #tpu.memory_space<vmem>>
      %dma_start3A_590 = arith.constant 0 : i32
      %dma_start3A_591 = tpu.memref_slice %dma_start3A_589[%dma_start3A_585, %dma_start3A_590] : memref<10x100xi32, #tpu.memory_space<vmem>> -> memref<1x100xi32, #tpu.memory_space<vmem>>
      %dma_start3A_592 = tpu.memref_squeeze %dma_start3A_591 : memref<1x100xi32, #tpu.memory_space<vmem>> -> memref<100xi32, #tpu.memory_space<vmem>>
      %dma_start3A_593 = arith.constant 0 : i32
      %dma_start3A_594 = arith.constant 0 : i32
      %dma_start3A_595 = tpu.memref_slice %arg2[%dma_start3A_593, %dma_start3A_594] : memref<10000x128xf32, #tpu.memory_space<hbm>> -> memref<10000x128xf32, #tpu.memory_space<hbm>>
      tpu.enqueue_indirect_dma source(%dma_start3A_595 : memref<10000x128xf32, #tpu.memory_space<hbm>>) target(%arg9 : memref<100x128xf32, #tpu.memory_space<vmem>>) offsets(%dma_start3A_592 : memref<100xi32, #tpu.memory_space<vmem>>) semaphore(%arg13 : memref<!tpu.dma_semaphore, #tpu.memory_space<semaphore_mem>>)
      %dma_start3A_596 = arith.constant 1 : i32
      %dma_start3A_597 = arith.constant 0 : i32
      %dma_start3A_598 = arith.constant 0 : i32
      %dma_start3A_599 = tpu.memref_slice %arg7[%rem3A_577, %dma_start3A_597, %dma_start3A_598] : memref<2x10x100xi32, #tpu.memory_space<vmem>> -> memref<1x10x100xi32, #tpu.memory_space<vmem>>
      %dma_start3A_600 = tpu.memref_squeeze %dma_start3A_599 : memref<1x10x100xi32, #tpu.memory_space<vmem>> -> memref<10x100xi32, #tpu.memory_space<vmem>>
      %dma_start3A_601 = arith.constant 0 : i32
      %dma_start3A_602 = tpu.memref_slice %dma_start3A_600[%dma_start3A_596, %dma_start3A_601] : memref<10x100xi32, #tpu.memory_space<vmem>> -> memref<1x100xi32, #tpu.memory_space<vmem>>
      %dma_start3A_603 = tpu.memref_squeeze %dma_start3A_602 : memref<1x100xi32, #tpu.memory_space<vmem>> -> memref<100xi32, #tpu.memory_space<vmem>>
      %dma_start3A_604 = arith.constant 0 : i32
      %dma_start3A_605 = arith.constant 0 : i32
      %dma_start3A_606 = tpu.memref_slice %arg2[%dma_start3A_604, %dma_start3A_605] : memref<10000x128xf32, #tpu.memory_space<hbm>> -> memref<10000x128xf32, #tpu.memory_space<hbm>>
      tpu.enqueue_indirect_dma source(%dma_start3A_606 : memref<10000x128xf32, #tpu.memory_space<hbm>>) target(%arg10 : memref<100x128xf32, #tpu.memory_space<vmem>>) offsets(%dma_start3A_603 : memref<100xi32, #tpu.memory_space<vmem>>) semaphore(%arg13 : memref<!tpu.dma_semaphore, #tpu.memory_space<semaphore_mem>>)
      %dma_wait3A_607 = arith.constant 0 : i32
      %dma_wait3A_608 = arith.constant 0 : i32
      %dma_wait3A_609 = arith.constant 0 : i32
      %dma_wait3A_610 = tpu.memref_slice %arg7[%rem3A_577, %dma_wait3A_608, %dma_wait3A_609] : memref<2x10x100xi32, #tpu.memory_space<vmem>> -> memref<1x10x100xi32, #tpu.memory_space<vmem>>
      %dma_wait3A_611 = tpu.memref_squeeze %dma_wait3A_610 : memref<1x10x100xi32, #tpu.memory_space<vmem>> -> memref<10x100xi32, #tpu.memory_space<vmem>>
      %dma_wait3A_612 = arith.constant 0 : i32
      %dma_wait3A_613 = tpu.memref_slice %dma_wait3A_611[%dma_wait3A_607, %dma_wait3A_612] : memref<10x100xi32, #tpu.memory_space<vmem>> -> memref<1x100xi32, #tpu.memory_space<vmem>>
      %dma_wait3A_614 = tpu.memref_squeeze %dma_wait3A_613 : memref<1x100xi32, #tpu.memory_space<vmem>> -> memref<100xi32, #tpu.memory_space<vmem>>
      %dma_wait3A_615 = arith.constant 0 : i32
      %dma_wait3A_616 = arith.constant 0 : i32
      %dma_wait3A_617 = tpu.memref_slice %arg2[%dma_wait3A_615, %dma_wait3A_616] : memref<10000x128xf32, #tpu.memory_space<hbm>> -> memref<10000x128xf32, #tpu.memory_space<hbm>>
      tpu.wait_indirect_dma semaphore(%arg13 : memref<!tpu.dma_semaphore, #tpu.memory_space<semaphore_mem>>) src(%dma_wait3A_617 : memref<10000x128xf32, #tpu.memory_space<hbm>>) dst(%arg9 : memref<100x128xf32, #tpu.memory_space<vmem>>)
      %dma_start3A_618 = arith.constant 2 : i32
      %dma_start3A_619 = arith.constant 0 : i32
      %dma_start3A_620 = arith.constant 0 : i32
      %dma_start3A_621 = tpu.memref_slice %arg7[%rem3A_577, %dma_start3A_619, %dma_start3A_620] : memref<2x10x100xi32, #tpu.memory_space<vmem>> -> memref<1x10x100xi32, #tpu.memory_space<vmem>>
      %dma_start3A_622 = tpu.memref_squeeze %dma_start3A_621 : memref<1x10x100xi32, #tpu.memory_space<vmem>> -> memref<10x100xi32, #tpu.memory_space<vmem>>
      %dma_start3A_623 = arith.constant 0 : i32
      %dma_start3A_624 = tpu.memref_slice %dma_start3A_622[%dma_start3A_618, %dma_start3A_623] : memref<10x100xi32, #tpu.memory_space<vmem>> -> memref<1x100xi32, #tpu.memory_space<vmem>>
      %dma_start3A_625 = tpu.memref_squeeze %dma_start3A_624 : memref<1x100xi32, #tpu.memory_space<vmem>> -> memref<100xi32, #tpu.memory_space<vmem>>
      %dma_start3A_626 = arith.constant 0 : i32
      %dma_start3A_627 = arith.constant 0 : i32
      %dma_start3A_628 = tpu.memref_slice %arg2[%dma_start3A_626, %dma_start3A_627] : memref<10000x128xf32, #tpu.memory_space<hbm>> -> memref<10000x128xf32, #tpu.memory_space<hbm>>
      tpu.enqueue_indirect_dma source(%dma_start3A_628 : memref<10000x128xf32, #tpu.memory_space<hbm>>) target(%arg11 : memref<100x128xf32, #tpu.memory_space<vmem>>) offsets(%dma_start3A_625 : memref<100xi32, #tpu.memory_space<vmem>>) semaphore(%arg13 : memref<!tpu.dma_semaphore, #tpu.memory_space<semaphore_mem>>)
      %dma_start3A_629 = arith.constant 0 : i32
      %dma_start3A_630 = arith.constant 0 : i32
      %dma_start3A_631 = arith.constant 0 : i32
      %dma_start3A_632 = tpu.memref_slice %arg8[%rem3A_577, %dma_start3A_630, %dma_start3A_631] : memref<2x10x100xi32, #tpu.memory_space<vmem>> -> memref<1x10x100xi32, #tpu.memory_space<vmem>>
      %dma_start3A_633 = tpu.memref_squeeze %dma_start3A_632 : memref<1x10x100xi32, #tpu.memory_space<vmem>> -> memref<10x100xi32, #tpu.memory_space<vmem>>
      %dma_start3A_634 = arith.constant 0 : i32
      %dma_start3A_635 = tpu.memref_slice %dma_start3A_633[%dma_start3A_629, %dma_start3A_634] : memref<10x100xi32, #tpu.memory_space<vmem>> -> memref<1x100xi32, #tpu.memory_space<vmem>>
      %dma_start3A_636 = tpu.memref_squeeze %dma_start3A_635 : memref<1x100xi32, #tpu.memory_space<vmem>> -> memref<100xi32, #tpu.memory_space<vmem>>
      %dma_start3A_637 = arith.constant 0 : i32
      %dma_start3A_638 = arith.constant 0 : i32
      %dma_start3A_639 = tpu.memref_slice %arg12[%dma_start3A_637, %dma_start3A_638] : memref<10000x128xf32, #tpu.memory_space<vmem_shared>> -> memref<10000x128xf32, #tpu.memory_space<vmem_shared>>
      tpu.enqueue_indirect_dma source(%arg9 : memref<100x128xf32, #tpu.memory_space<vmem>>) target(%dma_start3A_639 : memref<10000x128xf32, #tpu.memory_space<vmem_shared>>) offsets(%dma_start3A_636 : memref<100xi32, #tpu.memory_space<vmem>>) semaphore(%arg14 : memref<!tpu.dma_semaphore, #tpu.memory_space<semaphore_mem>>) {add = true}
      %dma_wait3A_640 = arith.constant 1 : i32
      %dma_wait3A_641 = arith.constant 0 : i32
      %dma_wait3A_642 = arith.constant 0 : i32
      %dma_wait3A_643 = tpu.memref_slice %arg7[%rem3A_577, %dma_wait3A_641, %dma_wait3A_642] : memref<2x10x100xi32, #tpu.memory_space<vmem>> -> memref<1x10x100xi32, #tpu.memory_space<vmem>>
      %dma_wait3A_644 = tpu.memref_squeeze %dma_wait3A_643 : memref<1x10x100xi32, #tpu.memory_space<vmem>> -> memref<10x100xi32, #tpu.memory_space<vmem>>
      %dma_wait3A_645 = arith.constant 0 : i32
      %dma_wait3A_646 = tpu.memref_slice %dma_wait3A_644[%dma_wait3A_640, %dma_wait3A_645] : memref<10x100xi32, #tpu.memory_space<vmem>> -> memref<1x100xi32, #tpu.memory_space<vmem>>
      %dma_wait3A_647 = tpu.memref_squeeze %dma_wait3A_646 : memref<1x100xi32, #tpu.memory_space<vmem>> -> memref<100xi32, #tpu.memory_space<vmem>>
      %dma_wait3A_648 = arith.constant 0 : i32
      %dma_wait3A_649 = arith.constant 0 : i32
      %dma_wait3A_650 = tpu.memref_slice %arg2[%dma_wait3A_648, %dma_wait3A_649] : memref<10000x128xf32, #tpu.memory_space<hbm>> -> memref<10000x128xf32, #tpu.memory_space<hbm>>
      tpu.wait_indirect_dma semaphore(%arg13 : memref<!tpu.dma_semaphore, #tpu.memory_space<semaphore_mem>>) src(%dma_wait3A_650 : memref<10000x128xf32, #tpu.memory_space<hbm>>) dst(%arg10 : memref<100x128xf32, #tpu.memory_space<vmem>>)
      %dma_wait3A_651 = arith.constant 0 : i32
      %dma_wait3A_652 = arith.constant 0 : i32
      %dma_wait3A_653 = arith.constant 0 : i32
      %dma_wait3A_654 = tpu.memref_slice %arg8[%rem3A_577, %dma_wait3A_652, %dma_wait3A_653] : memref<2x10x100xi32, #tpu.memory_space<vmem>> -> memref<1x10x100xi32, #tpu.memory_space<vmem>>
      %dma_wait3A_655 = tpu.memref_squeeze %dma_wait3A_654 : memref<1x10x100xi32, #tpu.memory_space<vmem>> -> memref<10x100xi32, #tpu.memory_space<vmem>>
      %dma_wait3A_656 = arith.constant 0 : i32
      %dma_wait3A_657 = tpu.memref_slice %dma_wait3A_655[%dma_wait3A_651, %dma_wait3A_656] : memref<10x100xi32, #tpu.memory_space<vmem>> -> memref<1x100xi32, #tpu.memory_space<vmem>>
      %dma_wait3A_658 = tpu.memref_squeeze %dma_wait3A_657 : memref<1x100xi32, #tpu.memory_space<vmem>> -> memref<100xi32, #tpu.memory_space<vmem>>
      %dma_wait3A_659 = arith.constant 0 : i32
      %dma_wait3A_660 = arith.constant 0 : i32
      %dma_wait3A_661 = tpu.memref_slice %arg12[%dma_wait3A_659, %dma_wait3A_660] : memref<10000x128xf32, #tpu.memory_space<vmem_shared>> -> memref<10000x128xf32, #tpu.memory_space<vmem_shared>>
      tpu.wait_indirect_dma semaphore(%arg14 : memref<!tpu.dma_semaphore, #tpu.memory_space<semaphore_mem>>) src(%arg9 : memref<100x128xf32, #tpu.memory_space<vmem>>) dst(%dma_wait3A_661 : memref<10000x128xf32, #tpu.memory_space<vmem_shared>>)
      %dma_start3A_662 = arith.constant 3 : i32
      %dma_start3A_663 = arith.constant 0 : i32
      %dma_start3A_664 = arith.constant 0 : i32
      %dma_start3A_665 = tpu.memref_slice %arg7[%rem3A_577, %dma_start3A_663, %dma_start3A_664] : memref<2x10x100xi32, #tpu.memory_space<vmem>> -> memref<1x10x100xi32, #tpu.memory_space<vmem>>
      %dma_start3A_666 = tpu.memref_squeeze %dma_start3A_665 : memref<1x10x100xi32, #tpu.memory_space<vmem>> -> memref<10x100xi32, #tpu.memory_space<vmem>>
      %dma_start3A_667 = arith.constant 0 : i32
      %dma_start3A_668 = tpu.memref_slice %dma_start3A_666[%dma_start3A_662, %dma_start3A_667] : memref<10x100xi32, #tpu.memory_space<vmem>> -> memref<1x100xi32, #tpu.memory_space<vmem>>
      %dma_start3A_669 = tpu.memref_squeeze %dma_start3A_668 : memref<1x100xi32, #tpu.memory_space<vmem>> -> memref<100xi32, #tpu.memory_space<vmem>>
      %dma_start3A_670 = arith.constant 0 : i32
      %dma_start3A_671 = arith.constant 0 : i32
      %dma_start3A_672 = tpu.memref_slice %arg2[%dma_start3A_670, %dma_start3A_671] : memref<10000x128xf32, #tpu.memory_space<hbm>> -> memref<10000x128xf32, #tpu.memory_space<hbm>>
      tpu.enqueue_indirect_dma source(%dma_start3A_672 : memref<10000x128xf32, #tpu.memory_space<hbm>>) target(%arg9 : memref<100x128xf32, #tpu.memory_space<vmem>>) offsets(%dma_start3A_669 : memref<100xi32, #tpu.memory_space<vmem>>) semaphore(%arg13 : memref<!tpu.dma_semaphore, #tpu.memory_space<semaphore_mem>>)
      %dma_start3A_673 = arith.constant 1 : i32
      %dma_start3A_674 = arith.constant 0 : i32
      %dma_start3A_675 = arith.constant 0 : i32
      %dma_start3A_676 = tpu.memref_slice %arg8[%rem3A_577, %dma_start3A_674, %dma_start3A_675] : memref<2x10x100xi32, #tpu.memory_space<vmem>> -> memref<1x10x100xi32, #tpu.memory_space<vmem>>
      %dma_start3A_677 = tpu.memref_squeeze %dma_start3A_676 : memref<1x10x100xi32, #tpu.memory_space<vmem>> -> memref<10x100xi32, #tpu.memory_space<vmem>>
      %dma_start3A_678 = arith.constant 0 : i32
      %dma_start3A_679 = tpu.memref_slice %dma_start3A_677[%dma_start3A_673, %dma_start3A_678] : memref<10x100xi32, #tpu.memory_space<vmem>> -> memref<1x100xi32, #tpu.memory_space<vmem>>
      %dma_start3A_680 = tpu.memref_squeeze %dma_start3A_679 : memref<1x100xi32, #tpu.memory_space<vmem>> -> memref<100xi32, #tpu.memory_space<vmem>>
      %dma_start3A_681 = arith.constant 0 : i32
      %dma_start3A_682 = arith.constant 0 : i32
      %dma_start3A_683 = tpu.memref_slice %arg12[%dma_start3A_681, %dma_start3A_682] : memref<10000x128xf32, #tpu.memory_space<vmem_shared>> -> memref<10000x128xf32, #tpu.memory_space<vmem_shared>>
      tpu.enqueue_indirect_dma source(%arg10 : memref<100x128xf32, #tpu.memory_space<vmem>>) target(%dma_start3A_683 : memref<10000x128xf32, #tpu.memory_space<vmem_shared>>) offsets(%dma_start3A_680 : memref<100xi32, #tpu.memory_space<vmem>>) semaphore(%arg14 : memref<!tpu.dma_semaphore, #tpu.memory_space<semaphore_mem>>) {add = true}
      %dma_wait3A_684 = arith.constant 2 : i32
      %dma_wait3A_685 = arith.constant 0 : i32
      %dma_wait3A_686 = arith.constant 0 : i32
      %dma_wait3A_687 = tpu.memref_slice %arg7[%rem3A_577, %dma_wait3A_685, %dma_wait3A_686] : memref<2x10x100xi32, #tpu.memory_space<vmem>> -> memref<1x10x100xi32, #tpu.memory_space<vmem>>
      %dma_wait3A_688 = tpu.memref_squeeze %dma_wait3A_687 : memref<1x10x100xi32, #tpu.memory_space<vmem>> -> memref<10x100xi32, #tpu.memory_space<vmem>>
      %dma_wait3A_689 = arith.constant 0 : i32
      %dma_wait3A_690 = tpu.memref_slice %dma_wait3A_688[%dma_wait3A_684, %dma_wait3A_689] : memref<10x100xi32, #tpu.memory_space<vmem>> -> memref<1x100xi32, #tpu.memory_space<vmem>>
      %dma_wait3A_691 = tpu.memref_squeeze %dma_wait3A_690 : memref<1x100xi32, #tpu.memory_space<vmem>> -> memref<100xi32, #tpu.memory_space<vmem>>
      %dma_wait3A_692 = arith.constant 0 : i32
      %dma_wait3A_693 = arith.constant 0 : i32
      %dma_wait3A_694 = tpu.memref_slice %arg2[%dma_wait3A_692, %dma_wait3A_693] : memref<10000x128xf32, #tpu.memory_space<hbm>> -> memref<10000x128xf32, #tpu.memory_space<hbm>>
      tpu.wait_indirect_dma semaphore(%arg13 : memref<!tpu.dma_semaphore, #tpu.memory_space<semaphore_mem>>) src(%dma_wait3A_694 : memref<10000x128xf32, #tpu.memory_space<hbm>>) dst(%arg11 : memref<100x128xf32, #tpu.memory_space<vmem>>)
      %dma_wait3A_695 = arith.constant 1 : i32
      %dma_wait3A_696 = arith.constant 0 : i32
      %dma_wait3A_697 = arith.constant 0 : i32
      %dma_wait3A_698 = tpu.memref_slice %arg8[%rem3A_577, %dma_wait3A_696, %dma_wait3A_697] : memref<2x10x100xi32, #tpu.memory_space<vmem>> -> memref<1x10x100xi32, #tpu.memory_space<vmem>>
      %dma_wait3A_699 = tpu.memref_squeeze %dma_wait3A_698 : memref<1x10x100xi32, #tpu.memory_space<vmem>> -> memref<10x100xi32, #tpu.memory_space<vmem>>
      %dma_wait3A_700 = arith.constant 0 : i32
      %dma_wait3A_701 = tpu.memref_slice %dma_wait3A_699[%dma_wait3A_695, %dma_wait3A_700] : memref<10x100xi32, #tpu.memory_space<vmem>> -> memref<1x100xi32, #tpu.memory_space<vmem>>
      %dma_wait3A_702 = tpu.memref_squeeze %dma_wait3A_701 : memref<1x100xi32, #tpu.memory_space<vmem>> -> memref<100xi32, #tpu.memory_space<vmem>>
      %dma_wait3A_703 = arith.constant 0 : i32
      %dma_wait3A_704 = arith.constant 0 : i32
      %dma_wait3A_705 = tpu.memref_slice %arg12[%dma_wait3A_703, %dma_wait3A_704] : memref<10000x128xf32, #tpu.memory_space<vmem_shared>> -> memref<10000x128xf32, #tpu.memory_space<vmem_shared>>
      tpu.wait_indirect_dma semaphore(%arg14 : memref<!tpu.dma_semaphore, #tpu.memory_space<semaphore_mem>>) src(%arg10 : memref<100x128xf32, #tpu.memory_space<vmem>>) dst(%dma_wait3A_705 : memref<10000x128xf32, #tpu.memory_space<vmem_shared>>)
      %dma_start3A_706 = arith.constant 4 : i32
      %dma_start3A_707 = arith.constant 0 : i32
      %dma_start3A_708 = arith.constant 0 : i32
      %dma_start3A_709 = tpu.memref_slice %arg7[%rem3A_577, %dma_start3A_707, %dma_start3A_708] : memref<2x10x100xi32, #tpu.memory_space<vmem>> -> memref<1x10x100xi32, #tpu.memory_space<vmem>>
      %dma_start3A_710 = tpu.memref_squeeze %dma_start3A_709 : memref<1x10x100xi32, #tpu.memory_space<vmem>> -> memref<10x100xi32, #tpu.memory_space<vmem>>
      %dma_start3A_711 = arith.constant 0 : i32
      %dma_start3A_712 = tpu.memref_slice %dma_start3A_710[%dma_start3A_706, %dma_start3A_711] : memref<10x100xi32, #tpu.memory_space<vmem>> -> memref<1x100xi32, #tpu.memory_space<vmem>>
      %dma_start3A_713 = tpu.memref_squeeze %dma_start3A_712 : memref<1x100xi32, #tpu.memory_space<vmem>> -> memref<100xi32, #tpu.memory_space<vmem>>
      %dma_start3A_714 = arith.constant 0 : i32
      %dma_start3A_715 = arith.constant 0 : i32
      %dma_start3A_716 = tpu.memref_slice %arg2[%dma_start3A_714, %dma_start3A_715] : memref<10000x128xf32, #tpu.memory_space<hbm>> -> memref<10000x128xf32, #tpu.memory_space<hbm>>
      tpu.enqueue_indirect_dma source(%dma_start3A_716 : memref<10000x128xf32, #tpu.memory_space<hbm>>) target(%arg10 : memref<100x128xf32, #tpu.memory_space<vmem>>) offsets(%dma_start3A_713 : memref<100xi32, #tpu.memory_space<vmem>>) semaphore(%arg13 : memref<!tpu.dma_semaphore, #tpu.memory_space<semaphore_mem>>)
      %dma_start3A_717 = arith.constant 2 : i32
      %dma_start3A_718 = arith.constant 0 : i32
      %dma_start3A_719 = arith.constant 0 : i32
      %dma_start3A_720 = tpu.memref_slice %arg8[%rem3A_577, %dma_start3A_718, %dma_start3A_719] : memref<2x10x100xi32, #tpu.memory_space<vmem>> -> memref<1x10x100xi32, #tpu.memory_space<vmem>>
      %dma_start3A_721 = tpu.memref_squeeze %dma_start3A_720 : memref<1x10x100xi32, #tpu.memory_space<vmem>> -> memref<10x100xi32, #tpu.memory_space<vmem>>
      %dma_start3A_722 = arith.constant 0 : i32
      %dma_start3A_723 = tpu.memref_slice %dma_start3A_721[%dma_start3A_717, %dma_start3A_722] : memref<10x100xi32, #tpu.memory_space<vmem>> -> memref<1x100xi32, #tpu.memory_space<vmem>>
      %dma_start3A_724 = tpu.memref_squeeze %dma_start3A_723 : memref<1x100xi32, #tpu.memory_space<vmem>> -> memref<100xi32, #tpu.memory_space<vmem>>
      %dma_start3A_725 = arith.constant 0 : i32
      %dma_start3A_726 = arith.constant 0 : i32
      %dma_start3A_727 = tpu.memref_slice %arg12[%dma_start3A_725, %dma_start3A_726] : memref<10000x128xf32, #tpu.memory_space<vmem_shared>> -> memref<10000x128xf32, #tpu.memory_space<vmem_shared>>
      tpu.enqueue_indirect_dma source(%arg11 : memref<100x128xf32, #tpu.memory_space<vmem>>) target(%dma_start3A_727 : memref<10000x128xf32, #tpu.memory_space<vmem_shared>>) offsets(%dma_start3A_724 : memref<100xi32, #tpu.memory_space<vmem>>) semaphore(%arg14 : memref<!tpu.dma_semaphore, #tpu.memory_space<semaphore_mem>>) {add = true}
      %dma_wait3A_728 = arith.constant 3 : i32
      %dma_wait3A_729 = arith.constant 0 : i32
      %dma_wait3A_730 = arith.constant 0 : i32
      %dma_wait3A_731 = tpu.memref_slice %arg7[%rem3A_577, %dma_wait3A_729, %dma_wait3A_730] : memref<2x10x100xi32, #tpu.memory_space<vmem>> -> memref<1x10x100xi32, #tpu.memory_space<vmem>>
      %dma_wait3A_732 = tpu.memref_squeeze %dma_wait3A_731 : memref<1x10x100xi32, #tpu.memory_space<vmem>> -> memref<10x100xi32, #tpu.memory_space<vmem>>
      %dma_wait3A_733 = arith.constant 0 : i32
      %dma_wait3A_734 = tpu.memref_slice %dma_wait3A_732[%dma_wait3A_728, %dma_wait3A_733] : memref<10x100xi32, #tpu.memory_space<vmem>> -> memref<1x100xi32, #tpu.memory_space<vmem>>
      %dma_wait3A_735 = tpu.memref_squeeze %dma_wait3A_734 : memref<1x100xi32, #tpu.memory_space<vmem>> -> memref<100xi32, #tpu.memory_space<vmem>>
      %dma_wait3A_736 = arith.constant 0 : i32
      %dma_wait3A_737 = arith.constant 0 : i32
      %dma_wait3A_738 = tpu.memref_slice %arg2[%dma_wait3A_736, %dma_wait3A_737] : memref<10000x128xf32, #tpu.memory_space<hbm>> -> memref<10000x128xf32, #tpu.memory_space<hbm>>
      tpu.wait_indirect_dma semaphore(%arg13 : memref<!tpu.dma_semaphore, #tpu.memory_space<semaphore_mem>>) src(%dma_wait3A_738 : memref<10000x128xf32, #tpu.memory_space<hbm>>) dst(%arg9 : memref<100x128xf32, #tpu.memory_space<vmem>>)
      %dma_wait3A_739 = arith.constant 2 : i32
      %dma_wait3A_740 = arith.constant 0 : i32
      %dma_wait3A_741 = arith.constant 0 : i32
      %dma_wait3A_742 = tpu.memref_slice %arg8[%rem3A_577, %dma_wait3A_740, %dma_wait3A_741] : memref<2x10x100xi32, #tpu.memory_space<vmem>> -> memref<1x10x100xi32, #tpu.memory_space<vmem>>
      %dma_wait3A_743 = tpu.memref_squeeze %dma_wait3A_742 : memref<1x10x100xi32, #tpu.memory_space<vmem>> -> memref<10x100xi32, #tpu.memory_space<vmem>>
      %dma_wait3A_744 = arith.constant 0 : i32
      %dma_wait3A_745 = tpu.memref_slice %dma_wait3A_743[%dma_wait3A_739, %dma_wait3A_744] : memref<10x100xi32, #tpu.memory_space<vmem>> -> memref<1x100xi32, #tpu.memory_space<vmem>>
      %dma_wait3A_746 = tpu.memref_squeeze %dma_wait3A_745 : memref<1x100xi32, #tpu.memory_space<vmem>> -> memref<100xi32, #tpu.memory_space<vmem>>
      %dma_wait3A_747 = arith.constant 0 : i32
      %dma_wait3A_748 = arith.constant 0 : i32
      %dma_wait3A_749 = tpu.memref_slice %arg12[%dma_wait3A_747, %dma_wait3A_748] : memref<10000x128xf32, #tpu.memory_space<vmem_shared>> -> memref<10000x128xf32, #tpu.memory_space<vmem_shared>>
      tpu.wait_indirect_dma semaphore(%arg14 : memref<!tpu.dma_semaphore, #tpu.memory_space<semaphore_mem>>) src(%arg11 : memref<100x128xf32, #tpu.memory_space<vmem>>) dst(%dma_wait3A_749 : memref<10000x128xf32, #tpu.memory_space<vmem_shared>>)
      %dma_start3A_750 = arith.constant 5 : i32
      %dma_start3A_751 = arith.constant 0 : i32
      %dma_start3A_752 = arith.constant 0 : i32
      %dma_start3A_753 = tpu.memref_slice %arg7[%rem3A_577, %dma_start3A_751, %dma_start3A_752] : memref<2x10x100xi32, #tpu.memory_space<vmem>> -> memref<1x10x100xi32, #tpu.memory_space<vmem>>
      %dma_start3A_754 = tpu.memref_squeeze %dma_start3A_753 : memref<1x10x100xi32, #tpu.memory_space<vmem>> -> memref<10x100xi32, #tpu.memory_space<vmem>>
      %dma_start3A_755 = arith.constant 0 : i32
      %dma_start3A_756 = tpu.memref_slice %dma_start3A_754[%dma_start3A_750, %dma_start3A_755] : memref<10x100xi32, #tpu.memory_space<vmem>> -> memref<1x100xi32, #tpu.memory_space<vmem>>
      %dma_start3A_757 = tpu.memref_squeeze %dma_start3A_756 : memref<1x100xi32, #tpu.memory_space<vmem>> -> memref<100xi32, #tpu.memory_space<vmem>>
      %dma_start3A_758 = arith.constant 0 : i32
      %dma_start3A_759 = arith.constant 0 : i32
      %dma_start3A_760 = tpu.memref_slice %arg2[%dma_start3A_758, %dma_start3A_759] : memref<10000x128xf32, #tpu.memory_space<hbm>> -> memref<10000x128xf32, #tpu.memory_space<hbm>>
      tpu.enqueue_indirect_dma source(%dma_start3A_760 : memref<10000x128xf32, #tpu.memory_space<hbm>>) target(%arg11 : memref<100x128xf32, #tpu.memory_space<vmem>>) offsets(%dma_start3A_757 : memref<100xi32, #tpu.memory_space<vmem>>) semaphore(%arg13 : memref<!tpu.dma_semaphore, #tpu.memory_space<semaphore_mem>>)
      %dma_start3A_761 = arith.constant 3 : i32
      %dma_start3A_762 = arith.constant 0 : i32
      %dma_start3A_763 = arith.constant 0 : i32
      %dma_start3A_764 = tpu.memref_slice %arg8[%rem3A_577, %dma_start3A_762, %dma_start3A_763] : memref<2x10x100xi32, #tpu.memory_space<vmem>> -> memref<1x10x100xi32, #tpu.memory_space<vmem>>
      %dma_start3A_765 = tpu.memref_squeeze %dma_start3A_764 : memref<1x10x100xi32, #tpu.memory_space<vmem>> -> memref<10x100xi32, #tpu.memory_space<vmem>>
      %dma_start3A_766 = arith.constant 0 : i32
      %dma_start3A_767 = tpu.memref_slice %dma_start3A_765[%dma_start3A_761, %dma_start3A_766] : memref<10x100xi32, #tpu.memory_space<vmem>> -> memref<1x100xi32, #tpu.memory_space<vmem>>
      %dma_start3A_768 = tpu.memref_squeeze %dma_start3A_767 : memref<1x100xi32, #tpu.memory_space<vmem>> -> memref<100xi32, #tpu.memory_space<vmem>>
      %dma_start3A_769 = arith.constant 0 : i32
      %dma_start3A_770 = arith.constant 0 : i32
      %dma_start3A_771 = tpu.memref_slice %arg12[%dma_start3A_769, %dma_start3A_770] : memref<10000x128xf32, #tpu.memory_space<vmem_shared>> -> memref<10000x128xf32, #tpu.memory_space<vmem_shared>>
      tpu.enqueue_indirect_dma source(%arg9 : memref<100x128xf32, #tpu.memory_space<vmem>>) target(%dma_start3A_771 : memref<10000x128xf32, #tpu.memory_space<vmem_shared>>) offsets(%dma_start3A_768 : memref<100xi32, #tpu.memory_space<vmem>>) semaphore(%arg14 : memref<!tpu.dma_semaphore, #tpu.memory_space<semaphore_mem>>) {add = true}
      %dma_wait3A_772 = arith.constant 4 : i32
      %dma_wait3A_773 = arith.constant 0 : i32
      %dma_wait3A_774 = arith.constant 0 : i32
      %dma_wait3A_775 = tpu.memref_slice %arg7[%rem3A_577, %dma_wait3A_773, %dma_wait3A_774] : memref<2x10x100xi32, #tpu.memory_space<vmem>> -> memref<1x10x100xi32, #tpu.memory_space<vmem>>
      %dma_wait3A_776 = tpu.memref_squeeze %dma_wait3A_775 : memref<1x10x100xi32, #tpu.memory_space<vmem>> -> memref<10x100xi32, #tpu.memory_space<vmem>>
      %dma_wait3A_777 = arith.constant 0 : i32
      %dma_wait3A_778 = tpu.memref_slice %dma_wait3A_776[%dma_wait3A_772, %dma_wait3A_777] : memref<10x100xi32, #tpu.memory_space<vmem>> -> memref<1x100xi32, #tpu.memory_space<vmem>>
      %dma_wait3A_779 = tpu.memref_squeeze %dma_wait3A_778 : memref<1x100xi32, #tpu.memory_space<vmem>> -> memref<100xi32, #tpu.memory_space<vmem>>
      %dma_wait3A_780 = arith.constant 0 : i32
      %dma_wait3A_781 = arith.constant 0 : i32
      %dma_wait3A_782 = tpu.memref_slice %arg2[%dma_wait3A_780, %dma_wait3A_781] : memref<10000x128xf32, #tpu.memory_space<hbm>> -> memref<10000x128xf32, #tpu.memory_space<hbm>>
      tpu.wait_indirect_dma semaphore(%arg13 : memref<!tpu.dma_semaphore, #tpu.memory_space<semaphore_mem>>) src(%dma_wait3A_782 : memref<10000x128xf32, #tpu.memory_space<hbm>>) dst(%arg10 : memref<100x128xf32, #tpu.memory_space<vmem>>)
      %dma_wait3A_783 = arith.constant 3 : i32
      %dma_wait3A_784 = arith.constant 0 : i32
      %dma_wait3A_785 = arith.constant 0 : i32
      %dma_wait3A_786 = tpu.memref_slice %arg8[%rem3A_577, %dma_wait3A_784, %dma_wait3A_785] : memref<2x10x100xi32, #tpu.memory_space<vmem>> -> memref<1x10x100xi32, #tpu.memory_space<vmem>>
      %dma_wait3A_787 = tpu.memref_squeeze %dma_wait3A_786 : memref<1x10x100xi32, #tpu.memory_space<vmem>> -> memref<10x100xi32, #tpu.memory_space<vmem>>
      %dma_wait3A_788 = arith.constant 0 : i32
      %dma_wait3A_789 = tpu.memref_slice %dma_wait3A_787[%dma_wait3A_783, %dma_wait3A_788] : memref<10x100xi32, #tpu.memory_space<vmem>> -> memref<1x100xi32, #tpu.memory_space<vmem>>
      %dma_wait3A_790 = tpu.memref_squeeze %dma_wait3A_789 : memref<1x100xi32, #tpu.memory_space<vmem>> -> memref<100xi32, #tpu.memory_space<vmem>>
      %dma_wait3A_791 = arith.constant 0 : i32
      %dma_wait3A_792 = arith.constant 0 : i32
      %dma_wait3A_793 = tpu.memref_slice %arg12[%dma_wait3A_791, %dma_wait3A_792] : memref<10000x128xf32, #tpu.memory_space<vmem_shared>> -> memref<10000x128xf32, #tpu.memory_space<vmem_shared>>
      tpu.wait_indirect_dma semaphore(%arg14 : memref<!tpu.dma_semaphore, #tpu.memory_space<semaphore_mem>>) src(%arg9 : memref<100x128xf32, #tpu.memory_space<vmem>>) dst(%dma_wait3A_793 : memref<10000x128xf32, #tpu.memory_space<vmem_shared>>)
      %dma_start3A_794 = arith.constant 6 : i32
      %dma_start3A_795 = arith.constant 0 : i32
      %dma_start3A_796 = arith.constant 0 : i32
      %dma_start3A_797 = tpu.memref_slice %arg7[%rem3A_577, %dma_start3A_795, %dma_start3A_796] : memref<2x10x100xi32, #tpu.memory_space<vmem>> -> memref<1x10x100xi32, #tpu.memory_space<vmem>>
      %dma_start3A_798 = tpu.memref_squeeze %dma_start3A_797 : memref<1x10x100xi32, #tpu.memory_space<vmem>> -> memref<10x100xi32, #tpu.memory_space<vmem>>
      %dma_start3A_799 = arith.constant 0 : i32
      %dma_start3A_800 = tpu.memref_slice %dma_start3A_798[%dma_start3A_794, %dma_start3A_799] : memref<10x100xi32, #tpu.memory_space<vmem>> -> memref<1x100xi32, #tpu.memory_space<vmem>>
      %dma_start3A_801 = tpu.memref_squeeze %dma_start3A_800 : memref<1x100xi32, #tpu.memory_space<vmem>> -> memref<100xi32, #tpu.memory_space<vmem>>
      %dma_start3A_802 = arith.constant 0 : i32
      %dma_start3A_803 = arith.constant 0 : i32
      %dma_start3A_804 = tpu.memref_slice %arg2[%dma_start3A_802, %dma_start3A_803] : memref<10000x128xf32, #tpu.memory_space<hbm>> -> memref<10000x128xf32, #tpu.memory_space<hbm>>
      tpu.enqueue_indirect_dma source(%dma_start3A_804 : memref<10000x128xf32, #tpu.memory_space<hbm>>) target(%arg9 : memref<100x128xf32, #tpu.memory_space<vmem>>) offsets(%dma_start3A_801 : memref<100xi32, #tpu.memory_space<vmem>>) semaphore(%arg13 : memref<!tpu.dma_semaphore, #tpu.memory_space<semaphore_mem>>)
      %dma_start3A_805 = arith.constant 4 : i32
      %dma_start3A_806 = arith.constant 0 : i32
      %dma_start3A_807 = arith.constant 0 : i32
      %dma_start3A_808 = tpu.memref_slice %arg8[%rem3A_577, %dma_start3A_806, %dma_start3A_807] : memref<2x10x100xi32, #tpu.memory_space<vmem>> -> memref<1x10x100xi32, #tpu.memory_space<vmem>>
      %dma_start3A_809 = tpu.memref_squeeze %dma_start3A_808 : memref<1x10x100xi32, #tpu.memory_space<vmem>> -> memref<10x100xi32, #tpu.memory_space<vmem>>
      %dma_start3A_810 = arith.constant 0 : i32
      %dma_start3A_811 = tpu.memref_slice %dma_start3A_809[%dma_start3A_805, %dma_start3A_810] : memref<10x100xi32, #tpu.memory_space<vmem>> -> memref<1x100xi32, #tpu.memory_space<vmem>>
      %dma_start3A_812 = tpu.memref_squeeze %dma_start3A_811 : memref<1x100xi32, #tpu.memory_space<vmem>> -> memref<100xi32, #tpu.memory_space<vmem>>
      %dma_start3A_813 = arith.constant 0 : i32
      %dma_start3A_814 = arith.constant 0 : i32
      %dma_start3A_815 = tpu.memref_slice %arg12[%dma_start3A_813, %dma_start3A_814] : memref<10000x128xf32, #tpu.memory_space<vmem_shared>> -> memref<10000x128xf32, #tpu.memory_space<vmem_shared>>
      tpu.enqueue_indirect_dma source(%arg10 : memref<100x128xf32, #tpu.memory_space<vmem>>) target(%dma_start3A_815 : memref<10000x128xf32, #tpu.memory_space<vmem_shared>>) offsets(%dma_start3A_812 : memref<100xi32, #tpu.memory_space<vmem>>) semaphore(%arg14 : memref<!tpu.dma_semaphore, #tpu.memory_space<semaphore_mem>>) {add = true}
      %dma_wait3A_816 = arith.constant 5 : i32
      %dma_wait3A_817 = arith.constant 0 : i32
      %dma_wait3A_818 = arith.constant 0 : i32
      %dma_wait3A_819 = tpu.memref_slice %arg7[%rem3A_577, %dma_wait3A_817, %dma_wait3A_818] : memref<2x10x100xi32, #tpu.memory_space<vmem>> -> memref<1x10x100xi32, #tpu.memory_space<vmem>>
      %dma_wait3A_820 = tpu.memref_squeeze %dma_wait3A_819 : memref<1x10x100xi32, #tpu.memory_space<vmem>> -> memref<10x100xi32, #tpu.memory_space<vmem>>
      %dma_wait3A_821 = arith.constant 0 : i32
      %dma_wait3A_822 = tpu.memref_slice %dma_wait3A_820[%dma_wait3A_816, %dma_wait3A_821] : memref<10x100xi32, #tpu.memory_space<vmem>> -> memref<1x100xi32, #tpu.memory_space<vmem>>
      %dma_wait3A_823 = tpu.memref_squeeze %dma_wait3A_822 : memref<1x100xi32, #tpu.memory_space<vmem>> -> memref<100xi32, #tpu.memory_space<vmem>>
      %dma_wait3A_824 = arith.constant 0 : i32
      %dma_wait3A_825 = arith.constant 0 : i32
      %dma_wait3A_826 = tpu.memref_slice %arg2[%dma_wait3A_824, %dma_wait3A_825] : memref<10000x128xf32, #tpu.memory_space<hbm>> -> memref<10000x128xf32, #tpu.memory_space<hbm>>
      tpu.wait_indirect_dma semaphore(%arg13 : memref<!tpu.dma_semaphore, #tpu.memory_space<semaphore_mem>>) src(%dma_wait3A_826 : memref<10000x128xf32, #tpu.memory_space<hbm>>) dst(%arg11 : memref<100x128xf32, #tpu.memory_space<vmem>>)
      %dma_wait3A_827 = arith.constant 4 : i32
      %dma_wait3A_828 = arith.constant 0 : i32
      %dma_wait3A_829 = arith.constant 0 : i32
      %dma_wait3A_830 = tpu.memref_slice %arg8[%rem3A_577, %dma_wait3A_828, %dma_wait3A_829] : memref<2x10x100xi32, #tpu.memory_space<vmem>> -> memref<1x10x100xi32, #tpu.memory_space<vmem>>
      %dma_wait3A_831 = tpu.memref_squeeze %dma_wait3A_830 : memref<1x10x100xi32, #tpu.memory_space<vmem>> -> memref<10x100xi32, #tpu.memory_space<vmem>>
      %dma_wait3A_832 = arith.constant 0 : i32
      %dma_wait3A_833 = tpu.memref_slice %dma_wait3A_831[%dma_wait3A_827, %dma_wait3A_832] : memref<10x100xi32, #tpu.memory_space<vmem>> -> memref<1x100xi32, #tpu.memory_space<vmem>>
      %dma_wait3A_834 = tpu.memref_squeeze %dma_wait3A_833 : memref<1x100xi32, #tpu.memory_space<vmem>> -> memref<100xi32, #tpu.memory_space<vmem>>
      %dma_wait3A_835 = arith.constant 0 : i32
      %dma_wait3A_836 = arith.constant 0 : i32
      %dma_wait3A_837 = tpu.memref_slice %arg12[%dma_wait3A_835, %dma_wait3A_836] : memref<10000x128xf32, #tpu.memory_space<vmem_shared>> -> memref<10000x128xf32, #tpu.memory_space<vmem_shared>>
      tpu.wait_indirect_dma semaphore(%arg14 : memref<!tpu.dma_semaphore, #tpu.memory_space<semaphore_mem>>) src(%arg10 : memref<100x128xf32, #tpu.memory_space<vmem>>) dst(%dma_wait3A_837 : memref<10000x128xf32, #tpu.memory_space<vmem_shared>>)
      %dma_start3A_838 = arith.constant 7 : i32
      %dma_start3A_839 = arith.constant 0 : i32
      %dma_start3A_840 = arith.constant 0 : i32
      %dma_start3A_841 = tpu.memref_slice %arg7[%rem3A_577, %dma_start3A_839, %dma_start3A_840] : memref<2x10x100xi32, #tpu.memory_space<vmem>> -> memref<1x10x100xi32, #tpu.memory_space<vmem>>
      %dma_start3A_842 = tpu.memref_squeeze %dma_start3A_841 : memref<1x10x100xi32, #tpu.memory_space<vmem>> -> memref<10x100xi32, #tpu.memory_space<vmem>>
      %dma_start3A_843 = arith.constant 0 : i32
      %dma_start3A_844 = tpu.memref_slice %dma_start3A_842[%dma_start3A_838, %dma_start3A_843] : memref<10x100xi32, #tpu.memory_space<vmem>> -> memref<1x100xi32, #tpu.memory_space<vmem>>
      %dma_start3A_845 = tpu.memref_squeeze %dma_start3A_844 : memref<1x100xi32, #tpu.memory_space<vmem>> -> memref<100xi32, #tpu.memory_space<vmem>>
      %dma_start3A_846 = arith.constant 0 : i32
      %dma_start3A_847 = arith.constant 0 : i32
      %dma_start3A_848 = tpu.memref_slice %arg2[%dma_start3A_846, %dma_start3A_847] : memref<10000x128xf32, #tpu.memory_space<hbm>> -> memref<10000x128xf32, #tpu.memory_space<hbm>>
      tpu.enqueue_indirect_dma source(%dma_start3A_848 : memref<10000x128xf32, #tpu.memory_space<hbm>>) target(%arg10 : memref<100x128xf32, #tpu.memory_space<vmem>>) offsets(%dma_start3A_845 : memref<100xi32, #tpu.memory_space<vmem>>) semaphore(%arg13 : memref<!tpu.dma_semaphore, #tpu.memory_space<semaphore_mem>>)
      %dma_start3A_849 = arith.constant 5 : i32
      %dma_start3A_850 = arith.constant 0 : i32
      %dma_start3A_851 = arith.constant 0 : i32
      %dma_start3A_852 = tpu.memref_slice %arg8[%rem3A_577, %dma_start3A_850, %dma_start3A_851] : memref<2x10x100xi32, #tpu.memory_space<vmem>> -> memref<1x10x100xi32, #tpu.memory_space<vmem>>
      %dma_start3A_853 = tpu.memref_squeeze %dma_start3A_852 : memref<1x10x100xi32, #tpu.memory_space<vmem>> -> memref<10x100xi32, #tpu.memory_space<vmem>>
      %dma_start3A_854 = arith.constant 0 : i32
      %dma_start3A_855 = tpu.memref_slice %dma_start3A_853[%dma_start3A_849, %dma_start3A_854] : memref<10x100xi32, #tpu.memory_space<vmem>> -> memref<1x100xi32, #tpu.memory_space<vmem>>
      %dma_start3A_856 = tpu.memref_squeeze %dma_start3A_855 : memref<1x100xi32, #tpu.memory_space<vmem>> -> memref<100xi32, #tpu.memory_space<vmem>>
      %dma_start3A_857 = arith.constant 0 : i32
      %dma_start3A_858 = arith.constant 0 : i32
      %dma_start3A_859 = tpu.memref_slice %arg12[%dma_start3A_857, %dma_start3A_858] : memref<10000x128xf32, #tpu.memory_space<vmem_shared>> -> memref<10000x128xf32, #tpu.memory_space<vmem_shared>>
      tpu.enqueue_indirect_dma source(%arg11 : memref<100x128xf32, #tpu.memory_space<vmem>>) target(%dma_start3A_859 : memref<10000x128xf32, #tpu.memory_space<vmem_shared>>) offsets(%dma_start3A_856 : memref<100xi32, #tpu.memory_space<vmem>>) semaphore(%arg14 : memref<!tpu.dma_semaphore, #tpu.memory_space<semaphore_mem>>) {add = true}
      %dma_wait3A_860 = arith.constant 6 : i32
      %dma_wait3A_861 = arith.constant 0 : i32
      %dma_wait3A_862 = arith.constant 0 : i32
      %dma_wait3A_863 = tpu.memref_slice %arg7[%rem3A_577, %dma_wait3A_861, %dma_wait3A_862] : memref<2x10x100xi32, #tpu.memory_space<vmem>> -> memref<1x10x100xi32, #tpu.memory_space<vmem>>
      %dma_wait3A_864 = tpu.memref_squeeze %dma_wait3A_863 : memref<1x10x100xi32, #tpu.memory_space<vmem>> -> memref<10x100xi32, #tpu.memory_space<vmem>>
      %dma_wait3A_865 = arith.constant 0 : i32
      %dma_wait3A_866 = tpu.memref_slice %dma_wait3A_864[%dma_wait3A_860, %dma_wait3A_865] : memref<10x100xi32, #tpu.memory_space<vmem>> -> memref<1x100xi32, #tpu.memory_space<vmem>>
      %dma_wait3A_867 = tpu.memref_squeeze %dma_wait3A_866 : memref<1x100xi32, #tpu.memory_space<vmem>> -> memref<100xi32, #tpu.memory_space<vmem>>
      %dma_wait3A_868 = arith.constant 0 : i32
      %dma_wait3A_869 = arith.constant 0 : i32
      %dma_wait3A_870 = tpu.memref_slice %arg2[%dma_wait3A_868, %dma_wait3A_869] : memref<10000x128xf32, #tpu.memory_space<hbm>> -> memref<10000x128xf32, #tpu.memory_space<hbm>>
      tpu.wait_indirect_dma semaphore(%arg13 : memref<!tpu.dma_semaphore, #tpu.memory_space<semaphore_mem>>) src(%dma_wait3A_870 : memref<10000x128xf32, #tpu.memory_space<hbm>>) dst(%arg9 : memref<100x128xf32, #tpu.memory_space<vmem>>)
      %dma_wait3A_871 = arith.constant 5 : i32
      %dma_wait3A_872 = arith.constant 0 : i32
      %dma_wait3A_873 = arith.constant 0 : i32
      %dma_wait3A_874 = tpu.memref_slice %arg8[%rem3A_577, %dma_wait3A_872, %dma_wait3A_873] : memref<2x10x100xi32, #tpu.memory_space<vmem>> -> memref<1x10x100xi32, #tpu.memory_space<vmem>>
      %dma_wait3A_875 = tpu.memref_squeeze %dma_wait3A_874 : memref<1x10x100xi32, #tpu.memory_space<vmem>> -> memref<10x100xi32, #tpu.memory_space<vmem>>
      %dma_wait3A_876 = arith.constant 0 : i32
      %dma_wait3A_877 = tpu.memref_slice %dma_wait3A_875[%dma_wait3A_871, %dma_wait3A_876] : memref<10x100xi32, #tpu.memory_space<vmem>> -> memref<1x100xi32, #tpu.memory_space<vmem>>
      %dma_wait3A_878 = tpu.memref_squeeze %dma_wait3A_877 : memref<1x100xi32, #tpu.memory_space<vmem>> -> memref<100xi32, #tpu.memory_space<vmem>>
      %dma_wait3A_879 = arith.constant 0 : i32
      %dma_wait3A_880 = arith.constant 0 : i32
      %dma_wait3A_881 = tpu.memref_slice %arg12[%dma_wait3A_879, %dma_wait3A_880] : memref<10000x128xf32, #tpu.memory_space<vmem_shared>> -> memref<10000x128xf32, #tpu.memory_space<vmem_shared>>
      tpu.wait_indirect_dma semaphore(%arg14 : memref<!tpu.dma_semaphore, #tpu.memory_space<semaphore_mem>>) src(%arg11 : memref<100x128xf32, #tpu.memory_space<vmem>>) dst(%dma_wait3A_881 : memref<10000x128xf32, #tpu.memory_space<vmem_shared>>)
      %dma_start3A_882 = arith.constant 8 : i32
      %dma_start3A_883 = arith.constant 0 : i32
      %dma_start3A_884 = arith.constant 0 : i32
      %dma_start3A_885 = tpu.memref_slice %arg7[%rem3A_577, %dma_start3A_883, %dma_start3A_884] : memref<2x10x100xi32, #tpu.memory_space<vmem>> -> memref<1x10x100xi32, #tpu.memory_space<vmem>>
      %dma_start3A_886 = tpu.memref_squeeze %dma_start3A_885 : memref<1x10x100xi32, #tpu.memory_space<vmem>> -> memref<10x100xi32, #tpu.memory_space<vmem>>
      %dma_start3A_887 = arith.constant 0 : i32
      %dma_start3A_888 = tpu.memref_slice %dma_start3A_886[%dma_start3A_882, %dma_start3A_887] : memref<10x100xi32, #tpu.memory_space<vmem>> -> memref<1x100xi32, #tpu.memory_space<vmem>>
      %dma_start3A_889 = tpu.memref_squeeze %dma_start3A_888 : memref<1x100xi32, #tpu.memory_space<vmem>> -> memref<100xi32, #tpu.memory_space<vmem>>
      %dma_start3A_890 = arith.constant 0 : i32
      %dma_start3A_891 = arith.constant 0 : i32
      %dma_start3A_892 = tpu.memref_slice %arg2[%dma_start3A_890, %dma_start3A_891] : memref<10000x128xf32, #tpu.memory_space<hbm>> -> memref<10000x128xf32, #tpu.memory_space<hbm>>
      tpu.enqueue_indirect_dma source(%dma_start3A_892 : memref<10000x128xf32, #tpu.memory_space<hbm>>) target(%arg11 : memref<100x128xf32, #tpu.memory_space<vmem>>) offsets(%dma_start3A_889 : memref<100xi32, #tpu.memory_space<vmem>>) semaphore(%arg13 : memref<!tpu.dma_semaphore, #tpu.memory_space<semaphore_mem>>)
      %dma_start3A_893 = arith.constant 6 : i32
      %dma_start3A_894 = arith.constant 0 : i32
      %dma_start3A_895 = arith.constant 0 : i32
      %dma_start3A_896 = tpu.memref_slice %arg8[%rem3A_577, %dma_start3A_894, %dma_start3A_895] : memref<2x10x100xi32, #tpu.memory_space<vmem>> -> memref<1x10x100xi32, #tpu.memory_space<vmem>>
      %dma_start3A_897 = tpu.memref_squeeze %dma_start3A_896 : memref<1x10x100xi32, #tpu.memory_space<vmem>> -> memref<10x100xi32, #tpu.memory_space<vmem>>
      %dma_start3A_898 = arith.constant 0 : i32
      %dma_start3A_899 = tpu.memref_slice %dma_start3A_897[%dma_start3A_893, %dma_start3A_898] : memref<10x100xi32, #tpu.memory_space<vmem>> -> memref<1x100xi32, #tpu.memory_space<vmem>>
      %dma_start3A_900 = tpu.memref_squeeze %dma_start3A_899 : memref<1x100xi32, #tpu.memory_space<vmem>> -> memref<100xi32, #tpu.memory_space<vmem>>
      %dma_start3A_901 = arith.constant 0 : i32
      %dma_start3A_902 = arith.constant 0 : i32
      %dma_start3A_903 = tpu.memref_slice %arg12[%dma_start3A_901, %dma_start3A_902] : memref<10000x128xf32, #tpu.memory_space<vmem_shared>> -> memref<10000x128xf32, #tpu.memory_space<vmem_shared>>
      tpu.enqueue_indirect_dma source(%arg9 : memref<100x128xf32, #tpu.memory_space<vmem>>) target(%dma_start3A_903 : memref<10000x128xf32, #tpu.memory_space<vmem_shared>>) offsets(%dma_start3A_900 : memref<100xi32, #tpu.memory_space<vmem>>) semaphore(%arg14 : memref<!tpu.dma_semaphore, #tpu.memory_space<semaphore_mem>>) {add = true}
      %dma_wait3A_904 = arith.constant 7 : i32
      %dma_wait3A_905 = arith.constant 0 : i32
      %dma_wait3A_906 = arith.constant 0 : i32
      %dma_wait3A_907 = tpu.memref_slice %arg7[%rem3A_577, %dma_wait3A_905, %dma_wait3A_906] : memref<2x10x100xi32, #tpu.memory_space<vmem>> -> memref<1x10x100xi32, #tpu.memory_space<vmem>>
      %dma_wait3A_908 = tpu.memref_squeeze %dma_wait3A_907 : memref<1x10x100xi32, #tpu.memory_space<vmem>> -> memref<10x100xi32, #tpu.memory_space<vmem>>
      %dma_wait3A_909 = arith.constant 0 : i32
      %dma_wait3A_910 = tpu.memref_slice %dma_wait3A_908[%dma_wait3A_904, %dma_wait3A_909] : memref<10x100xi32, #tpu.memory_space<vmem>> -> memref<1x100xi32, #tpu.memory_space<vmem>>
      %dma_wait3A_911 = tpu.memref_squeeze %dma_wait3A_910 : memref<1x100xi32, #tpu.memory_space<vmem>> -> memref<100xi32, #tpu.memory_space<vmem>>
      %dma_wait3A_912 = arith.constant 0 : i32
      %dma_wait3A_913 = arith.constant 0 : i32
      %dma_wait3A_914 = tpu.memref_slice %arg2[%dma_wait3A_912, %dma_wait3A_913] : memref<10000x128xf32, #tpu.memory_space<hbm>> -> memref<10000x128xf32, #tpu.memory_space<hbm>>
      tpu.wait_indirect_dma semaphore(%arg13 : memref<!tpu.dma_semaphore, #tpu.memory_space<semaphore_mem>>) src(%dma_wait3A_914 : memref<10000x128xf32, #tpu.memory_space<hbm>>) dst(%arg10 : memref<100x128xf32, #tpu.memory_space<vmem>>)
      %dma_wait3A_915 = arith.constant 6 : i32
      %dma_wait3A_916 = arith.constant 0 : i32
      %dma_wait3A_917 = arith.constant 0 : i32
      %dma_wait3A_918 = tpu.memref_slice %arg8[%rem3A_577, %dma_wait3A_916, %dma_wait3A_917] : memref<2x10x100xi32, #tpu.memory_space<vmem>> -> memref<1x10x100xi32, #tpu.memory_space<vmem>>
      %dma_wait3A_919 = tpu.memref_squeeze %dma_wait3A_918 : memref<1x10x100xi32, #tpu.memory_space<vmem>> -> memref<10x100xi32, #tpu.memory_space<vmem>>
      %dma_wait3A_920 = arith.constant 0 : i32
      %dma_wait3A_921 = tpu.memref_slice %dma_wait3A_919[%dma_wait3A_915, %dma_wait3A_920] : memref<10x100xi32, #tpu.memory_space<vmem>> -> memref<1x100xi32, #tpu.memory_space<vmem>>
      %dma_wait3A_922 = tpu.memref_squeeze %dma_wait3A_921 : memref<1x100xi32, #tpu.memory_space<vmem>> -> memref<100xi32, #tpu.memory_space<vmem>>
      %dma_wait3A_923 = arith.constant 0 : i32
      %dma_wait3A_924 = arith.constant 0 : i32
      %dma_wait3A_925 = tpu.memref_slice %arg12[%dma_wait3A_923, %dma_wait3A_924] : memref<10000x128xf32, #tpu.memory_space<vmem_shared>> -> memref<10000x128xf32, #tpu.memory_space<vmem_shared>>
      tpu.wait_indirect_dma semaphore(%arg14 : memref<!tpu.dma_semaphore, #tpu.memory_space<semaphore_mem>>) src(%arg9 : memref<100x128xf32, #tpu.memory_space<vmem>>) dst(%dma_wait3A_925 : memref<10000x128xf32, #tpu.memory_space<vmem_shared>>)
      %dma_start3A_926 = arith.constant 9 : i32
      %dma_start3A_927 = arith.constant 0 : i32
      %dma_start3A_928 = arith.constant 0 : i32
      %dma_start3A_929 = tpu.memref_slice %arg7[%rem3A_577, %dma_start3A_927, %dma_start3A_928] : memref<2x10x100xi32, #tpu.memory_space<vmem>> -> memref<1x10x100xi32, #tpu.memory_space<vmem>>
      %dma_start3A_930 = tpu.memref_squeeze %dma_start3A_929 : memref<1x10x100xi32, #tpu.memory_space<vmem>> -> memref<10x100xi32, #tpu.memory_space<vmem>>
      %dma_start3A_931 = arith.constant 0 : i32
      %dma_start3A_932 = tpu.memref_slice %dma_start3A_930[%dma_start3A_926, %dma_start3A_931] : memref<10x100xi32, #tpu.memory_space<vmem>> -> memref<1x100xi32, #tpu.memory_space<vmem>>
      %dma_start3A_933 = tpu.memref_squeeze %dma_start3A_932 : memref<1x100xi32, #tpu.memory_space<vmem>> -> memref<100xi32, #tpu.memory_space<vmem>>
      %dma_start3A_934 = arith.constant 0 : i32
      %dma_start3A_935 = arith.constant 0 : i32
      %dma_start3A_936 = tpu.memref_slice %arg2[%dma_start3A_934, %dma_start3A_935] : memref<10000x128xf32, #tpu.memory_space<hbm>> -> memref<10000x128xf32, #tpu.memory_space<hbm>>
      tpu.enqueue_indirect_dma source(%dma_start3A_936 : memref<10000x128xf32, #tpu.memory_space<hbm>>) target(%arg9 : memref<100x128xf32, #tpu.memory_space<vmem>>) offsets(%dma_start3A_933 : memref<100xi32, #tpu.memory_space<vmem>>) semaphore(%arg13 : memref<!tpu.dma_semaphore, #tpu.memory_space<semaphore_mem>>)
      %dma_start3A_937 = arith.constant 7 : i32
      %dma_start3A_938 = arith.constant 0 : i32
      %dma_start3A_939 = arith.constant 0 : i32
      %dma_start3A_940 = tpu.memref_slice %arg8[%rem3A_577, %dma_start3A_938, %dma_start3A_939] : memref<2x10x100xi32, #tpu.memory_space<vmem>> -> memref<1x10x100xi32, #tpu.memory_space<vmem>>
      %dma_start3A_941 = tpu.memref_squeeze %dma_start3A_940 : memref<1x10x100xi32, #tpu.memory_space<vmem>> -> memref<10x100xi32, #tpu.memory_space<vmem>>
      %dma_start3A_942 = arith.constant 0 : i32
      %dma_start3A_943 = tpu.memref_slice %dma_start3A_941[%dma_start3A_937, %dma_start3A_942] : memref<10x100xi32, #tpu.memory_space<vmem>> -> memref<1x100xi32, #tpu.memory_space<vmem>>
      %dma_start3A_944 = tpu.memref_squeeze %dma_start3A_943 : memref<1x100xi32, #tpu.memory_space<vmem>> -> memref<100xi32, #tpu.memory_space<vmem>>
      %dma_start3A_945 = arith.constant 0 : i32
      %dma_start3A_946 = arith.constant 0 : i32
      %dma_start3A_947 = tpu.memref_slice %arg12[%dma_start3A_945, %dma_start3A_946] : memref<10000x128xf32, #tpu.memory_space<vmem_shared>> -> memref<10000x128xf32, #tpu.memory_space<vmem_shared>>
      tpu.enqueue_indirect_dma source(%arg10 : memref<100x128xf32, #tpu.memory_space<vmem>>) target(%dma_start3A_947 : memref<10000x128xf32, #tpu.memory_space<vmem_shared>>) offsets(%dma_start3A_944 : memref<100xi32, #tpu.memory_space<vmem>>) semaphore(%arg14 : memref<!tpu.dma_semaphore, #tpu.memory_space<semaphore_mem>>) {add = true}
      %dma_wait3A_948 = arith.constant 8 : i32
      %dma_wait3A_949 = arith.constant 0 : i32
      %dma_wait3A_950 = arith.constant 0 : i32
      %dma_wait3A_951 = tpu.memref_slice %arg7[%rem3A_577, %dma_wait3A_949, %dma_wait3A_950] : memref<2x10x100xi32, #tpu.memory_space<vmem>> -> memref<1x10x100xi32, #tpu.memory_space<vmem>>
      %dma_wait3A_952 = tpu.memref_squeeze %dma_wait3A_951 : memref<1x10x100xi32, #tpu.memory_space<vmem>> -> memref<10x100xi32, #tpu.memory_space<vmem>>
      %dma_wait3A_953 = arith.constant 0 : i32
      %dma_wait3A_954 = tpu.memref_slice %dma_wait3A_952[%dma_wait3A_948, %dma_wait3A_953] : memref<10x100xi32, #tpu.memory_space<vmem>> -> memref<1x100xi32, #tpu.memory_space<vmem>>
      %dma_wait3A_955 = tpu.memref_squeeze %dma_wait3A_954 : memref<1x100xi32, #tpu.memory_space<vmem>> -> memref<100xi32, #tpu.memory_space<vmem>>
      %dma_wait3A_956 = arith.constant 0 : i32
      %dma_wait3A_957 = arith.constant 0 : i32
      %dma_wait3A_958 = tpu.memref_slice %arg2[%dma_wait3A_956, %dma_wait3A_957] : memref<10000x128xf32, #tpu.memory_space<hbm>> -> memref<10000x128xf32, #tpu.memory_space<hbm>>
      tpu.wait_indirect_dma semaphore(%arg13 : memref<!tpu.dma_semaphore, #tpu.memory_space<semaphore_mem>>) src(%dma_wait3A_958 : memref<10000x128xf32, #tpu.memory_space<hbm>>) dst(%arg11 : memref<100x128xf32, #tpu.memory_space<vmem>>)
      %dma_wait3A_959 = arith.constant 7 : i32
      %dma_wait3A_960 = arith.constant 0 : i32
      %dma_wait3A_961 = arith.constant 0 : i32
      %dma_wait3A_962 = tpu.memref_slice %arg8[%rem3A_577, %dma_wait3A_960, %dma_wait3A_961] : memref<2x10x100xi32, #tpu.memory_space<vmem>> -> memref<1x10x100xi32, #tpu.memory_space<vmem>>
      %dma_wait3A_963 = tpu.memref_squeeze %dma_wait3A_962 : memref<1x10x100xi32, #tpu.memory_space<vmem>> -> memref<10x100xi32, #tpu.memory_space<vmem>>
      %dma_wait3A_964 = arith.constant 0 : i32
      %dma_wait3A_965 = tpu.memref_slice %dma_wait3A_963[%dma_wait3A_959, %dma_wait3A_964] : memref<10x100xi32, #tpu.memory_space<vmem>> -> memref<1x100xi32, #tpu.memory_space<vmem>>
      %dma_wait3A_966 = tpu.memref_squeeze %dma_wait3A_965 : memref<1x100xi32, #tpu.memory_space<vmem>> -> memref<100xi32, #tpu.memory_space<vmem>>
      %dma_wait3A_967 = arith.constant 0 : i32
      %dma_wait3A_968 = arith.constant 0 : i32
      %dma_wait3A_969 = tpu.memref_slice %arg12[%dma_wait3A_967, %dma_wait3A_968] : memref<10000x128xf32, #tpu.memory_space<vmem_shared>> -> memref<10000x128xf32, #tpu.memory_space<vmem_shared>>
      tpu.wait_indirect_dma semaphore(%arg14 : memref<!tpu.dma_semaphore, #tpu.memory_space<semaphore_mem>>) src(%arg10 : memref<100x128xf32, #tpu.memory_space<vmem>>) dst(%dma_wait3A_969 : memref<10000x128xf32, #tpu.memory_space<vmem_shared>>)
      %dma_start3A_970 = arith.constant 8 : i32
      %dma_start3A_971 = arith.constant 0 : i32
      %dma_start3A_972 = arith.constant 0 : i32
      %dma_start3A_973 = tpu.memref_slice %arg8[%rem3A_577, %dma_start3A_971, %dma_start3A_972] : memref<2x10x100xi32, #tpu.memory_space<vmem>> -> memref<1x10x100xi32, #tpu.memory_space<vmem>>
      %dma_start3A_974 = tpu.memref_squeeze %dma_start3A_973 : memref<1x10x100xi32, #tpu.memory_space<vmem>> -> memref<10x100xi32, #tpu.memory_space<vmem>>
      %dma_start3A_975 = arith.constant 0 : i32
      %dma_start3A_976 = tpu.memref_slice %dma_start3A_974[%dma_start3A_970, %dma_start3A_975] : memref<10x100xi32, #tpu.memory_space<vmem>> -> memref<1x100xi32, #tpu.memory_space<vmem>>
      %dma_start3A_977 = tpu.memref_squeeze %dma_start3A_976 : memref<1x100xi32, #tpu.memory_space<vmem>> -> memref<100xi32, #tpu.memory_space<vmem>>
      %dma_start3A_978 = arith.constant 0 : i32
      %dma_start3A_979 = arith.constant 0 : i32
      %dma_start3A_980 = tpu.memref_slice %arg12[%dma_start3A_978, %dma_start3A_979] : memref<10000x128xf32, #tpu.memory_space<vmem_shared>> -> memref<10000x128xf32, #tpu.memory_space<vmem_shared>>
      tpu.enqueue_indirect_dma source(%arg11 : memref<100x128xf32, #tpu.memory_space<vmem>>) target(%dma_start3A_980 : memref<10000x128xf32, #tpu.memory_space<vmem_shared>>) offsets(%dma_start3A_977 : memref<100xi32, #tpu.memory_space<vmem>>) semaphore(%arg14 : memref<!tpu.dma_semaphore, #tpu.memory_space<semaphore_mem>>) {add = true}
      %dma_wait3A_981 = arith.constant 9 : i32
      %dma_wait3A_982 = arith.constant 0 : i32
      %dma_wait3A_983 = arith.constant 0 : i32
      %dma_wait3A_984 = tpu.memref_slice %arg7[%rem3A_577, %dma_wait3A_982, %dma_wait3A_983] : memref<2x10x100xi32, #tpu.memory_space<vmem>> -> memref<1x10x100xi32, #tpu.memory_space<vmem>>
      %dma_wait3A_985 = tpu.memref_squeeze %dma_wait3A_984 : memref<1x10x100xi32, #tpu.memory_space<vmem>> -> memref<10x100xi32, #tpu.memory_space<vmem>>
      %dma_wait3A_986 = arith.constant 0 : i32
      %dma_wait3A_987 = tpu.memref_slice %dma_wait3A_985[%dma_wait3A_981, %dma_wait3A_986] : memref<10x100xi32, #tpu.memory_space<vmem>> -> memref<1x100xi32, #tpu.memory_space<vmem>>
      %dma_wait3A_988 = tpu.memref_squeeze %dma_wait3A_987 : memref<1x100xi32, #tpu.memory_space<vmem>> -> memref<100xi32, #tpu.memory_space<vmem>>
      %dma_wait3A_989 = arith.constant 0 : i32
      %dma_wait3A_990 = arith.constant 0 : i32
      %dma_wait3A_991 = tpu.memref_slice %arg2[%dma_wait3A_989, %dma_wait3A_990] : memref<10000x128xf32, #tpu.memory_space<hbm>> -> memref<10000x128xf32, #tpu.memory_space<hbm>>
      tpu.wait_indirect_dma semaphore(%arg13 : memref<!tpu.dma_semaphore, #tpu.memory_space<semaphore_mem>>) src(%dma_wait3A_991 : memref<10000x128xf32, #tpu.memory_space<hbm>>) dst(%arg9 : memref<100x128xf32, #tpu.memory_space<vmem>>)
      %dma_wait3A_992 = arith.constant 8 : i32
      %dma_wait3A_993 = arith.constant 0 : i32
      %dma_wait3A_994 = arith.constant 0 : i32
      %dma_wait3A_995 = tpu.memref_slice %arg8[%rem3A_577, %dma_wait3A_993, %dma_wait3A_994] : memref<2x10x100xi32, #tpu.memory_space<vmem>> -> memref<1x10x100xi32, #tpu.memory_space<vmem>>
      %dma_wait3A_996 = tpu.memref_squeeze %dma_wait3A_995 : memref<1x10x100xi32, #tpu.memory_space<vmem>> -> memref<10x100xi32, #tpu.memory_space<vmem>>
      %dma_wait3A_997 = arith.constant 0 : i32
      %dma_wait3A_998 = tpu.memref_slice %dma_wait3A_996[%dma_wait3A_992, %dma_wait3A_997] : memref<10x100xi32, #tpu.memory_space<vmem>> -> memref<1x100xi32, #tpu.memory_space<vmem>>
      %dma_wait3A_999 = tpu.memref_squeeze %dma_wait3A_998 : memref<1x100xi32, #tpu.memory_space<vmem>> -> memref<100xi32, #tpu.memory_space<vmem>>
      %dma_wait3A_1000 = arith.constant 0 : i32
      %dma_wait3A_1001 = arith.constant 0 : i32
      %dma_wait3A_1002 = tpu.memref_slice %arg12[%dma_wait3A_1000, %dma_wait3A_1001] : memref<10000x128xf32, #tpu.memory_space<vmem_shared>> -> memref<10000x128xf32, #tpu.memory_space<vmem_shared>>
      tpu.wait_indirect_dma semaphore(%arg14 : memref<!tpu.dma_semaphore, #tpu.memory_space<semaphore_mem>>) src(%arg11 : memref<100x128xf32, #tpu.memory_space<vmem>>) dst(%dma_wait3A_1002 : memref<10000x128xf32, #tpu.memory_space<vmem_shared>>)
      %dma_start3A_1003 = arith.constant 9 : i32
      %dma_start3A_1004 = arith.constant 0 : i32
      %dma_start3A_1005 = arith.constant 0 : i32
      %dma_start3A_1006 = tpu.memref_slice %arg8[%rem3A_577, %dma_start3A_1004, %dma_start3A_1005] : memref<2x10x100xi32, #tpu.memory_space<vmem>> -> memref<1x10x100xi32, #tpu.memory_space<vmem>>
      %dma_start3A_1007 = tpu.memref_squeeze %dma_start3A_1006 : memref<1x10x100xi32, #tpu.memory_space<vmem>> -> memref<10x100xi32, #tpu.memory_space<vmem>>
      %dma_start3A_1008 = arith.constant 0 : i32
      %dma_start3A_1009 = tpu.memref_slice %dma_start3A_1007[%dma_start3A_1003, %dma_start3A_1008] : memref<10x100xi32, #tpu.memory_space<vmem>> -> memref<1x100xi32, #tpu.memory_space<vmem>>
      %dma_start3A_1010 = tpu.memref_squeeze %dma_start3A_1009 : memref<1x100xi32, #tpu.memory_space<vmem>> -> memref<100xi32, #tpu.memory_space<vmem>>
      %dma_start3A_1011 = arith.constant 0 : i32
      %dma_start3A_1012 = arith.constant 0 : i32
      %dma_start3A_1013 = tpu.memref_slice %arg12[%dma_start3A_1011, %dma_start3A_1012] : memref<10000x128xf32, #tpu.memory_space<vmem_shared>> -> memref<10000x128xf32, #tpu.memory_space<vmem_shared>>
      tpu.enqueue_indirect_dma source(%arg9 : memref<100x128xf32, #tpu.memory_space<vmem>>) target(%dma_start3A_1013 : memref<10000x128xf32, #tpu.memory_space<vmem_shared>>) offsets(%dma_start3A_1010 : memref<100xi32, #tpu.memory_space<vmem>>) semaphore(%arg14 : memref<!tpu.dma_semaphore, #tpu.memory_space<semaphore_mem>>) {add = true}
      %dma_wait3A_1014 = arith.constant 9 : i32
      %dma_wait3A_1015 = arith.constant 0 : i32
      %dma_wait3A_1016 = arith.constant 0 : i32
      %dma_wait3A_1017 = tpu.memref_slice %arg8[%rem3A_577, %dma_wait3A_1015, %dma_wait3A_1016] : memref<2x10x100xi32, #tpu.memory_space<vmem>> -> memref<1x10x100xi32, #tpu.memory_space<vmem>>
      %dma_wait3A_1018 = tpu.memref_squeeze %dma_wait3A_1017 : memref<1x10x100xi32, #tpu.memory_space<vmem>> -> memref<10x100xi32, #tpu.memory_space<vmem>>
      %dma_wait3A_1019 = arith.constant 0 : i32
      %dma_wait3A_1020 = tpu.memref_slice %dma_wait3A_1018[%dma_wait3A_1014, %dma_wait3A_1019] : memref<10x100xi32, #tpu.memory_space<vmem>> -> memref<1x100xi32, #tpu.memory_space<vmem>>
      %dma_wait3A_1021 = tpu.memref_squeeze %dma_wait3A_1020 : memref<1x100xi32, #tpu.memory_space<vmem>> -> memref<100xi32, #tpu.memory_space<vmem>>
      %dma_wait3A_1022 = arith.constant 0 : i32
      %dma_wait3A_1023 = arith.constant 0 : i32
      %dma_wait3A_1024 = tpu.memref_slice %arg12[%dma_wait3A_1022, %dma_wait3A_1023] : memref<10000x128xf32, #tpu.memory_space<vmem_shared>> -> memref<10000x128xf32, #tpu.memory_space<vmem_shared>>
      tpu.wait_indirect_dma semaphore(%arg14 : memref<!tpu.dma_semaphore, #tpu.memory_space<semaphore_mem>>) src(%arg9 : memref<100x128xf32, #tpu.memory_space<vmem>>) dst(%dma_wait3A_1024 : memref<10000x128xf32, #tpu.memory_space<vmem_shared>>)
      %add3A_1025 = arith.constant 1 : i32
      %add3A_1026 = arith.addi %scan3A_576, %add3A_1025 : i32
      %lt3A_1027 = arith.constant 10 : i32
      %lt3A_1028 = arith.cmpi slt, %add3A_1026, %lt3A_1027 : i32
      %convert_element_type3A_1029 = arith.extui %lt3A_1028 : i1 to i32
      %cond3A_1030 = arith.constant 0 : i32
      %cond3A_1031 = arith.cmpi ne, %convert_element_type3A_1029, %cond3A_1030 : i32
      scf.if %cond3A_1031 {
        %add3A_1032 = arith.constant 1 : i32
        %add3A_1033 = arith.addi %scan3A_576, %add3A_1032 : i32
        %sub3A = arith.constant 1 : i32
        %sub3A_1034 = arith.subi %sub3A, %rem3A_577 : i32
        %dma_wait3A_1035 = arith.constant 0 : i32
        %dma_wait3A_1036 = arith.constant 0 : i32
        %dma_wait3A_1037 = tpu.memref_slice %arg7[%sub3A_1034, %dma_wait3A_1035, %dma_wait3A_1036] : memref<2x10x100xi32, #tpu.memory_space<vmem>> -> memref<1x10x100xi32, #tpu.memory_space<vmem>>
        %dma_wait3A_1038 = tpu.memref_squeeze %dma_wait3A_1037 : memref<1x10x100xi32, #tpu.memory_space<vmem>> -> memref<10x100xi32, #tpu.memory_space<vmem>>
        %dma_wait3A_1039 = arith.constant 0 : i32
        %dma_wait3A_1040 = arith.constant 0 : i32
        %dma_wait3A_1041 = tpu.memref_slice %arg3[%add3A, %add3A_1033, %dma_wait3A_1039, %dma_wait3A_1040] : memref<32x10x10x100xi32, #tpu.memory_space<hbm>> -> memref<1x1x10x100xi32, #tpu.memory_space<hbm>>
        %dma_wait3A_1042 = tpu.memref_squeeze %dma_wait3A_1041 : memref<1x1x10x100xi32, #tpu.memory_space<hbm>> -> memref<10x100xi32, #tpu.memory_space<hbm>>
        %dma_wait3A_1043 = arith.constant 0 : i32
        %dma_wait3A_1044 = arith.constant 0 : i32
        %dma_wait3A_1045 = tpu.memref_slice %arg7[%sub3A_1034, %dma_wait3A_1043, %dma_wait3A_1044] : memref<2x10x100xi32, #tpu.memory_space<vmem>> -> memref<1x10x100xi32, #tpu.memory_space<vmem>>
        %dma_wait3A_1046 = tpu.memref_squeeze %dma_wait3A_1045 : memref<1x10x100xi32, #tpu.memory_space<vmem>> -> memref<10x100xi32, #tpu.memory_space<vmem>>
        %dma_wait3A_1047 = arith.constant 0 : i32
        %dma_wait3A_1048 = arith.constant 0 : i32
        %dma_wait3A_1049 = tpu.memref_slice %arg3[%add3A, %add3A_1033, %dma_wait3A_1047, %dma_wait3A_1048] : memref<32x10x10x100xi32, #tpu.memory_space<hbm>> -> memref<1x1x10x100xi32, #tpu.memory_space<hbm>>
        %dma_wait3A_1050 = tpu.memref_squeeze %dma_wait3A_1049 : memref<1x1x10x100xi32, #tpu.memory_space<hbm>> -> memref<10x100xi32, #tpu.memory_space<hbm>>
        tpu.wait_dma2 semaphore(%arg15 : memref<!tpu.dma_semaphore, #tpu.memory_space<semaphore_mem>>) src(%dma_wait3A_1050 : memref<10x100xi32, #tpu.memory_space<hbm>>) dst(%dma_wait3A_1046 : memref<10x100xi32, #tpu.memory_space<vmem>>)
        %dma_wait3A_1051 = arith.constant 0 : i32
        %dma_wait3A_1052 = arith.constant 0 : i32
        %dma_wait3A_1053 = tpu.memref_slice %arg8[%sub3A_1034, %dma_wait3A_1051, %dma_wait3A_1052] : memref<2x10x100xi32, #tpu.memory_space<vmem>> -> memref<1x10x100xi32, #tpu.memory_space<vmem>>
        %dma_wait3A_1054 = tpu.memref_squeeze %dma_wait3A_1053 : memref<1x10x100xi32, #tpu.memory_space<vmem>> -> memref<10x100xi32, #tpu.memory_space<vmem>>
        %dma_wait3A_1055 = arith.constant 0 : i32
        %dma_wait3A_1056 = arith.constant 0 : i32
        %dma_wait3A_1057 = tpu.memref_slice %arg4[%add3A, %add3A_1033, %dma_wait3A_1055, %dma_wait3A_1056] : memref<32x10x10x100xi32, #tpu.memory_space<hbm>> -> memref<1x1x10x100xi32, #tpu.memory_space<hbm>>
        %dma_wait3A_1058 = tpu.memref_squeeze %dma_wait3A_1057 : memref<1x1x10x100xi32, #tpu.memory_space<hbm>> -> memref<10x100xi32, #tpu.memory_space<hbm>>
        %dma_wait3A_1059 = arith.constant 0 : i32
        %dma_wait3A_1060 = arith.constant 0 : i32
        %dma_wait3A_1061 = tpu.memref_slice %arg8[%sub3A_1034, %dma_wait3A_1059, %dma_wait3A_1060] : memref<2x10x100xi32, #tpu.memory_space<vmem>> -> memref<1x10x100xi32, #tpu.memory_space<vmem>>
        %dma_wait3A_1062 = tpu.memref_squeeze %dma_wait3A_1061 : memref<1x10x100xi32, #tpu.memory_space<vmem>> -> memref<10x100xi32, #tpu.memory_space<vmem>>
        %dma_wait3A_1063 = arith.constant 0 : i32
        %dma_wait3A_1064 = arith.constant 0 : i32
        %dma_wait3A_1065 = tpu.memref_slice %arg4[%add3A, %add3A_1033, %dma_wait3A_1063, %dma_wait3A_1064] : memref<32x10x10x100xi32, #tpu.memory_space<hbm>> -> memref<1x1x10x100xi32, #tpu.memory_space<hbm>>
        %dma_wait3A_1066 = tpu.memref_squeeze %dma_wait3A_1065 : memref<1x1x10x100xi32, #tpu.memory_space<hbm>> -> memref<10x100xi32, #tpu.memory_space<hbm>>
        tpu.wait_dma2 semaphore(%arg15 : memref<!tpu.dma_semaphore, #tpu.memory_space<semaphore_mem>>) src(%dma_wait3A_1066 : memref<10x100xi32, #tpu.memory_space<hbm>>) dst(%dma_wait3A_1062 : memref<10x100xi32, #tpu.memory_space<vmem>>)
      } else {
      }
    }
    %scan3A_564 = arith.constant 9 : i32
    %barrier3A_565 = arith.constant 0 : index
    tpu.barrier barrier_id(%barrier3A_565)
    %lt3A_566 = arith.constant 15 : i32
    %lt3A_567 = arith.cmpi slt, %arg1, %lt3A_566 : i32
    %convert_element_type3A_568 = arith.extui %lt3A_567 : i1 to i32
    %cond3A_569 = arith.constant 0 : i32
    %cond3A_570 = arith.cmpi ne, %convert_element_type3A_568, %cond3A_569 : i32
    scf.if %cond3A_570 {
      %mul3A_576 = arith.constant 632 : i32
      %mul3A_577 = arith.muli %arg1, %mul3A_576 : i32
      %mul3A_578 = arith.constant 632 : i32
      %mul3A_579 = arith.muli %arg1, %mul3A_578 : i32
      "tpu.region"() ({
        %run_scoped3A_580 = tpu.sem_alloc : memref<!tpu.dma_semaphore, #tpu.memory_space<semaphore_mem>>
        %dma_start3A_581 = arith.constant 0 : i32
        %dma_start3A_582 = tpu.memref_slice %arg6[%arg0, %mul3A_579, %dma_start3A_581] : memref<2x10000x128xf32, #tpu.memory_space<hbm>> -> memref<1x632x128xf32, #tpu.memory_space<hbm>>
        %dma_start3A_583 = tpu.memref_squeeze %dma_start3A_582 : memref<1x632x128xf32, #tpu.memory_space<hbm>> -> memref<632x128xf32, #tpu.memory_space<hbm>>
        %dma_start3A_584 = arith.constant 0 : i32
        %dma_start3A_585 = tpu.memref_slice %arg12[%mul3A_577, %dma_start3A_584] : memref<10000x128xf32, #tpu.memory_space<vmem_shared>> -> memref<632x128xf32, #tpu.memory_space<vmem_shared>>
        tpu.enqueue_dma source(%dma_start3A_585 : memref<632x128xf32, #tpu.memory_space<vmem_shared>>) target(%dma_start3A_583 : memref<632x128xf32, #tpu.memory_space<hbm>>) target_semaphore(%run_scoped3A_580 : memref<!tpu.dma_semaphore, #tpu.memory_space<semaphore_mem>>)
        %dma_wait3A_586 = arith.constant 0 : i32
        %dma_wait3A_587 = tpu.memref_slice %arg6[%arg0, %mul3A_579, %dma_wait3A_586] : memref<2x10000x128xf32, #tpu.memory_space<hbm>> -> memref<1x632x128xf32, #tpu.memory_space<hbm>>
        %dma_wait3A_588 = tpu.memref_squeeze %dma_wait3A_587 : memref<1x632x128xf32, #tpu.memory_space<hbm>> -> memref<632x128xf32, #tpu.memory_space<hbm>>
        %dma_wait3A_589 = arith.constant 0 : i32
        %dma_wait3A_590 = tpu.memref_slice %arg12[%mul3A_577, %dma_wait3A_589] : memref<10000x128xf32, #tpu.memory_space<vmem_shared>> -> memref<632x128xf32, #tpu.memory_space<vmem_shared>>
        tpu.wait_dma2 semaphore(%run_scoped3A_580 : memref<!tpu.dma_semaphore, #tpu.memory_space<semaphore_mem>>) src(%dma_wait3A_590 : memref<632x128xf32, #tpu.memory_space<vmem_shared>>) dst(%dma_wait3A_588 : memref<632x128xf32, #tpu.memory_space<hbm>>)
        tpu.yield
      }) : () -> ()
    } else {
    }
    %eq3A_571 = arith.constant 15 : i32
    %eq3A_572 = arith.cmpi eq, %arg1, %eq3A_571 : i32
    %convert_element_type3A_573 = arith.extui %eq3A_572 : i1 to i32
    %cond3A_574 = arith.constant 0 : i32
    %cond3A_575 = arith.cmpi ne, %convert_element_type3A_573, %cond3A_574 : i32
    scf.if %cond3A_575 {
      "tpu.region"() ({
        %run_scoped3A_576 = tpu.sem_alloc : memref<!tpu.dma_semaphore, #tpu.memory_space<semaphore_mem>>
        %dma_start3A_577 = arith.constant 9480 : i32
        %dma_start3A_578 = arith.constant 0 : i32
        %dma_start3A_579 = tpu.memref_slice %arg6[%arg0, %dma_start3A_577, %dma_start3A_578] : memref<2x10000x128xf32, #tpu.memory_space<hbm>> -> memref<1x520x128xf32, #tpu.memory_space<hbm>>
        %dma_start3A_580 = tpu.memref_squeeze %dma_start3A_579 : memref<1x520x128xf32, #tpu.memory_space<hbm>> -> memref<520x128xf32, #tpu.memory_space<hbm>>
        %dma_start3A_581 = arith.constant 9480 : i32
        %dma_start3A_582 = arith.constant 0 : i32
        %dma_start3A_583 = tpu.memref_slice %arg12[%dma_start3A_581, %dma_start3A_582] : memref<10000x128xf32, #tpu.memory_space<vmem_shared>> -> memref<520x128xf32, #tpu.memory_space<vmem_shared>>
        tpu.enqueue_dma source(%dma_start3A_583 : memref<520x128xf32, #tpu.memory_space<vmem_shared>>) target(%dma_start3A_580 : memref<520x128xf32, #tpu.memory_space<hbm>>) target_semaphore(%run_scoped3A_576 : memref<!tpu.dma_semaphore, #tpu.memory_space<semaphore_mem>>)
        %dma_wait3A_584 = arith.constant 9480 : i32
        %dma_wait3A_585 = arith.constant 0 : i32
        %dma_wait3A_586 = tpu.memref_slice %arg6[%arg0, %dma_wait3A_584, %dma_wait3A_585] : memref<2x10000x128xf32, #tpu.memory_space<hbm>> -> memref<1x520x128xf32, #tpu.memory_space<hbm>>
        %dma_wait3A_587 = tpu.memref_squeeze %dma_wait3A_586 : memref<1x520x128xf32, #tpu.memory_space<hbm>> -> memref<520x128xf32, #tpu.memory_space<hbm>>
        %dma_wait3A_588 = arith.constant 9480 : i32
        %dma_wait3A_589 = arith.constant 0 : i32
        %dma_wait3A_590 = tpu.memref_slice %arg12[%dma_wait3A_588, %dma_wait3A_589] : memref<10000x128xf32, #tpu.memory_space<vmem_shared>> -> memref<520x128xf32, #tpu.memory_space<vmem_shared>>
        tpu.wait_dma2 semaphore(%run_scoped3A_576 : memref<!tpu.dma_semaphore, #tpu.memory_space<semaphore_mem>>) src(%dma_wait3A_590 : memref<520x128xf32, #tpu.memory_space<vmem_shared>>) dst(%dma_wait3A_587 : memref<520x128xf32, #tpu.memory_space<hbm>>)
        tpu.yield
      }) : () -> ()
    } else {
    }
    return
  }
}

module attributes {stable_mosaic.version = 14 : i64} {
  func.func @_lp_body(%arg0: i32, %arg1: memref<2000x128xf32, #tpu.memory_space<vmem>>, %arg2: memref<128x128xf32, #tpu.memory_space<vmem>>, %arg3: memref<1x128xf32, #tpu.memory_space<vmem>>, %arg4: memref<2000x128xf32, #tpu.memory_space<vmem>>) attributes {dimension_semantics = [#tpu.dimension_semantics<arbitrary>], iteration_bounds = array<i64: 5>, scalar_prefetch = 0 : i64, scratch_operands = 0 : i64, tpu.core_type = #tpu.core_type<tc>, window_params = [{transform_indices = @transform_0, window_bounds = array<i64: 2000, 128>}, {pipeline_mode = #tpu.pipeline_mode<synchronous>, transform_indices = @transform_1, window_bounds = array<i64: 128, 128>}, {pipeline_mode = #tpu.pipeline_mode<synchronous>, transform_indices = @transform_2, window_bounds = array<i64: 1, 128>}, {transform_indices = @transform_3, window_bounds = array<i64: 2000, 128>}]} {
    %get3A = arith.constant 0 : index
    %get3A_0 = arith.constant 0 : index
    %get3A_1 = vector.load %arg1[%get3A, %get3A_0] : memref<2000x128xf32, #tpu.memory_space<vmem>>, vector<2000x128xf32>
    %get3A_2 = arith.constant 0 : index
    %get3A_3 = arith.constant 0 : index
    %get3A_4 = vector.load %arg2[%get3A_2, %get3A_3] : memref<128x128xf32, #tpu.memory_space<vmem>>, vector<128x128xf32>
    %dot_general3A = arith.constant dense<0.000000e+00> : vector<2000x128xf32>
    %dot_general3A_5 = tpu.matmul %get3A_1, %get3A_4, %dot_general3A {dimension_numbers = #tpu.dot_dimension_numbers<[1], [0], [0], [1], [0, 0, 1, 1], [], []>, transpose_lhs_hint = false} : vector<2000x128xf32>, vector<128x128xf32>, vector<2000x128xf32> -> vector<2000x128xf32>
    %get3A_6 = arith.constant 0 : index
    %get3A_7 = arith.constant 0 : index
    %get3A_8 = vector.load %arg3[%get3A_6, %get3A_7] : memref<1x128xf32, #tpu.memory_space<vmem>>, vector<1x128xf32>
    %add3A = vector.broadcast %get3A_8 : vector<1x128xf32> to vector<2000x128xf32>
    %add3A_9 = arith.addf %dot_general3A_5, %add3A : vector<2000x128xf32>
    %swap3A = arith.constant 0 : index
    %swap3A_10 = arith.constant 0 : index
    %swap3A_11 = vector.load %arg4[%swap3A, %swap3A_10] : memref<2000x128xf32, #tpu.memory_space<vmem>>, vector<2000x128xf32>
    tpu.vector_store %arg4[%swap3A, %swap3A_10], %add3A_9 {strides = array<i32>} : memref<2000x128xf32, #tpu.memory_space<vmem>>, vector<2000x128xf32>,
    return
  }
  func.func @transform_0(%arg0: i32) -> (i32, i32) {
    %c0_i32 = arith.constant 0 : i32
    %c0_i32_0 = arith.constant 0 : i32
    return %arg0, %c0_i32 : i32, i32
  }
  func.func @transform_1(%arg0: i32) -> (i32, i32) {
    %c0_i32 = arith.constant 0 : i32
    %c0_i32_0 = arith.constant 0 : i32
    %c0_i32_1 = arith.constant 0 : i32
    return %c0_i32, %c0_i32_0 : i32, i32
  }
  func.func @transform_2(%arg0: i32) -> (i32, i32) {
    %c0_i32 = arith.constant 0 : i32
    %c0_i32_0 = arith.constant 0 : i32
    %c0_i32_1 = arith.constant 0 : i32
    return %c0_i32, %c0_i32_0 : i32, i32
  }
  func.func @transform_3(%arg0: i32) -> (i32, i32) {
    %c0_i32 = arith.constant 0 : i32
    %c0_i32_0 = arith.constant 0 : i32
    return %arg0, %c0_i32 : i32, i32
  }
}

module attributes {stable_mosaic.version = 14 : i64} {
  func.func @_h_body(%arg0: i32, %arg1: memref<2x2000x128xf32, #tpu.memory_space<vmem>>, %arg2: memref<2000x128xf32, #tpu.memory_space<vmem>>, %arg3: memref<128x128xf32, #tpu.memory_space<vmem>>, %arg4: memref<2000x128xf32, #tpu.memory_space<vmem>>) attributes {dimension_semantics = [#tpu.dimension_semantics<arbitrary>], iteration_bounds = array<i64: 5>, scalar_prefetch = 0 : i64, scratch_operands = 0 : i64, tpu.core_type = #tpu.core_type<tc>, window_params = [{transform_indices = @transform_0, window_bounds = array<i64: 2, 2000, 128>}, {transform_indices = @transform_1, window_bounds = array<i64: 2000, 128>}, {pipeline_mode = #tpu.pipeline_mode<synchronous>, transform_indices = @transform_2, window_bounds = array<i64: 128, 128>}, {transform_indices = @transform_3, window_bounds = array<i64: 2000, 128>}]} {
    %get3A = arith.constant 0 : index
    %get3A_0 = arith.constant 0 : index
    %get3A_1 = arith.constant 0 : index
    %get3A_2 = vector.load %arg1[%get3A, %get3A_0, %get3A_1] : memref<2x2000x128xf32, #tpu.memory_space<vmem>>, vector<1x2000x128xf32>
    %get3A_3 = vector.shape_cast %get3A_2 : vector<1x2000x128xf32> to vector<2000x128xf32>
    %get3A_4 = arith.constant 1 : index
    %get3A_5 = arith.constant 0 : index
    %get3A_6 = arith.constant 0 : index
    %get3A_7 = vector.load %arg1[%get3A_4, %get3A_5, %get3A_6] : memref<2x2000x128xf32, #tpu.memory_space<vmem>>, vector<1x2000x128xf32>
    %get3A_8 = vector.shape_cast %get3A_7 : vector<1x2000x128xf32> to vector<2000x128xf32>
    %add3A = arith.addf %get3A_3, %get3A_8 : vector<2000x128xf32>
    %get3A_9 = arith.constant 0 : index
    %get3A_10 = arith.constant 0 : index
    %get3A_11 = vector.load %arg3[%get3A_9, %get3A_10] : memref<128x128xf32, #tpu.memory_space<vmem>>, vector<128x128xf32>
    %dot_general3A = arith.constant dense<0.000000e+00> : vector<2000x128xf32>
    %dot_general3A_12 = tpu.matmul %add3A, %get3A_11, %dot_general3A {dimension_numbers = #tpu.dot_dimension_numbers<[1], [0], [0], [1], [0, 0, 1, 1], [], []>, transpose_lhs_hint = false} : vector<2000x128xf32>, vector<128x128xf32>, vector<2000x128xf32> -> vector<2000x128xf32>
    %get3A_13 = arith.constant 0 : index
    %get3A_14 = arith.constant 0 : index
    %get3A_15 = vector.load %arg2[%get3A_13, %get3A_14] : memref<2000x128xf32, #tpu.memory_space<vmem>>, vector<2000x128xf32>
    %add3A_16 = arith.addf %dot_general3A_12, %get3A_15 : vector<2000x128xf32>
    %max3A = arith.constant 0.000000e+00 : f32
    %max3A_17 = vector.broadcast %max3A : f32 to vector<2000x128xf32>
    %max3A_18 = arith.maximumf %add3A_16, %max3A_17 : vector<2000x128xf32>
    %swap3A = arith.constant 0 : index
    %swap3A_19 = arith.constant 0 : index
    %swap3A_20 = vector.load %arg4[%swap3A, %swap3A_19] : memref<2000x128xf32, #tpu.memory_space<vmem>>, vector<2000x128xf32>
    tpu.vector_store %arg4[%swap3A, %swap3A_19], %max3A_18 {strides = array<i32>} : memref<2000x128xf32, #tpu.memory_space<vmem>>, vector<2000x128xf32>,
    return
  }
  func.func @transform_0(%arg0: i32) -> (i32, i32, i32) {
    %c0_i32 = arith.constant 0 : i32
    %c0_i32_0 = arith.constant 0 : i32
    %c0_i32_1 = arith.constant 0 : i32
    return %c0_i32, %arg0, %c0_i32_0 : i32, i32, i32
  }
  func.func @transform_1(%arg0: i32) -> (i32, i32) {
    %c0_i32 = arith.constant 0 : i32
    %c0_i32_0 = arith.constant 0 : i32
    return %arg0, %c0_i32 : i32, i32
  }
  func.func @transform_2(%arg0: i32) -> (i32, i32) {
    %c0_i32 = arith.constant 0 : i32
    %c0_i32_0 = arith.constant 0 : i32
    %c0_i32_1 = arith.constant 0 : i32
    return %c0_i32, %c0_i32_0 : i32, i32
  }
  func.func @transform_3(%arg0: i32) -> (i32, i32) {
    %c0_i32 = arith.constant 0 : i32
    %c0_i32_0 = arith.constant 0 : i32
    return %arg0, %c0_i32 : i32, i32
  }
}

module attributes {stable_mosaic.version = 14 : i64} {
  func.func @_final_body(%arg0: i32, %arg1: memref<2000x128xf32, #tpu.memory_space<vmem>>, %arg2: memref<2x2000x128xf32, #tpu.memory_space<vmem>>, %arg3: memref<2000x128xf32, #tpu.memory_space<vmem>>, %arg4: memref<128x128xf32, #tpu.memory_space<vmem>>, %arg5: memref<2000x128xf32, #tpu.memory_space<vmem>>) attributes {dimension_semantics = [#tpu.dimension_semantics<arbitrary>], iteration_bounds = array<i64: 5>, scalar_prefetch = 0 : i64, scratch_operands = 0 : i64, tpu.core_type = #tpu.core_type<tc>, window_params = [{transform_indices = @transform_0, window_bounds = array<i64: 2000, 128>}, {transform_indices = @transform_1, window_bounds = array<i64: 2, 2000, 128>}, {transform_indices = @transform_2, window_bounds = array<i64: 2000, 128>}, {pipeline_mode = #tpu.pipeline_mode<synchronous>, transform_indices = @transform_3, window_bounds = array<i64: 128, 128>}, {transform_indices = @transform_4, window_bounds = array<i64: 2000, 128>}]} {
    %get3A = arith.constant 0 : index
    %get3A_0 = arith.constant 0 : index
    %get3A_1 = arith.constant 0 : index
    %get3A_2 = vector.load %arg2[%get3A, %get3A_0, %get3A_1] : memref<2x2000x128xf32, #tpu.memory_space<vmem>>, vector<1x2000x128xf32>
    %get3A_3 = vector.shape_cast %get3A_2 : vector<1x2000x128xf32> to vector<2000x128xf32>
    %get3A_4 = arith.constant 1 : index
    %get3A_5 = arith.constant 0 : index
    %get3A_6 = arith.constant 0 : index
    %get3A_7 = vector.load %arg2[%get3A_4, %get3A_5, %get3A_6] : memref<2x2000x128xf32, #tpu.memory_space<vmem>>, vector<1x2000x128xf32>
    %get3A_8 = vector.shape_cast %get3A_7 : vector<1x2000x128xf32> to vector<2000x128xf32>
    %add3A = arith.addf %get3A_3, %get3A_8 : vector<2000x128xf32>
    %get3A_9 = arith.constant 0 : index
    %get3A_10 = arith.constant 0 : index
    %get3A_11 = vector.load %arg4[%get3A_9, %get3A_10] : memref<128x128xf32, #tpu.memory_space<vmem>>, vector<128x128xf32>
    %dot_general3A = arith.constant dense<0.000000e+00> : vector<2000x128xf32>
    %dot_general3A_12 = tpu.matmul %add3A, %get3A_11, %dot_general3A {dimension_numbers = #tpu.dot_dimension_numbers<[1], [0], [0], [1], [0, 0, 1, 1], [], []>, transpose_lhs_hint = false} : vector<2000x128xf32>, vector<128x128xf32>, vector<2000x128xf32> -> vector<2000x128xf32>
    %get3A_13 = arith.constant 0 : index
    %get3A_14 = arith.constant 0 : index
    %get3A_15 = vector.load %arg3[%get3A_13, %get3A_14] : memref<2000x128xf32, #tpu.memory_space<vmem>>, vector<2000x128xf32>
    %add3A_16 = arith.addf %dot_general3A_12, %get3A_15 : vector<2000x128xf32>
    %max3A = arith.constant 0.000000e+00 : f32
    %max3A_17 = vector.broadcast %max3A : f32 to vector<2000x128xf32>
    %max3A_18 = arith.maximumf %add3A_16, %max3A_17 : vector<2000x128xf32>
    %get3A_19 = arith.constant 0 : index
    %get3A_20 = arith.constant 0 : index
    %get3A_21 = vector.load %arg1[%get3A_19, %get3A_20] : memref<2000x128xf32, #tpu.memory_space<vmem>>, vector<2000x128xf32>
    %add3A_22 = arith.addf %get3A_21, %max3A_18 : vector<2000x128xf32>
    %mul3A = arith.constant 5.000000e-01 : f32
    %mul3A_23 = vector.broadcast %mul3A : f32 to vector<2000x128xf32>
    %mul3A_24 = arith.mulf %add3A_22, %mul3A_23 : vector<2000x128xf32>
    %swap3A = arith.constant 0 : index
    %swap3A_25 = arith.constant 0 : index
    %swap3A_26 = vector.load %arg5[%swap3A, %swap3A_25] : memref<2000x128xf32, #tpu.memory_space<vmem>>, vector<2000x128xf32>
    tpu.vector_store %arg5[%swap3A, %swap3A_25], %mul3A_24 {strides = array<i32>} : memref<2000x128xf32, #tpu.memory_space<vmem>>, vector<2000x128xf32>,
    return
  }
  func.func @transform_0(%arg0: i32) -> (i32, i32) {
    %c0_i32 = arith.constant 0 : i32
    %c0_i32_0 = arith.constant 0 : i32
    return %arg0, %c0_i32 : i32, i32
  }
  func.func @transform_1(%arg0: i32) -> (i32, i32, i32) {
    %c0_i32 = arith.constant 0 : i32
    %c0_i32_0 = arith.constant 0 : i32
    %c0_i32_1 = arith.constant 0 : i32
    return %c0_i32, %arg0, %c0_i32_0 : i32, i32, i32
  }
  func.func @transform_2(%arg0: i32) -> (i32, i32) {
    %c0_i32 = arith.constant 0 : i32
    %c0_i32_0 = arith.constant 0 : i32
    return %arg0, %c0_i32 : i32, i32
  }
  func.func @transform_3(%arg0: i32) -> (i32, i32) {
    %c0_i32 = arith.constant 0 : i32
    %c0_i32_0 = arith.constant 0 : i32
    %c0_i32_1 = arith.constant 0 : i32
    return %c0_i32, %c0_i32_0 : i32, i32
  }
  func.func @transform_4(%arg0: i32) -> (i32, i32) {
    %c0_i32 = arith.constant 0 : i32
    %c0_i32_0 = arith.constant 0 : i32
    return %arg0, %c0_i32 : i32, i32
  }
}

</mosaic_0001>

<sc_bundles>
// kernel: kernel.11.cloned.1.call-start
scs
__scs_entry_jumppad:
0x0: {  	(pc) =	sbr.rel $0x88, $3  }
0x1: {  	(tag) =	ssettag $0x0;
	lr =	simm.s32 $0x1  }
0x2: {  	[smem:$0x3F99] =	sst lr;
	_ =	strace $0xD0000000  }
0x3: {  	_ = 	snop  }
0x4: {  	_ = 	snop  }
0x5: {  	_ = 	snop  }
0x6: {  	_ = 	snop  }
0x7: {  	_ = 	snop  }
__scs_overlays_trampoline_lowered:
0x8: {  	[smem:$0x3FA8] =	sst s0  }
0x9: {  	[smem:$0x3FA9] =	sst s1  }
0xa: {  	[smem:$0x3FAA] =	sst s2  }
0xb: {  	[smem:$0x3FAB] =	sst s3  }
0xc: {  	[smem:$0x3FAC] =	sst s4  }
0xd: {  	[smem:$0x3FAD] =	sst s5  }
0xe: {  	[smem:$0x3FAE] =	sst s6  }
0xf: {  	[smem:$0x3FAF] =	sst s7  }
0x10: {  	[smem:$0x3FB0] =	sst s8  }
0x11: {  	[smem:$0x3FB1] =	sst s9;
	s0 =	simm.s32 @!p0 $0x0  }
0x12: {  	s1 =	sld [smem:$0x3F97];
	s0 =	simm.s32 @p0 $0x1  }
0x13: {  	[smem:$0x3FB2] =	sst s0;
	s0 =	simm.s32 @!p1 $0x0  }
0x14: {  	s2 =	sld [smem:$0x3F96];
	s0 =	simm.s32 @p1 $0x1  }
0x15: {  	[smem:$0x3FB3] =	sst s0;
	s0 =	simm.s32 @!p2 $0x0  }
0x16: {  	s3 =	sld [smem:$0x3FDB];
	s0 =	simm.s32 @p2 $0x1  }
0x17: {  	s4 =	simm.s32 $0x1BF5;
	[smem:$0x3FB5] =	sst s0  }
0x18: {  	s0 =	sld [smem:$0x3F98];
	_ =	swait.ge [sflag:s4], $0x0  }
0x19: {  	s7 =	sld [smem:$0x3F99]  }
0x1a: {  	s8 =	sadd.s32 $0xFFFFE003, lr  }
0x1b: {  	s9 =	sadd.s32 $0xFFFFFEF7, lr;
	s5 =	simm.s32 $0xFFFFFFFF;
	p2 =	slt.u32 s8, $0xFFFFF086  }
0x1c: {  	p1 =	slt.u32 s9, $0xF7A;
	s5 =	simm.s32 @!p2 $0x0  }
0x1d: {  	s5 =	simm.s32 @p1 $0x1;
	p0 =	seq.s32 s7, s2  }
0x1e: {  	s7 =	smul.u32 @!p0 $0xF7A, s2;
	p2 =	seq.s32 @!p0 s5, $0x0  }
0x1f: {  	s9 =	smul.u32 $0xF7A, s1;
	s8 =	simm.s32 @!p0 $0x1BF5;
	p2 =	por !p2, p0  }
0x20: {  	[sflag:s8] =	ssyncset.s32 @!p0 $0xFFFFF086;
	s6 =	sadd.s32 @!p0 s3, s7;
	s7 =	simm.s32 @!p0 $0x108  }
0x21: {  	s3 =	sadd.s32 s3, s9;
	s6 =	sadd.s32 @!p0 $0x88, s6;
	s7 =	simm.s32 @p2 $0x1082  }
0x22: {  	[simem:s7], [sflag:s8] =	dma.local @!p0 [hbm:s6], $0xF7A  }
0x23: {  	s9 =	sor.u32 $0xD0000000, s2;
	s6 =	simm.s32 $0x108;
	_ =	swait.ge @!p0 [sflag:s8], $0x0  }
0x24: {  	s3 =	sadd.s32 $0x88, s3;
	s6 =	simm.s32 @!p1 $0x1082;
	[sflag:s4] =	ssyncset.s32 $0xFFFFF086  }
0x25: {  	[simem:s6], [sflag:s4] =	dma.local [hbm:s3], $0xF7A  }
0x26: {  	[smem:$0x3F99] =	sst s1;
	(tag) =	ssettag s2;
	_ =	strace s9  }
0x27: {  	s1 =	sld [smem:$0x3FA9]  }
0x28: {  	s2 =	sld [smem:$0x3FAA]  }
0x29: {  	s4 =	sld [smem:$0x3FAC]  }
0x2a: {  	p0 =	seq.s32 s5, $0x0;
	s5 =	sld [smem:$0x3FAD]  }
0x2b: {  	s6 =	sld [smem:$0x3FAE]  }
0x2c: {  	s7 =	sld [smem:$0x3FAF]  }
0x2d: {  	s3 =	simm.s32 $0x108;
	s8 =	sld [smem:$0x3FB0]  }
0x2e: {  	s3 =	simm.s32 @!p0 $0x1082;
	s9 =	sld [smem:$0x3FB1]  }
0x2f: {  	lr =	sadd.s32 s0, s3;
	s0 =	sld [smem:$0x3FA8]  }
0x30: {  	s3 =	sld [smem:$0x3FAB]  }
0x31: {  	[smem:$0x3FB4] =	sst s10  }
0x32: {  	s10 =	sld [smem:$0x3FB2];
	_ =	sdelay $0x3  }
0x33: {  	p0 =	seq.s32 s10, $0x1;
	s10 =	sld [smem:$0x3FB4];
	_ =	sdelay $0x3  }
0x34: {  	[smem:$0x3FB4] =	sst s10  }
0x35: {  	s10 =	sld [smem:$0x3FB3];
	_ =	sdelay $0x3  }
0x36: {  	p1 =	seq.s32 s10, $0x1;
	s10 =	sld [smem:$0x3FB4];
	_ =	sdelay $0x3  }
0x37: {  	[smem:$0x3FB4] =	sst s10  }
0x38: {  	s10 =	sld [smem:$0x3FB5]  }
0x39: {  	_ = 	snop;
	(pc) =	sbr.ind lr, $3  }
0x3a: {  	_ = 	snop  }
0x3b: {  	_ = 	snop  }
0x3c: {  	p2 =	seq.s32 s10, $0x1;
	s10 =	sld [smem:$0x3FB4]  }
0x3d: {  	_ =	shalt  }
0x3e: {  	_ =	shalt  }
0x3f: {  	_ =	shalt  }
0x40: {  	_ =	shalt  }
0x41: {  	_ =	shalt  }
0x42: {  	_ =	shalt  }
0x43: {  	_ =	shalt  }
0x44: {  	_ =	shalt  }
0x45: {  	_ =	shalt  }
0x46: {  	_ =	shalt  }
0x47: {  	_ =	shalt  }
0x48: {  	_ =	shalt  }
0x49: {  	_ =	shalt  }
0x4a: {  	_ =	shalt  }
0x4b: {  	_ =	shalt  }
0x4c: {  	_ =	shalt  }
0x4d: {  	_ =	shalt  }
0x4e: {  	_ =	shalt  }
0x4f: {  	_ =	shalt  }
0x50: {  	_ =	shalt  }
0x51: {  	_ =	shalt  }
0x52: {  	_ =	shalt  }
0x53: {  	_ =	shalt  }
0x54: {  	_ =	shalt  }
0x55: {  	_ =	shalt  }
0x56: {  	_ =	shalt  }
0x57: {  	_ =	shalt  }
0x58: {  	_ =	shalt  }
0x59: {  	_ =	shalt  }
0x5a: {  	_ =	shalt  }
0x5b: {  	_ =	shalt  }
0x5c: {  	_ =	shalt  }
0x5d: {  	_ =	shalt  }
0x5e: {  	_ =	shalt  }
0x5f: {  	_ =	shalt  }
0x60: {  	_ =	shalt  }
0x61: {  	_ =	shalt  }
0x62: {  	_ =	shalt  }
0x63: {  	_ =	shalt  }
0x64: {  	_ =	shalt  }
0x65: {  	_ =	shalt  }
0x66: {  	_ =	shalt  }
0x67: {  	_ =	shalt  }
0x68: {  	_ =	shalt  }
0x69: {  	_ =	shalt  }
0x6a: {  	_ =	shalt  }
0x6b: {  	_ =	shalt  }
0x6c: {  	_ =	shalt  }
0x6d: {  	_ =	shalt  }
0x6e: {  	_ =	shalt  }
0x6f: {  	_ =	shalt  }
0x70: {  	_ =	shalt  }
0x71: {  	_ =	shalt  }
0x72: {  	_ =	shalt  }
0x73: {  	_ =	shalt  }
0x74: {  	_ =	shalt  }
0x75: {  	_ =	shalt  }
0x76: {  	_ =	shalt  }
0x77: {  	_ =	shalt  }
0x78: {  	_ =	shalt  }
0x79: {  	_ =	shalt  }
0x7a: {  	_ =	shalt  }
0x7b: {  	_ =	shalt  }
0x7c: {  	_ =	shalt  }
0x7d: {  	_ =	shalt  }
0x7e: {  	_ =	shalt  }
0x7f: {  	_ =	shalt  }
0x80: {  	_ =	shalt  }
0x81: {  	_ =	shalt  }
0x82: {  	_ =	shalt  }
0x83: {  	_ =	shalt  }
0x84: {  	_ =	shalt  }
0x85: {  	_ =	shalt  }
0x86: {  	_ =	shalt  }
0x87: {  	_ =	shalt  }
.Lfunc_end0:
.L_simem_size_0:
called_computation.1_lowered:
.L_overlay_start_0:
0x88: {  	s2 =	sld [smem:$0x3FD9]  }
0x89: {  	s3 =	sld [smem:$0x3FFE];
	_ =	sdelay $0x1  }
0x8a: {  	s1 =	srdreg.scid  }
0x8b: {  	s0 =	sand.u32 $0x1, s1  }
0x8c: {  	s17 =	sshll.u32 s0, $0xA;
	s2 =	sadd.s32 s3, s2  }
0x8d: {  	s2 =	sadd.s32 s2, s17  }
0x8e: {  	[smem:$0x3FC0] =	sst s2  }
0x8f: {  	_ = 	snop  }
0x90: {  	s2 =	sld [smem:$0x3FD0];
	(tm) =	ssettm $0x1  }
0x91: {  	s18 =	sld [smem:$0x3FFB];
	_ =	sdelay $0x3  }
0x92: {  	_ =	strace s18  }
0x93: {  	s3 =	sld [smem:$0x3FFC];
	_ =	sdelay $0x3  }
0x94: {  	_ =	strace s3  }
0x95: {  	s3 =	sld [smem:$0x3FFD];
	_ =	sdelay $0x3  }
0x96: {  	_ =	strace s3  }
0x97: {  	_ =	strace $0x8FFFFFFF  }
0x98: {  	s19 =	sld [smem:$0x3FDB];
	_ =	sdelay $0x1  }
0x99: {  	s4 =	simm.s32 $_scs_section_size  }
0x9a: {  	s5 =	simm.s32 $_size__tile_overlayer_lowered;
	s6 =	simm.s32 $_tile_overlayer_lowered  }
0x9b: {  	s22 =	simm.s32 $0x1BFF;
	s21 =	sshll.u32 s6, $0x1;
	s3 =	sadd.s32 s4, s19  }
0x9c: {  	s7 =	simm.s32 $0x0;
	s20 =	sshll.u32 s5, $0x1;
	s5 =	sadd.s32 s21, s3  }
0x9d: {  	[timem:s7], [sflag:s22] =	dma.local [hbm:s5], s20  }
0x9e: {  	_ =	swait.ge [sflag:s22], s20  }
0x9f: {  	s4 =	ssub.s32 $0x0, s20;
	[sflag:s22] =	ssyncset.done $0x0  }
0xa0: {  	[sflag:s22] =	ssyncadd.s32 s4;
	_ =	sdelay $0x1  }
0xa1: {  	s23 =	simm.s32 $0x1B8B  }
0xa2: {  	_ =	swait.ge [sflag:s23], $0x1  }
0xa3: {  	[sflag:s23] =	ssyncset.done $0x0  }
0xa4: {  	s25 =	simm.s32 $0x1B8E;
	s24 =	sld [smem:$0x3FFE];
	[sflag:s23] =	ssyncadd.s32 $0xFFFFFFFF  }
0xa5: {  	s26 =	simm.s32 $execute0_lowered;
	[smem:$0x3FD2] =	sst s25  }
0xa6: {  	s5 =	sshll.u32 s26, $0x1;
	_ =	strace $0x80000049;
	[dreg:$0x1] =	wrdreg $0xFFFFFFFF  }
0xa7: {  	s28 =	simm.s32 $_size_execute0_lowered;
	s3 =	sadd.s32 s3, s5;
	[dreg:$0x0] =	wrdreg $0x0  }
0xa8: {  	s5 =	sshll.u32 s28, $0x1;
	[dreg:$0x2] =	wrdreg s3  }
0xa9: {  	[dreg:$0x3] =	wrdreg s5  }
0xaa: {  	[dreg:$0x4] =	wrdreg $0xC0  }
0xab: {  	_ =	task [dreg:s7], $0x5FFFF  }
0xac: {  	[dreg:$0x1] =	wrdreg $0xFFFFFFFF  }
0xad: {  	[dreg:$0x0] =	wrdreg $0x60  }
0xae: {  	[dreg:$0x2] =	wrdreg s2  }
0xaf: {  	[dreg:$0x3] =	wrdreg s24  }
0xb0: {  	[dreg:$0x4] =	wrdreg $0xBC000  }
0xb1: {  	[dreg:$0x5] =	wrdreg $0x9  }
0xb2: {  	_ =	task.clear_ibuf [dreg:s7], $0x6FFFF;
	_ =	strace $0x90000049  }
0xb3: {  	s29 =	simm.s32 $0x9;
	_ =	strace $0x8000004B  }
0xb4: {  	_ =	swait.ge [sflag:s29], $0x1  }
0xb5: {  	[sflag:s29] =	ssyncadd.s32 $0xFFFFFFFF  }
0xb6: {  	_ =	strace $0x9000004B  }
0xb7: {  	_ =	sfence  }
0xb8: {  	s30 =	sld [smem:$0x0];
	_ =	sdelay $0x2  }
0xb9: {  	s31 =	sshll.u32 s1, $0xD;
	s1 =	sshrl.u32 s1, $0x2  }
0xba: {  	s3 =	sand.u32 $0x4000, s31;
	s1 =	sadd.s32 s1, s30  }
0xbb: {  	s0 =	sor.u32 s3, s0;
	s1 =	sshll.u32 s1, $0x11  }
0xbc: {  	s0 =	sor.u32 s1, s0  }
0xbd: {  	s0 =	sadd.s32 $0x8F2B, s0  }
0xbe: {  	[sflag:s0] =	ssyncadd.remote.s32 $0x1  }
0xbf: {  	_ =	sfence.sel $0xFFFF  }
0xc0: {  	[dreg:$0x0] =	wrdreg $0xFFFFFFFF;
	(pc) =	sbr.abs _section_cstart, $3  }
0xc1: {  	[dreg:$0x1] =	wrdreg $0xFFFFFFFF  }
0xc2: {  	_ =	task.clear_ibuf [dreg:s7], $0x2FFFF;
	_ =	strace $0x9FFFFFFF  }
0xc3: {  	(tm) =	ssettm $0x7FFFFFFF  }
tec
execute0_lowered:
.L_overlay_start_1:
0x0: {  	(tag) =	ssettag $0x1  }
0x1: {  	s1 =	rddreg [dreg:$0x0]  }
0x2: {  	s0 =	rddreg [dreg:$0x1]  }
0x3: {  	s2 =	rddreg [dreg:$0x2];
	s4 =	simm.s32 $0x0;
	s3 =	srdreg.scid  }
0x4: {  	s18 =	stileid.u32;
	s19 =	simm.s32 $0x64;
	s20 =	simm.s32 $0x2000  }
0x5: {  	s22 =	simm.s32 $0x5400;
	s28 =	simm.s32 $0x2;
	s29 =	simm.s32 $0x3  }
0x6: {  	s31 =	simm.s32 $0x0;
	[smem:$0x7FF] =	sst s4;
	s10 =	smul.u32 $0x4F000, s18  }
0x7: {  	s3 =	sand.u32 $0x1, s3;
	s5 =	sshll.u32 s18, $0x1;
	s13 =	smul.u32 $0x13C00, s18  }
0x8: {  	s6 =	sadd.s32 $0x1C00, s0;
	s15 =	sadd.s32 $0x15C00, s0;
	s16 =	smul.u32 $0xA000, s18  }
0x9: {  	p0 =	seq.s32 s18, $0xF;
	s18 =	simm.s32 $0x1000;
	_ =	strace $0x8000004A  }
0xa: {  	s7 =	sor.u32 s3, s5;
	s5 =	sadd.s32 $0x29C00, s0;
	s12 =	smul.u32 $0x138800, s3  }
0xb: {  	s8 =	ssub.s32 $0x2, s3;
	s0 =	sadd.s32 $0x2C400, s0;
	s3 =	smul.u32 $0x5000, s3  }
0xc: {  	s7 =	smul.u32 $0x5000, s7;
	s9 =	sshrl.u32 s8, $0x1;
	s24 =	sshrl.u32 s10, $0x2  }
0xd: {  	s14 =	ssub.s32 s8, s9;
	s26 =	sadd.s32 s24, s2;
	s9 =	sadd.s32 $0x128400, s2  }
0xe: {  	s13 =	sadd.s32 s13, s12;
	s17 =	sshrl.u32 s12, $0x3;
	s3 =	sadd.s32 s3, s16  }
0xf: {  	s24 =	simm.s32 $0x1;
	s11 =	sshrl.u32 s7, $0x3;
	[dreg:$0x6] =	wrdreg s26  }
0x10: {  	s13 =	sshrl.u32 s13, $0x3;
	s3 =	sadd.s32 $0x1000, s3;
	s14 =	smax.u32 s14, $0x1  }
0x11: {  	s26 =	simm.s32 $0x8800;
	s7 =	sadd.s32 s6, s11;
	s25 =	sadd.s32 s15, s11  }
0x12: {  	s11 =	sor.u32 $0x100, s11;
	s12 =	sadd.s32 s0, s13;
	s0 =	sadd.s32 s0, s17  }
0x13: {  	s30 =	sshrl.u32 s3, $0x3;
	s17 =	simm.s32 $0x4;
	[dreg:$0x4] =	wrdreg s7  }
0x14: {  	[dreg:$0x5] =	wrdreg s25;
	s10 =	sadd.s32 s6, s11;
	s11 =	sadd.s32 s15, s11  }
0x15: {  	s13 =	sadd.s32 $0x25080, s0;
	s3 =	sadd.s32 s30, s15;
	s25 =	sadd.s32 s30, s6  }
.LBB2_1:
0x16: {  	s0 =	rddreg [dreg:$0x4]  }
0x17: {  	[tilespmem:s4], [sflag:$0x4] =	stream.linear.gather [hbm4b:s0+s4], $0x500, $0x38;
	[tilespmem:$0x1F480] =	vst v63  }
0x18: {  	_ =	swait.ge [sflag:s17], $0x500  }
0x19: {  	[sflag:s17] =	ssyncset.done $0x0  }
0x1a: {  	s6 =	rddreg [dreg:$0x5];
	[sflag:s17] =	ssyncadd.s32 $0xFFFFFB00  }
0x1b: {  	[tilespmem:s18], [sflag:$0x4] =	stream.linear.gather [hbm4b:s6+s4], $0x500, $0x38;
	[tilespmem:$0x1F480] =	vst v63  }
0x1c: {  	_ =	swait.ge [sflag:s17], $0x500  }
0x1d: {  	[sflag:s17] =	ssyncset.done $0x0  }
0x1e: {  	[sflag:s17] =	ssyncadd.s32 $0xFFFFFB00  }
0x1f: {  	[tilespmem:s20], [sflag:$0x1] =	stream.indirect.gather [hbm4b:s1+s19], $0x80, s4, s19, $0xb8;
	[tilespmem:$0x1F480] =	vst v63  }
0x20: {  	s7 =	simm.s32 $0x80;
	s0 =	sshrl.u32 @p0 s9, $0x3;
	s6 =	simm.s32 @p0 $0x1FC4  }
0x21: {  	[tilespmem:s22], [sflag:$0x1] =	stream.indirect.gather [hbm4b:s1+s19], $0x80, s7, s19, $0xb8;
	[tilespmem:$0x1F480] =	vst v63  }
0x22: {  	[spmem:s0], [sflag:s6] =	dma.local @p0 [hbm:s5], $0x2080  }
0x23: {  	s6 =	simm.s32 @p0 $0x4  }
0x24: {  	_ =	swait.ge @p0 [sflag:s6], $0x2080  }
0x25: {  	s7 =	stileid.u32;
	[sflag:s6] =	ssyncset.done @p0 $0x0  }
0x26: {  	s15 =	sshll.u32 @!p0 s7, $0x6;
	[sflag:s6] =	ssyncadd.s32 @p0 $0xFFFFDF80;
	s6 =	rddreg [dreg:$0x6]  }
0x27: {  	s21 =	sor.u32 @!p0 $0x1C04, s15;
	s23 =	sshrl.u32 @!p0 s6, $0x3;
	s6 =	simm.s32 @!p0 $0x4  }
0x28: {  	[spmem:s23], [sflag:s21] =	dma.local @!p0 [hbm:s5], $0x2780  }
0x29: {  	_ =	swait.ge @!p0 [sflag:s6], $0x2780  }
0x2a: {  	[sflag:s6] =	ssyncset.done @!p0 $0x0  }
0x2b: {  	[sflag:s6] =	ssyncadd.s32 @!p0 $0xFFFFD880  }
0x2c: {  	s8 =	simm.s32 $0x800;
	[bflag:$0x0] =	sbarrier.arrive $0xFFFF  }
0x2d: {  	[tilespmem:s8], [sflag:$0x3] =	stream.linear.gather [hbm4b:s10+s4], $0x500, $0x38;
	[tilespmem:$0x1F480] =	vst v63  }
0x2e: {  	s15 =	simm.s32 $0x1800  }
0x2f: {  	[tilespmem:s15], [sflag:$0x3] =	stream.linear.gather [hbm4b:s11+s4], $0x500, $0x38;
	[tilespmem:$0x1F480] =	vst v63  }
0x30: {  	_ =	swait.ge [sflag:s24], $0x3200  }
0x31: {  	[sflag:s24] =	ssyncset.done $0x0  }
0x32: {  	s16 =	simm.s32 $0x100;
	[sflag:s24] =	ssyncadd.s32 $0xFFFFCE00  }
0x33: {  	[tilespmem:s26], [sflag:$0x1] =	stream.indirect.gather [hbm4b:s1+s19], $0x80, s16, s19, $0xb8;
	[tilespmem:$0x1F480] =	vst v63  }
0x34: {  	_ = 	snop  }
0x35: {  	[spmem:s2] =	stream.indirect.scatter.add.f32 [tilespmem:s20], [sflag:$0x2], $0x80, s18, s19, $0xb8;
	[tilespmem:$0x1F480] =	vst v63  }
0x36: {  	_ =	swait.ge [sflag:s24], $0x3200  }
0x37: {  	[sflag:s24] =	ssyncset.done $0x0  }
0x38: {  	[sflag:s24] =	ssyncadd.s32 $0xFFFFCE00  }
0x39: {  	_ =	swait.ge [sflag:s28], $0x3200  }
0x3a: {  	[sflag:s28] =	ssyncset.done $0x0  }
0x3b: {  	s7 =	simm.s32 $0x180;
	[sflag:s28] =	ssyncadd.s32 $0xFFFFCE00  }
0x3c: {  	[tilespmem:s20], [sflag:$0x1] =	stream.indirect.gather [hbm4b:s1+s19], $0x80, s7, s19, $0xb8;
	[tilespmem:$0x1F480] =	vst v63  }
0x3d: {  	s8 =	simm.s32 $0x1080  }
0x3e: {  	[spmem:s2] =	stream.indirect.scatter.add.f32 [tilespmem:s22], [sflag:$0x2], $0x80, s8, s19, $0xb8;
	[tilespmem:$0x1F480] =	vst v63  }
0x3f: {  	_ =	swait.ge [sflag:s24], $0x3200  }
0x40: {  	[sflag:s24] =	ssyncset.done $0x0  }
0x41: {  	[sflag:s24] =	ssyncadd.s32 $0xFFFFCE00  }
0x42: {  	_ =	swait.ge [sflag:s28], $0x3200  }
0x43: {  	[sflag:s28] =	ssyncset.done $0x0  }
0x44: {  	s15 =	simm.s32 $0x200;
	[sflag:s28] =	ssyncadd.s32 $0xFFFFCE00  }
0x45: {  	[tilespmem:s22], [sflag:$0x1] =	stream.indirect.gather [hbm4b:s1+s19], $0x80, s15, s19, $0xb8;
	[tilespmem:$0x1F480] =	vst v63  }
0x46: {  	s16 =	simm.s32 $0x1100  }
0x47: {  	[spmem:s2] =	stream.indirect.scatter.add.f32 [tilespmem:s26], [sflag:$0x2], $0x80, s16, s19, $0xb8;
	[tilespmem:$0x1F480] =	vst v63  }
0x48: {  	_ =	swait.ge [sflag:s24], $0x3200  }
0x49: {  	[sflag:s24] =	ssyncset.done $0x0  }
0x4a: {  	[sflag:s24] =	ssyncadd.s32 $0xFFFFCE00  }
0x4b: {  	_ =	swait.ge [sflag:s28], $0x3200  }
0x4c: {  	[sflag:s28] =	ssyncset.done $0x0  }
0x4d: {  	s7 =	simm.s32 $0x280;
	[sflag:s28] =	ssyncadd.s32 $0xFFFFCE00  }
0x4e: {  	[tilespmem:s26], [sflag:$0x1] =	stream.indirect.gather [hbm4b:s1+s19], $0x80, s7, s19, $0xb8;
	[tilespmem:$0x1F480] =	vst v63  }
0x4f: {  	s8 =	simm.s32 $0x1180  }
0x50: {  	[spmem:s2] =	stream.indirect.scatter.add.f32 [tilespmem:s20], [sflag:$0x2], $0x80, s8, s19, $0xb8;
	[tilespmem:$0x1F480] =	vst v63  }
0x51: {  	_ =	swait.ge [sflag:s24], $0x3200  }
0x52: {  	[sflag:s24] =	ssyncset.done $0x0  }
0x53: {  	[sflag:s24] =	ssyncadd.s32 $0xFFFFCE00  }
0x54: {  	_ =	swait.ge [sflag:s28], $0x3200  }
0x55: {  	[sflag:s28] =	ssyncset.done $0x0  }
0x56: {  	s15 =	simm.s32 $0x300;
	[sflag:s28] =	ssyncadd.s32 $0xFFFFCE00  }
0x57: {  	[tilespmem:s20], [sflag:$0x1] =	stream.indirect.gather [hbm4b:s1+s19], $0x80, s15, s19, $0xb8;
	[tilespmem:$0x1F480] =	vst v63  }
0x58: {  	s16 =	simm.s32 $0x1200  }
0x59: {  	[spmem:s2] =	stream.indirect.scatter.add.f32 [tilespmem:s22], [sflag:$0x2], $0x80, s16, s19, $0xb8;
	[tilespmem:$0x1F480] =	vst v63  }
0x5a: {  	_ =	swait.ge [sflag:s24], $0x3200  }
0x5b: {  	[sflag:s24] =	ssyncset.done $0x0  }
0x5c: {  	[sflag:s24] =	ssyncadd.s32 $0xFFFFCE00  }
0x5d: {  	_ =	swait.ge [sflag:s28], $0x3200  }
0x5e: {  	[sflag:s28] =	ssyncset.done $0x0  }
0x5f: {  	s7 =	simm.s32 $0x380;
	[sflag:s28] =	ssyncadd.s32 $0xFFFFCE00  }
0x60: {  	[tilespmem:s22], [sflag:$0x1] =	stream.indirect.gather [hbm4b:s1+s19], $0x80, s7, s19, $0xb8;
	[tilespmem:$0x1F480] =	vst v63  }
0x61: {  	s8 =	simm.s32 $0x1280  }
0x62: {  	[spmem:s2] =	stream.indirect.scatter.add.f32 [tilespmem:s26], [sflag:$0x2], $0x80, s8, s19, $0xb8;
	[tilespmem:$0x1F480] =	vst v63  }
0x63: {  	_ =	swait.ge [sflag:s24], $0x3200  }
0x64: {  	[sflag:s24] =	ssyncset.done $0x0  }
0x65: {  	[sflag:s24] =	ssyncadd.s32 $0xFFFFCE00  }
0x66: {  	_ =	swait.ge [sflag:s28], $0x3200  }
0x67: {  	[sflag:s28] =	ssyncset.done $0x0  }
0x68: {  	s15 =	simm.s32 $0x400;
	[sflag:s28] =	ssyncadd.s32 $0xFFFFCE00  }
0x69: {  	[tilespmem:s26], [sflag:$0x1] =	stream.indirect.gather [hbm4b:s1+s19], $0x80, s15, s19, $0xb8;
	[tilespmem:$0x1F480] =	vst v63  }
0x6a: {  	s16 =	simm.s32 $0x1300  }
0x6b: {  	[spmem:s2] =	stream.indirect.scatter.add.f32 [tilespmem:s20], [sflag:$0x2], $0x80, s16, s19, $0xb8;
	[tilespmem:$0x1F480] =	vst v63  }
0x6c: {  	_ =	swait.ge [sflag:s24], $0x3200  }
0x6d: {  	[sflag:s24] =	ssyncset.done $0x0  }
0x6e: {  	[sflag:s24] =	ssyncadd.s32 $0xFFFFCE00  }
0x6f: {  	_ =	swait.ge [sflag:s28], $0x3200  }
0x70: {  	[sflag:s28] =	ssyncset.done $0x0  }
0x71: {  	s7 =	simm.s32 $0x480;
	[sflag:s28] =	ssyncadd.s32 $0xFFFFCE00  }
0x72: {  	[tilespmem:s20], [sflag:$0x1] =	stream.indirect.gather [hbm4b:s1+s19], $0x80, s7, s19, $0xb8;
	[tilespmem:$0x1F480] =	vst v63  }
0x73: {  	s8 =	simm.s32 $0x1380  }
0x74: {  	[spmem:s2] =	stream.indirect.scatter.add.f32 [tilespmem:s22], [sflag:$0x2], $0x80, s8, s19, $0xb8;
	[tilespmem:$0x1F480] =	vst v63  }
0x75: {  	_ =	swait.ge [sflag:s24], $0x3200  }
0x76: {  	[sflag:s24] =	ssyncset.done $0x0  }
0x77: {  	[sflag:s24] =	ssyncadd.s32 $0xFFFFCE00  }
0x78: {  	_ =	swait.ge [sflag:s28], $0x3200  }
0x79: {  	[sflag:s28] =	ssyncset.done $0x0  }
0x7a: {  	s15 =	simm.s32 $0x1400;
	[sflag:s28] =	ssyncadd.s32 $0xFFFFCE00  }
0x7b: {  	[spmem:s2] =	stream.indirect.scatter.add.f32 [tilespmem:s26], [sflag:$0x2], $0x80, s15, s19, $0xb8;
	[tilespmem:$0x1F480] =	vst v63  }
0x7c: {  	_ =	swait.ge [sflag:s24], $0x3200  }
0x7d: {  	[sflag:s24] =	ssyncset.done $0x0  }
0x7e: {  	[sflag:s24] =	ssyncadd.s32 $0xFFFFCE00  }
0x7f: {  	_ =	swait.ge [sflag:s28], $0x3200  }
0x80: {  	[sflag:s28] =	ssyncset.done $0x0  }
0x81: {  	s16 =	simm.s32 $0x1480;
	[sflag:s28] =	ssyncadd.s32 $0xFFFFCE00  }
0x82: {  	[spmem:s2] =	stream.indirect.scatter.add.f32 [tilespmem:s20], [sflag:$0x2], $0x80, s16, s19, $0xb8;
	[tilespmem:$0x1F480] =	vst v63  }
0x83: {  	_ =	swait.ge [sflag:s28], $0x3200  }
0x84: {  	[sflag:s28] =	ssyncset.done $0x0  }
0x85: {  	[sflag:s28] =	ssyncadd.s32 $0xFFFFCE00  }
0x86: {  	_ =	swait.ge [sflag:s29], $0x500  }
0x87: {  	[sflag:s29] =	ssyncset.done $0x0  }
0x88: {  	[sflag:s29] =	ssyncadd.s32 $0xFFFFFB00  }
0x89: {  	_ =	swait.ge [sflag:s29], $0x500  }
0x8a: {  	s30 =	simm.s32 $0x800;
	[sflag:s29] =	ssyncset.done $0x0  }
0x8b: {  	s15 =	smov.u32 s3;
	s16 =	smov.u32 s25;
	[sflag:s29] =	ssyncadd.s32 $0xFFFFFB00  }
.LBB2_2:
0x8c: {  	p1 =	seq.s32 s30, $0x4800  }
0x8d: {  	s6 =	sand.u32 @!p1 $0x800, s30  }
0x8e: {  	s8 =	simm.s32 @!p1 $0x0;
	s7 =	sxor.u32 @!p1 $0x800, s6  }
0x8f: {  	[tilespmem:s7], [sflag:$0x3] =	stream.linear.gather @!p1 [hbm4b:s16+s8], $0x500, $0x38;
	[tilespmem:$0x1F480] =	vst v63  }
0x90: {  	s7 =	sxor.u32 @!p1 $0x1800, s6  }
0x91: {  	[tilespmem:s7], [sflag:$0x3] =	stream.linear.gather @!p1 [hbm4b:s15+s8], $0x500, $0x38;
	[tilespmem:$0x1F480] =	vst v63  }
0x92: {  	s6 =	simm.s32 @p1 $0x800  }
0x93: {  	[tilespmem:s20], [sflag:$0x1] =	stream.indirect.gather [hbm4b:s1+s19], $0x80, s6, s19, $0xb8;
	[tilespmem:$0x1F480] =	vst v63  }
0x94: {  	s8 =	sadd.s32 $0x80, s6  }
0x95: {  	[tilespmem:s22], [sflag:$0x1] =	stream.indirect.gather [hbm4b:s1+s19], $0x80, s8, s19, $0xb8;
	[tilespmem:$0x1F480] =	vst v63  }
0x96: {  	_ =	swait.ge [sflag:s24], $0x3200  }
0x97: {  	[sflag:s24] =	ssyncset.done $0x0  }
0x98: {  	s8 =	sadd.s32 $0x100, s6;
	[sflag:s24] =	ssyncadd.s32 $0xFFFFCE00  }
0x99: {  	[tilespmem:s26], [sflag:$0x1] =	stream.indirect.gather [hbm4b:s1+s19], $0x80, s8, s19, $0xb8;
	[tilespmem:$0x1F480] =	vst v63  }
0x9a: {  	s8 =	sor.u32 $0x1000, s6  }
0x9b: {  	[spmem:s2] =	stream.indirect.scatter.add.f32 [tilespmem:s20], [sflag:$0x2], $0x80, s8, s19, $0xb8;
	[tilespmem:$0x1F480] =	vst v63  }
0x9c: {  	_ =	swait.ge [sflag:s24], $0x3200  }
0x9d: {  	[sflag:s24] =	ssyncset.done $0x0  }
0x9e: {  	[sflag:s24] =	ssyncadd.s32 $0xFFFFCE00  }
0x9f: {  	_ =	swait.ge [sflag:s28], $0x3200  }
0xa0: {  	[sflag:s28] =	ssyncset.done $0x0  }
0xa1: {  	s8 =	sadd.s32 $0x180, s6;
	[sflag:s28] =	ssyncadd.s32 $0xFFFFCE00  }
0xa2: {  	[tilespmem:s20], [sflag:$0x1] =	stream.indirect.gather [hbm4b:s1+s19], $0x80, s8, s19, $0xb8;
	[tilespmem:$0x1F480] =	vst v63  }
0xa3: {  	s8 =	sadd.s32 $0x1080, s6  }
0xa4: {  	[spmem:s2] =	stream.indirect.scatter.add.f32 [tilespmem:s22], [sflag:$0x2], $0x80, s8, s19, $0xb8;
	[tilespmem:$0x1F480] =	vst v63  }
0xa5: {  	_ =	swait.ge [sflag:s24], $0x3200  }
0xa6: {  	[sflag:s24] =	ssyncset.done $0x0  }
0xa7: {  	[sflag:s24] =	ssyncadd.s32 $0xFFFFCE00  }
0xa8: {  	_ =	swait.ge [sflag:s28], $0x3200  }
0xa9: {  	[sflag:s28] =	ssyncset.done $0x0  }
0xaa: {  	s8 =	sadd.s32 $0x200, s6;
	[sflag:s28] =	ssyncadd.s32 $0xFFFFCE00  }
0xab: {  	[tilespmem:s22], [sflag:$0x1] =	stream.indirect.gather [hbm4b:s1+s19], $0x80, s8, s19, $0xb8;
	[tilespmem:$0x1F480] =	vst v63  }
0xac: {  	s8 =	sadd.s32 $0x1100, s6  }
0xad: {  	[spmem:s2] =	stream.indirect.scatter.add.f32 [tilespmem:s26], [sflag:$0x2], $0x80, s8, s19, $0xb8;
	[tilespmem:$0x1F480] =	vst v63  }
0xae: {  	_ =	swait.ge [sflag:s24], $0x3200  }
0xaf: {  	[sflag:s24] =	ssyncset.done $0x0  }
0xb0: {  	[sflag:s24] =	ssyncadd.s32 $0xFFFFCE00  }
0xb1: {  	_ =	swait.ge [sflag:s28], $0x3200  }
0xb2: {  	[sflag:s28] =	ssyncset.done $0x0  }
0xb3: {  	s8 =	sadd.s32 $0x280, s6;
	[sflag:s28] =	ssyncadd.s32 $0xFFFFCE00  }
0xb4: {  	[tilespmem:s26], [sflag:$0x1] =	stream.indirect.gather [hbm4b:s1+s19], $0x80, s8, s19, $0xb8;
	[tilespmem:$0x1F480] =	vst v63  }
0xb5: {  	s8 =	sadd.s32 $0x1180, s6  }
0xb6: {  	[spmem:s2] =	stream.indirect.scatter.add.f32 [tilespmem:s20], [sflag:$0x2], $0x80, s8, s19, $0xb8;
	[tilespmem:$0x1F480] =	vst v63  }
0xb7: {  	_ =	swait.ge [sflag:s24], $0x3200  }
0xb8: {  	[sflag:s24] =	ssyncset.done $0x0  }
0xb9: {  	[sflag:s24] =	ssyncadd.s32 $0xFFFFCE00  }
0xba: {  	_ =	swait.ge [sflag:s28], $0x3200  }
0xbb: {  	[sflag:s28] =	ssyncset.done $0x0  }
0xbc: {  	s8 =	sadd.s32 $0x300, s6;
	[sflag:s28] =	ssyncadd.s32 $0xFFFFCE00  }
0xbd: {  	[tilespmem:s20], [sflag:$0x1] =	stream.indirect.gather [hbm4b:s1+s19], $0x80, s8, s19, $0xb8;
	[tilespmem:$0x1F480] =	vst v63  }
0xbe: {  	s8 =	sadd.s32 $0x1200, s6  }
0xbf: {  	[spmem:s2] =	stream.indirect.scatter.add.f32 [tilespmem:s22], [sflag:$0x2], $0x80, s8, s19, $0xb8;
	[tilespmem:$0x1F480] =	vst v63  }
0xc0: {  	_ =	swait.ge [sflag:s24], $0x3200  }
0xc1: {  	[sflag:s24] =	ssyncset.done $0x0  }
0xc2: {  	[sflag:s24] =	ssyncadd.s32 $0xFFFFCE00  }
0xc3: {  	_ =	swait.ge [sflag:s28], $0x3200  }
0xc4: {  	[sflag:s28] =	ssyncset.done $0x0  }
0xc5: {  	s8 =	sadd.s32 $0x380, s6;
	[sflag:s28] =	ssyncadd.s32 $0xFFFFCE00  }
0xc6: {  	[tilespmem:s22], [sflag:$0x1] =	stream.indirect.gather [hbm4b:s1+s19], $0x80, s8, s19, $0xb8;
	[tilespmem:$0x1F480] =	vst v63  }
0xc7: {  	s8 =	sadd.s32 $0x1280, s6  }
0xc8: {  	[spmem:s2] =	stream.indirect.scatter.add.f32 [tilespmem:s26], [sflag:$0x2], $0x80, s8, s19, $0xb8;
	[tilespmem:$0x1F480] =	vst v63  }
0xc9: {  	_ =	swait.ge [sflag:s24], $0x3200  }
0xca: {  	[sflag:s24] =	ssyncset.done $0x0  }
0xcb: {  	[sflag:s24] =	ssyncadd.s32 $0xFFFFCE00  }
0xcc: {  	_ =	swait.ge [sflag:s28], $0x3200  }
0xcd: {  	[sflag:s28] =	ssyncset.done $0x0  }
0xce: {  	s8 =	sadd.s32 $0x400, s6;
	[sflag:s28] =	ssyncadd.s32 $0xFFFFCE00  }
0xcf: {  	[tilespmem:s26], [sflag:$0x1] =	stream.indirect.gather [hbm4b:s1+s19], $0x80, s8, s19, $0xb8;
	[tilespmem:$0x1F480] =	vst v63  }
0xd0: {  	s8 =	sadd.s32 $0x1300, s6  }
0xd1: {  	[spmem:s2] =	stream.indirect.scatter.add.f32 [tilespmem:s20], [sflag:$0x2], $0x80, s8, s19, $0xb8;
	[tilespmem:$0x1F480] =	vst v63  }
0xd2: {  	_ =	swait.ge [sflag:s24], $0x3200  }
0xd3: {  	[sflag:s24] =	ssyncset.done $0x0  }
0xd4: {  	[sflag:s24] =	ssyncadd.s32 $0xFFFFCE00  }
0xd5: {  	_ =	swait.ge [sflag:s28], $0x3200  }
0xd6: {  	[sflag:s28] =	ssyncset.done $0x0  }
0xd7: {  	s8 =	sadd.s32 $0x480, s6;
	[sflag:s28] =	ssyncadd.s32 $0xFFFFCE00  }
0xd8: {  	[tilespmem:s20], [sflag:$0x1] =	stream.indirect.gather [hbm4b:s1+s19], $0x80, s8, s19, $0xb8;
	[tilespmem:$0x1F480] =	vst v63  }
0xd9: {  	s8 =	sadd.s32 $0x1380, s6  }
0xda: {  	[spmem:s2] =	stream.indirect.scatter.add.f32 [tilespmem:s22], [sflag:$0x2], $0x80, s8, s19, $0xb8;
	[tilespmem:$0x1F480] =	vst v63  }
0xdb: {  	_ =	swait.ge [sflag:s24], $0x3200  }
0xdc: {  	[sflag:s24] =	ssyncset.done $0x0  }
0xdd: {  	[sflag:s24] =	ssyncadd.s32 $0xFFFFCE00  }
0xde: {  	_ =	swait.ge [sflag:s28], $0x3200  }
0xdf: {  	[sflag:s28] =	ssyncset.done $0x0  }
0xe0: {  	s8 =	sadd.s32 $0x1400, s6;
	[sflag:s28] =	ssyncadd.s32 $0xFFFFCE00  }
0xe1: {  	[spmem:s2] =	stream.indirect.scatter.add.f32 [tilespmem:s26], [sflag:$0x2], $0x80, s8, s19, $0xb8;
	[tilespmem:$0x1F480] =	vst v63  }
0xe2: {  	_ =	swait.ge [sflag:s24], $0x3200  }
0xe3: {  	[sflag:s24] =	ssyncset.done $0x0  }
0xe4: {  	[sflag:s24] =	ssyncadd.s32 $0xFFFFCE00  }
0xe5: {  	_ =	swait.ge [sflag:s28], $0x3200  }
0xe6: {  	[sflag:s28] =	ssyncset.done $0x0  }
0xe7: {  	s6 =	sadd.s32 $0x1480, s6;
	[sflag:s28] =	ssyncadd.s32 $0xFFFFCE00  }
0xe8: {  	[spmem:s2] =	stream.indirect.scatter.add.f32 [tilespmem:s20], [sflag:$0x2], $0x80, s6, s19, $0xb8;
	[tilespmem:$0x1F480] =	vst v63  }
0xe9: {  	_ =	swait.ge [sflag:s28], $0x3200  }
0xea: {  	s30 =	sadd.s32 @!p1 $0x800, s30;
	[sflag:s28] =	ssyncset.done $0x0  }
0xeb: {  	p2 =	sne.s32 @!p1 s30, $0x5000;
	s6 =	simm.s32 @!p1 $0x3;
	[sflag:s28] =	ssyncadd.s32 $0xFFFFCE00  }
0xec: {  	p2 =	por p1, !p2;
	_ =	swait.ge @!p1 [sflag:s6], $0x500  }
.Ltmp0:
0xed: {  	[sflag:s6] =	ssyncset.done @!p1 $0x0;
	(pc) =	sbr.rel @!p2 .LBB2_2-.Ltmp0, $4  }
0xee: {  	[sflag:s6] =	ssyncadd.s32 @!p1 $0xFFFFFB00  }
0xef: {  	_ =	swait.ge @!p1 [sflag:s6], $0x500  }
0xf0: {  	[sflag:s6] =	ssyncset.done @!p1 $0x0  }
0xf1: {  	s16 =	sadd.s32 @!p1 $0x100, s16;
	s15 =	sadd.s32 @!p1 $0x100, s15;
	[sflag:s6] =	ssyncadd.s32 @!p1 $0xFFFFFB00  }
0xf2: {  	[bflag:$0x0] =	sbarrier.arrive $0xFFFF;
	s6 =	simm.s32 @p0 $0x1FC4  }
0xf3: {  	[hbm:s13], [sflag:s6] =	dma.local @p0 [spmem:s0], $0x2080  }
0xf4: {  	s0 =	simm.s32 @p0 $0x4  }
0xf5: {  	s31 =	sadd.s32 $0x1, s31;
	_ =	swait.ge @p0 [sflag:s0], $0x2080  }
0xf6: {  	p1 =	sne.s32 s31, s14;
	[sflag:s0] =	ssyncset.done @p0 $0x0  }
.Ltmp1:
0xf7: {  	[sflag:s0] =	ssyncadd.s32 @p0 $0xFFFFDF80;
	s0 =	simm.s32 @!p0 $0x4;
	(pc) =	sbr.rel @p1 .LBB2_1-.Ltmp1, $4  }
0xf8: {  	[hbm:s12], [sflag:s21] =	dma.local @!p0 [spmem:s23], $0x2780  }
0xf9: {  	_ =	swait.ge @!p0 [sflag:s0], $0x2780  }
0xfa: {  	[sflag:s0] =	ssyncset.done @!p0 $0x0  }
0xfb: {  	[sflag:s0] =	ssyncadd.s32 @!p0 $0xFFFFD880  }
0xfc: {  	_ =	sfence.sel $0x180000  }
0xfd: {  	[bflag:$0x0] =	sbarrier.arrive $0xFFFF  }
0xfe: {  	_ =	strace $0x9000004A  }
0xff: {  	s0 =	stileid.u32;
	[bflag:$0x2] =	sbarrier.arrive $0xFFFF  }
0x100: {  	p0 =	sne.s32 s0, $0x0;
	s0 =	rddreg [dreg:$0x3]  }
0x101: {  	s0 =	sadd.s32 @!p0 $0x100000, s0  }
0x102: {  	[sflag:s0] =	ssyncadd.tile.s32 @!p0 $0x1;
	_ =	shalt  }
.Lfunc_end2:
_tile_overlayer_lowered:
.L_overlay_start_2:
0x103: {  	(tag) =	ssettag $0x2  }
0x104: {  	s0 =	rddreg [dreg:$0x0];
	s2 =	stileid.u32  }
0x105: {  	s1 =	rddreg [dreg:$0x1];
	p0 =	sne.s32 s2, $0x0  }
0x106: {  	s3 =	rddreg [dreg:$0x2];
	[bflag:$0x3] =	sbarrier.arrive $0xFFFF;
	s2 =	simm.s32 @!p0 $0x1C04  }
0x107: {  	[timem:s3], [sflag:s2] =	dma.local @!p0 [hbm:s0], s1  }
0x108: {  	s0 =	simm.s32 @!p0 $0x4  }
0x109: {  	_ =	swait.ge @!p0 [sflag:s0], s1  }
0x10a: {  	s1 =	ssub.s32 @!p0 $0x0, s1;
	[sflag:s0] =	ssyncset.done @!p0 $0x0  }
0x10b: {  	[sflag:s0] =	ssyncadd.s32 @!p0 s1  }
0x10c: {  	[bflag:$0x3] =	sbarrier.arrive $0xFFFF  }
0x10d: {  	_ =	shalt  }

// kernel: kernel.8.cloned.1.call-start
scs
__scs_entry_jumppad:
0x0: {  	(pc) =	sbr.rel $0x88, $3  }
0x1: {  	(tag) =	ssettag $0x0;
	lr =	simm.s32 $0x1  }
0x2: {  	[smem:$0x3F99] =	sst lr;
	_ =	strace $0xD0000000  }
0x3: {  	_ = 	snop  }
0x4: {  	_ = 	snop  }
0x5: {  	_ = 	snop  }
0x6: {  	_ = 	snop  }
0x7: {  	_ = 	snop  }
__scs_overlays_trampoline_lowered:
0x8: {  	[smem:$0x3FA8] =	sst s0  }
0x9: {  	[smem:$0x3FA9] =	sst s1  }
0xa: {  	[smem:$0x3FAA] =	sst s2  }
0xb: {  	[smem:$0x3FAB] =	sst s3  }
0xc: {  	[smem:$0x3FAC] =	sst s4  }
0xd: {  	[smem:$0x3FAD] =	sst s5  }
0xe: {  	[smem:$0x3FAE] =	sst s6  }
0xf: {  	[smem:$0x3FAF] =	sst s7  }
0x10: {  	[smem:$0x3FB0] =	sst s8  }
0x11: {  	[smem:$0x3FB1] =	sst s9;
	s0 =	simm.s32 @!p0 $0x0  }
0x12: {  	s1 =	sld [smem:$0x3F97];
	s0 =	simm.s32 @p0 $0x1  }
0x13: {  	[smem:$0x3FB2] =	sst s0;
	s0 =	simm.s32 @!p1 $0x0  }
0x14: {  	s2 =	sld [smem:$0x3F96];
	s0 =	simm.s32 @p1 $0x1  }
0x15: {  	[smem:$0x3FB3] =	sst s0;
	s0 =	simm.s32 @!p2 $0x0  }
0x16: {  	s3 =	sld [smem:$0x3FDB];
	s0 =	simm.s32 @p2 $0x1  }
0x17: {  	s4 =	simm.s32 $0x1BF5;
	[smem:$0x3FB5] =	sst s0  }
0x18: {  	s0 =	sld [smem:$0x3F98];
	_ =	swait.ge [sflag:s4], $0x0  }
0x19: {  	s7 =	sld [smem:$0x3F99]  }
0x1a: {  	s8 =	sadd.s32 $0xFFFFE003, lr  }
0x1b: {  	s9 =	sadd.s32 $0xFFFFFEF7, lr;
	s5 =	simm.s32 $0xFFFFFFFF;
	p2 =	slt.u32 s8, $0xFFFFF086  }
0x1c: {  	p1 =	slt.u32 s9, $0xF7A;
	s5 =	simm.s32 @!p2 $0x0  }
0x1d: {  	s5 =	simm.s32 @p1 $0x1;
	p0 =	seq.s32 s7, s2  }
0x1e: {  	s7 =	smul.u32 @!p0 $0xF7A, s2;
	p2 =	seq.s32 @!p0 s5, $0x0  }
0x1f: {  	s9 =	smul.u32 $0xF7A, s1;
	s8 =	simm.s32 @!p0 $0x1BF5;
	p2 =	por !p2, p0  }
0x20: {  	[sflag:s8] =	ssyncset.s32 @!p0 $0xFFFFF086;
	s6 =	sadd.s32 @!p0 s3, s7;
	s7 =	simm.s32 @!p0 $0x108  }
0x21: {  	s3 =	sadd.s32 s3, s9;
	s6 =	sadd.s32 @!p0 $0x88, s6;
	s7 =	simm.s32 @p2 $0x1082  }
0x22: {  	[simem:s7], [sflag:s8] =	dma.local @!p0 [hbm:s6], $0xF7A  }
0x23: {  	s9 =	sor.u32 $0xD0000000, s2;
	s6 =	simm.s32 $0x108;
	_ =	swait.ge @!p0 [sflag:s8], $0x0  }
0x24: {  	s3 =	sadd.s32 $0x88, s3;
	s6 =	simm.s32 @!p1 $0x1082;
	[sflag:s4] =	ssyncset.s32 $0xFFFFF086  }
0x25: {  	[simem:s6], [sflag:s4] =	dma.local [hbm:s3], $0xF7A  }
0x26: {  	[smem:$0x3F99] =	sst s1;
	(tag) =	ssettag s2;
	_ =	strace s9  }
0x27: {  	s1 =	sld [smem:$0x3FA9]  }
0x28: {  	s2 =	sld [smem:$0x3FAA]  }
0x29: {  	s4 =	sld [smem:$0x3FAC]  }
0x2a: {  	p0 =	seq.s32 s5, $0x0;
	s5 =	sld [smem:$0x3FAD]  }
0x2b: {  	s6 =	sld [smem:$0x3FAE]  }
0x2c: {  	s7 =	sld [smem:$0x3FAF]  }
0x2d: {  	s3 =	simm.s32 $0x108;
	s8 =	sld [smem:$0x3FB0]  }
0x2e: {  	s3 =	simm.s32 @!p0 $0x1082;
	s9 =	sld [smem:$0x3FB1]  }
0x2f: {  	lr =	sadd.s32 s0, s3;
	s0 =	sld [smem:$0x3FA8]  }
0x30: {  	s3 =	sld [smem:$0x3FAB]  }
0x31: {  	[smem:$0x3FB4] =	sst s10  }
0x32: {  	s10 =	sld [smem:$0x3FB2];
	_ =	sdelay $0x3  }
0x33: {  	p0 =	seq.s32 s10, $0x1;
	s10 =	sld [smem:$0x3FB4];
	_ =	sdelay $0x3  }
0x34: {  	[smem:$0x3FB4] =	sst s10  }
0x35: {  	s10 =	sld [smem:$0x3FB3];
	_ =	sdelay $0x3  }
0x36: {  	p1 =	seq.s32 s10, $0x1;
	s10 =	sld [smem:$0x3FB4];
	_ =	sdelay $0x3  }
0x37: {  	[smem:$0x3FB4] =	sst s10  }
0x38: {  	s10 =	sld [smem:$0x3FB5]  }
0x39: {  	_ = 	snop;
	(pc) =	sbr.ind lr, $3  }
0x3a: {  	_ = 	snop  }
0x3b: {  	_ = 	snop  }
0x3c: {  	p2 =	seq.s32 s10, $0x1;
	s10 =	sld [smem:$0x3FB4]  }
0x3d: {  	_ =	shalt  }
0x3e: {  	_ =	shalt  }
0x3f: {  	_ =	shalt  }
0x40: {  	_ =	shalt  }
0x41: {  	_ =	shalt  }
0x42: {  	_ =	shalt  }
0x43: {  	_ =	shalt  }
0x44: {  	_ =	shalt  }
0x45: {  	_ =	shalt  }
0x46: {  	_ =	shalt  }
0x47: {  	_ =	shalt  }
0x48: {  	_ =	shalt  }
0x49: {  	_ =	shalt  }
0x4a: {  	_ =	shalt  }
0x4b: {  	_ =	shalt  }
0x4c: {  	_ =	shalt  }
0x4d: {  	_ =	shalt  }
0x4e: {  	_ =	shalt  }
0x4f: {  	_ =	shalt  }
0x50: {  	_ =	shalt  }
0x51: {  	_ =	shalt  }
0x52: {  	_ =	shalt  }
0x53: {  	_ =	shalt  }
0x54: {  	_ =	shalt  }
0x55: {  	_ =	shalt  }
0x56: {  	_ =	shalt  }
0x57: {  	_ =	shalt  }
0x58: {  	_ =	shalt  }
0x59: {  	_ =	shalt  }
0x5a: {  	_ =	shalt  }
0x5b: {  	_ =	shalt  }
0x5c: {  	_ =	shalt  }
0x5d: {  	_ =	shalt  }
0x5e: {  	_ =	shalt  }
0x5f: {  	_ =	shalt  }
0x60: {  	_ =	shalt  }
0x61: {  	_ =	shalt  }
0x62: {  	_ =	shalt  }
0x63: {  	_ =	shalt  }
0x64: {  	_ =	shalt  }
0x65: {  	_ =	shalt  }
0x66: {  	_ =	shalt  }
0x67: {  	_ =	shalt  }
0x68: {  	_ =	shalt  }
0x69: {  	_ =	shalt  }
0x6a: {  	_ =	shalt  }
0x6b: {  	_ =	shalt  }
0x6c: {  	_ =	shalt  }
0x6d: {  	_ =	shalt  }
0x6e: {  	_ =	shalt  }
0x6f: {  	_ =	shalt  }
0x70: {  	_ =	shalt  }
0x71: {  	_ =	shalt  }
0x72: {  	_ =	shalt  }
0x73: {  	_ =	shalt  }
0x74: {  	_ =	shalt  }
0x75: {  	_ =	shalt  }
0x76: {  	_ =	shalt  }
0x77: {  	_ =	shalt  }
0x78: {  	_ =	shalt  }
0x79: {  	_ =	shalt  }
0x7a: {  	_ =	shalt  }
0x7b: {  	_ =	shalt  }
0x7c: {  	_ =	shalt  }
0x7d: {  	_ =	shalt  }
0x7e: {  	_ =	shalt  }
0x7f: {  	_ =	shalt  }
0x80: {  	_ =	shalt  }
0x81: {  	_ =	shalt  }
0x82: {  	_ =	shalt  }
0x83: {  	_ =	shalt  }
0x84: {  	_ =	shalt  }
0x85: {  	_ =	shalt  }
0x86: {  	_ =	shalt  }
0x87: {  	_ =	shalt  }
.Lfunc_end0:
.L_simem_size_0:
called_computation_lowered:
.L_overlay_start_0:
0x88: {  	s2 =	sld [smem:$0x3FD9]  }
0x89: {  	s3 =	sld [smem:$0x3FFE];
	_ =	sdelay $0x1  }
0x8a: {  	s1 =	srdreg.scid  }
0x8b: {  	s0 =	sand.u32 $0x1, s1  }
0x8c: {  	s17 =	sshll.u32 s0, $0xA;
	s2 =	sadd.s32 s3, s2  }
0x8d: {  	s2 =	sadd.s32 s2, s17  }
0x8e: {  	[smem:$0x3FC0] =	sst s2  }
0x8f: {  	_ = 	snop  }
0x90: {  	s2 =	sld [smem:$0x3FC9];
	(tm) =	ssettm $0x1  }
0x91: {  	s18 =	sld [smem:$0x3FFB];
	_ =	sdelay $0x3  }
0x92: {  	_ =	strace s18  }
0x93: {  	s3 =	sld [smem:$0x3FFC];
	_ =	sdelay $0x3  }
0x94: {  	_ =	strace s3  }
0x95: {  	s3 =	sld [smem:$0x3FFD];
	_ =	sdelay $0x3  }
0x96: {  	_ =	strace s3  }
0x97: {  	_ =	strace $0x8FFFFFFF  }
0x98: {  	s19 =	sld [smem:$0x3FDB];
	_ =	sdelay $0x1  }
0x99: {  	s4 =	simm.s32 $_scs_section_size  }
0x9a: {  	s5 =	simm.s32 $_size__tile_overlayer_lowered;
	s6 =	simm.s32 $_tile_overlayer_lowered  }
0x9b: {  	s22 =	simm.s32 $0x1BFF;
	s21 =	sshll.u32 s6, $0x1;
	s3 =	sadd.s32 s4, s19  }
0x9c: {  	s7 =	simm.s32 $0x0;
	s20 =	sshll.u32 s5, $0x1;
	s5 =	sadd.s32 s21, s3  }
0x9d: {  	[timem:s7], [sflag:s22] =	dma.local [hbm:s5], s20  }
0x9e: {  	_ =	swait.ge [sflag:s22], s20  }
0x9f: {  	s4 =	ssub.s32 $0x0, s20;
	[sflag:s22] =	ssyncset.done $0x0  }
0xa0: {  	[sflag:s22] =	ssyncadd.s32 s4;
	_ =	sdelay $0x1  }
0xa1: {  	s23 =	simm.s32 $0x1B8B  }
0xa2: {  	_ =	swait.ge [sflag:s23], $0x1  }
0xa3: {  	[sflag:s23] =	ssyncset.done $0x0  }
0xa4: {  	s25 =	simm.s32 $0x1B8E;
	s24 =	sld [smem:$0x3FFE];
	[sflag:s23] =	ssyncadd.s32 $0xFFFFFFFF  }
0xa5: {  	s26 =	simm.s32 $execute0_lowered;
	[smem:$0x3FD2] =	sst s25  }
0xa6: {  	s5 =	sshll.u32 s26, $0x1;
	_ =	strace $0x80000046;
	[dreg:$0x1] =	wrdreg $0xFFFFFFFF  }
0xa7: {  	s28 =	simm.s32 $_size_execute0_lowered;
	s3 =	sadd.s32 s3, s5;
	[dreg:$0x0] =	wrdreg $0x0  }
0xa8: {  	s5 =	sshll.u32 s28, $0x1;
	[dreg:$0x2] =	wrdreg s3  }
0xa9: {  	[dreg:$0x3] =	wrdreg s5  }
0xaa: {  	[dreg:$0x4] =	wrdreg $0xC0  }
0xab: {  	_ =	task [dreg:s7], $0x5FFFF  }
0xac: {  	[dreg:$0x1] =	wrdreg $0xFFFFFFFF  }
0xad: {  	[dreg:$0x0] =	wrdreg $0x60  }
0xae: {  	[dreg:$0x2] =	wrdreg s2  }
0xaf: {  	[dreg:$0x3] =	wrdreg s24  }
0xb0: {  	[dreg:$0x4] =	wrdreg $0xBC000  }
0xb1: {  	[dreg:$0x5] =	wrdreg $0x9  }
0xb2: {  	_ =	task.clear_ibuf [dreg:s7], $0x6FFFF;
	_ =	strace $0x90000046  }
0xb3: {  	s29 =	simm.s32 $0x9;
	_ =	strace $0x80000048  }
0xb4: {  	_ =	swait.ge [sflag:s29], $0x1  }
0xb5: {  	[sflag:s29] =	ssyncadd.s32 $0xFFFFFFFF  }
0xb6: {  	_ =	strace $0x90000048  }
0xb7: {  	_ =	sfence  }
0xb8: {  	s30 =	sld [smem:$0x0];
	_ =	sdelay $0x2  }
0xb9: {  	s31 =	sshll.u32 s1, $0xD;
	s1 =	sshrl.u32 s1, $0x2  }
0xba: {  	s3 =	sand.u32 $0x4000, s31;
	s1 =	sadd.s32 s1, s30  }
0xbb: {  	s0 =	sor.u32 s3, s0;
	s1 =	sshll.u32 s1, $0x11  }
0xbc: {  	s0 =	sor.u32 s1, s0  }
0xbd: {  	s0 =	sadd.s32 $0x8F2B, s0  }
0xbe: {  	[sflag:s0] =	ssyncadd.remote.s32 $0x1  }
0xbf: {  	_ =	sfence.sel $0xFFFF  }
0xc0: {  	[dreg:$0x0] =	wrdreg $0xFFFFFFFF;
	(pc) =	sbr.abs _section_cstart, $3  }
0xc1: {  	[dreg:$0x1] =	wrdreg $0xFFFFFFFF  }
0xc2: {  	_ =	task.clear_ibuf [dreg:s7], $0x2FFFF;
	_ =	strace $0x9FFFFFFF  }
0xc3: {  	(tm) =	ssettm $0x7FFFFFFF  }
tec
execute0_lowered:
.L_overlay_start_1:
0x0: {  	(tag) =	ssettag $0x1  }
0x1: {  	s1 =	rddreg [dreg:$0x0]  }
0x2: {  	s0 =	rddreg [dreg:$0x1]  }
0x3: {  	s2 =	rddreg [dreg:$0x2];
	s4 =	simm.s32 $0x0;
	s3 =	srdreg.scid  }
0x4: {  	s18 =	stileid.u32;
	s19 =	simm.s32 $0x64;
	s20 =	simm.s32 $0x2000  }
0x5: {  	s22 =	simm.s32 $0x5400;
	s28 =	simm.s32 $0x2;
	s29 =	simm.s32 $0x3  }
0x6: {  	s31 =	simm.s32 $0x0;
	[smem:$0x7FF] =	sst s4;
	s10 =	smul.u32 $0x4F000, s18  }
0x7: {  	s3 =	sand.u32 $0x1, s3;
	s5 =	sshll.u32 s18, $0x1;
	s13 =	smul.u32 $0x13C00, s18  }
0x8: {  	s6 =	sadd.s32 $0x1C00, s0;
	s15 =	sadd.s32 $0x15C00, s0;
	s16 =	smul.u32 $0xA000, s18  }
0x9: {  	p0 =	seq.s32 s18, $0xF;
	s18 =	simm.s32 $0x1000;
	_ =	strace $0x80000047  }
0xa: {  	s7 =	sor.u32 s3, s5;
	s5 =	sadd.s32 $0x29C00, s0;
	s12 =	smul.u32 $0x138800, s3  }
0xb: {  	s8 =	ssub.s32 $0x2, s3;
	s0 =	sadd.s32 $0x2C400, s0;
	s3 =	smul.u32 $0x5000, s3  }
0xc: {  	s7 =	smul.u32 $0x5000, s7;
	s9 =	sshrl.u32 s8, $0x1;
	s24 =	sshrl.u32 s10, $0x2  }
0xd: {  	s14 =	ssub.s32 s8, s9;
	s26 =	sadd.s32 s24, s2;
	s9 =	sadd.s32 $0x128400, s2  }
0xe: {  	s13 =	sadd.s32 s13, s12;
	s17 =	sshrl.u32 s12, $0x3;
	s3 =	sadd.s32 s3, s16  }
0xf: {  	s24 =	simm.s32 $0x1;
	s11 =	sshrl.u32 s7, $0x3;
	[dreg:$0x6] =	wrdreg s26  }
0x10: {  	s13 =	sshrl.u32 s13, $0x3;
	s3 =	sadd.s32 $0x1000, s3;
	s14 =	smax.u32 s14, $0x1  }
0x11: {  	s26 =	simm.s32 $0x8800;
	s7 =	sadd.s32 s6, s11;
	s25 =	sadd.s32 s15, s11  }
0x12: {  	s11 =	sor.u32 $0x100, s11;
	s12 =	sadd.s32 s0, s13;
	s0 =	sadd.s32 s0, s17  }
0x13: {  	s30 =	sshrl.u32 s3, $0x3;
	s17 =	simm.s32 $0x4;
	[dreg:$0x4] =	wrdreg s7  }
0x14: {  	[dreg:$0x5] =	wrdreg s25;
	s10 =	sadd.s32 s6, s11;
	s11 =	sadd.s32 s15, s11  }
0x15: {  	s13 =	sadd.s32 $0x25080, s0;
	s3 =	sadd.s32 s30, s15;
	s25 =	sadd.s32 s30, s6  }
.LBB2_1:
0x16: {  	s0 =	rddreg [dreg:$0x4]  }
0x17: {  	[tilespmem:s4], [sflag:$0x4] =	stream.linear.gather [hbm4b:s0+s4], $0x500, $0x38;
	[tilespmem:$0x1F480] =	vst v63  }
0x18: {  	_ =	swait.ge [sflag:s17], $0x500  }
0x19: {  	[sflag:s17] =	ssyncset.done $0x0  }
0x1a: {  	s6 =	rddreg [dreg:$0x5];
	[sflag:s17] =	ssyncadd.s32 $0xFFFFFB00  }
0x1b: {  	[tilespmem:s18], [sflag:$0x4] =	stream.linear.gather [hbm4b:s6+s4], $0x500, $0x38;
	[tilespmem:$0x1F480] =	vst v63  }
0x1c: {  	_ =	swait.ge [sflag:s17], $0x500  }
0x1d: {  	[sflag:s17] =	ssyncset.done $0x0  }
0x1e: {  	[sflag:s17] =	ssyncadd.s32 $0xFFFFFB00  }
0x1f: {  	[tilespmem:s20], [sflag:$0x1] =	stream.indirect.gather [hbm4b:s1+s19], $0x80, s4, s19, $0xb8;
	[tilespmem:$0x1F480] =	vst v63  }
0x20: {  	s7 =	simm.s32 $0x80;
	s0 =	sshrl.u32 @p0 s9, $0x3;
	s6 =	simm.s32 @p0 $0x1FC4  }
0x21: {  	[tilespmem:s22], [sflag:$0x1] =	stream.indirect.gather [hbm4b:s1+s19], $0x80, s7, s19, $0xb8;
	[tilespmem:$0x1F480] =	vst v63  }
0x22: {  	[spmem:s0], [sflag:s6] =	dma.local @p0 [hbm:s5], $0x2080  }
0x23: {  	s6 =	simm.s32 @p0 $0x4  }
0x24: {  	_ =	swait.ge @p0 [sflag:s6], $0x2080  }
0x25: {  	s7 =	stileid.u32;
	[sflag:s6] =	ssyncset.done @p0 $0x0  }
0x26: {  	s15 =	sshll.u32 @!p0 s7, $0x6;
	[sflag:s6] =	ssyncadd.s32 @p0 $0xFFFFDF80;
	s6 =	rddreg [dreg:$0x6]  }
0x27: {  	s21 =	sor.u32 @!p0 $0x1C04, s15;
	s23 =	sshrl.u32 @!p0 s6, $0x3;
	s6 =	simm.s32 @!p0 $0x4  }
0x28: {  	[spmem:s23], [sflag:s21] =	dma.local @!p0 [hbm:s5], $0x2780  }
0x29: {  	_ =	swait.ge @!p0 [sflag:s6], $0x2780  }
0x2a: {  	[sflag:s6] =	ssyncset.done @!p0 $0x0  }
0x2b: {  	[sflag:s6] =	ssyncadd.s32 @!p0 $0xFFFFD880  }
0x2c: {  	s8 =	simm.s32 $0x800;
	[bflag:$0x0] =	sbarrier.arrive $0xFFFF  }
0x2d: {  	[tilespmem:s8], [sflag:$0x3] =	stream.linear.gather [hbm4b:s10+s4], $0x500, $0x38;
	[tilespmem:$0x1F480] =	vst v63  }
0x2e: {  	s15 =	simm.s32 $0x1800  }
0x2f: {  	[tilespmem:s15], [sflag:$0x3] =	stream.linear.gather [hbm4b:s11+s4], $0x500, $0x38;
	[tilespmem:$0x1F480] =	vst v63  }
0x30: {  	_ =	swait.ge [sflag:s24], $0x3200  }
0x31: {  	[sflag:s24] =	ssyncset.done $0x0  }
0x32: {  	s16 =	simm.s32 $0x100;
	[sflag:s24] =	ssyncadd.s32 $0xFFFFCE00  }
0x33: {  	[tilespmem:s26], [sflag:$0x1] =	stream.indirect.gather [hbm4b:s1+s19], $0x80, s16, s19, $0xb8;
	[tilespmem:$0x1F480] =	vst v63  }
0x34: {  	_ = 	snop  }
0x35: {  	[spmem:s2] =	stream.indirect.scatter.add.f32 [tilespmem:s20], [sflag:$0x2], $0x80, s18, s19, $0xb8;
	[tilespmem:$0x1F480] =	vst v63  }
0x36: {  	_ =	swait.ge [sflag:s24], $0x3200  }
0x37: {  	[sflag:s24] =	ssyncset.done $0x0  }
0x38: {  	[sflag:s24] =	ssyncadd.s32 $0xFFFFCE00  }
0x39: {  	_ =	swait.ge [sflag:s28], $0x3200  }
0x3a: {  	[sflag:s28] =	ssyncset.done $0x0  }
0x3b: {  	s7 =	simm.s32 $0x180;
	[sflag:s28] =	ssyncadd.s32 $0xFFFFCE00  }
0x3c: {  	[tilespmem:s20], [sflag:$0x1] =	stream.indirect.gather [hbm4b:s1+s19], $0x80, s7, s19, $0xb8;
	[tilespmem:$0x1F480] =	vst v63  }
0x3d: {  	s8 =	simm.s32 $0x1080  }
0x3e: {  	[spmem:s2] =	stream.indirect.scatter.add.f32 [tilespmem:s22], [sflag:$0x2], $0x80, s8, s19, $0xb8;
	[tilespmem:$0x1F480] =	vst v63  }
0x3f: {  	_ =	swait.ge [sflag:s24], $0x3200  }
0x40: {  	[sflag:s24] =	ssyncset.done $0x0  }
0x41: {  	[sflag:s24] =	ssyncadd.s32 $0xFFFFCE00  }
0x42: {  	_ =	swait.ge [sflag:s28], $0x3200  }
0x43: {  	[sflag:s28] =	ssyncset.done $0x0  }
0x44: {  	s15 =	simm.s32 $0x200;
	[sflag:s28] =	ssyncadd.s32 $0xFFFFCE00  }
0x45: {  	[tilespmem:s22], [sflag:$0x1] =	stream.indirect.gather [hbm4b:s1+s19], $0x80, s15, s19, $0xb8;
	[tilespmem:$0x1F480] =	vst v63  }
0x46: {  	s16 =	simm.s32 $0x1100  }
0x47: {  	[spmem:s2] =	stream.indirect.scatter.add.f32 [tilespmem:s26], [sflag:$0x2], $0x80, s16, s19, $0xb8;
	[tilespmem:$0x1F480] =	vst v63  }
0x48: {  	_ =	swait.ge [sflag:s24], $0x3200  }
0x49: {  	[sflag:s24] =	ssyncset.done $0x0  }
0x4a: {  	[sflag:s24] =	ssyncadd.s32 $0xFFFFCE00  }
0x4b: {  	_ =	swait.ge [sflag:s28], $0x3200  }
0x4c: {  	[sflag:s28] =	ssyncset.done $0x0  }
0x4d: {  	s7 =	simm.s32 $0x280;
	[sflag:s28] =	ssyncadd.s32 $0xFFFFCE00  }
0x4e: {  	[tilespmem:s26], [sflag:$0x1] =	stream.indirect.gather [hbm4b:s1+s19], $0x80, s7, s19, $0xb8;
	[tilespmem:$0x1F480] =	vst v63  }
0x4f: {  	s8 =	simm.s32 $0x1180  }
0x50: {  	[spmem:s2] =	stream.indirect.scatter.add.f32 [tilespmem:s20], [sflag:$0x2], $0x80, s8, s19, $0xb8;
	[tilespmem:$0x1F480] =	vst v63  }
0x51: {  	_ =	swait.ge [sflag:s24], $0x3200  }
0x52: {  	[sflag:s24] =	ssyncset.done $0x0  }
0x53: {  	[sflag:s24] =	ssyncadd.s32 $0xFFFFCE00  }
0x54: {  	_ =	swait.ge [sflag:s28], $0x3200  }
0x55: {  	[sflag:s28] =	ssyncset.done $0x0  }
0x56: {  	s15 =	simm.s32 $0x300;
	[sflag:s28] =	ssyncadd.s32 $0xFFFFCE00  }
0x57: {  	[tilespmem:s20], [sflag:$0x1] =	stream.indirect.gather [hbm4b:s1+s19], $0x80, s15, s19, $0xb8;
	[tilespmem:$0x1F480] =	vst v63  }
0x58: {  	s16 =	simm.s32 $0x1200  }
0x59: {  	[spmem:s2] =	stream.indirect.scatter.add.f32 [tilespmem:s22], [sflag:$0x2], $0x80, s16, s19, $0xb8;
	[tilespmem:$0x1F480] =	vst v63  }
0x5a: {  	_ =	swait.ge [sflag:s24], $0x3200  }
0x5b: {  	[sflag:s24] =	ssyncset.done $0x0  }
0x5c: {  	[sflag:s24] =	ssyncadd.s32 $0xFFFFCE00  }
0x5d: {  	_ =	swait.ge [sflag:s28], $0x3200  }
0x5e: {  	[sflag:s28] =	ssyncset.done $0x0  }
0x5f: {  	s7 =	simm.s32 $0x380;
	[sflag:s28] =	ssyncadd.s32 $0xFFFFCE00  }
0x60: {  	[tilespmem:s22], [sflag:$0x1] =	stream.indirect.gather [hbm4b:s1+s19], $0x80, s7, s19, $0xb8;
	[tilespmem:$0x1F480] =	vst v63  }
0x61: {  	s8 =	simm.s32 $0x1280  }
0x62: {  	[spmem:s2] =	stream.indirect.scatter.add.f32 [tilespmem:s26], [sflag:$0x2], $0x80, s8, s19, $0xb8;
	[tilespmem:$0x1F480] =	vst v63  }
0x63: {  	_ =	swait.ge [sflag:s24], $0x3200  }
0x64: {  	[sflag:s24] =	ssyncset.done $0x0  }
0x65: {  	[sflag:s24] =	ssyncadd.s32 $0xFFFFCE00  }
0x66: {  	_ =	swait.ge [sflag:s28], $0x3200  }
0x67: {  	[sflag:s28] =	ssyncset.done $0x0  }
0x68: {  	s15 =	simm.s32 $0x400;
	[sflag:s28] =	ssyncadd.s32 $0xFFFFCE00  }
0x69: {  	[tilespmem:s26], [sflag:$0x1] =	stream.indirect.gather [hbm4b:s1+s19], $0x80, s15, s19, $0xb8;
	[tilespmem:$0x1F480] =	vst v63  }
0x6a: {  	s16 =	simm.s32 $0x1300  }
0x6b: {  	[spmem:s2] =	stream.indirect.scatter.add.f32 [tilespmem:s20], [sflag:$0x2], $0x80, s16, s19, $0xb8;
	[tilespmem:$0x1F480] =	vst v63  }
0x6c: {  	_ =	swait.ge [sflag:s24], $0x3200  }
0x6d: {  	[sflag:s24] =	ssyncset.done $0x0  }
0x6e: {  	[sflag:s24] =	ssyncadd.s32 $0xFFFFCE00  }
0x6f: {  	_ =	swait.ge [sflag:s28], $0x3200  }
0x70: {  	[sflag:s28] =	ssyncset.done $0x0  }
0x71: {  	s7 =	simm.s32 $0x480;
	[sflag:s28] =	ssyncadd.s32 $0xFFFFCE00  }
0x72: {  	[tilespmem:s20], [sflag:$0x1] =	stream.indirect.gather [hbm4b:s1+s19], $0x80, s7, s19, $0xb8;
	[tilespmem:$0x1F480] =	vst v63  }
0x73: {  	s8 =	simm.s32 $0x1380  }
0x74: {  	[spmem:s2] =	stream.indirect.scatter.add.f32 [tilespmem:s22], [sflag:$0x2], $0x80, s8, s19, $0xb8;
	[tilespmem:$0x1F480] =	vst v63  }
0x75: {  	_ =	swait.ge [sflag:s24], $0x3200  }
0x76: {  	[sflag:s24] =	ssyncset.done $0x0  }
0x77: {  	[sflag:s24] =	ssyncadd.s32 $0xFFFFCE00  }
0x78: {  	_ =	swait.ge [sflag:s28], $0x3200  }
0x79: {  	[sflag:s28] =	ssyncset.done $0x0  }
0x7a: {  	s15 =	simm.s32 $0x1400;
	[sflag:s28] =	ssyncadd.s32 $0xFFFFCE00  }
0x7b: {  	[spmem:s2] =	stream.indirect.scatter.add.f32 [tilespmem:s26], [sflag:$0x2], $0x80, s15, s19, $0xb8;
	[tilespmem:$0x1F480] =	vst v63  }
0x7c: {  	_ =	swait.ge [sflag:s24], $0x3200  }
0x7d: {  	[sflag:s24] =	ssyncset.done $0x0  }
0x7e: {  	[sflag:s24] =	ssyncadd.s32 $0xFFFFCE00  }
0x7f: {  	_ =	swait.ge [sflag:s28], $0x3200  }
0x80: {  	[sflag:s28] =	ssyncset.done $0x0  }
0x81: {  	s16 =	simm.s32 $0x1480;
	[sflag:s28] =	ssyncadd.s32 $0xFFFFCE00  }
0x82: {  	[spmem:s2] =	stream.indirect.scatter.add.f32 [tilespmem:s20], [sflag:$0x2], $0x80, s16, s19, $0xb8;
	[tilespmem:$0x1F480] =	vst v63  }
0x83: {  	_ =	swait.ge [sflag:s28], $0x3200  }
0x84: {  	[sflag:s28] =	ssyncset.done $0x0  }
0x85: {  	[sflag:s28] =	ssyncadd.s32 $0xFFFFCE00  }
0x86: {  	_ =	swait.ge [sflag:s29], $0x500  }
0x87: {  	[sflag:s29] =	ssyncset.done $0x0  }
0x88: {  	[sflag:s29] =	ssyncadd.s32 $0xFFFFFB00  }
0x89: {  	_ =	swait.ge [sflag:s29], $0x500  }
0x8a: {  	s30 =	simm.s32 $0x800;
	[sflag:s29] =	ssyncset.done $0x0  }
0x8b: {  	s15 =	smov.u32 s3;
	s16 =	smov.u32 s25;
	[sflag:s29] =	ssyncadd.s32 $0xFFFFFB00  }
.LBB2_2:
0x8c: {  	p1 =	seq.s32 s30, $0x4800  }
0x8d: {  	s6 =	sand.u32 @!p1 $0x800, s30  }
0x8e: {  	s8 =	simm.s32 @!p1 $0x0;
	s7 =	sxor.u32 @!p1 $0x800, s6  }
0x8f: {  	[tilespmem:s7], [sflag:$0x3] =	stream.linear.gather @!p1 [hbm4b:s16+s8], $0x500, $0x38;
	[tilespmem:$0x1F480] =	vst v63  }
0x90: {  	s7 =	sxor.u32 @!p1 $0x1800, s6  }
0x91: {  	[tilespmem:s7], [sflag:$0x3] =	stream.linear.gather @!p1 [hbm4b:s15+s8], $0x500, $0x38;
	[tilespmem:$0x1F480] =	vst v63  }
0x92: {  	s6 =	simm.s32 @p1 $0x800  }
0x93: {  	[tilespmem:s20], [sflag:$0x1] =	stream.indirect.gather [hbm4b:s1+s19], $0x80, s6, s19, $0xb8;
	[tilespmem:$0x1F480] =	vst v63  }
0x94: {  	s8 =	sadd.s32 $0x80, s6  }
0x95: {  	[tilespmem:s22], [sflag:$0x1] =	stream.indirect.gather [hbm4b:s1+s19], $0x80, s8, s19, $0xb8;
	[tilespmem:$0x1F480] =	vst v63  }
0x96: {  	_ =	swait.ge [sflag:s24], $0x3200  }
0x97: {  	[sflag:s24] =	ssyncset.done $0x0  }
0x98: {  	s8 =	sadd.s32 $0x100, s6;
	[sflag:s24] =	ssyncadd.s32 $0xFFFFCE00  }
0x99: {  	[tilespmem:s26], [sflag:$0x1] =	stream.indirect.gather [hbm4b:s1+s19], $0x80, s8, s19, $0xb8;
	[tilespmem:$0x1F480] =	vst v63  }
0x9a: {  	s8 =	sor.u32 $0x1000, s6  }
0x9b: {  	[spmem:s2] =	stream.indirect.scatter.add.f32 [tilespmem:s20], [sflag:$0x2], $0x80, s8, s19, $0xb8;
	[tilespmem:$0x1F480] =	vst v63  }
0x9c: {  	_ =	swait.ge [sflag:s24], $0x3200  }
0x9d: {  	[sflag:s24] =	ssyncset.done $0x0  }
0x9e: {  	[sflag:s24] =	ssyncadd.s32 $0xFFFFCE00  }
0x9f: {  	_ =	swait.ge [sflag:s28], $0x3200  }
0xa0: {  	[sflag:s28] =	ssyncset.done $0x0  }
0xa1: {  	s8 =	sadd.s32 $0x180, s6;
	[sflag:s28] =	ssyncadd.s32 $0xFFFFCE00  }
0xa2: {  	[tilespmem:s20], [sflag:$0x1] =	stream.indirect.gather [hbm4b:s1+s19], $0x80, s8, s19, $0xb8;
	[tilespmem:$0x1F480] =	vst v63  }
0xa3: {  	s8 =	sadd.s32 $0x1080, s6  }
0xa4: {  	[spmem:s2] =	stream.indirect.scatter.add.f32 [tilespmem:s22], [sflag:$0x2], $0x80, s8, s19, $0xb8;
	[tilespmem:$0x1F480] =	vst v63  }
0xa5: {  	_ =	swait.ge [sflag:s24], $0x3200  }
0xa6: {  	[sflag:s24] =	ssyncset.done $0x0  }
0xa7: {  	[sflag:s24] =	ssyncadd.s32 $0xFFFFCE00  }
0xa8: {  	_ =	swait.ge [sflag:s28], $0x3200  }
0xa9: {  	[sflag:s28] =	ssyncset.done $0x0  }
0xaa: {  	s8 =	sadd.s32 $0x200, s6;
	[sflag:s28] =	ssyncadd.s32 $0xFFFFCE00  }
0xab: {  	[tilespmem:s22], [sflag:$0x1] =	stream.indirect.gather [hbm4b:s1+s19], $0x80, s8, s19, $0xb8;
	[tilespmem:$0x1F480] =	vst v63  }
0xac: {  	s8 =	sadd.s32 $0x1100, s6  }
0xad: {  	[spmem:s2] =	stream.indirect.scatter.add.f32 [tilespmem:s26], [sflag:$0x2], $0x80, s8, s19, $0xb8;
	[tilespmem:$0x1F480] =	vst v63  }
0xae: {  	_ =	swait.ge [sflag:s24], $0x3200  }
0xaf: {  	[sflag:s24] =	ssyncset.done $0x0  }
0xb0: {  	[sflag:s24] =	ssyncadd.s32 $0xFFFFCE00  }
0xb1: {  	_ =	swait.ge [sflag:s28], $0x3200  }
0xb2: {  	[sflag:s28] =	ssyncset.done $0x0  }
0xb3: {  	s8 =	sadd.s32 $0x280, s6;
	[sflag:s28] =	ssyncadd.s32 $0xFFFFCE00  }
0xb4: {  	[tilespmem:s26], [sflag:$0x1] =	stream.indirect.gather [hbm4b:s1+s19], $0x80, s8, s19, $0xb8;
	[tilespmem:$0x1F480] =	vst v63  }
0xb5: {  	s8 =	sadd.s32 $0x1180, s6  }
0xb6: {  	[spmem:s2] =	stream.indirect.scatter.add.f32 [tilespmem:s20], [sflag:$0x2], $0x80, s8, s19, $0xb8;
	[tilespmem:$0x1F480] =	vst v63  }
0xb7: {  	_ =	swait.ge [sflag:s24], $0x3200  }
0xb8: {  	[sflag:s24] =	ssyncset.done $0x0  }
0xb9: {  	[sflag:s24] =	ssyncadd.s32 $0xFFFFCE00  }
0xba: {  	_ =	swait.ge [sflag:s28], $0x3200  }
0xbb: {  	[sflag:s28] =	ssyncset.done $0x0  }
0xbc: {  	s8 =	sadd.s32 $0x300, s6;
	[sflag:s28] =	ssyncadd.s32 $0xFFFFCE00  }
0xbd: {  	[tilespmem:s20], [sflag:$0x1] =	stream.indirect.gather [hbm4b:s1+s19], $0x80, s8, s19, $0xb8;
	[tilespmem:$0x1F480] =	vst v63  }
0xbe: {  	s8 =	sadd.s32 $0x1200, s6  }
0xbf: {  	[spmem:s2] =	stream.indirect.scatter.add.f32 [tilespmem:s22], [sflag:$0x2], $0x80, s8, s19, $0xb8;
	[tilespmem:$0x1F480] =	vst v63  }
0xc0: {  	_ =	swait.ge [sflag:s24], $0x3200  }
0xc1: {  	[sflag:s24] =	ssyncset.done $0x0  }
0xc2: {  	[sflag:s24] =	ssyncadd.s32 $0xFFFFCE00  }
0xc3: {  	_ =	swait.ge [sflag:s28], $0x3200  }
0xc4: {  	[sflag:s28] =	ssyncset.done $0x0  }
0xc5: {  	s8 =	sadd.s32 $0x380, s6;
	[sflag:s28] =	ssyncadd.s32 $0xFFFFCE00  }
0xc6: {  	[tilespmem:s22], [sflag:$0x1] =	stream.indirect.gather [hbm4b:s1+s19], $0x80, s8, s19, $0xb8;
	[tilespmem:$0x1F480] =	vst v63  }
0xc7: {  	s8 =	sadd.s32 $0x1280, s6  }
0xc8: {  	[spmem:s2] =	stream.indirect.scatter.add.f32 [tilespmem:s26], [sflag:$0x2], $0x80, s8, s19, $0xb8;
	[tilespmem:$0x1F480] =	vst v63  }
0xc9: {  	_ =	swait.ge [sflag:s24], $0x3200  }
0xca: {  	[sflag:s24] =	ssyncset.done $0x0  }
0xcb: {  	[sflag:s24] =	ssyncadd.s32 $0xFFFFCE00  }
0xcc: {  	_ =	swait.ge [sflag:s28], $0x3200  }
0xcd: {  	[sflag:s28] =	ssyncset.done $0x0  }
0xce: {  	s8 =	sadd.s32 $0x400, s6;
	[sflag:s28] =	ssyncadd.s32 $0xFFFFCE00  }
0xcf: {  	[tilespmem:s26], [sflag:$0x1] =	stream.indirect.gather [hbm4b:s1+s19], $0x80, s8, s19, $0xb8;
	[tilespmem:$0x1F480] =	vst v63  }
0xd0: {  	s8 =	sadd.s32 $0x1300, s6  }
0xd1: {  	[spmem:s2] =	stream.indirect.scatter.add.f32 [tilespmem:s20], [sflag:$0x2], $0x80, s8, s19, $0xb8;
	[tilespmem:$0x1F480] =	vst v63  }
0xd2: {  	_ =	swait.ge [sflag:s24], $0x3200  }
0xd3: {  	[sflag:s24] =	ssyncset.done $0x0  }
0xd4: {  	[sflag:s24] =	ssyncadd.s32 $0xFFFFCE00  }
0xd5: {  	_ =	swait.ge [sflag:s28], $0x3200  }
0xd6: {  	[sflag:s28] =	ssyncset.done $0x0  }
0xd7: {  	s8 =	sadd.s32 $0x480, s6;
	[sflag:s28] =	ssyncadd.s32 $0xFFFFCE00  }
0xd8: {  	[tilespmem:s20], [sflag:$0x1] =	stream.indirect.gather [hbm4b:s1+s19], $0x80, s8, s19, $0xb8;
	[tilespmem:$0x1F480] =	vst v63  }
0xd9: {  	s8 =	sadd.s32 $0x1380, s6  }
0xda: {  	[spmem:s2] =	stream.indirect.scatter.add.f32 [tilespmem:s22], [sflag:$0x2], $0x80, s8, s19, $0xb8;
	[tilespmem:$0x1F480] =	vst v63  }
0xdb: {  	_ =	swait.ge [sflag:s24], $0x3200  }
0xdc: {  	[sflag:s24] =	ssyncset.done $0x0  }
0xdd: {  	[sflag:s24] =	ssyncadd.s32 $0xFFFFCE00  }
0xde: {  	_ =	swait.ge [sflag:s28], $0x3200  }
0xdf: {  	[sflag:s28] =	ssyncset.done $0x0  }
0xe0: {  	s8 =	sadd.s32 $0x1400, s6;
	[sflag:s28] =	ssyncadd.s32 $0xFFFFCE00  }
0xe1: {  	[spmem:s2] =	stream.indirect.scatter.add.f32 [tilespmem:s26], [sflag:$0x2], $0x80, s8, s19, $0xb8;
	[tilespmem:$0x1F480] =	vst v63  }
0xe2: {  	_ =	swait.ge [sflag:s24], $0x3200  }
0xe3: {  	[sflag:s24] =	ssyncset.done $0x0  }
0xe4: {  	[sflag:s24] =	ssyncadd.s32 $0xFFFFCE00  }
0xe5: {  	_ =	swait.ge [sflag:s28], $0x3200  }
0xe6: {  	[sflag:s28] =	ssyncset.done $0x0  }
0xe7: {  	s6 =	sadd.s32 $0x1480, s6;
	[sflag:s28] =	ssyncadd.s32 $0xFFFFCE00  }
0xe8: {  	[spmem:s2] =	stream.indirect.scatter.add.f32 [tilespmem:s20], [sflag:$0x2], $0x80, s6, s19, $0xb8;
	[tilespmem:$0x1F480] =	vst v63  }
0xe9: {  	_ =	swait.ge [sflag:s28], $0x3200  }
0xea: {  	s30 =	sadd.s32 @!p1 $0x800, s30;
	[sflag:s28] =	ssyncset.done $0x0  }
0xeb: {  	p2 =	sne.s32 @!p1 s30, $0x5000;
	s6 =	simm.s32 @!p1 $0x3;
	[sflag:s28] =	ssyncadd.s32 $0xFFFFCE00  }
0xec: {  	p2 =	por p1, !p2;
	_ =	swait.ge @!p1 [sflag:s6], $0x500  }
.Ltmp0:
0xed: {  	[sflag:s6] =	ssyncset.done @!p1 $0x0;
	(pc) =	sbr.rel @!p2 .LBB2_2-.Ltmp0, $4  }
0xee: {  	[sflag:s6] =	ssyncadd.s32 @!p1 $0xFFFFFB00  }
0xef: {  	_ =	swait.ge @!p1 [sflag:s6], $0x500  }
0xf0: {  	[sflag:s6] =	ssyncset.done @!p1 $0x0  }
0xf1: {  	s16 =	sadd.s32 @!p1 $0x100, s16;
	s15 =	sadd.s32 @!p1 $0x100, s15;
	[sflag:s6] =	ssyncadd.s32 @!p1 $0xFFFFFB00  }
0xf2: {  	[bflag:$0x0] =	sbarrier.arrive $0xFFFF;
	s6 =	simm.s32 @p0 $0x1FC4  }
0xf3: {  	[hbm:s13], [sflag:s6] =	dma.local @p0 [spmem:s0], $0x2080  }
0xf4: {  	s0 =	simm.s32 @p0 $0x4  }
0xf5: {  	s31 =	sadd.s32 $0x1, s31;
	_ =	swait.ge @p0 [sflag:s0], $0x2080  }
0xf6: {  	p1 =	sne.s32 s31, s14;
	[sflag:s0] =	ssyncset.done @p0 $0x0  }
.Ltmp1:
0xf7: {  	[sflag:s0] =	ssyncadd.s32 @p0 $0xFFFFDF80;
	s0 =	simm.s32 @!p0 $0x4;
	(pc) =	sbr.rel @p1 .LBB2_1-.Ltmp1, $4  }
0xf8: {  	[hbm:s12], [sflag:s21] =	dma.local @!p0 [spmem:s23], $0x2780  }
0xf9: {  	_ =	swait.ge @!p0 [sflag:s0], $0x2780  }
0xfa: {  	[sflag:s0] =	ssyncset.done @!p0 $0x0  }
0xfb: {  	[sflag:s0] =	ssyncadd.s32 @!p0 $0xFFFFD880  }
0xfc: {  	_ =	sfence.sel $0x180000  }
0xfd: {  	[bflag:$0x0] =	sbarrier.arrive $0xFFFF  }
0xfe: {  	_ =	strace $0x90000047  }
0xff: {  	s0 =	stileid.u32;
	[bflag:$0x2] =	sbarrier.arrive $0xFFFF  }
0x100: {  	p0 =	sne.s32 s0, $0x0;
	s0 =	rddreg [dreg:$0x3]  }
0x101: {  	s0 =	sadd.s32 @!p0 $0x100000, s0  }
0x102: {  	[sflag:s0] =	ssyncadd.tile.s32 @!p0 $0x1;
	_ =	shalt  }
.Lfunc_end2:
_tile_overlayer_lowered:
.L_overlay_start_2:
0x103: {  	(tag) =	ssettag $0x2  }
0x104: {  	s0 =	rddreg [dreg:$0x0];
	s2 =	stileid.u32  }
0x105: {  	s1 =	rddreg [dreg:$0x1];
	p0 =	sne.s32 s2, $0x0  }
0x106: {  	s3 =	rddreg [dreg:$0x2];
	[bflag:$0x3] =	sbarrier.arrive $0xFFFF;
	s2 =	simm.s32 @!p0 $0x1C04  }
0x107: {  	[timem:s3], [sflag:s2] =	dma.local @!p0 [hbm:s0], s1  }
0x108: {  	s0 =	simm.s32 @!p0 $0x4  }
0x109: {  	_ =	swait.ge @!p0 [sflag:s0], s1  }
0x10a: {  	s1 =	ssub.s32 @!p0 $0x0, s1;
	[sflag:s0] =	ssyncset.done @!p0 $0x0  }
0x10b: {  	[sflag:s0] =	ssyncadd.s32 @!p0 s1  }
0x10c: {  	[bflag:$0x3] =	sbarrier.arrive $0xFFFF  }
0x10d: {  	_ =	shalt  }

</sc_bundles>
